<compile_context>
chip_gen: v7x
topology: tpu7x:2x2x1
jax: 0.10.2.dev20260603
libtpu: 0.0.44.dev20260713+nightly
codegen_flags: <defaults>
</compile_context>

<pallas_src>
import functools

import jax
import jax.numpy as jnp
from jax import lax
from jax.experimental import pallas as pl
from jax.experimental.pallas import tpu as pltpu
from jax.experimental.pallas import tpu_sc as plsc

N = 10000
NP = 10240
E = 320000
D = 128
NC = 2
NS = 16
NW = NC * NS
EPW = 10240
EPAD = NW * EPW
EC = 64
PH = 4
CPP = EPW // PH // EC
P = 20000
PP = 20480
PPW = PP // NW
PCH = PPW // 128
RPS = NP // NS

_MESH = dict(core_axis_name="c", subcore_axis_name="s", num_cores=NC,
             num_subcores=NS)


EPP = EPW // PH


def _deg_body(ei_hbm, out_hbm, idx_v, acc_v, part_v, res_v, stage_sh):
    cid = lax.axis_index("c")
    sid = lax.axis_index("s")
    wid = cid * NS + sid

    def zero(i, c):
        acc_v[pl.ds(i * 16, 16)] = jnp.zeros((16,), jnp.float32)
        return c
    lax.fori_loop(0, NP // 16, zero, 0)

    ones = jnp.ones((16,), jnp.float32)

    for ph in range(PH):
        @pl.when((wid < NW - 1) | (ph == 0))
        def _():
            pltpu.sync_copy(ei_hbm.at[1, pl.ds(wid * EPW + ph * EPP, EPP)],
                            idx_v)

            def step(i, c):
                iv = idx_v[pl.ds(i * 16, 16)]
                plsc.addupdate_scatter(acc_v, [iv], ones)
                return c
            lax.fori_loop(0, EPP // 16, step, 0)

    pltpu.sync_copy(acc_v, stage_sh.at[sid])
    plsc.subcore_barrier()

    r0 = sid * RPS
    for t in range(NS):
        pltpu.sync_copy(stage_sh.at[t, pl.ds(r0, RPS)], part_v.at[t])

    def red(j, c):
        sl = pl.ds(j * 16, 16)
        s = part_v[0, sl]
        for t in range(1, NS):
            s = s + part_v[t, sl]
        res_v[sl] = s
        return c
    lax.fori_loop(0, RPS // 16, red, 0)

    pltpu.sync_copy(res_v, out_hbm.at[cid, pl.ds(r0, RPS)])


def _deg_call(edge_index):
    k = functools.partial(
        pl.kernel,
        out_type=jax.ShapeDtypeStruct((NC, NP), jnp.float32),
        mesh=plsc.VectorSubcoreMesh(**_MESH),
        compiler_params=pltpu.CompilerParams(needs_layout_passes=False),
        scratch_types=[
            pltpu.VMEM((EPP,), jnp.int32),
            pltpu.VMEM((NP,), jnp.float32),
            pltpu.VMEM((NS, RPS), jnp.float32),
            pltpu.VMEM((RPS,), jnp.float32),
            pltpu.VMEM_SHARED((NS, NP), jnp.float32),
        ],
    )(_deg_body)
    return k(edge_index)


NBUF = 4
GDEPTH = 3
SLAG = 1


def _spmm_body(hs_hbm, ei_hbm, z_hbm, out_hbm,
               sidx_v, didx_v, rows_v, acc_sh, gsem, ssem):
    cid = lax.axis_index("c")
    sid = lax.axis_index("s")
    wid = cid * NS + sid
    r0 = sid * RPS

    pltpu.sync_copy(z_hbm, acc_sh.at[pl.ds(r0, RPS)])
    plsc.subcore_barrier()

    for p in range(PH):
        @pl.when((wid < NW - 1) | (p == 0))
        def _():
            e0 = wid * EPW + p * EPP
            pltpu.sync_copy(ei_hbm.at[0, pl.ds(e0, EPP)], sidx_v)
            pltpu.sync_copy(ei_hbm.at[1, pl.ds(e0, EPP)], didx_v)

            for b in range(GDEPTH):
                pltpu.async_copy(hs_hbm.at[sidx_v.at[pl.ds(b * EC, EC)]],
                                 rows_v.at[b], gsem)

            def step(i, carry):
                b = lax.rem(i, NBUF)
                pltpu.make_async_copy(hs_hbm.at[pl.ds(0, EC)], rows_v.at[b],
                                      gsem).wait()
                pltpu.async_copy(rows_v.at[b],
                                 acc_sh.at[didx_v.at[pl.ds(i * EC, EC)]],
                                 ssem, add=True)

                @pl.when(i >= SLAG)
                def _():
                    pltpu.make_async_copy(rows_v.at[0],
                                          acc_sh.at[pl.ds(0, EC)],
                                          ssem).wait()

                @pl.when(i + GDEPTH < CPP)
                def _():
                    b2 = lax.rem(i + GDEPTH, NBUF)
                    pltpu.async_copy(
                        hs_hbm.at[sidx_v.at[pl.ds((i + GDEPTH) * EC, EC)]],
                        rows_v.at[b2], gsem)
                return carry
            lax.fori_loop(0, CPP, step, 0)

            for _ in range(SLAG):
                pltpu.make_async_copy(rows_v.at[0], acc_sh.at[pl.ds(0, EC)],
                                      ssem).wait()

    plsc.subcore_barrier()
    pltpu.sync_copy(acc_sh.at[pl.ds(r0, RPS)], out_hbm.at[cid, pl.ds(r0, RPS)])


def _spmm_call(hs, edge_index, zeros2d):
    k = functools.partial(
        pl.kernel,
        out_type=jax.ShapeDtypeStruct((NC, NP, D), jnp.float32),
        mesh=plsc.VectorSubcoreMesh(**_MESH),
        compiler_params=pltpu.CompilerParams(needs_layout_passes=False),
        scratch_types=[
            pltpu.VMEM((EPP,), jnp.int32),
            pltpu.VMEM((EPP,), jnp.int32),
            pltpu.VMEM((NBUF, EC, D), jnp.float32),
            pltpu.VMEM_SHARED((NP, D), jnp.float32),
            pltpu.SemaphoreType.DMA,
            pltpu.SemaphoreType.DMA,
        ],
    )(_spmm_body)
    return k(hs, edge_index, zeros2d)


def _pair_body(h_hbm, pi_hbm, out_hbm, idx_v, rows_v, gsem, wsem):
    cid = lax.axis_index("c")
    sid = lax.axis_index("s")
    wid = cid * NS + sid
    nch = 2 * PCH

    pltpu.sync_copy(pi_hbm.at[wid], idx_v)

    pltpu.async_copy(h_hbm.at[idx_v.at[0]], rows_v.at[0], gsem)

    def step(j, carry):
        b = lax.rem(j, 3)
        pltpu.make_async_copy(h_hbm.at[pl.ds(0, 128)], rows_v.at[b],
                              gsem).wait()
        kk = j // PCH
        c = lax.rem(j, PCH)
        pltpu.async_copy(rows_v.at[b],
                         out_hbm.at[kk, pl.ds(wid * PPW + c * 128, 128)],
                         wsem)

        @pl.when(j >= 2)
        def _():
            pltpu.make_async_copy(rows_v.at[0],
                                  out_hbm.at[0, pl.ds(0, 128)], wsem).wait()

        @pl.when(j + 1 < nch)
        def _():
            b2 = lax.rem(j + 1, 3)
            pltpu.async_copy(h_hbm.at[idx_v.at[j + 1]], rows_v.at[b2], gsem)
        return carry
    lax.fori_loop(0, nch, step, 0)

    pltpu.make_async_copy(rows_v.at[0], out_hbm.at[0, pl.ds(0, 128)],
                          wsem).wait()
    pltpu.make_async_copy(rows_v.at[0], out_hbm.at[0, pl.ds(0, 128)],
                          wsem).wait()


def _pair_call(h, pairs3):
    k = functools.partial(
        pl.kernel,
        out_type=jax.ShapeDtypeStruct((2, PP, D), jnp.float32),
        mesh=plsc.VectorSubcoreMesh(**_MESH),
        compiler_params=pltpu.CompilerParams(needs_layout_passes=False),
        scratch_types=[
            pltpu.VMEM((2 * PCH, 128), jnp.int32),
            pltpu.VMEM((3, 128, D), jnp.float32),
            pltpu.SemaphoreType.DMA,
            pltpu.SemaphoreType.DMA,
        ],
    )(_pair_body)
    return k(h, pairs3)


def _mm0_body(x_ref, w_ref, h0_ref):
    h0_ref[...] = jnp.dot(x_ref[...], w_ref[...],
                          preferred_element_type=jnp.float32)


def _mm0_call(x, W0):
    return pl.pallas_call(
        _mm0_body,
        out_shape=jax.ShapeDtypeStruct((N, D), jnp.float32),
    )(x, W0)


def _scale_body(h0_ref, deg_ref, hs_ref, dinv_ref):
    deg = deg_ref[0] + deg_ref[1] + 1.0
    dinv = lax.rsqrt(deg).reshape(NP, 1)
    hs_ref[pl.ds(0, N)] = h0_ref[...] * dinv[:N]
    hs_ref[pl.ds(N, NP - N)] = jnp.zeros((NP - N, D), jnp.float32)
    dinv_ref[...] = dinv


def _scale_call(h0, dego):
    return pl.pallas_call(
        _scale_body,
        out_shape=[jax.ShapeDtypeStruct((NP, D), jnp.float32),
                   jax.ShapeDtypeStruct((NP, 1), jnp.float32)],
    )(h0, dego)


def _bn_core(acc_ref, hsp_ref, dinv_ref, b_ref, g_ref, bta_ref):
    t = (acc_ref[0] + acc_ref[1] + hsp_ref[...]) * dinv_ref[...] + b_ref[...]
    rid = lax.broadcasted_iota(jnp.int32, (NP, 1), 0)
    msk = rid < N
    tm = jnp.where(msk, t, 0.0)
    mean = jnp.sum(tm, axis=0, keepdims=True) * (1.0 / N)
    sq = jnp.sum(tm * tm, axis=0, keepdims=True) * (1.0 / N)
    var = sq - mean * mean
    y = (t - mean) * lax.rsqrt(var + 1e-5) * g_ref[...] + bta_ref[...]
    return jnp.maximum(y, 0.0)


def _bn_mm_body(acc_ref, hsp_ref, dinv_ref, b_ref, g_ref, bta_ref, w_ref,
                out_ref):
    y = _bn_core(acc_ref, hsp_ref, dinv_ref, b_ref, g_ref, bta_ref)
    out_ref[...] = jnp.dot(y, w_ref[...],
                           preferred_element_type=jnp.float32) * dinv_ref[...]


def _bn_mm_call(acc, hs_prev, dinv, b, g, bta, W):
    return pl.pallas_call(
        _bn_mm_body,
        out_shape=jax.ShapeDtypeStruct((NP, D), jnp.float32),
    )(acc, hs_prev, dinv, b.reshape(1, D), g.reshape(1, D),
      bta.reshape(1, D), W)


def _bn_body(acc_ref, hsp_ref, dinv_ref, b_ref, g_ref, bta_ref, out_ref):
    out_ref[...] = _bn_core(acc_ref, hsp_ref, dinv_ref, b_ref, g_ref, bta_ref)


def _bn_call(acc, hs_prev, dinv, b, g, bta):
    return pl.pallas_call(
        _bn_body,
        out_shape=jax.ShapeDtypeStruct((NP, D), jnp.float32),
    )(acc, hs_prev, dinv, b.reshape(1, D), g.reshape(1, D), bta.reshape(1, D))


def _mlp_body(e_ref, w1a_ref, w1b_ref, b1_ref, w2_ref, b2_ref, w3_ref, b3_ref,
              out_ref):
    bf = jnp.bfloat16
    z = (jnp.dot(e_ref[0].astype(bf), w1a_ref[...].astype(bf),
                 preferred_element_type=jnp.float32)
         + jnp.dot(e_ref[1].astype(bf), w1b_ref[...].astype(bf),
                   preferred_element_type=jnp.float32)
         + b1_ref[...])
    z = jnp.maximum(z, 0.0).astype(bf)
    z = jnp.dot(z, w2_ref[...].astype(bf),
                preferred_element_type=jnp.float32) + b2_ref[...]
    z = jnp.maximum(z, 0.0).astype(bf)
    z = (jnp.dot(z, w3_ref[...].astype(bf), preferred_element_type=jnp.float32)
         + b3_ref[...])
    out_ref[...] = z


MB = PP // 4


def _mlp_call(e, Wc1a, Wc1b, bc1, Wc2, bc2, Wc3, bc3):
    H2 = Wc2.shape[1]
    O = Wc3.shape[1]
    full = lambda *s: pl.BlockSpec(s, lambda i: (0,) * len(s))
    return pl.pallas_call(
        _mlp_body,
        grid=(4,),
        in_specs=[
            pl.BlockSpec((2, MB, D), lambda i: (0, i, 0)),
            full(D, D), full(D, D), full(1, D),
            full(D, H2), full(1, H2), full(H2, O), full(1, O),
        ],
        out_specs=pl.BlockSpec((MB, O), lambda i: (i, 0)),
        out_shape=jax.ShapeDtypeStruct((P, O), jnp.float32),
    )(e, Wc1a, Wc1b, bc1.reshape(1, D), Wc2, bc2.reshape(1, H2), Wc3,
      bc3.reshape(1, O))


def kernel(x, edge_index, drug_pairs, W0, b0, g0, beta0, W1, b1, g1, beta1,
           Wc1, bc1, Wc2, bc2, Wc3, bc3):
    f32 = jnp.float32
    i32 = jnp.int32
    zeros2d = jnp.zeros((RPS, D), f32)
    pad_p = jnp.arange(PP - P, dtype=i32) % N
    pairs_pad = jnp.concatenate(
        [drug_pairs.T.astype(i32), jnp.stack([pad_p, pad_p])], axis=1
    ).reshape(2, NW, PCH, 128)
    pairs = jnp.concatenate([pairs_pad[0], pairs_pad[1]], axis=1)

    dego = _deg_call(edge_index)
    h0 = _mm0_call(x, W0)
    hs1, dinv = _scale_call(h0, dego)
    acc1 = _spmm_call(hs1, edge_index, zeros2d)
    hs2 = _bn_mm_call(acc1, hs1, dinv, b0, g0, beta0, W1)
    acc2 = _spmm_call(hs2, edge_index, zeros2d)
    hfin = _bn_call(acc2, hs2, dinv, b1, g1, beta1)
    e = _pair_call(hfin, pairs)
    return _mlp_call(e, Wc1[:D], Wc1[D:], bc1, Wc2, bc2, Wc3, bc3)

# --- scband reference (transcript-rebuilt; emitter-appended) ---
"""Pipeline reference for scband-edge-gnn-43087111914331 (READ-ONLY COPY).

The authoritative reference and input builder live on the scoring server;
editing this copy changes nothing except your own understanding.
"""

import jax, jax.numpy as jnp
import numpy as np


def gcn_conv(h, src, dst, W, b):
    N = h.shape[0]
    h = h @ W
    loop = jnp.arange(N, dtype=src.dtype)
    s = jnp.concatenate([src, loop])
    d = jnp.concatenate([dst, loop])
    deg = jnp.zeros((N,), h.dtype).at[d].add(1.0)
    dinv = jnp.where(deg > 0, deg ** -0.5, 0.0)
    norm = dinv[s] * dinv[d]
    msg = h[s] * norm[:, None]
    out = jnp.zeros_like(h).at[d].add(msg)
    return out + b


def batchnorm(h, g, bta):
    m = h.mean(0)
    v = h.var(0)
    return (h - m) / jnp.sqrt(v + 1e-5) * g + bta


def setup_inputs(seed: int = 0) -> dict:
    key = jax.random.key(seed)
    ks = jax.random.split(key, 20)
    N, E, P, D, H, O = 10000, 320000, 20000, 128, 128, 2
    inp = {}
    inp["x"] = jax.random.normal(ks[0], (N, D), jnp.float32)
    inp["edge_index"] = jax.random.randint(ks[1], (2, E), 0, N, jnp.int32)
    inp["drug_pairs"] = jax.random.randint(ks[2], (P, 2), 0, N, jnp.int32)
    # GCN layer params
    inp["W0"] = jax.random.normal(ks[3], (D, H), jnp.float32) * (1.0 / np.sqrt(D))
    inp["b0"] = jnp.zeros((H,), jnp.float32)
    inp["g0"] = jnp.ones((H,), jnp.float32)
    inp["beta0"] = jnp.zeros((H,), jnp.float32)
    inp["W1"] = jax.random.normal(ks[4], (H, H), jnp.float32) * (1.0 / np.sqrt(H))
    inp["b1"] = jnp.zeros((H,), jnp.float32)
    inp["g1"] = jnp.ones((H,), jnp.float32)
    inp["beta1"] = jnp.zeros((H,), jnp.float32)
    # edge classifier: Linear(2H,H) -> ReLU -> Linear(H,H//2) -> ReLU -> Linear(H//2,O)
    inp["Wc1"] = jax.random.normal(ks[5], (2 * H, H), jnp.float32) * (1.0 / np.sqrt(2 * H))
    inp["bc1"] = jnp.zeros((H,), jnp.float32)
    inp["Wc2"] = jax.random.normal(ks[6], (H, H // 2), jnp.float32) * (1.0 / np.sqrt(H))
    inp["bc2"] = jnp.zeros((H // 2,), jnp.float32)
    inp["Wc3"] = jax.random.normal(ks[7], (H // 2, O), jnp.float32) * (1.0 / np.sqrt(H // 2))
    inp["bc3"] = jnp.zeros((O,), jnp.float32)
    return inp


def reference(x, edge_index, drug_pairs, W0, b0, g0, beta0, W1, b1, g1, beta1, Wc1, bc1, Wc2, bc2, Wc3, bc3):
    src, dst = edge_index[0], edge_index[1]
    h = gcn_conv(x, src, dst, W0, b0)
    h = batchnorm(h, g0, beta0)
    h = jax.nn.relu(h)
    # dropout is identity in eval-mode reference
    h = gcn_conv(h, src, dst, W1, b1)
    h = batchnorm(h, g1, beta1)
    h = jax.nn.relu(h)
    e1 = h[drug_pairs[:, 0]]
    e2 = h[drug_pairs[:, 1]]
    c = jnp.concatenate([e1, e2], axis=1)
    z = jax.nn.relu(c @ Wc1 + bc1)
    z = jax.nn.relu(z @ Wc2 + bc2)
    return z @ Wc3 + bc3

if __name__ == "__main__":
    import jax
    _d = setup_inputs()
    print(jax.jit(kernel)(*tuple(_d.values())))

</pallas_src>

<mosaic_0001>
#map = affine_map<(d0, d1) -> (0, 0)>
#map1 = affine_map<(d0, d1) -> (0, 0, 0)>
module attributes {stable_mosaic.version = 14 : i64} {
  func.func @_pair_body(%arg0: i32, %arg1: i32, %arg2: memref<10240x128xf32, #tpu.memory_space<hbm>>, %arg3: memref<32x10x128xi32, #tpu.memory_space<hbm>>, %arg4: memref<2x20480x128xf32, #tpu.memory_space<hbm>>, %arg5: memref<10x128xi32, #tpu.memory_space<vmem>>, %arg6: memref<3x128x128xf32, #tpu.memory_space<vmem>>, %arg7: memref<!tpu.dma_semaphore, #tpu.memory_space<semaphore_mem>>, %arg8: memref<!tpu.dma_semaphore, #tpu.memory_space<semaphore_mem>>) attributes {dimension_semantics = [#tpu.dimension_semantics<core_parallel>, #tpu.dimension_semantics<subcore_parallel>], iteration_bounds = array<i64: 2, 16>, scalar_prefetch = 0 : i64, scratch_operands = 4 : i64, tpu.core_type = #tpu.core_type<sc_vector_subcore>, window_params = [{transform_indices = #map}, {transform_indices = #map1}, {transform_indices = #map1}]} {
    %mul3A = arith.constant 16 : i32
    %mul3A_0 = arith.muli %arg0, %mul3A : i32
    %add3A = arith.addi %mul3A_0, %arg1 : i32
    "tpu.region"() ({
      %run_scoped3A = tpu.sem_alloc : memref<!tpu.dma_semaphore, #tpu.memory_space<semaphore_mem>>
      %dma_start3A_52 = arith.constant 0 : i32
      %dma_start3A_53 = arith.constant 0 : i32
      %dma_start3A_54 = tpu.memref_slice %arg3[%add3A, %dma_start3A_52, %dma_start3A_53] : memref<32x10x128xi32, #tpu.memory_space<hbm>> -> memref<1x10x128xi32, #tpu.memory_space<hbm>>
      %dma_start3A_55 = tpu.memref_squeeze %dma_start3A_54 : memref<1x10x128xi32, #tpu.memory_space<hbm>> -> memref<10x128xi32, #tpu.memory_space<hbm>>
      %dma_start3A_56 = arith.constant 0 : i32
      %dma_start3A_57 = arith.constant 0 : i32
      %dma_start3A_58 = tpu.memref_slice %arg3[%add3A, %dma_start3A_56, %dma_start3A_57] : memref<32x10x128xi32, #tpu.memory_space<hbm>> -> memref<1x10x128xi32, #tpu.memory_space<hbm>>
      %dma_start3A_59 = tpu.memref_squeeze %dma_start3A_58 : memref<1x10x128xi32, #tpu.memory_space<hbm>> -> memref<10x128xi32, #tpu.memory_space<hbm>>
      tpu.enqueue_dma source(%dma_start3A_59 : memref<10x128xi32, #tpu.memory_space<hbm>>) target(%arg5 : memref<10x128xi32, #tpu.memory_space<vmem>>) target_semaphore(%run_scoped3A : memref<!tpu.dma_semaphore, #tpu.memory_space<semaphore_mem>>)
      %dma_wait3A_60 = arith.constant 0 : i32
      %dma_wait3A_61 = arith.constant 0 : i32
      %dma_wait3A_62 = tpu.memref_slice %arg3[%add3A, %dma_wait3A_60, %dma_wait3A_61] : memref<32x10x128xi32, #tpu.memory_space<hbm>> -> memref<1x10x128xi32, #tpu.memory_space<hbm>>
      %dma_wait3A_63 = tpu.memref_squeeze %dma_wait3A_62 : memref<1x10x128xi32, #tpu.memory_space<hbm>> -> memref<10x128xi32, #tpu.memory_space<hbm>>
      %dma_wait3A_64 = arith.constant 0 : i32
      %dma_wait3A_65 = arith.constant 0 : i32
      %dma_wait3A_66 = tpu.memref_slice %arg3[%add3A, %dma_wait3A_64, %dma_wait3A_65] : memref<32x10x128xi32, #tpu.memory_space<hbm>> -> memref<1x10x128xi32, #tpu.memory_space<hbm>>
      %dma_wait3A_67 = tpu.memref_squeeze %dma_wait3A_66 : memref<1x10x128xi32, #tpu.memory_space<hbm>> -> memref<10x128xi32, #tpu.memory_space<hbm>>
      tpu.wait_dma2 semaphore(%run_scoped3A : memref<!tpu.dma_semaphore, #tpu.memory_space<semaphore_mem>>) src(%dma_wait3A_67 : memref<10x128xi32, #tpu.memory_space<hbm>>) dst(%arg5 : memref<10x128xi32, #tpu.memory_space<vmem>>)
      tpu.yield
    }) : () -> ()
    %dma_start3A = arith.constant 0 : i32
    %dma_start3A_1 = arith.constant 0 : i32
    %dma_start3A_2 = arith.constant 0 : i32
    %dma_start3A_3 = arith.constant 0 : i32
    %dma_start3A_4 = tpu.memref_slice %arg6[%dma_start3A_1, %dma_start3A_2, %dma_start3A_3] : memref<3x128x128xf32, #tpu.memory_space<vmem>> -> memref<1x128x128xf32, #tpu.memory_space<vmem>>
    %dma_start3A_5 = tpu.memref_squeeze %dma_start3A_4 : memref<1x128x128xf32, #tpu.memory_space<vmem>> -> memref<128x128xf32, #tpu.memory_space<vmem>>
    %dma_start3A_6 = arith.constant 0 : i32
    %dma_start3A_7 = tpu.memref_slice %arg5[%dma_start3A, %dma_start3A_6] : memref<10x128xi32, #tpu.memory_space<vmem>> -> memref<1x128xi32, #tpu.memory_space<vmem>>
    %dma_start3A_8 = tpu.memref_squeeze %dma_start3A_7 : memref<1x128xi32, #tpu.memory_space<vmem>> -> memref<128xi32, #tpu.memory_space<vmem>>
    %dma_start3A_9 = arith.constant 0 : i32
    %dma_start3A_10 = arith.constant 0 : i32
    %dma_start3A_11 = tpu.memref_slice %arg2[%dma_start3A_9, %dma_start3A_10] : memref<10240x128xf32, #tpu.memory_space<hbm>> -> memref<10240x128xf32, #tpu.memory_space<hbm>>
    tpu.enqueue_indirect_dma source(%dma_start3A_11 : memref<10240x128xf32, #tpu.memory_space<hbm>>) target(%dma_start3A_5 : memref<128x128xf32, #tpu.memory_space<vmem>>) offsets(%dma_start3A_8 : memref<128xi32, #tpu.memory_space<vmem>>) semaphore(%arg7 : memref<!tpu.dma_semaphore, #tpu.memory_space<semaphore_mem>>)
    %scan3A = arith.constant 0 : i32
    %scan3A_12 = arith.constant 0 : i32
    %scan3A_13 = arith.constant 10 : i32
    %scan3A_14 = arith.addi %scan3A_12, %scan3A_13 : i32
    %scan3A_15 = arith.constant 1 : i32
    scf.for %scan3A_52 = %scan3A_12 to %scan3A_14 step %scan3A_15  : i32 {
      %rem3A = arith.constant 3 : i32
      %rem3A_53 = arith.remsi %scan3A_52, %rem3A : i32
      %dma_wait3A_54 = arith.constant 0 : i32
      %dma_wait3A_55 = arith.constant 0 : i32
      %dma_wait3A_56 = tpu.memref_slice %arg6[%rem3A_53, %dma_wait3A_54, %dma_wait3A_55] : memref<3x128x128xf32, #tpu.memory_space<vmem>> -> memref<1x128x128xf32, #tpu.memory_space<vmem>>
      %dma_wait3A_57 = tpu.memref_squeeze %dma_wait3A_56 : memref<1x128x128xf32, #tpu.memory_space<vmem>> -> memref<128x128xf32, #tpu.memory_space<vmem>>
      %dma_wait3A_58 = arith.constant 0 : i32
      %dma_wait3A_59 = arith.constant 0 : i32
      %dma_wait3A_60 = tpu.memref_slice %arg2[%dma_wait3A_58, %dma_wait3A_59] : memref<10240x128xf32, #tpu.memory_space<hbm>> -> memref<128x128xf32, #tpu.memory_space<hbm>>
      %dma_wait3A_61 = arith.constant 0 : i32
      %dma_wait3A_62 = arith.constant 0 : i32
      %dma_wait3A_63 = tpu.memref_slice %arg6[%rem3A_53, %dma_wait3A_61, %dma_wait3A_62] : memref<3x128x128xf32, #tpu.memory_space<vmem>> -> memref<1x128x128xf32, #tpu.memory_space<vmem>>
      %dma_wait3A_64 = tpu.memref_squeeze %dma_wait3A_63 : memref<1x128x128xf32, #tpu.memory_space<vmem>> -> memref<128x128xf32, #tpu.memory_space<vmem>>
      %dma_wait3A_65 = arith.constant 0 : i32
      %dma_wait3A_66 = arith.constant 0 : i32
      %dma_wait3A_67 = tpu.memref_slice %arg2[%dma_wait3A_65, %dma_wait3A_66] : memref<10240x128xf32, #tpu.memory_space<hbm>> -> memref<128x128xf32, #tpu.memory_space<hbm>>
      tpu.wait_dma2 semaphore(%arg7 : memref<!tpu.dma_semaphore, #tpu.memory_space<semaphore_mem>>) src(%dma_wait3A_67 : memref<128x128xf32, #tpu.memory_space<hbm>>) dst(%dma_wait3A_64 : memref<128x128xf32, #tpu.memory_space<vmem>>)
      %jit3A = arith.constant 5 : i32
      %div3A = arith.divsi %scan3A_52, %jit3A : i32
      %sign3A = arith.constant 0 : i32
      %sign3A_68 = arith.cmpi sgt, %scan3A_52, %sign3A : i32
      %sign3A_69 = arith.extui %sign3A_68 : i1 to i32
      %sign3A_70 = arith.constant 0 : i32
      %sign3A_71 = arith.cmpi slt, %scan3A_52, %sign3A_70 : i32
      %sign3A_72 = arith.extui %sign3A_71 : i1 to i32
      %sign3A_73 = arith.subi %sign3A_69, %sign3A_72 : i32
      %sign3A_74 = arith.constant 0 : i32
      %sign3A_75 = arith.cmpi sgt, %jit3A, %sign3A_74 : i32
      %sign3A_76 = arith.extui %sign3A_75 : i1 to i32
      %sign3A_77 = arith.constant 0 : i32
      %sign3A_78 = arith.cmpi slt, %jit3A, %sign3A_77 : i32
      %sign3A_79 = arith.extui %sign3A_78 : i1 to i32
      %sign3A_80 = arith.subi %sign3A_76, %sign3A_79 : i32
      %ne3A = arith.cmpi ne, %sign3A_73, %sign3A_80 : i32
      %rem3A_81 = arith.remsi %scan3A_52, %jit3A : i32
      %ne3A_82 = arith.constant 0 : i32
      %ne3A_83 = arith.cmpi ne, %rem3A_81, %ne3A_82 : i32
      %and3A = arith.andi %ne3A, %ne3A_83 : i1
      %sub3A = arith.constant 1 : i32
      %sub3A_84 = arith.subi %div3A, %sub3A : i32
      %select_n3A = arith.select %and3A, %sub3A_84, %div3A : i32
      %rem3A_85 = arith.constant 5 : i32
      %rem3A_86 = arith.remsi %scan3A_52, %rem3A_85 : i32
      %mul3A_87 = arith.constant 640 : i32
      %mul3A_88 = arith.muli %add3A, %mul3A_87 : i32
      %mul3A_89 = arith.constant 128 : i32
      %mul3A_90 = arith.muli %rem3A_86, %mul3A_89 : i32
      %add3A_91 = arith.addi %mul3A_88, %mul3A_90 : i32
      %dma_start3A_92 = arith.constant 0 : i32
      %dma_start3A_93 = arith.constant 0 : i32
      %dma_start3A_94 = tpu.memref_slice %arg6[%rem3A_53, %dma_start3A_92, %dma_start3A_93] : memref<3x128x128xf32, #tpu.memory_space<vmem>> -> memref<1x128x128xf32, #tpu.memory_space<vmem>>
      %dma_start3A_95 = tpu.memref_squeeze %dma_start3A_94 : memref<1x128x128xf32, #tpu.memory_space<vmem>> -> memref<128x128xf32, #tpu.memory_space<vmem>>
      %dma_start3A_96 = arith.constant 0 : i32
      %dma_start3A_97 = tpu.memref_slice %arg4[%select_n3A, %add3A_91, %dma_start3A_96] : memref<2x20480x128xf32, #tpu.memory_space<hbm>> -> memref<1x128x128xf32, #tpu.memory_space<hbm>>
      %dma_start3A_98 = tpu.memref_squeeze %dma_start3A_97 : memref<1x128x128xf32, #tpu.memory_space<hbm>> -> memref<128x128xf32, #tpu.memory_space<hbm>>
      %dma_start3A_99 = arith.constant 0 : i32
      %dma_start3A_100 = tpu.memref_slice %arg4[%select_n3A, %add3A_91, %dma_start3A_99] : memref<2x20480x128xf32, #tpu.memory_space<hbm>> -> memref<1x128x128xf32, #tpu.memory_space<hbm>>
      %dma_start3A_101 = tpu.memref_squeeze %dma_start3A_100 : memref<1x128x128xf32, #tpu.memory_space<hbm>> -> memref<128x128xf32, #tpu.memory_space<hbm>>
      %dma_start3A_102 = arith.constant 0 : i32
      %dma_start3A_103 = arith.constant 0 : i32
      %dma_start3A_104 = tpu.memref_slice %arg6[%rem3A_53, %dma_start3A_102, %dma_start3A_103] : memref<3x128x128xf32, #tpu.memory_space<vmem>> -> memref<1x128x128xf32, #tpu.memory_space<vmem>>
      %dma_start3A_105 = tpu.memref_squeeze %dma_start3A_104 : memref<1x128x128xf32, #tpu.memory_space<vmem>> -> memref<128x128xf32, #tpu.memory_space<vmem>>
      tpu.enqueue_dma source(%dma_start3A_105 : memref<128x128xf32, #tpu.memory_space<vmem>>) target(%dma_start3A_101 : memref<128x128xf32, #tpu.memory_space<hbm>>) target_semaphore(%arg8 : memref<!tpu.dma_semaphore, #tpu.memory_space<semaphore_mem>>)
      %ge3A = arith.constant 2 : i32
      %ge3A_106 = arith.cmpi sge, %scan3A_52, %ge3A : i32
      %convert_element_type3A = arith.extui %ge3A_106 : i1 to i32
      %cond3A = arith.constant 0 : i32
      %cond3A_107 = arith.cmpi ne, %convert_element_type3A, %cond3A : i32
      scf.if %cond3A_107 {
        %dma_wait3A_114 = arith.constant 0 : i32
        %dma_wait3A_115 = arith.constant 0 : i32
        %dma_wait3A_116 = arith.constant 0 : i32
        %dma_wait3A_117 = arith.constant 0 : i32
        %dma_wait3A_118 = tpu.memref_slice %arg6[%dma_wait3A_114, %dma_wait3A_116, %dma_wait3A_117] : memref<3x128x128xf32, #tpu.memory_space<vmem>> -> memref<1x128x128xf32, #tpu.memory_space<vmem>>
        %dma_wait3A_119 = tpu.memref_squeeze %dma_wait3A_118 : memref<1x128x128xf32, #tpu.memory_space<vmem>> -> memref<128x128xf32, #tpu.memory_space<vmem>>
        %dma_wait3A_120 = arith.constant 0 : i32
        %dma_wait3A_121 = arith.constant 0 : i32
        %dma_wait3A_122 = tpu.memref_slice %arg4[%dma_wait3A_115, %dma_wait3A_120, %dma_wait3A_121] : memref<2x20480x128xf32, #tpu.memory_space<hbm>> -> memref<1x128x128xf32, #tpu.memory_space<hbm>>
        %dma_wait3A_123 = tpu.memref_squeeze %dma_wait3A_122 : memref<1x128x128xf32, #tpu.memory_space<hbm>> -> memref<128x128xf32, #tpu.memory_space<hbm>>
        %dma_wait3A_124 = arith.constant 0 : i32
        %dma_wait3A_125 = arith.constant 0 : i32
        %dma_wait3A_126 = tpu.memref_slice %arg4[%dma_wait3A_115, %dma_wait3A_124, %dma_wait3A_125] : memref<2x20480x128xf32, #tpu.memory_space<hbm>> -> memref<1x128x128xf32, #tpu.memory_space<hbm>>
        %dma_wait3A_127 = tpu.memref_squeeze %dma_wait3A_126 : memref<1x128x128xf32, #tpu.memory_space<hbm>> -> memref<128x128xf32, #tpu.memory_space<hbm>>
        %dma_wait3A_128 = arith.constant 0 : i32
        %dma_wait3A_129 = arith.constant 0 : i32
        %dma_wait3A_130 = tpu.memref_slice %arg6[%dma_wait3A_114, %dma_wait3A_128, %dma_wait3A_129] : memref<3x128x128xf32, #tpu.memory_space<vmem>> -> memref<1x128x128xf32, #tpu.memory_space<vmem>>
        %dma_wait3A_131 = tpu.memref_squeeze %dma_wait3A_130 : memref<1x128x128xf32, #tpu.memory_space<vmem>> -> memref<128x128xf32, #tpu.memory_space<vmem>>
        tpu.wait_dma2 semaphore(%arg8 : memref<!tpu.dma_semaphore, #tpu.memory_space<semaphore_mem>>) src(%dma_wait3A_131 : memref<128x128xf32, #tpu.memory_space<vmem>>) dst(%dma_wait3A_127 : memref<128x128xf32, #tpu.memory_space<hbm>>)
      } else {
      }
      %add3A_108 = arith.constant 1 : i32
      %add3A_109 = arith.addi %scan3A_52, %add3A_108 : i32
      %lt3A = arith.constant 10 : i32
      %lt3A_110 = arith.cmpi slt, %add3A_109, %lt3A : i32
      %convert_element_type3A_111 = arith.extui %lt3A_110 : i1 to i32
      %cond3A_112 = arith.constant 0 : i32
      %cond3A_113 = arith.cmpi ne, %convert_element_type3A_111, %cond3A_112 : i32
      scf.if %cond3A_113 {
        %add3A_114 = arith.constant 1 : i32
        %add3A_115 = arith.addi %scan3A_52, %add3A_114 : i32
        %rem3A_116 = arith.constant 3 : i32
        %rem3A_117 = arith.remsi %add3A_115, %rem3A_116 : i32
        %add3A_118 = arith.constant 1 : i32
        %add3A_119 = arith.addi %scan3A_52, %add3A_118 : i32
        %dma_start3A_120 = arith.constant 0 : i32
        %dma_start3A_121 = arith.constant 0 : i32
        %dma_start3A_122 = tpu.memref_slice %arg6[%rem3A_117, %dma_start3A_120, %dma_start3A_121] : memref<3x128x128xf32, #tpu.memory_space<vmem>> -> memref<1x128x128xf32, #tpu.memory_space<vmem>>
        %dma_start3A_123 = tpu.memref_squeeze %dma_start3A_122 : memref<1x128x128xf32, #tpu.memory_space<vmem>> -> memref<128x128xf32, #tpu.memory_space<vmem>>
        %dma_start3A_124 = arith.constant 0 : i32
        %dma_start3A_125 = tpu.memref_slice %arg5[%add3A_119, %dma_start3A_124] : memref<10x128xi32, #tpu.memory_space<vmem>> -> memref<1x128xi32, #tpu.memory_space<vmem>>
        %dma_start3A_126 = tpu.memref_squeeze %dma_start3A_125 : memref<1x128xi32, #tpu.memory_space<vmem>> -> memref<128xi32, #tpu.memory_space<vmem>>
        %dma_start3A_127 = arith.constant 0 : i32
        %dma_start3A_128 = arith.constant 0 : i32
        %dma_start3A_129 = tpu.memref_slice %arg2[%dma_start3A_127, %dma_start3A_128] : memref<10240x128xf32, #tpu.memory_space<hbm>> -> memref<10240x128xf32, #tpu.memory_space<hbm>>
        tpu.enqueue_indirect_dma source(%dma_start3A_129 : memref<10240x128xf32, #tpu.memory_space<hbm>>) target(%dma_start3A_123 : memref<128x128xf32, #tpu.memory_space<vmem>>) offsets(%dma_start3A_126 : memref<128xi32, #tpu.memory_space<vmem>>) semaphore(%arg7 : memref<!tpu.dma_semaphore, #tpu.memory_space<semaphore_mem>>)
      } else {
      }
    }
    %scan3A_16 = arith.constant 10 : i32
    %dma_wait3A = arith.constant 0 : i32
    %dma_wait3A_17 = arith.constant 0 : i32
    %dma_wait3A_18 = arith.constant 0 : i32
    %dma_wait3A_19 = arith.constant 0 : i32
    %dma_wait3A_20 = tpu.memref_slice %arg6[%dma_wait3A, %dma_wait3A_18, %dma_wait3A_19] : memref<3x128x128xf32, #tpu.memory_space<vmem>> -> memref<1x128x128xf32, #tpu.memory_space<vmem>>
    %dma_wait3A_21 = tpu.memref_squeeze %dma_wait3A_20 : memref<1x128x128xf32, #tpu.memory_space<vmem>> -> memref<128x128xf32, #tpu.memory_space<vmem>>
    %dma_wait3A_22 = arith.constant 0 : i32
    %dma_wait3A_23 = arith.constant 0 : i32
    %dma_wait3A_24 = tpu.memref_slice %arg4[%dma_wait3A_17, %dma_wait3A_22, %dma_wait3A_23] : memref<2x20480x128xf32, #tpu.memory_space<hbm>> -> memref<1x128x128xf32, #tpu.memory_space<hbm>>
    %dma_wait3A_25 = tpu.memref_squeeze %dma_wait3A_24 : memref<1x128x128xf32, #tpu.memory_space<hbm>> -> memref<128x128xf32, #tpu.memory_space<hbm>>
    %dma_wait3A_26 = arith.constant 0 : i32
    %dma_wait3A_27 = arith.constant 0 : i32
    %dma_wait3A_28 = tpu.memref_slice %arg4[%dma_wait3A_17, %dma_wait3A_26, %dma_wait3A_27] : memref<2x20480x128xf32, #tpu.memory_space<hbm>> -> memref<1x128x128xf32, #tpu.memory_space<hbm>>
    %dma_wait3A_29 = tpu.memref_squeeze %dma_wait3A_28 : memref<1x128x128xf32, #tpu.memory_space<hbm>> -> memref<128x128xf32, #tpu.memory_space<hbm>>
    %dma_wait3A_30 = arith.constant 0 : i32
    %dma_wait3A_31 = arith.constant 0 : i32
    %dma_wait3A_32 = tpu.memref_slice %arg6[%dma_wait3A, %dma_wait3A_30, %dma_wait3A_31] : memref<3x128x128xf32, #tpu.memory_space<vmem>> -> memref<1x128x128xf32, #tpu.memory_space<vmem>>
    %dma_wait3A_33 = tpu.memref_squeeze %dma_wait3A_32 : memref<1x128x128xf32, #tpu.memory_space<vmem>> -> memref<128x128xf32, #tpu.memory_space<vmem>>
    tpu.wait_dma2 semaphore(%arg8 : memref<!tpu.dma_semaphore, #tpu.memory_space<semaphore_mem>>) src(%dma_wait3A_33 : memref<128x128xf32, #tpu.memory_space<vmem>>) dst(%dma_wait3A_29 : memref<128x128xf32, #tpu.memory_space<hbm>>)
    %dma_wait3A_34 = arith.constant 0 : i32
    %dma_wait3A_35 = arith.constant 0 : i32
    %dma_wait3A_36 = arith.constant 0 : i32
    %dma_wait3A_37 = arith.constant 0 : i32
    %dma_wait3A_38 = tpu.memref_slice %arg6[%dma_wait3A_34, %dma_wait3A_36, %dma_wait3A_37] : memref<3x128x128xf32, #tpu.memory_space<vmem>> -> memref<1x128x128xf32, #tpu.memory_space<vmem>>
    %dma_wait3A_39 = tpu.memref_squeeze %dma_wait3A_38 : memref<1x128x128xf32, #tpu.memory_space<vmem>> -> memref<128x128xf32, #tpu.memory_space<vmem>>
    %dma_wait3A_40 = arith.constant 0 : i32
    %dma_wait3A_41 = arith.constant 0 : i32
    %dma_wait3A_42 = tpu.memref_slice %arg4[%dma_wait3A_35, %dma_wait3A_40, %dma_wait3A_41] : memref<2x20480x128xf32, #tpu.memory_space<hbm>> -> memref<1x128x128xf32, #tpu.memory_space<hbm>>
    %dma_wait3A_43 = tpu.memref_squeeze %dma_wait3A_42 : memref<1x128x128xf32, #tpu.memory_space<hbm>> -> memref<128x128xf32, #tpu.memory_space<hbm>>
    %dma_wait3A_44 = arith.constant 0 : i32
    %dma_wait3A_45 = arith.constant 0 : i32
    %dma_wait3A_46 = tpu.memref_slice %arg4[%dma_wait3A_35, %dma_wait3A_44, %dma_wait3A_45] : memref<2x20480x128xf32, #tpu.memory_space<hbm>> -> memref<1x128x128xf32, #tpu.memory_space<hbm>>
    %dma_wait3A_47 = tpu.memref_squeeze %dma_wait3A_46 : memref<1x128x128xf32, #tpu.memory_space<hbm>> -> memref<128x128xf32, #tpu.memory_space<hbm>>
    %dma_wait3A_48 = arith.constant 0 : i32
    %dma_wait3A_49 = arith.constant 0 : i32
    %dma_wait3A_50 = tpu.memref_slice %arg6[%dma_wait3A_34, %dma_wait3A_48, %dma_wait3A_49] : memref<3x128x128xf32, #tpu.memory_space<vmem>> -> memref<1x128x128xf32, #tpu.memory_space<vmem>>
    %dma_wait3A_51 = tpu.memref_squeeze %dma_wait3A_50 : memref<1x128x128xf32, #tpu.memory_space<vmem>> -> memref<128x128xf32, #tpu.memory_space<vmem>>
    tpu.wait_dma2 semaphore(%arg8 : memref<!tpu.dma_semaphore, #tpu.memory_space<semaphore_mem>>) src(%dma_wait3A_51 : memref<128x128xf32, #tpu.memory_space<vmem>>) dst(%dma_wait3A_47 : memref<128x128xf32, #tpu.memory_space<hbm>>)
    return
  }
}

#map = affine_map<(d0, d1) -> (0, 0)>
module attributes {stable_mosaic.version = 14 : i64} {
  func.func @_deg_body(%arg0: i32, %arg1: i32, %arg2: memref<2x320000xi32, #tpu.memory_space<hbm>>, %arg3: memref<2x10240xf32, #tpu.memory_space<hbm>>, %arg4: memref<2560xi32, #tpu.memory_space<vmem>>, %arg5: memref<10240xf32, #tpu.memory_space<vmem>>, %arg6: memref<16x640xf32, #tpu.memory_space<vmem>>, %arg7: memref<640xf32, #tpu.memory_space<vmem>>, %arg8: memref<16x10240xf32, #tpu.memory_space<vmem_shared>>) attributes {dimension_semantics = [#tpu.dimension_semantics<core_parallel>, #tpu.dimension_semantics<subcore_parallel>], iteration_bounds = array<i64: 2, 16>, scalar_prefetch = 0 : i64, scratch_operands = 5 : i64, tpu.core_type = #tpu.core_type<sc_vector_subcore>, window_params = [{transform_indices = #map}, {transform_indices = #map}]} {
    %mul3A = arith.constant 16 : i32
    %mul3A_0 = arith.muli %arg0, %mul3A : i32
    %add3A = arith.addi %mul3A_0, %arg1 : i32
    %scan3A = arith.constant 0 : i32
    %scan3A_1 = arith.constant 0 : i32
    %scan3A_2 = arith.constant 640 : i32
    %scan3A_3 = arith.addi %scan3A_1, %scan3A_2 : i32
    %scan3A_4 = arith.constant 1 : i32
    scf.for %scan3A_70 = %scan3A_1 to %scan3A_3 step %scan3A_4  : i32 {
      %broadcast_in_dim3A_71 = arith.constant 0.000000e+00 : f32
      %broadcast_in_dim3A_72 = vector.broadcast %broadcast_in_dim3A_71 : f32 to vector<16xf32>
      %mul3A_73 = arith.constant 16 : i32
      %mul3A_74 = arith.muli %scan3A_70, %mul3A_73 : i32
      %swap3A = arith.index_cast %mul3A_74 : i32 to index
      %swap3A_75 = tpu.vector_load %arg5[%swap3A] {strides = array<i32>} : memref<10240xf32, #tpu.memory_space<vmem>>, vector<16xf32>,
      tpu.vector_store %arg5[%swap3A], %broadcast_in_dim3A_72 {strides = array<i32>} : memref<10240xf32, #tpu.memory_space<vmem>>, vector<16xf32>,
    }
    %scan3A_5 = arith.constant 640 : i32
    %broadcast_in_dim3A = arith.constant 1.000000e+00 : f32
    %broadcast_in_dim3A_6 = vector.broadcast %broadcast_in_dim3A : f32 to vector<16xf32>
    %lt3A = arith.constant 31 : i32
    %lt3A_7 = arith.cmpi slt, %add3A, %lt3A : i32
    %or3A = arith.constant true
    %or3A_8 = arith.ori %lt3A_7, %or3A : i1
    %convert_element_type3A = arith.extui %or3A_8 : i1 to i32
    %cond3A = arith.constant 0 : i32
    %cond3A_9 = arith.cmpi ne, %convert_element_type3A, %cond3A : i32
    scf.if %cond3A_9 {
      %mul3A_70 = arith.constant 10240 : i32
      %mul3A_71 = arith.muli %add3A, %mul3A_70 : i32
      %add3A_72 = arith.constant 0 : i32
      %add3A_73 = arith.addi %mul3A_71, %add3A_72 : i32
      %run_scoped3A_74 = arith.constant 1 : i32
      "tpu.region"() ({
        %run_scoped3A_81 = tpu.sem_alloc : memref<!tpu.dma_semaphore, #tpu.memory_space<semaphore_mem>>
        %dma_start3A = tpu.memref_slice %arg2[%run_scoped3A_74, %add3A_73] : memref<2x320000xi32, #tpu.memory_space<hbm>> -> memref<1x2560xi32, #tpu.memory_space<hbm>>
        %dma_start3A_82 = tpu.memref_squeeze %dma_start3A : memref<1x2560xi32, #tpu.memory_space<hbm>> -> memref<2560xi32, #tpu.memory_space<hbm>>
        %dma_start3A_83 = tpu.memref_slice %arg2[%run_scoped3A_74, %add3A_73] : memref<2x320000xi32, #tpu.memory_space<hbm>> -> memref<1x2560xi32, #tpu.memory_space<hbm>>
        %dma_start3A_84 = tpu.memref_squeeze %dma_start3A_83 : memref<1x2560xi32, #tpu.memory_space<hbm>> -> memref<2560xi32, #tpu.memory_space<hbm>>
        tpu.enqueue_dma source(%dma_start3A_84 : memref<2560xi32, #tpu.memory_space<hbm>>) target(%arg4 : memref<2560xi32, #tpu.memory_space<vmem>>) target_semaphore(%run_scoped3A_81 : memref<!tpu.dma_semaphore, #tpu.memory_space<semaphore_mem>>)
        %dma_wait3A = tpu.memref_slice %arg2[%run_scoped3A_74, %add3A_73] : memref<2x320000xi32, #tpu.memory_space<hbm>> -> memref<1x2560xi32, #tpu.memory_space<hbm>>
        %dma_wait3A_85 = tpu.memref_squeeze %dma_wait3A : memref<1x2560xi32, #tpu.memory_space<hbm>> -> memref<2560xi32, #tpu.memory_space<hbm>>
        %dma_wait3A_86 = tpu.memref_slice %arg2[%run_scoped3A_74, %add3A_73] : memref<2x320000xi32, #tpu.memory_space<hbm>> -> memref<1x2560xi32, #tpu.memory_space<hbm>>
        %dma_wait3A_87 = tpu.memref_squeeze %dma_wait3A_86 : memref<1x2560xi32, #tpu.memory_space<hbm>> -> memref<2560xi32, #tpu.memory_space<hbm>>
        tpu.wait_dma2 semaphore(%run_scoped3A_81 : memref<!tpu.dma_semaphore, #tpu.memory_space<semaphore_mem>>) src(%dma_wait3A_87 : memref<2560xi32, #tpu.memory_space<hbm>>) dst(%arg4 : memref<2560xi32, #tpu.memory_space<vmem>>)
        tpu.yield
      }) : () -> ()
      %scan3A_75 = arith.constant 0 : i32
      %scan3A_76 = arith.constant 0 : i32
      %scan3A_77 = arith.constant 160 : i32
      %scan3A_78 = arith.addi %scan3A_76, %scan3A_77 : i32
      %scan3A_79 = arith.constant 1 : i32
      scf.for %scan3A_81 = %scan3A_76 to %scan3A_78 step %scan3A_79  : i32 {
        %mul3A_82 = arith.constant 16 : i32
        %mul3A_83 = arith.muli %scan3A_81, %mul3A_82 : i32
        %get3A = arith.index_cast %mul3A_83 : i32 to index
        %get3A_84 = tpu.vector_load %arg4[%get3A] {strides = array<i32>} : memref<2560xi32, #tpu.memory_space<vmem>>, vector<16xi32>,
        tpu.vector_store_idx %arg5[%get3A_84], %broadcast_in_dim3A_6 {add = true} : memref<10240xf32, #tpu.memory_space<vmem>>[vector<16xi32>], vector<16xf32>,
      }
      %scan3A_80 = arith.constant 160 : i32
    } else {
    }
    %lt3A_10 = arith.constant 31 : i32
    %lt3A_11 = arith.cmpi slt, %add3A, %lt3A_10 : i32
    %or3A_12 = arith.constant false
    %or3A_13 = arith.ori %lt3A_11, %or3A_12 : i1
    %convert_element_type3A_14 = arith.extui %or3A_13 : i1 to i32
    %cond3A_15 = arith.constant 0 : i32
    %cond3A_16 = arith.cmpi ne, %convert_element_type3A_14, %cond3A_15 : i32
    scf.if %cond3A_16 {
      %mul3A_70 = arith.constant 10240 : i32
      %mul3A_71 = arith.muli %add3A, %mul3A_70 : i32
      %add3A_72 = arith.constant 2560 : i32
      %add3A_73 = arith.addi %mul3A_71, %add3A_72 : i32
      %run_scoped3A_74 = arith.constant 1 : i32
      "tpu.region"() ({
        %run_scoped3A_81 = tpu.sem_alloc : memref<!tpu.dma_semaphore, #tpu.memory_space<semaphore_mem>>
        %dma_start3A = tpu.memref_slice %arg2[%run_scoped3A_74, %add3A_73] : memref<2x320000xi32, #tpu.memory_space<hbm>> -> memref<1x2560xi32, #tpu.memory_space<hbm>>
        %dma_start3A_82 = tpu.memref_squeeze %dma_start3A : memref<1x2560xi32, #tpu.memory_space<hbm>> -> memref<2560xi32, #tpu.memory_space<hbm>>
        %dma_start3A_83 = tpu.memref_slice %arg2[%run_scoped3A_74, %add3A_73] : memref<2x320000xi32, #tpu.memory_space<hbm>> -> memref<1x2560xi32, #tpu.memory_space<hbm>>
        %dma_start3A_84 = tpu.memref_squeeze %dma_start3A_83 : memref<1x2560xi32, #tpu.memory_space<hbm>> -> memref<2560xi32, #tpu.memory_space<hbm>>
        tpu.enqueue_dma source(%dma_start3A_84 : memref<2560xi32, #tpu.memory_space<hbm>>) target(%arg4 : memref<2560xi32, #tpu.memory_space<vmem>>) target_semaphore(%run_scoped3A_81 : memref<!tpu.dma_semaphore, #tpu.memory_space<semaphore_mem>>)
        %dma_wait3A = tpu.memref_slice %arg2[%run_scoped3A_74, %add3A_73] : memref<2x320000xi32, #tpu.memory_space<hbm>> -> memref<1x2560xi32, #tpu.memory_space<hbm>>
        %dma_wait3A_85 = tpu.memref_squeeze %dma_wait3A : memref<1x2560xi32, #tpu.memory_space<hbm>> -> memref<2560xi32, #tpu.memory_space<hbm>>
        %dma_wait3A_86 = tpu.memref_slice %arg2[%run_scoped3A_74, %add3A_73] : memref<2x320000xi32, #tpu.memory_space<hbm>> -> memref<1x2560xi32, #tpu.memory_space<hbm>>
        %dma_wait3A_87 = tpu.memref_squeeze %dma_wait3A_86 : memref<1x2560xi32, #tpu.memory_space<hbm>> -> memref<2560xi32, #tpu.memory_space<hbm>>
        tpu.wait_dma2 semaphore(%run_scoped3A_81 : memref<!tpu.dma_semaphore, #tpu.memory_space<semaphore_mem>>) src(%dma_wait3A_87 : memref<2560xi32, #tpu.memory_space<hbm>>) dst(%arg4 : memref<2560xi32, #tpu.memory_space<vmem>>)
        tpu.yield
      }) : () -> ()
      %scan3A_75 = arith.constant 0 : i32
      %scan3A_76 = arith.constant 0 : i32
      %scan3A_77 = arith.constant 160 : i32
      %scan3A_78 = arith.addi %scan3A_76, %scan3A_77 : i32
      %scan3A_79 = arith.constant 1 : i32
      scf.for %scan3A_81 = %scan3A_76 to %scan3A_78 step %scan3A_79  : i32 {
        %mul3A_82 = arith.constant 16 : i32
        %mul3A_83 = arith.muli %scan3A_81, %mul3A_82 : i32
        %get3A = arith.index_cast %mul3A_83 : i32 to index
        %get3A_84 = tpu.vector_load %arg4[%get3A] {strides = array<i32>} : memref<2560xi32, #tpu.memory_space<vmem>>, vector<16xi32>,
        tpu.vector_store_idx %arg5[%get3A_84], %broadcast_in_dim3A_6 {add = true} : memref<10240xf32, #tpu.memory_space<vmem>>[vector<16xi32>], vector<16xf32>,
      }
      %scan3A_80 = arith.constant 160 : i32
    } else {
    }
    %lt3A_17 = arith.constant 31 : i32
    %lt3A_18 = arith.cmpi slt, %add3A, %lt3A_17 : i32
    %or3A_19 = arith.constant false
    %or3A_20 = arith.ori %lt3A_18, %or3A_19 : i1
    %convert_element_type3A_21 = arith.extui %or3A_20 : i1 to i32
    %cond3A_22 = arith.constant 0 : i32
    %cond3A_23 = arith.cmpi ne, %convert_element_type3A_21, %cond3A_22 : i32
    scf.if %cond3A_23 {
      %mul3A_70 = arith.constant 10240 : i32
      %mul3A_71 = arith.muli %add3A, %mul3A_70 : i32
      %add3A_72 = arith.constant 5120 : i32
      %add3A_73 = arith.addi %mul3A_71, %add3A_72 : i32
      %run_scoped3A_74 = arith.constant 1 : i32
      "tpu.region"() ({
        %run_scoped3A_81 = tpu.sem_alloc : memref<!tpu.dma_semaphore, #tpu.memory_space<semaphore_mem>>
        %dma_start3A = tpu.memref_slice %arg2[%run_scoped3A_74, %add3A_73] : memref<2x320000xi32, #tpu.memory_space<hbm>> -> memref<1x2560xi32, #tpu.memory_space<hbm>>
        %dma_start3A_82 = tpu.memref_squeeze %dma_start3A : memref<1x2560xi32, #tpu.memory_space<hbm>> -> memref<2560xi32, #tpu.memory_space<hbm>>
        %dma_start3A_83 = tpu.memref_slice %arg2[%run_scoped3A_74, %add3A_73] : memref<2x320000xi32, #tpu.memory_space<hbm>> -> memref<1x2560xi32, #tpu.memory_space<hbm>>
        %dma_start3A_84 = tpu.memref_squeeze %dma_start3A_83 : memref<1x2560xi32, #tpu.memory_space<hbm>> -> memref<2560xi32, #tpu.memory_space<hbm>>
        tpu.enqueue_dma source(%dma_start3A_84 : memref<2560xi32, #tpu.memory_space<hbm>>) target(%arg4 : memref<2560xi32, #tpu.memory_space<vmem>>) target_semaphore(%run_scoped3A_81 : memref<!tpu.dma_semaphore, #tpu.memory_space<semaphore_mem>>)
        %dma_wait3A = tpu.memref_slice %arg2[%run_scoped3A_74, %add3A_73] : memref<2x320000xi32, #tpu.memory_space<hbm>> -> memref<1x2560xi32, #tpu.memory_space<hbm>>
        %dma_wait3A_85 = tpu.memref_squeeze %dma_wait3A : memref<1x2560xi32, #tpu.memory_space<hbm>> -> memref<2560xi32, #tpu.memory_space<hbm>>
        %dma_wait3A_86 = tpu.memref_slice %arg2[%run_scoped3A_74, %add3A_73] : memref<2x320000xi32, #tpu.memory_space<hbm>> -> memref<1x2560xi32, #tpu.memory_space<hbm>>
        %dma_wait3A_87 = tpu.memref_squeeze %dma_wait3A_86 : memref<1x2560xi32, #tpu.memory_space<hbm>> -> memref<2560xi32, #tpu.memory_space<hbm>>
        tpu.wait_dma2 semaphore(%run_scoped3A_81 : memref<!tpu.dma_semaphore, #tpu.memory_space<semaphore_mem>>) src(%dma_wait3A_87 : memref<2560xi32, #tpu.memory_space<hbm>>) dst(%arg4 : memref<2560xi32, #tpu.memory_space<vmem>>)
        tpu.yield
      }) : () -> ()
      %scan3A_75 = arith.constant 0 : i32
      %scan3A_76 = arith.constant 0 : i32
      %scan3A_77 = arith.constant 160 : i32
      %scan3A_78 = arith.addi %scan3A_76, %scan3A_77 : i32
      %scan3A_79 = arith.constant 1 : i32
      scf.for %scan3A_81 = %scan3A_76 to %scan3A_78 step %scan3A_79  : i32 {
        %mul3A_82 = arith.constant 16 : i32
        %mul3A_83 = arith.muli %scan3A_81, %mul3A_82 : i32
        %get3A = arith.index_cast %mul3A_83 : i32 to index
        %get3A_84 = tpu.vector_load %arg4[%get3A] {strides = array<i32>} : memref<2560xi32, #tpu.memory_space<vmem>>, vector<16xi32>,
        tpu.vector_store_idx %arg5[%get3A_84], %broadcast_in_dim3A_6 {add = true} : memref<10240xf32, #tpu.memory_space<vmem>>[vector<16xi32>], vector<16xf32>,
      }
      %scan3A_80 = arith.constant 160 : i32
    } else {
    }
    %lt3A_24 = arith.constant 31 : i32
    %lt3A_25 = arith.cmpi slt, %add3A, %lt3A_24 : i32
    %or3A_26 = arith.constant false
    %or3A_27 = arith.ori %lt3A_25, %or3A_26 : i1
    %convert_element_type3A_28 = arith.extui %or3A_27 : i1 to i32
    %cond3A_29 = arith.constant 0 : i32
    %cond3A_30 = arith.cmpi ne, %convert_element_type3A_28, %cond3A_29 : i32
    scf.if %cond3A_30 {
      %mul3A_70 = arith.constant 10240 : i32
      %mul3A_71 = arith.muli %add3A, %mul3A_70 : i32
      %add3A_72 = arith.constant 7680 : i32
      %add3A_73 = arith.addi %mul3A_71, %add3A_72 : i32
      %run_scoped3A_74 = arith.constant 1 : i32
      "tpu.region"() ({
        %run_scoped3A_81 = tpu.sem_alloc : memref<!tpu.dma_semaphore, #tpu.memory_space<semaphore_mem>>
        %dma_start3A = tpu.memref_slice %arg2[%run_scoped3A_74, %add3A_73] : memref<2x320000xi32, #tpu.memory_space<hbm>> -> memref<1x2560xi32, #tpu.memory_space<hbm>>
        %dma_start3A_82 = tpu.memref_squeeze %dma_start3A : memref<1x2560xi32, #tpu.memory_space<hbm>> -> memref<2560xi32, #tpu.memory_space<hbm>>
        %dma_start3A_83 = tpu.memref_slice %arg2[%run_scoped3A_74, %add3A_73] : memref<2x320000xi32, #tpu.memory_space<hbm>> -> memref<1x2560xi32, #tpu.memory_space<hbm>>
        %dma_start3A_84 = tpu.memref_squeeze %dma_start3A_83 : memref<1x2560xi32, #tpu.memory_space<hbm>> -> memref<2560xi32, #tpu.memory_space<hbm>>
        tpu.enqueue_dma source(%dma_start3A_84 : memref<2560xi32, #tpu.memory_space<hbm>>) target(%arg4 : memref<2560xi32, #tpu.memory_space<vmem>>) target_semaphore(%run_scoped3A_81 : memref<!tpu.dma_semaphore, #tpu.memory_space<semaphore_mem>>)
        %dma_wait3A = tpu.memref_slice %arg2[%run_scoped3A_74, %add3A_73] : memref<2x320000xi32, #tpu.memory_space<hbm>> -> memref<1x2560xi32, #tpu.memory_space<hbm>>
        %dma_wait3A_85 = tpu.memref_squeeze %dma_wait3A : memref<1x2560xi32, #tpu.memory_space<hbm>> -> memref<2560xi32, #tpu.memory_space<hbm>>
        %dma_wait3A_86 = tpu.memref_slice %arg2[%run_scoped3A_74, %add3A_73] : memref<2x320000xi32, #tpu.memory_space<hbm>> -> memref<1x2560xi32, #tpu.memory_space<hbm>>
        %dma_wait3A_87 = tpu.memref_squeeze %dma_wait3A_86 : memref<1x2560xi32, #tpu.memory_space<hbm>> -> memref<2560xi32, #tpu.memory_space<hbm>>
        tpu.wait_dma2 semaphore(%run_scoped3A_81 : memref<!tpu.dma_semaphore, #tpu.memory_space<semaphore_mem>>) src(%dma_wait3A_87 : memref<2560xi32, #tpu.memory_space<hbm>>) dst(%arg4 : memref<2560xi32, #tpu.memory_space<vmem>>)
        tpu.yield
      }) : () -> ()
      %scan3A_75 = arith.constant 0 : i32
      %scan3A_76 = arith.constant 0 : i32
      %scan3A_77 = arith.constant 160 : i32
      %scan3A_78 = arith.addi %scan3A_76, %scan3A_77 : i32
      %scan3A_79 = arith.constant 1 : i32
      scf.for %scan3A_81 = %scan3A_76 to %scan3A_78 step %scan3A_79  : i32 {
        %mul3A_82 = arith.constant 16 : i32
        %mul3A_83 = arith.muli %scan3A_81, %mul3A_82 : i32
        %get3A = arith.index_cast %mul3A_83 : i32 to index
        %get3A_84 = tpu.vector_load %arg4[%get3A] {strides = array<i32>} : memref<2560xi32, #tpu.memory_space<vmem>>, vector<16xi32>,
        tpu.vector_store_idx %arg5[%get3A_84], %broadcast_in_dim3A_6 {add = true} : memref<10240xf32, #tpu.memory_space<vmem>>[vector<16xi32>], vector<16xf32>,
      }
      %scan3A_80 = arith.constant 160 : i32
    } else {
    }
    "tpu.region"() ({
      %run_scoped3A_70 = tpu.sem_alloc : memref<!tpu.dma_semaphore, #tpu.memory_space<semaphore_mem>>
      %dma_start3A = arith.constant 0 : i32
      %dma_start3A_71 = tpu.memref_slice %arg8[%arg1, %dma_start3A] : memref<16x10240xf32, #tpu.memory_space<vmem_shared>> -> memref<1x10240xf32, #tpu.memory_space<vmem_shared>>
      %dma_start3A_72 = tpu.memref_squeeze %dma_start3A_71 : memref<1x10240xf32, #tpu.memory_space<vmem_shared>> -> memref<10240xf32, #tpu.memory_space<vmem_shared>>
      %dma_start3A_73 = arith.constant 0 : i32
      %dma_start3A_74 = tpu.memref_slice %arg8[%arg1, %dma_start3A_73] : memref<16x10240xf32, #tpu.memory_space<vmem_shared>> -> memref<1x10240xf32, #tpu.memory_space<vmem_shared>>
      %dma_start3A_75 = tpu.memref_squeeze %dma_start3A_74 : memref<1x10240xf32, #tpu.memory_space<vmem_shared>> -> memref<10240xf32, #tpu.memory_space<vmem_shared>>
      tpu.enqueue_dma source(%arg5 : memref<10240xf32, #tpu.memory_space<vmem>>) target(%dma_start3A_75 : memref<10240xf32, #tpu.memory_space<vmem_shared>>) target_semaphore(%run_scoped3A_70 : memref<!tpu.dma_semaphore, #tpu.memory_space<semaphore_mem>>)
      %dma_wait3A = arith.constant 0 : i32
      %dma_wait3A_76 = tpu.memref_slice %arg8[%arg1, %dma_wait3A] : memref<16x10240xf32, #tpu.memory_space<vmem_shared>> -> memref<1x10240xf32, #tpu.memory_space<vmem_shared>>
      %dma_wait3A_77 = tpu.memref_squeeze %dma_wait3A_76 : memref<1x10240xf32, #tpu.memory_space<vmem_shared>> -> memref<10240xf32, #tpu.memory_space<vmem_shared>>
      %dma_wait3A_78 = arith.constant 0 : i32
      %dma_wait3A_79 = tpu.memref_slice %arg8[%arg1, %dma_wait3A_78] : memref<16x10240xf32, #tpu.memory_space<vmem_shared>> -> memref<1x10240xf32, #tpu.memory_space<vmem_shared>>
      %dma_wait3A_80 = tpu.memref_squeeze %dma_wait3A_79 : memref<1x10240xf32, #tpu.memory_space<vmem_shared>> -> memref<10240xf32, #tpu.memory_space<vmem_shared>>
      tpu.wait_dma2 semaphore(%run_scoped3A_70 : memref<!tpu.dma_semaphore, #tpu.memory_space<semaphore_mem>>) src(%arg5 : memref<10240xf32, #tpu.memory_space<vmem>>) dst(%dma_wait3A_80 : memref<10240xf32, #tpu.memory_space<vmem_shared>>)
      tpu.yield
    }) : () -> ()
    %barrier3A = arith.constant 0 : index
    tpu.barrier barrier_id(%barrier3A)
    %mul3A_31 = arith.constant 640 : i32
    %mul3A_32 = arith.muli %arg1, %mul3A_31 : i32
    %run_scoped3A = arith.constant 0 : i32
    %run_scoped3A_33 = arith.constant 0 : i32
    "tpu.region"() ({
      %run_scoped3A_70 = tpu.sem_alloc : memref<!tpu.dma_semaphore, #tpu.memory_space<semaphore_mem>>
      %dma_start3A = arith.constant 0 : i32
      %dma_start3A_71 = tpu.memref_slice %arg6[%run_scoped3A_33, %dma_start3A] : memref<16x640xf32, #tpu.memory_space<vmem>> -> memref<1x640xf32, #tpu.memory_space<vmem>>
      %dma_start3A_72 = tpu.memref_squeeze %dma_start3A_71 : memref<1x640xf32, #tpu.memory_space<vmem>> -> memref<640xf32, #tpu.memory_space<vmem>>
      %dma_start3A_73 = tpu.memref_slice %arg8[%run_scoped3A, %mul3A_32] : memref<16x10240xf32, #tpu.memory_space<vmem_shared>> -> memref<1x640xf32, #tpu.memory_space<vmem_shared>>
      %dma_start3A_74 = tpu.memref_squeeze %dma_start3A_73 : memref<1x640xf32, #tpu.memory_space<vmem_shared>> -> memref<640xf32, #tpu.memory_space<vmem_shared>>
      %dma_start3A_75 = arith.constant 0 : i32
      %dma_start3A_76 = tpu.memref_slice %arg6[%run_scoped3A_33, %dma_start3A_75] : memref<16x640xf32, #tpu.memory_space<vmem>> -> memref<1x640xf32, #tpu.memory_space<vmem>>
      %dma_start3A_77 = tpu.memref_squeeze %dma_start3A_76 : memref<1x640xf32, #tpu.memory_space<vmem>> -> memref<640xf32, #tpu.memory_space<vmem>>
      %dma_start3A_78 = tpu.memref_slice %arg8[%run_scoped3A, %mul3A_32] : memref<16x10240xf32, #tpu.memory_space<vmem_shared>> -> memref<1x640xf32, #tpu.memory_space<vmem_shared>>
      %dma_start3A_79 = tpu.memref_squeeze %dma_start3A_78 : memref<1x640xf32, #tpu.memory_space<vmem_shared>> -> memref<640xf32, #tpu.memory_space<vmem_shared>>
      tpu.enqueue_dma source(%dma_start3A_79 : memref<640xf32, #tpu.memory_space<vmem_shared>>) target(%dma_start3A_77 : memref<640xf32, #tpu.memory_space<vmem>>) target_semaphore(%run_scoped3A_70 : memref<!tpu.dma_semaphore, #tpu.memory_space<semaphore_mem>>)
      %dma_wait3A = arith.constant 0 : i32
      %dma_wait3A_80 = tpu.memref_slice %arg6[%run_scoped3A_33, %dma_wait3A] : memref<16x640xf32, #tpu.memory_space<vmem>> -> memref<1x640xf32, #tpu.memory_space<vmem>>
      %dma_wait3A_81 = tpu.memref_squeeze %dma_wait3A_80 : memref<1x640xf32, #tpu.memory_space<vmem>> -> memref<640xf32, #tpu.memory_space<vmem>>
      %dma_wait3A_82 = tpu.memref_slice %arg8[%run_scoped3A, %mul3A_32] : memref<16x10240xf32, #tpu.memory_space<vmem_shared>> -> memref<1x640xf32, #tpu.memory_space<vmem_shared>>
      %dma_wait3A_83 = tpu.memref_squeeze %dma_wait3A_82 : memref<1x640xf32, #tpu.memory_space<vmem_shared>> -> memref<640xf32, #tpu.memory_space<vmem_shared>>
      %dma_wait3A_84 = arith.constant 0 : i32
      %dma_wait3A_85 = tpu.memref_slice %arg6[%run_scoped3A_33, %dma_wait3A_84] : memref<16x640xf32, #tpu.memory_space<vmem>> -> memref<1x640xf32, #tpu.memory_space<vmem>>
      %dma_wait3A_86 = tpu.memref_squeeze %dma_wait3A_85 : memref<1x640xf32, #tpu.memory_space<vmem>> -> memref<640xf32, #tpu.memory_space<vmem>>
      %dma_wait3A_87 = tpu.memref_slice %arg8[%run_scoped3A, %mul3A_32] : memref<16x10240xf32, #tpu.memory_space<vmem_shared>> -> memref<1x640xf32, #tpu.memory_space<vmem_shared>>
      %dma_wait3A_88 = tpu.memref_squeeze %dma_wait3A_87 : memref<1x640xf32, #tpu.memory_space<vmem_shared>> -> memref<640xf32, #tpu.memory_space<vmem_shared>>
      tpu.wait_dma2 semaphore(%run_scoped3A_70 : memref<!tpu.dma_semaphore, #tpu.memory_space<semaphore_mem>>) src(%dma_wait3A_88 : memref<640xf32, #tpu.memory_space<vmem_shared>>) dst(%dma_wait3A_86 : memref<640xf32, #tpu.memory_space<vmem>>)
      tpu.yield
    }) : () -> ()
    %run_scoped3A_34 = arith.constant 1 : i32
    %run_scoped3A_35 = arith.constant 1 : i32
    "tpu.region"() ({
      %run_scoped3A_70 = tpu.sem_alloc : memref<!tpu.dma_semaphore, #tpu.memory_space<semaphore_mem>>
      %dma_start3A = arith.constant 0 : i32
      %dma_start3A_71 = tpu.memref_slice %arg6[%run_scoped3A_35, %dma_start3A] : memref<16x640xf32, #tpu.memory_space<vmem>> -> memref<1x640xf32, #tpu.memory_space<vmem>>
      %dma_start3A_72 = tpu.memref_squeeze %dma_start3A_71 : memref<1x640xf32, #tpu.memory_space<vmem>> -> memref<640xf32, #tpu.memory_space<vmem>>
      %dma_start3A_73 = tpu.memref_slice %arg8[%run_scoped3A_34, %mul3A_32] : memref<16x10240xf32, #tpu.memory_space<vmem_shared>> -> memref<1x640xf32, #tpu.memory_space<vmem_shared>>
      %dma_start3A_74 = tpu.memref_squeeze %dma_start3A_73 : memref<1x640xf32, #tpu.memory_space<vmem_shared>> -> memref<640xf32, #tpu.memory_space<vmem_shared>>
      %dma_start3A_75 = arith.constant 0 : i32
      %dma_start3A_76 = tpu.memref_slice %arg6[%run_scoped3A_35, %dma_start3A_75] : memref<16x640xf32, #tpu.memory_space<vmem>> -> memref<1x640xf32, #tpu.memory_space<vmem>>
      %dma_start3A_77 = tpu.memref_squeeze %dma_start3A_76 : memref<1x640xf32, #tpu.memory_space<vmem>> -> memref<640xf32, #tpu.memory_space<vmem>>
      %dma_start3A_78 = tpu.memref_slice %arg8[%run_scoped3A_34, %mul3A_32] : memref<16x10240xf32, #tpu.memory_space<vmem_shared>> -> memref<1x640xf32, #tpu.memory_space<vmem_shared>>
      %dma_start3A_79 = tpu.memref_squeeze %dma_start3A_78 : memref<1x640xf32, #tpu.memory_space<vmem_shared>> -> memref<640xf32, #tpu.memory_space<vmem_shared>>
      tpu.enqueue_dma source(%dma_start3A_79 : memref<640xf32, #tpu.memory_space<vmem_shared>>) target(%dma_start3A_77 : memref<640xf32, #tpu.memory_space<vmem>>) target_semaphore(%run_scoped3A_70 : memref<!tpu.dma_semaphore, #tpu.memory_space<semaphore_mem>>)
      %dma_wait3A = arith.constant 0 : i32
      %dma_wait3A_80 = tpu.memref_slice %arg6[%run_scoped3A_35, %dma_wait3A] : memref<16x640xf32, #tpu.memory_space<vmem>> -> memref<1x640xf32, #tpu.memory_space<vmem>>
      %dma_wait3A_81 = tpu.memref_squeeze %dma_wait3A_80 : memref<1x640xf32, #tpu.memory_space<vmem>> -> memref<640xf32, #tpu.memory_space<vmem>>
      %dma_wait3A_82 = tpu.memref_slice %arg8[%run_scoped3A_34, %mul3A_32] : memref<16x10240xf32, #tpu.memory_space<vmem_shared>> -> memref<1x640xf32, #tpu.memory_space<vmem_shared>>
      %dma_wait3A_83 = tpu.memref_squeeze %dma_wait3A_82 : memref<1x640xf32, #tpu.memory_space<vmem_shared>> -> memref<640xf32, #tpu.memory_space<vmem_shared>>
      %dma_wait3A_84 = arith.constant 0 : i32
      %dma_wait3A_85 = tpu.memref_slice %arg6[%run_scoped3A_35, %dma_wait3A_84] : memref<16x640xf32, #tpu.memory_space<vmem>> -> memref<1x640xf32, #tpu.memory_space<vmem>>
      %dma_wait3A_86 = tpu.memref_squeeze %dma_wait3A_85 : memref<1x640xf32, #tpu.memory_space<vmem>> -> memref<640xf32, #tpu.memory_space<vmem>>
      %dma_wait3A_87 = tpu.memref_slice %arg8[%run_scoped3A_34, %mul3A_32] : memref<16x10240xf32, #tpu.memory_space<vmem_shared>> -> memref<1x640xf32, #tpu.memory_space<vmem_shared>>
      %dma_wait3A_88 = tpu.memref_squeeze %dma_wait3A_87 : memref<1x640xf32, #tpu.memory_space<vmem_shared>> -> memref<640xf32, #tpu.memory_space<vmem_shared>>
      tpu.wait_dma2 semaphore(%run_scoped3A_70 : memref<!tpu.dma_semaphore, #tpu.memory_space<semaphore_mem>>) src(%dma_wait3A_88 : memref<640xf32, #tpu.memory_space<vmem_shared>>) dst(%dma_wait3A_86 : memref<640xf32, #tpu.memory_space<vmem>>)
      tpu.yield
    }) : () -> ()
    %run_scoped3A_36 = arith.constant 2 : i32
    %run_scoped3A_37 = arith.constant 2 : i32
    "tpu.region"() ({
      %run_scoped3A_70 = tpu.sem_alloc : memref<!tpu.dma_semaphore, #tpu.memory_space<semaphore_mem>>
      %dma_start3A = arith.constant 0 : i32
      %dma_start3A_71 = tpu.memref_slice %arg6[%run_scoped3A_37, %dma_start3A] : memref<16x640xf32, #tpu.memory_space<vmem>> -> memref<1x640xf32, #tpu.memory_space<vmem>>
      %dma_start3A_72 = tpu.memref_squeeze %dma_start3A_71 : memref<1x640xf32, #tpu.memory_space<vmem>> -> memref<640xf32, #tpu.memory_space<vmem>>
      %dma_start3A_73 = tpu.memref_slice %arg8[%run_scoped3A_36, %mul3A_32] : memref<16x10240xf32, #tpu.memory_space<vmem_shared>> -> memref<1x640xf32, #tpu.memory_space<vmem_shared>>
      %dma_start3A_74 = tpu.memref_squeeze %dma_start3A_73 : memref<1x640xf32, #tpu.memory_space<vmem_shared>> -> memref<640xf32, #tpu.memory_space<vmem_shared>>
      %dma_start3A_75 = arith.constant 0 : i32
      %dma_start3A_76 = tpu.memref_slice %arg6[%run_scoped3A_37, %dma_start3A_75] : memref<16x640xf32, #tpu.memory_space<vmem>> -> memref<1x640xf32, #tpu.memory_space<vmem>>
      %dma_start3A_77 = tpu.memref_squeeze %dma_start3A_76 : memref<1x640xf32, #tpu.memory_space<vmem>> -> memref<640xf32, #tpu.memory_space<vmem>>
      %dma_start3A_78 = tpu.memref_slice %arg8[%run_scoped3A_36, %mul3A_32] : memref<16x10240xf32, #tpu.memory_space<vmem_shared>> -> memref<1x640xf32, #tpu.memory_space<vmem_shared>>
      %dma_start3A_79 = tpu.memref_squeeze %dma_start3A_78 : memref<1x640xf32, #tpu.memory_space<vmem_shared>> -> memref<640xf32, #tpu.memory_space<vmem_shared>>
      tpu.enqueue_dma source(%dma_start3A_79 : memref<640xf32, #tpu.memory_space<vmem_shared>>) target(%dma_start3A_77 : memref<640xf32, #tpu.memory_space<vmem>>) target_semaphore(%run_scoped3A_70 : memref<!tpu.dma_semaphore, #tpu.memory_space<semaphore_mem>>)
      %dma_wait3A = arith.constant 0 : i32
      %dma_wait3A_80 = tpu.memref_slice %arg6[%run_scoped3A_37, %dma_wait3A] : memref<16x640xf32, #tpu.memory_space<vmem>> -> memref<1x640xf32, #tpu.memory_space<vmem>>
      %dma_wait3A_81 = tpu.memref_squeeze %dma_wait3A_80 : memref<1x640xf32, #tpu.memory_space<vmem>> -> memref<640xf32, #tpu.memory_space<vmem>>
      %dma_wait3A_82 = tpu.memref_slice %arg8[%run_scoped3A_36, %mul3A_32] : memref<16x10240xf32, #tpu.memory_space<vmem_shared>> -> memref<1x640xf32, #tpu.memory_space<vmem_shared>>
      %dma_wait3A_83 = tpu.memref_squeeze %dma_wait3A_82 : memref<1x640xf32, #tpu.memory_space<vmem_shared>> -> memref<640xf32, #tpu.memory_space<vmem_shared>>
      %dma_wait3A_84 = arith.constant 0 : i32
      %dma_wait3A_85 = tpu.memref_slice %arg6[%run_scoped3A_37, %dma_wait3A_84] : memref<16x640xf32, #tpu.memory_space<vmem>> -> memref<1x640xf32, #tpu.memory_space<vmem>>
      %dma_wait3A_86 = tpu.memref_squeeze %dma_wait3A_85 : memref<1x640xf32, #tpu.memory_space<vmem>> -> memref<640xf32, #tpu.memory_space<vmem>>
      %dma_wait3A_87 = tpu.memref_slice %arg8[%run_scoped3A_36, %mul3A_32] : memref<16x10240xf32, #tpu.memory_space<vmem_shared>> -> memref<1x640xf32, #tpu.memory_space<vmem_shared>>
      %dma_wait3A_88 = tpu.memref_squeeze %dma_wait3A_87 : memref<1x640xf32, #tpu.memory_space<vmem_shared>> -> memref<640xf32, #tpu.memory_space<vmem_shared>>
      tpu.wait_dma2 semaphore(%run_scoped3A_70 : memref<!tpu.dma_semaphore, #tpu.memory_space<semaphore_mem>>) src(%dma_wait3A_88 : memref<640xf32, #tpu.memory_space<vmem_shared>>) dst(%dma_wait3A_86 : memref<640xf32, #tpu.memory_space<vmem>>)
      tpu.yield
    }) : () -> ()
    %run_scoped3A_38 = arith.constant 3 : i32
    %run_scoped3A_39 = arith.constant 3 : i32
    "tpu.region"() ({
      %run_scoped3A_70 = tpu.sem_alloc : memref<!tpu.dma_semaphore, #tpu.memory_space<semaphore_mem>>
      %dma_start3A = arith.constant 0 : i32
      %dma_start3A_71 = tpu.memref_slice %arg6[%run_scoped3A_39, %dma_start3A] : memref<16x640xf32, #tpu.memory_space<vmem>> -> memref<1x640xf32, #tpu.memory_space<vmem>>
      %dma_start3A_72 = tpu.memref_squeeze %dma_start3A_71 : memref<1x640xf32, #tpu.memory_space<vmem>> -> memref<640xf32, #tpu.memory_space<vmem>>
      %dma_start3A_73 = tpu.memref_slice %arg8[%run_scoped3A_38, %mul3A_32] : memref<16x10240xf32, #tpu.memory_space<vmem_shared>> -> memref<1x640xf32, #tpu.memory_space<vmem_shared>>
      %dma_start3A_74 = tpu.memref_squeeze %dma_start3A_73 : memref<1x640xf32, #tpu.memory_space<vmem_shared>> -> memref<640xf32, #tpu.memory_space<vmem_shared>>
      %dma_start3A_75 = arith.constant 0 : i32
      %dma_start3A_76 = tpu.memref_slice %arg6[%run_scoped3A_39, %dma_start3A_75] : memref<16x640xf32, #tpu.memory_space<vmem>> -> memref<1x640xf32, #tpu.memory_space<vmem>>
      %dma_start3A_77 = tpu.memref_squeeze %dma_start3A_76 : memref<1x640xf32, #tpu.memory_space<vmem>> -> memref<640xf32, #tpu.memory_space<vmem>>
      %dma_start3A_78 = tpu.memref_slice %arg8[%run_scoped3A_38, %mul3A_32] : memref<16x10240xf32, #tpu.memory_space<vmem_shared>> -> memref<1x640xf32, #tpu.memory_space<vmem_shared>>
      %dma_start3A_79 = tpu.memref_squeeze %dma_start3A_78 : memref<1x640xf32, #tpu.memory_space<vmem_shared>> -> memref<640xf32, #tpu.memory_space<vmem_shared>>
      tpu.enqueue_dma source(%dma_start3A_79 : memref<640xf32, #tpu.memory_space<vmem_shared>>) target(%dma_start3A_77 : memref<640xf32, #tpu.memory_space<vmem>>) target_semaphore(%run_scoped3A_70 : memref<!tpu.dma_semaphore, #tpu.memory_space<semaphore_mem>>)
      %dma_wait3A = arith.constant 0 : i32
      %dma_wait3A_80 = tpu.memref_slice %arg6[%run_scoped3A_39, %dma_wait3A] : memref<16x640xf32, #tpu.memory_space<vmem>> -> memref<1x640xf32, #tpu.memory_space<vmem>>
      %dma_wait3A_81 = tpu.memref_squeeze %dma_wait3A_80 : memref<1x640xf32, #tpu.memory_space<vmem>> -> memref<640xf32, #tpu.memory_space<vmem>>
      %dma_wait3A_82 = tpu.memref_slice %arg8[%run_scoped3A_38, %mul3A_32] : memref<16x10240xf32, #tpu.memory_space<vmem_shared>> -> memref<1x640xf32, #tpu.memory_space<vmem_shared>>
      %dma_wait3A_83 = tpu.memref_squeeze %dma_wait3A_82 : memref<1x640xf32, #tpu.memory_space<vmem_shared>> -> memref<640xf32, #tpu.memory_space<vmem_shared>>
      %dma_wait3A_84 = arith.constant 0 : i32
      %dma_wait3A_85 = tpu.memref_slice %arg6[%run_scoped3A_39, %dma_wait3A_84] : memref<16x640xf32, #tpu.memory_space<vmem>> -> memref<1x640xf32, #tpu.memory_space<vmem>>
      %dma_wait3A_86 = tpu.memref_squeeze %dma_wait3A_85 : memref<1x640xf32, #tpu.memory_space<vmem>> -> memref<640xf32, #tpu.memory_space<vmem>>
      %dma_wait3A_87 = tpu.memref_slice %arg8[%run_scoped3A_38, %mul3A_32] : memref<16x10240xf32, #tpu.memory_space<vmem_shared>> -> memref<1x640xf32, #tpu.memory_space<vmem_shared>>
      %dma_wait3A_88 = tpu.memref_squeeze %dma_wait3A_87 : memref<1x640xf32, #tpu.memory_space<vmem_shared>> -> memref<640xf32, #tpu.memory_space<vmem_shared>>
      tpu.wait_dma2 semaphore(%run_scoped3A_70 : memref<!tpu.dma_semaphore, #tpu.memory_space<semaphore_mem>>) src(%dma_wait3A_88 : memref<640xf32, #tpu.memory_space<vmem_shared>>) dst(%dma_wait3A_86 : memref<640xf32, #tpu.memory_space<vmem>>)
      tpu.yield
    }) : () -> ()
    %run_scoped3A_40 = arith.constant 4 : i32
    %run_scoped3A_41 = arith.constant 4 : i32
    "tpu.region"() ({
      %run_scoped3A_70 = tpu.sem_alloc : memref<!tpu.dma_semaphore, #tpu.memory_space<semaphore_mem>>
      %dma_start3A = arith.constant 0 : i32
      %dma_start3A_71 = tpu.memref_slice %arg6[%run_scoped3A_41, %dma_start3A] : memref<16x640xf32, #tpu.memory_space<vmem>> -> memref<1x640xf32, #tpu.memory_space<vmem>>
      %dma_start3A_72 = tpu.memref_squeeze %dma_start3A_71 : memref<1x640xf32, #tpu.memory_space<vmem>> -> memref<640xf32, #tpu.memory_space<vmem>>
      %dma_start3A_73 = tpu.memref_slice %arg8[%run_scoped3A_40, %mul3A_32] : memref<16x10240xf32, #tpu.memory_space<vmem_shared>> -> memref<1x640xf32, #tpu.memory_space<vmem_shared>>
      %dma_start3A_74 = tpu.memref_squeeze %dma_start3A_73 : memref<1x640xf32, #tpu.memory_space<vmem_shared>> -> memref<640xf32, #tpu.memory_space<vmem_shared>>
      %dma_start3A_75 = arith.constant 0 : i32
      %dma_start3A_76 = tpu.memref_slice %arg6[%run_scoped3A_41, %dma_start3A_75] : memref<16x640xf32, #tpu.memory_space<vmem>> -> memref<1x640xf32, #tpu.memory_space<vmem>>
      %dma_start3A_77 = tpu.memref_squeeze %dma_start3A_76 : memref<1x640xf32, #tpu.memory_space<vmem>> -> memref<640xf32, #tpu.memory_space<vmem>>
      %dma_start3A_78 = tpu.memref_slice %arg8[%run_scoped3A_40, %mul3A_32] : memref<16x10240xf32, #tpu.memory_space<vmem_shared>> -> memref<1x640xf32, #tpu.memory_space<vmem_shared>>
      %dma_start3A_79 = tpu.memref_squeeze %dma_start3A_78 : memref<1x640xf32, #tpu.memory_space<vmem_shared>> -> memref<640xf32, #tpu.memory_space<vmem_shared>>
      tpu.enqueue_dma source(%dma_start3A_79 : memref<640xf32, #tpu.memory_space<vmem_shared>>) target(%dma_start3A_77 : memref<640xf32, #tpu.memory_space<vmem>>) target_semaphore(%run_scoped3A_70 : memref<!tpu.dma_semaphore, #tpu.memory_space<semaphore_mem>>)
      %dma_wait3A = arith.constant 0 : i32
      %dma_wait3A_80 = tpu.memref_slice %arg6[%run_scoped3A_41, %dma_wait3A] : memref<16x640xf32, #tpu.memory_space<vmem>> -> memref<1x640xf32, #tpu.memory_space<vmem>>
      %dma_wait3A_81 = tpu.memref_squeeze %dma_wait3A_80 : memref<1x640xf32, #tpu.memory_space<vmem>> -> memref<640xf32, #tpu.memory_space<vmem>>
      %dma_wait3A_82 = tpu.memref_slice %arg8[%run_scoped3A_40, %mul3A_32] : memref<16x10240xf32, #tpu.memory_space<vmem_shared>> -> memref<1x640xf32, #tpu.memory_space<vmem_shared>>
      %dma_wait3A_83 = tpu.memref_squeeze %dma_wait3A_82 : memref<1x640xf32, #tpu.memory_space<vmem_shared>> -> memref<640xf32, #tpu.memory_space<vmem_shared>>
      %dma_wait3A_84 = arith.constant 0 : i32
      %dma_wait3A_85 = tpu.memref_slice %arg6[%run_scoped3A_41, %dma_wait3A_84] : memref<16x640xf32, #tpu.memory_space<vmem>> -> memref<1x640xf32, #tpu.memory_space<vmem>>
      %dma_wait3A_86 = tpu.memref_squeeze %dma_wait3A_85 : memref<1x640xf32, #tpu.memory_space<vmem>> -> memref<640xf32, #tpu.memory_space<vmem>>
      %dma_wait3A_87 = tpu.memref_slice %arg8[%run_scoped3A_40, %mul3A_32] : memref<16x10240xf32, #tpu.memory_space<vmem_shared>> -> memref<1x640xf32, #tpu.memory_space<vmem_shared>>
      %dma_wait3A_88 = tpu.memref_squeeze %dma_wait3A_87 : memref<1x640xf32, #tpu.memory_space<vmem_shared>> -> memref<640xf32, #tpu.memory_space<vmem_shared>>
      tpu.wait_dma2 semaphore(%run_scoped3A_70 : memref<!tpu.dma_semaphore, #tpu.memory_space<semaphore_mem>>) src(%dma_wait3A_88 : memref<640xf32, #tpu.memory_space<vmem_shared>>) dst(%dma_wait3A_86 : memref<640xf32, #tpu.memory_space<vmem>>)
      tpu.yield
    }) : () -> ()
    %run_scoped3A_42 = arith.constant 5 : i32
    %run_scoped3A_43 = arith.constant 5 : i32
    "tpu.region"() ({
      %run_scoped3A_70 = tpu.sem_alloc : memref<!tpu.dma_semaphore, #tpu.memory_space<semaphore_mem>>
      %dma_start3A = arith.constant 0 : i32
      %dma_start3A_71 = tpu.memref_slice %arg6[%run_scoped3A_43, %dma_start3A] : memref<16x640xf32, #tpu.memory_space<vmem>> -> memref<1x640xf32, #tpu.memory_space<vmem>>
      %dma_start3A_72 = tpu.memref_squeeze %dma_start3A_71 : memref<1x640xf32, #tpu.memory_space<vmem>> -> memref<640xf32, #tpu.memory_space<vmem>>
      %dma_start3A_73 = tpu.memref_slice %arg8[%run_scoped3A_42, %mul3A_32] : memref<16x10240xf32, #tpu.memory_space<vmem_shared>> -> memref<1x640xf32, #tpu.memory_space<vmem_shared>>
      %dma_start3A_74 = tpu.memref_squeeze %dma_start3A_73 : memref<1x640xf32, #tpu.memory_space<vmem_shared>> -> memref<640xf32, #tpu.memory_space<vmem_shared>>
      %dma_start3A_75 = arith.constant 0 : i32
      %dma_start3A_76 = tpu.memref_slice %arg6[%run_scoped3A_43, %dma_start3A_75] : memref<16x640xf32, #tpu.memory_space<vmem>> -> memref<1x640xf32, #tpu.memory_space<vmem>>
      %dma_start3A_77 = tpu.memref_squeeze %dma_start3A_76 : memref<1x640xf32, #tpu.memory_space<vmem>> -> memref<640xf32, #tpu.memory_space<vmem>>
      %dma_start3A_78 = tpu.memref_slice %arg8[%run_scoped3A_42, %mul3A_32] : memref<16x10240xf32, #tpu.memory_space<vmem_shared>> -> memref<1x640xf32, #tpu.memory_space<vmem_shared>>
      %dma_start3A_79 = tpu.memref_squeeze %dma_start3A_78 : memref<1x640xf32, #tpu.memory_space<vmem_shared>> -> memref<640xf32, #tpu.memory_space<vmem_shared>>
      tpu.enqueue_dma source(%dma_start3A_79 : memref<640xf32, #tpu.memory_space<vmem_shared>>) target(%dma_start3A_77 : memref<640xf32, #tpu.memory_space<vmem>>) target_semaphore(%run_scoped3A_70 : memref<!tpu.dma_semaphore, #tpu.memory_space<semaphore_mem>>)
      %dma_wait3A = arith.constant 0 : i32
      %dma_wait3A_80 = tpu.memref_slice %arg6[%run_scoped3A_43, %dma_wait3A] : memref<16x640xf32, #tpu.memory_space<vmem>> -> memref<1x640xf32, #tpu.memory_space<vmem>>
      %dma_wait3A_81 = tpu.memref_squeeze %dma_wait3A_80 : memref<1x640xf32, #tpu.memory_space<vmem>> -> memref<640xf32, #tpu.memory_space<vmem>>
      %dma_wait3A_82 = tpu.memref_slice %arg8[%run_scoped3A_42, %mul3A_32] : memref<16x10240xf32, #tpu.memory_space<vmem_shared>> -> memref<1x640xf32, #tpu.memory_space<vmem_shared>>
      %dma_wait3A_83 = tpu.memref_squeeze %dma_wait3A_82 : memref<1x640xf32, #tpu.memory_space<vmem_shared>> -> memref<640xf32, #tpu.memory_space<vmem_shared>>
      %dma_wait3A_84 = arith.constant 0 : i32
      %dma_wait3A_85 = tpu.memref_slice %arg6[%run_scoped3A_43, %dma_wait3A_84] : memref<16x640xf32, #tpu.memory_space<vmem>> -> memref<1x640xf32, #tpu.memory_space<vmem>>
      %dma_wait3A_86 = tpu.memref_squeeze %dma_wait3A_85 : memref<1x640xf32, #tpu.memory_space<vmem>> -> memref<640xf32, #tpu.memory_space<vmem>>
      %dma_wait3A_87 = tpu.memref_slice %arg8[%run_scoped3A_42, %mul3A_32] : memref<16x10240xf32, #tpu.memory_space<vmem_shared>> -> memref<1x640xf32, #tpu.memory_space<vmem_shared>>
      %dma_wait3A_88 = tpu.memref_squeeze %dma_wait3A_87 : memref<1x640xf32, #tpu.memory_space<vmem_shared>> -> memref<640xf32, #tpu.memory_space<vmem_shared>>
      tpu.wait_dma2 semaphore(%run_scoped3A_70 : memref<!tpu.dma_semaphore, #tpu.memory_space<semaphore_mem>>) src(%dma_wait3A_88 : memref<640xf32, #tpu.memory_space<vmem_shared>>) dst(%dma_wait3A_86 : memref<640xf32, #tpu.memory_space<vmem>>)
      tpu.yield
    }) : () -> ()
    %run_scoped3A_44 = arith.constant 6 : i32
    %run_scoped3A_45 = arith.constant 6 : i32
    "tpu.region"() ({
      %run_scoped3A_70 = tpu.sem_alloc : memref<!tpu.dma_semaphore, #tpu.memory_space<semaphore_mem>>
      %dma_start3A = arith.constant 0 : i32
      %dma_start3A_71 = tpu.memref_slice %arg6[%run_scoped3A_45, %dma_start3A] : memref<16x640xf32, #tpu.memory_space<vmem>> -> memref<1x640xf32, #tpu.memory_space<vmem>>
      %dma_start3A_72 = tpu.memref_squeeze %dma_start3A_71 : memref<1x640xf32, #tpu.memory_space<vmem>> -> memref<640xf32, #tpu.memory_space<vmem>>
      %dma_start3A_73 = tpu.memref_slice %arg8[%run_scoped3A_44, %mul3A_32] : memref<16x10240xf32, #tpu.memory_space<vmem_shared>> -> memref<1x640xf32, #tpu.memory_space<vmem_shared>>
      %dma_start3A_74 = tpu.memref_squeeze %dma_start3A_73 : memref<1x640xf32, #tpu.memory_space<vmem_shared>> -> memref<640xf32, #tpu.memory_space<vmem_shared>>
      %dma_start3A_75 = arith.constant 0 : i32
      %dma_start3A_76 = tpu.memref_slice %arg6[%run_scoped3A_45, %dma_start3A_75] : memref<16x640xf32, #tpu.memory_space<vmem>> -> memref<1x640xf32, #tpu.memory_space<vmem>>
      %dma_start3A_77 = tpu.memref_squeeze %dma_start3A_76 : memref<1x640xf32, #tpu.memory_space<vmem>> -> memref<640xf32, #tpu.memory_space<vmem>>
      %dma_start3A_78 = tpu.memref_slice %arg8[%run_scoped3A_44, %mul3A_32] : memref<16x10240xf32, #tpu.memory_space<vmem_shared>> -> memref<1x640xf32, #tpu.memory_space<vmem_shared>>
      %dma_start3A_79 = tpu.memref_squeeze %dma_start3A_78 : memref<1x640xf32, #tpu.memory_space<vmem_shared>> -> memref<640xf32, #tpu.memory_space<vmem_shared>>
      tpu.enqueue_dma source(%dma_start3A_79 : memref<640xf32, #tpu.memory_space<vmem_shared>>) target(%dma_start3A_77 : memref<640xf32, #tpu.memory_space<vmem>>) target_semaphore(%run_scoped3A_70 : memref<!tpu.dma_semaphore, #tpu.memory_space<semaphore_mem>>)
      %dma_wait3A = arith.constant 0 : i32
      %dma_wait3A_80 = tpu.memref_slice %arg6[%run_scoped3A_45, %dma_wait3A] : memref<16x640xf32, #tpu.memory_space<vmem>> -> memref<1x640xf32, #tpu.memory_space<vmem>>
      %dma_wait3A_81 = tpu.memref_squeeze %dma_wait3A_80 : memref<1x640xf32, #tpu.memory_space<vmem>> -> memref<640xf32, #tpu.memory_space<vmem>>
      %dma_wait3A_82 = tpu.memref_slice %arg8[%run_scoped3A_44, %mul3A_32] : memref<16x10240xf32, #tpu.memory_space<vmem_shared>> -> memref<1x640xf32, #tpu.memory_space<vmem_shared>>
      %dma_wait3A_83 = tpu.memref_squeeze %dma_wait3A_82 : memref<1x640xf32, #tpu.memory_space<vmem_shared>> -> memref<640xf32, #tpu.memory_space<vmem_shared>>
      %dma_wait3A_84 = arith.constant 0 : i32
      %dma_wait3A_85 = tpu.memref_slice %arg6[%run_scoped3A_45, %dma_wait3A_84] : memref<16x640xf32, #tpu.memory_space<vmem>> -> memref<1x640xf32, #tpu.memory_space<vmem>>
      %dma_wait3A_86 = tpu.memref_squeeze %dma_wait3A_85 : memref<1x640xf32, #tpu.memory_space<vmem>> -> memref<640xf32, #tpu.memory_space<vmem>>
      %dma_wait3A_87 = tpu.memref_slice %arg8[%run_scoped3A_44, %mul3A_32] : memref<16x10240xf32, #tpu.memory_space<vmem_shared>> -> memref<1x640xf32, #tpu.memory_space<vmem_shared>>
      %dma_wait3A_88 = tpu.memref_squeeze %dma_wait3A_87 : memref<1x640xf32, #tpu.memory_space<vmem_shared>> -> memref<640xf32, #tpu.memory_space<vmem_shared>>
      tpu.wait_dma2 semaphore(%run_scoped3A_70 : memref<!tpu.dma_semaphore, #tpu.memory_space<semaphore_mem>>) src(%dma_wait3A_88 : memref<640xf32, #tpu.memory_space<vmem_shared>>) dst(%dma_wait3A_86 : memref<640xf32, #tpu.memory_space<vmem>>)
      tpu.yield
    }) : () -> ()
    %run_scoped3A_46 = arith.constant 7 : i32
    %run_scoped3A_47 = arith.constant 7 : i32
    "tpu.region"() ({
      %run_scoped3A_70 = tpu.sem_alloc : memref<!tpu.dma_semaphore, #tpu.memory_space<semaphore_mem>>
      %dma_start3A = arith.constant 0 : i32
      %dma_start3A_71 = tpu.memref_slice %arg6[%run_scoped3A_47, %dma_start3A] : memref<16x640xf32, #tpu.memory_space<vmem>> -> memref<1x640xf32, #tpu.memory_space<vmem>>
      %dma_start3A_72 = tpu.memref_squeeze %dma_start3A_71 : memref<1x640xf32, #tpu.memory_space<vmem>> -> memref<640xf32, #tpu.memory_space<vmem>>
      %dma_start3A_73 = tpu.memref_slice %arg8[%run_scoped3A_46, %mul3A_32] : memref<16x10240xf32, #tpu.memory_space<vmem_shared>> -> memref<1x640xf32, #tpu.memory_space<vmem_shared>>
      %dma_start3A_74 = tpu.memref_squeeze %dma_start3A_73 : memref<1x640xf32, #tpu.memory_space<vmem_shared>> -> memref<640xf32, #tpu.memory_space<vmem_shared>>
      %dma_start3A_75 = arith.constant 0 : i32
      %dma_start3A_76 = tpu.memref_slice %arg6[%run_scoped3A_47, %dma_start3A_75] : memref<16x640xf32, #tpu.memory_space<vmem>> -> memref<1x640xf32, #tpu.memory_space<vmem>>
      %dma_start3A_77 = tpu.memref_squeeze %dma_start3A_76 : memref<1x640xf32, #tpu.memory_space<vmem>> -> memref<640xf32, #tpu.memory_space<vmem>>
      %dma_start3A_78 = tpu.memref_slice %arg8[%run_scoped3A_46, %mul3A_32] : memref<16x10240xf32, #tpu.memory_space<vmem_shared>> -> memref<1x640xf32, #tpu.memory_space<vmem_shared>>
      %dma_start3A_79 = tpu.memref_squeeze %dma_start3A_78 : memref<1x640xf32, #tpu.memory_space<vmem_shared>> -> memref<640xf32, #tpu.memory_space<vmem_shared>>
      tpu.enqueue_dma source(%dma_start3A_79 : memref<640xf32, #tpu.memory_space<vmem_shared>>) target(%dma_start3A_77 : memref<640xf32, #tpu.memory_space<vmem>>) target_semaphore(%run_scoped3A_70 : memref<!tpu.dma_semaphore, #tpu.memory_space<semaphore_mem>>)
      %dma_wait3A = arith.constant 0 : i32
      %dma_wait3A_80 = tpu.memref_slice %arg6[%run_scoped3A_47, %dma_wait3A] : memref<16x640xf32, #tpu.memory_space<vmem>> -> memref<1x640xf32, #tpu.memory_space<vmem>>
      %dma_wait3A_81 = tpu.memref_squeeze %dma_wait3A_80 : memref<1x640xf32, #tpu.memory_space<vmem>> -> memref<640xf32, #tpu.memory_space<vmem>>
      %dma_wait3A_82 = tpu.memref_slice %arg8[%run_scoped3A_46, %mul3A_32] : memref<16x10240xf32, #tpu.memory_space<vmem_shared>> -> memref<1x640xf32, #tpu.memory_space<vmem_shared>>
      %dma_wait3A_83 = tpu.memref_squeeze %dma_wait3A_82 : memref<1x640xf32, #tpu.memory_space<vmem_shared>> -> memref<640xf32, #tpu.memory_space<vmem_shared>>
      %dma_wait3A_84 = arith.constant 0 : i32
      %dma_wait3A_85 = tpu.memref_slice %arg6[%run_scoped3A_47, %dma_wait3A_84] : memref<16x640xf32, #tpu.memory_space<vmem>> -> memref<1x640xf32, #tpu.memory_space<vmem>>
      %dma_wait3A_86 = tpu.memref_squeeze %dma_wait3A_85 : memref<1x640xf32, #tpu.memory_space<vmem>> -> memref<640xf32, #tpu.memory_space<vmem>>
      %dma_wait3A_87 = tpu.memref_slice %arg8[%run_scoped3A_46, %mul3A_32] : memref<16x10240xf32, #tpu.memory_space<vmem_shared>> -> memref<1x640xf32, #tpu.memory_space<vmem_shared>>
      %dma_wait3A_88 = tpu.memref_squeeze %dma_wait3A_87 : memref<1x640xf32, #tpu.memory_space<vmem_shared>> -> memref<640xf32, #tpu.memory_space<vmem_shared>>
      tpu.wait_dma2 semaphore(%run_scoped3A_70 : memref<!tpu.dma_semaphore, #tpu.memory_space<semaphore_mem>>) src(%dma_wait3A_88 : memref<640xf32, #tpu.memory_space<vmem_shared>>) dst(%dma_wait3A_86 : memref<640xf32, #tpu.memory_space<vmem>>)
      tpu.yield
    }) : () -> ()
    %run_scoped3A_48 = arith.constant 8 : i32
    %run_scoped3A_49 = arith.constant 8 : i32
    "tpu.region"() ({
      %run_scoped3A_70 = tpu.sem_alloc : memref<!tpu.dma_semaphore, #tpu.memory_space<semaphore_mem>>
      %dma_start3A = arith.constant 0 : i32
      %dma_start3A_71 = tpu.memref_slice %arg6[%run_scoped3A_49, %dma_start3A] : memref<16x640xf32, #tpu.memory_space<vmem>> -> memref<1x640xf32, #tpu.memory_space<vmem>>
      %dma_start3A_72 = tpu.memref_squeeze %dma_start3A_71 : memref<1x640xf32, #tpu.memory_space<vmem>> -> memref<640xf32, #tpu.memory_space<vmem>>
      %dma_start3A_73 = tpu.memref_slice %arg8[%run_scoped3A_48, %mul3A_32] : memref<16x10240xf32, #tpu.memory_space<vmem_shared>> -> memref<1x640xf32, #tpu.memory_space<vmem_shared>>
      %dma_start3A_74 = tpu.memref_squeeze %dma_start3A_73 : memref<1x640xf32, #tpu.memory_space<vmem_shared>> -> memref<640xf32, #tpu.memory_space<vmem_shared>>
      %dma_start3A_75 = arith.constant 0 : i32
      %dma_start3A_76 = tpu.memref_slice %arg6[%run_scoped3A_49, %dma_start3A_75] : memref<16x640xf32, #tpu.memory_space<vmem>> -> memref<1x640xf32, #tpu.memory_space<vmem>>
      %dma_start3A_77 = tpu.memref_squeeze %dma_start3A_76 : memref<1x640xf32, #tpu.memory_space<vmem>> -> memref<640xf32, #tpu.memory_space<vmem>>
      %dma_start3A_78 = tpu.memref_slice %arg8[%run_scoped3A_48, %mul3A_32] : memref<16x10240xf32, #tpu.memory_space<vmem_shared>> -> memref<1x640xf32, #tpu.memory_space<vmem_shared>>
      %dma_start3A_79 = tpu.memref_squeeze %dma_start3A_78 : memref<1x640xf32, #tpu.memory_space<vmem_shared>> -> memref<640xf32, #tpu.memory_space<vmem_shared>>
      tpu.enqueue_dma source(%dma_start3A_79 : memref<640xf32, #tpu.memory_space<vmem_shared>>) target(%dma_start3A_77 : memref<640xf32, #tpu.memory_space<vmem>>) target_semaphore(%run_scoped3A_70 : memref<!tpu.dma_semaphore, #tpu.memory_space<semaphore_mem>>)
      %dma_wait3A = arith.constant 0 : i32
      %dma_wait3A_80 = tpu.memref_slice %arg6[%run_scoped3A_49, %dma_wait3A] : memref<16x640xf32, #tpu.memory_space<vmem>> -> memref<1x640xf32, #tpu.memory_space<vmem>>
      %dma_wait3A_81 = tpu.memref_squeeze %dma_wait3A_80 : memref<1x640xf32, #tpu.memory_space<vmem>> -> memref<640xf32, #tpu.memory_space<vmem>>
      %dma_wait3A_82 = tpu.memref_slice %arg8[%run_scoped3A_48, %mul3A_32] : memref<16x10240xf32, #tpu.memory_space<vmem_shared>> -> memref<1x640xf32, #tpu.memory_space<vmem_shared>>
      %dma_wait3A_83 = tpu.memref_squeeze %dma_wait3A_82 : memref<1x640xf32, #tpu.memory_space<vmem_shared>> -> memref<640xf32, #tpu.memory_space<vmem_shared>>
      %dma_wait3A_84 = arith.constant 0 : i32
      %dma_wait3A_85 = tpu.memref_slice %arg6[%run_scoped3A_49, %dma_wait3A_84] : memref<16x640xf32, #tpu.memory_space<vmem>> -> memref<1x640xf32, #tpu.memory_space<vmem>>
      %dma_wait3A_86 = tpu.memref_squeeze %dma_wait3A_85 : memref<1x640xf32, #tpu.memory_space<vmem>> -> memref<640xf32, #tpu.memory_space<vmem>>
      %dma_wait3A_87 = tpu.memref_slice %arg8[%run_scoped3A_48, %mul3A_32] : memref<16x10240xf32, #tpu.memory_space<vmem_shared>> -> memref<1x640xf32, #tpu.memory_space<vmem_shared>>
      %dma_wait3A_88 = tpu.memref_squeeze %dma_wait3A_87 : memref<1x640xf32, #tpu.memory_space<vmem_shared>> -> memref<640xf32, #tpu.memory_space<vmem_shared>>
      tpu.wait_dma2 semaphore(%run_scoped3A_70 : memref<!tpu.dma_semaphore, #tpu.memory_space<semaphore_mem>>) src(%dma_wait3A_88 : memref<640xf32, #tpu.memory_space<vmem_shared>>) dst(%dma_wait3A_86 : memref<640xf32, #tpu.memory_space<vmem>>)
      tpu.yield
    }) : () -> ()
    %run_scoped3A_50 = arith.constant 9 : i32
    %run_scoped3A_51 = arith.constant 9 : i32
    "tpu.region"() ({
      %run_scoped3A_70 = tpu.sem_alloc : memref<!tpu.dma_semaphore, #tpu.memory_space<semaphore_mem>>
      %dma_start3A = arith.constant 0 : i32
      %dma_start3A_71 = tpu.memref_slice %arg6[%run_scoped3A_51, %dma_start3A] : memref<16x640xf32, #tpu.memory_space<vmem>> -> memref<1x640xf32, #tpu.memory_space<vmem>>
      %dma_start3A_72 = tpu.memref_squeeze %dma_start3A_71 : memref<1x640xf32, #tpu.memory_space<vmem>> -> memref<640xf32, #tpu.memory_space<vmem>>
      %dma_start3A_73 = tpu.memref_slice %arg8[%run_scoped3A_50, %mul3A_32] : memref<16x10240xf32, #tpu.memory_space<vmem_shared>> -> memref<1x640xf32, #tpu.memory_space<vmem_shared>>
      %dma_start3A_74 = tpu.memref_squeeze %dma_start3A_73 : memref<1x640xf32, #tpu.memory_space<vmem_shared>> -> memref<640xf32, #tpu.memory_space<vmem_shared>>
      %dma_start3A_75 = arith.constant 0 : i32
      %dma_start3A_76 = tpu.memref_slice %arg6[%run_scoped3A_51, %dma_start3A_75] : memref<16x640xf32, #tpu.memory_space<vmem>> -> memref<1x640xf32, #tpu.memory_space<vmem>>
      %dma_start3A_77 = tpu.memref_squeeze %dma_start3A_76 : memref<1x640xf32, #tpu.memory_space<vmem>> -> memref<640xf32, #tpu.memory_space<vmem>>
      %dma_start3A_78 = tpu.memref_slice %arg8[%run_scoped3A_50, %mul3A_32] : memref<16x10240xf32, #tpu.memory_space<vmem_shared>> -> memref<1x640xf32, #tpu.memory_space<vmem_shared>>
      %dma_start3A_79 = tpu.memref_squeeze %dma_start3A_78 : memref<1x640xf32, #tpu.memory_space<vmem_shared>> -> memref<640xf32, #tpu.memory_space<vmem_shared>>
      tpu.enqueue_dma source(%dma_start3A_79 : memref<640xf32, #tpu.memory_space<vmem_shared>>) target(%dma_start3A_77 : memref<640xf32, #tpu.memory_space<vmem>>) target_semaphore(%run_scoped3A_70 : memref<!tpu.dma_semaphore, #tpu.memory_space<semaphore_mem>>)
      %dma_wait3A = arith.constant 0 : i32
      %dma_wait3A_80 = tpu.memref_slice %arg6[%run_scoped3A_51, %dma_wait3A] : memref<16x640xf32, #tpu.memory_space<vmem>> -> memref<1x640xf32, #tpu.memory_space<vmem>>
      %dma_wait3A_81 = tpu.memref_squeeze %dma_wait3A_80 : memref<1x640xf32, #tpu.memory_space<vmem>> -> memref<640xf32, #tpu.memory_space<vmem>>
      %dma_wait3A_82 = tpu.memref_slice %arg8[%run_scoped3A_50, %mul3A_32] : memref<16x10240xf32, #tpu.memory_space<vmem_shared>> -> memref<1x640xf32, #tpu.memory_space<vmem_shared>>
      %dma_wait3A_83 = tpu.memref_squeeze %dma_wait3A_82 : memref<1x640xf32, #tpu.memory_space<vmem_shared>> -> memref<640xf32, #tpu.memory_space<vmem_shared>>
      %dma_wait3A_84 = arith.constant 0 : i32
      %dma_wait3A_85 = tpu.memref_slice %arg6[%run_scoped3A_51, %dma_wait3A_84] : memref<16x640xf32, #tpu.memory_space<vmem>> -> memref<1x640xf32, #tpu.memory_space<vmem>>
      %dma_wait3A_86 = tpu.memref_squeeze %dma_wait3A_85 : memref<1x640xf32, #tpu.memory_space<vmem>> -> memref<640xf32, #tpu.memory_space<vmem>>
      %dma_wait3A_87 = tpu.memref_slice %arg8[%run_scoped3A_50, %mul3A_32] : memref<16x10240xf32, #tpu.memory_space<vmem_shared>> -> memref<1x640xf32, #tpu.memory_space<vmem_shared>>
      %dma_wait3A_88 = tpu.memref_squeeze %dma_wait3A_87 : memref<1x640xf32, #tpu.memory_space<vmem_shared>> -> memref<640xf32, #tpu.memory_space<vmem_shared>>
      tpu.wait_dma2 semaphore(%run_scoped3A_70 : memref<!tpu.dma_semaphore, #tpu.memory_space<semaphore_mem>>) src(%dma_wait3A_88 : memref<640xf32, #tpu.memory_space<vmem_shared>>) dst(%dma_wait3A_86 : memref<640xf32, #tpu.memory_space<vmem>>)
      tpu.yield
    }) : () -> ()
    %run_scoped3A_52 = arith.constant 10 : i32
    %run_scoped3A_53 = arith.constant 10 : i32
    "tpu.region"() ({
      %run_scoped3A_70 = tpu.sem_alloc : memref<!tpu.dma_semaphore, #tpu.memory_space<semaphore_mem>>
      %dma_start3A = arith.constant 0 : i32
      %dma_start3A_71 = tpu.memref_slice %arg6[%run_scoped3A_53, %dma_start3A] : memref<16x640xf32, #tpu.memory_space<vmem>> -> memref<1x640xf32, #tpu.memory_space<vmem>>
      %dma_start3A_72 = tpu.memref_squeeze %dma_start3A_71 : memref<1x640xf32, #tpu.memory_space<vmem>> -> memref<640xf32, #tpu.memory_space<vmem>>
      %dma_start3A_73 = tpu.memref_slice %arg8[%run_scoped3A_52, %mul3A_32] : memref<16x10240xf32, #tpu.memory_space<vmem_shared>> -> memref<1x640xf32, #tpu.memory_space<vmem_shared>>
      %dma_start3A_74 = tpu.memref_squeeze %dma_start3A_73 : memref<1x640xf32, #tpu.memory_space<vmem_shared>> -> memref<640xf32, #tpu.memory_space<vmem_shared>>
      %dma_start3A_75 = arith.constant 0 : i32
      %dma_start3A_76 = tpu.memref_slice %arg6[%run_scoped3A_53, %dma_start3A_75] : memref<16x640xf32, #tpu.memory_space<vmem>> -> memref<1x640xf32, #tpu.memory_space<vmem>>
      %dma_start3A_77 = tpu.memref_squeeze %dma_start3A_76 : memref<1x640xf32, #tpu.memory_space<vmem>> -> memref<640xf32, #tpu.memory_space<vmem>>
      %dma_start3A_78 = tpu.memref_slice %arg8[%run_scoped3A_52, %mul3A_32] : memref<16x10240xf32, #tpu.memory_space<vmem_shared>> -> memref<1x640xf32, #tpu.memory_space<vmem_shared>>
      %dma_start3A_79 = tpu.memref_squeeze %dma_start3A_78 : memref<1x640xf32, #tpu.memory_space<vmem_shared>> -> memref<640xf32, #tpu.memory_space<vmem_shared>>
      tpu.enqueue_dma source(%dma_start3A_79 : memref<640xf32, #tpu.memory_space<vmem_shared>>) target(%dma_start3A_77 : memref<640xf32, #tpu.memory_space<vmem>>) target_semaphore(%run_scoped3A_70 : memref<!tpu.dma_semaphore, #tpu.memory_space<semaphore_mem>>)
      %dma_wait3A = arith.constant 0 : i32
      %dma_wait3A_80 = tpu.memref_slice %arg6[%run_scoped3A_53, %dma_wait3A] : memref<16x640xf32, #tpu.memory_space<vmem>> -> memref<1x640xf32, #tpu.memory_space<vmem>>
      %dma_wait3A_81 = tpu.memref_squeeze %dma_wait3A_80 : memref<1x640xf32, #tpu.memory_space<vmem>> -> memref<640xf32, #tpu.memory_space<vmem>>
      %dma_wait3A_82 = tpu.memref_slice %arg8[%run_scoped3A_52, %mul3A_32] : memref<16x10240xf32, #tpu.memory_space<vmem_shared>> -> memref<1x640xf32, #tpu.memory_space<vmem_shared>>
      %dma_wait3A_83 = tpu.memref_squeeze %dma_wait3A_82 : memref<1x640xf32, #tpu.memory_space<vmem_shared>> -> memref<640xf32, #tpu.memory_space<vmem_shared>>
      %dma_wait3A_84 = arith.constant 0 : i32
      %dma_wait3A_85 = tpu.memref_slice %arg6[%run_scoped3A_53, %dma_wait3A_84] : memref<16x640xf32, #tpu.memory_space<vmem>> -> memref<1x640xf32, #tpu.memory_space<vmem>>
      %dma_wait3A_86 = tpu.memref_squeeze %dma_wait3A_85 : memref<1x640xf32, #tpu.memory_space<vmem>> -> memref<640xf32, #tpu.memory_space<vmem>>
      %dma_wait3A_87 = tpu.memref_slice %arg8[%run_scoped3A_52, %mul3A_32] : memref<16x10240xf32, #tpu.memory_space<vmem_shared>> -> memref<1x640xf32, #tpu.memory_space<vmem_shared>>
      %dma_wait3A_88 = tpu.memref_squeeze %dma_wait3A_87 : memref<1x640xf32, #tpu.memory_space<vmem_shared>> -> memref<640xf32, #tpu.memory_space<vmem_shared>>
      tpu.wait_dma2 semaphore(%run_scoped3A_70 : memref<!tpu.dma_semaphore, #tpu.memory_space<semaphore_mem>>) src(%dma_wait3A_88 : memref<640xf32, #tpu.memory_space<vmem_shared>>) dst(%dma_wait3A_86 : memref<640xf32, #tpu.memory_space<vmem>>)
      tpu.yield
    }) : () -> ()
    %run_scoped3A_54 = arith.constant 11 : i32
    %run_scoped3A_55 = arith.constant 11 : i32
    "tpu.region"() ({
      %run_scoped3A_70 = tpu.sem_alloc : memref<!tpu.dma_semaphore, #tpu.memory_space<semaphore_mem>>
      %dma_start3A = arith.constant 0 : i32
      %dma_start3A_71 = tpu.memref_slice %arg6[%run_scoped3A_55, %dma_start3A] : memref<16x640xf32, #tpu.memory_space<vmem>> -> memref<1x640xf32, #tpu.memory_space<vmem>>
      %dma_start3A_72 = tpu.memref_squeeze %dma_start3A_71 : memref<1x640xf32, #tpu.memory_space<vmem>> -> memref<640xf32, #tpu.memory_space<vmem>>
      %dma_start3A_73 = tpu.memref_slice %arg8[%run_scoped3A_54, %mul3A_32] : memref<16x10240xf32, #tpu.memory_space<vmem_shared>> -> memref<1x640xf32, #tpu.memory_space<vmem_shared>>
      %dma_start3A_74 = tpu.memref_squeeze %dma_start3A_73 : memref<1x640xf32, #tpu.memory_space<vmem_shared>> -> memref<640xf32, #tpu.memory_space<vmem_shared>>
      %dma_start3A_75 = arith.constant 0 : i32
      %dma_start3A_76 = tpu.memref_slice %arg6[%run_scoped3A_55, %dma_start3A_75] : memref<16x640xf32, #tpu.memory_space<vmem>> -> memref<1x640xf32, #tpu.memory_space<vmem>>
      %dma_start3A_77 = tpu.memref_squeeze %dma_start3A_76 : memref<1x640xf32, #tpu.memory_space<vmem>> -> memref<640xf32, #tpu.memory_space<vmem>>
      %dma_start3A_78 = tpu.memref_slice %arg8[%run_scoped3A_54, %mul3A_32] : memref<16x10240xf32, #tpu.memory_space<vmem_shared>> -> memref<1x640xf32, #tpu.memory_space<vmem_shared>>
      %dma_start3A_79 = tpu.memref_squeeze %dma_start3A_78 : memref<1x640xf32, #tpu.memory_space<vmem_shared>> -> memref<640xf32, #tpu.memory_space<vmem_shared>>
      tpu.enqueue_dma source(%dma_start3A_79 : memref<640xf32, #tpu.memory_space<vmem_shared>>) target(%dma_start3A_77 : memref<640xf32, #tpu.memory_space<vmem>>) target_semaphore(%run_scoped3A_70 : memref<!tpu.dma_semaphore, #tpu.memory_space<semaphore_mem>>)
      %dma_wait3A = arith.constant 0 : i32
      %dma_wait3A_80 = tpu.memref_slice %arg6[%run_scoped3A_55, %dma_wait3A] : memref<16x640xf32, #tpu.memory_space<vmem>> -> memref<1x640xf32, #tpu.memory_space<vmem>>
      %dma_wait3A_81 = tpu.memref_squeeze %dma_wait3A_80 : memref<1x640xf32, #tpu.memory_space<vmem>> -> memref<640xf32, #tpu.memory_space<vmem>>
      %dma_wait3A_82 = tpu.memref_slice %arg8[%run_scoped3A_54, %mul3A_32] : memref<16x10240xf32, #tpu.memory_space<vmem_shared>> -> memref<1x640xf32, #tpu.memory_space<vmem_shared>>
      %dma_wait3A_83 = tpu.memref_squeeze %dma_wait3A_82 : memref<1x640xf32, #tpu.memory_space<vmem_shared>> -> memref<640xf32, #tpu.memory_space<vmem_shared>>
      %dma_wait3A_84 = arith.constant 0 : i32
      %dma_wait3A_85 = tpu.memref_slice %arg6[%run_scoped3A_55, %dma_wait3A_84] : memref<16x640xf32, #tpu.memory_space<vmem>> -> memref<1x640xf32, #tpu.memory_space<vmem>>
      %dma_wait3A_86 = tpu.memref_squeeze %dma_wait3A_85 : memref<1x640xf32, #tpu.memory_space<vmem>> -> memref<640xf32, #tpu.memory_space<vmem>>
      %dma_wait3A_87 = tpu.memref_slice %arg8[%run_scoped3A_54, %mul3A_32] : memref<16x10240xf32, #tpu.memory_space<vmem_shared>> -> memref<1x640xf32, #tpu.memory_space<vmem_shared>>
      %dma_wait3A_88 = tpu.memref_squeeze %dma_wait3A_87 : memref<1x640xf32, #tpu.memory_space<vmem_shared>> -> memref<640xf32, #tpu.memory_space<vmem_shared>>
      tpu.wait_dma2 semaphore(%run_scoped3A_70 : memref<!tpu.dma_semaphore, #tpu.memory_space<semaphore_mem>>) src(%dma_wait3A_88 : memref<640xf32, #tpu.memory_space<vmem_shared>>) dst(%dma_wait3A_86 : memref<640xf32, #tpu.memory_space<vmem>>)
      tpu.yield
    }) : () -> ()
    %run_scoped3A_56 = arith.constant 12 : i32
    %run_scoped3A_57 = arith.constant 12 : i32
    "tpu.region"() ({
      %run_scoped3A_70 = tpu.sem_alloc : memref<!tpu.dma_semaphore, #tpu.memory_space<semaphore_mem>>
      %dma_start3A = arith.constant 0 : i32
      %dma_start3A_71 = tpu.memref_slice %arg6[%run_scoped3A_57, %dma_start3A] : memref<16x640xf32, #tpu.memory_space<vmem>> -> memref<1x640xf32, #tpu.memory_space<vmem>>
      %dma_start3A_72 = tpu.memref_squeeze %dma_start3A_71 : memref<1x640xf32, #tpu.memory_space<vmem>> -> memref<640xf32, #tpu.memory_space<vmem>>
      %dma_start3A_73 = tpu.memref_slice %arg8[%run_scoped3A_56, %mul3A_32] : memref<16x10240xf32, #tpu.memory_space<vmem_shared>> -> memref<1x640xf32, #tpu.memory_space<vmem_shared>>
      %dma_start3A_74 = tpu.memref_squeeze %dma_start3A_73 : memref<1x640xf32, #tpu.memory_space<vmem_shared>> -> memref<640xf32, #tpu.memory_space<vmem_shared>>
      %dma_start3A_75 = arith.constant 0 : i32
      %dma_start3A_76 = tpu.memref_slice %arg6[%run_scoped3A_57, %dma_start3A_75] : memref<16x640xf32, #tpu.memory_space<vmem>> -> memref<1x640xf32, #tpu.memory_space<vmem>>
      %dma_start3A_77 = tpu.memref_squeeze %dma_start3A_76 : memref<1x640xf32, #tpu.memory_space<vmem>> -> memref<640xf32, #tpu.memory_space<vmem>>
      %dma_start3A_78 = tpu.memref_slice %arg8[%run_scoped3A_56, %mul3A_32] : memref<16x10240xf32, #tpu.memory_space<vmem_shared>> -> memref<1x640xf32, #tpu.memory_space<vmem_shared>>
      %dma_start3A_79 = tpu.memref_squeeze %dma_start3A_78 : memref<1x640xf32, #tpu.memory_space<vmem_shared>> -> memref<640xf32, #tpu.memory_space<vmem_shared>>
      tpu.enqueue_dma source(%dma_start3A_79 : memref<640xf32, #tpu.memory_space<vmem_shared>>) target(%dma_start3A_77 : memref<640xf32, #tpu.memory_space<vmem>>) target_semaphore(%run_scoped3A_70 : memref<!tpu.dma_semaphore, #tpu.memory_space<semaphore_mem>>)
      %dma_wait3A = arith.constant 0 : i32
      %dma_wait3A_80 = tpu.memref_slice %arg6[%run_scoped3A_57, %dma_wait3A] : memref<16x640xf32, #tpu.memory_space<vmem>> -> memref<1x640xf32, #tpu.memory_space<vmem>>
      %dma_wait3A_81 = tpu.memref_squeeze %dma_wait3A_80 : memref<1x640xf32, #tpu.memory_space<vmem>> -> memref<640xf32, #tpu.memory_space<vmem>>
      %dma_wait3A_82 = tpu.memref_slice %arg8[%run_scoped3A_56, %mul3A_32] : memref<16x10240xf32, #tpu.memory_space<vmem_shared>> -> memref<1x640xf32, #tpu.memory_space<vmem_shared>>
      %dma_wait3A_83 = tpu.memref_squeeze %dma_wait3A_82 : memref<1x640xf32, #tpu.memory_space<vmem_shared>> -> memref<640xf32, #tpu.memory_space<vmem_shared>>
      %dma_wait3A_84 = arith.constant 0 : i32
      %dma_wait3A_85 = tpu.memref_slice %arg6[%run_scoped3A_57, %dma_wait3A_84] : memref<16x640xf32, #tpu.memory_space<vmem>> -> memref<1x640xf32, #tpu.memory_space<vmem>>
      %dma_wait3A_86 = tpu.memref_squeeze %dma_wait3A_85 : memref<1x640xf32, #tpu.memory_space<vmem>> -> memref<640xf32, #tpu.memory_space<vmem>>
      %dma_wait3A_87 = tpu.memref_slice %arg8[%run_scoped3A_56, %mul3A_32] : memref<16x10240xf32, #tpu.memory_space<vmem_shared>> -> memref<1x640xf32, #tpu.memory_space<vmem_shared>>
      %dma_wait3A_88 = tpu.memref_squeeze %dma_wait3A_87 : memref<1x640xf32, #tpu.memory_space<vmem_shared>> -> memref<640xf32, #tpu.memory_space<vmem_shared>>
      tpu.wait_dma2 semaphore(%run_scoped3A_70 : memref<!tpu.dma_semaphore, #tpu.memory_space<semaphore_mem>>) src(%dma_wait3A_88 : memref<640xf32, #tpu.memory_space<vmem_shared>>) dst(%dma_wait3A_86 : memref<640xf32, #tpu.memory_space<vmem>>)
      tpu.yield
    }) : () -> ()
    %run_scoped3A_58 = arith.constant 13 : i32
    %run_scoped3A_59 = arith.constant 13 : i32
    "tpu.region"() ({
      %run_scoped3A_70 = tpu.sem_alloc : memref<!tpu.dma_semaphore, #tpu.memory_space<semaphore_mem>>
      %dma_start3A = arith.constant 0 : i32
      %dma_start3A_71 = tpu.memref_slice %arg6[%run_scoped3A_59, %dma_start3A] : memref<16x640xf32, #tpu.memory_space<vmem>> -> memref<1x640xf32, #tpu.memory_space<vmem>>
      %dma_start3A_72 = tpu.memref_squeeze %dma_start3A_71 : memref<1x640xf32, #tpu.memory_space<vmem>> -> memref<640xf32, #tpu.memory_space<vmem>>
      %dma_start3A_73 = tpu.memref_slice %arg8[%run_scoped3A_58, %mul3A_32] : memref<16x10240xf32, #tpu.memory_space<vmem_shared>> -> memref<1x640xf32, #tpu.memory_space<vmem_shared>>
      %dma_start3A_74 = tpu.memref_squeeze %dma_start3A_73 : memref<1x640xf32, #tpu.memory_space<vmem_shared>> -> memref<640xf32, #tpu.memory_space<vmem_shared>>
      %dma_start3A_75 = arith.constant 0 : i32
      %dma_start3A_76 = tpu.memref_slice %arg6[%run_scoped3A_59, %dma_start3A_75] : memref<16x640xf32, #tpu.memory_space<vmem>> -> memref<1x640xf32, #tpu.memory_space<vmem>>
      %dma_start3A_77 = tpu.memref_squeeze %dma_start3A_76 : memref<1x640xf32, #tpu.memory_space<vmem>> -> memref<640xf32, #tpu.memory_space<vmem>>
      %dma_start3A_78 = tpu.memref_slice %arg8[%run_scoped3A_58, %mul3A_32] : memref<16x10240xf32, #tpu.memory_space<vmem_shared>> -> memref<1x640xf32, #tpu.memory_space<vmem_shared>>
      %dma_start3A_79 = tpu.memref_squeeze %dma_start3A_78 : memref<1x640xf32, #tpu.memory_space<vmem_shared>> -> memref<640xf32, #tpu.memory_space<vmem_shared>>
      tpu.enqueue_dma source(%dma_start3A_79 : memref<640xf32, #tpu.memory_space<vmem_shared>>) target(%dma_start3A_77 : memref<640xf32, #tpu.memory_space<vmem>>) target_semaphore(%run_scoped3A_70 : memref<!tpu.dma_semaphore, #tpu.memory_space<semaphore_mem>>)
      %dma_wait3A = arith.constant 0 : i32
      %dma_wait3A_80 = tpu.memref_slice %arg6[%run_scoped3A_59, %dma_wait3A] : memref<16x640xf32, #tpu.memory_space<vmem>> -> memref<1x640xf32, #tpu.memory_space<vmem>>
      %dma_wait3A_81 = tpu.memref_squeeze %dma_wait3A_80 : memref<1x640xf32, #tpu.memory_space<vmem>> -> memref<640xf32, #tpu.memory_space<vmem>>
      %dma_wait3A_82 = tpu.memref_slice %arg8[%run_scoped3A_58, %mul3A_32] : memref<16x10240xf32, #tpu.memory_space<vmem_shared>> -> memref<1x640xf32, #tpu.memory_space<vmem_shared>>
      %dma_wait3A_83 = tpu.memref_squeeze %dma_wait3A_82 : memref<1x640xf32, #tpu.memory_space<vmem_shared>> -> memref<640xf32, #tpu.memory_space<vmem_shared>>
      %dma_wait3A_84 = arith.constant 0 : i32
      %dma_wait3A_85 = tpu.memref_slice %arg6[%run_scoped3A_59, %dma_wait3A_84] : memref<16x640xf32, #tpu.memory_space<vmem>> -> memref<1x640xf32, #tpu.memory_space<vmem>>
      %dma_wait3A_86 = tpu.memref_squeeze %dma_wait3A_85 : memref<1x640xf32, #tpu.memory_space<vmem>> -> memref<640xf32, #tpu.memory_space<vmem>>
      %dma_wait3A_87 = tpu.memref_slice %arg8[%run_scoped3A_58, %mul3A_32] : memref<16x10240xf32, #tpu.memory_space<vmem_shared>> -> memref<1x640xf32, #tpu.memory_space<vmem_shared>>
      %dma_wait3A_88 = tpu.memref_squeeze %dma_wait3A_87 : memref<1x640xf32, #tpu.memory_space<vmem_shared>> -> memref<640xf32, #tpu.memory_space<vmem_shared>>
      tpu.wait_dma2 semaphore(%run_scoped3A_70 : memref<!tpu.dma_semaphore, #tpu.memory_space<semaphore_mem>>) src(%dma_wait3A_88 : memref<640xf32, #tpu.memory_space<vmem_shared>>) dst(%dma_wait3A_86 : memref<640xf32, #tpu.memory_space<vmem>>)
      tpu.yield
    }) : () -> ()
    %run_scoped3A_60 = arith.constant 14 : i32
    %run_scoped3A_61 = arith.constant 14 : i32
    "tpu.region"() ({
      %run_scoped3A_70 = tpu.sem_alloc : memref<!tpu.dma_semaphore, #tpu.memory_space<semaphore_mem>>
      %dma_start3A = arith.constant 0 : i32
      %dma_start3A_71 = tpu.memref_slice %arg6[%run_scoped3A_61, %dma_start3A] : memref<16x640xf32, #tpu.memory_space<vmem>> -> memref<1x640xf32, #tpu.memory_space<vmem>>
      %dma_start3A_72 = tpu.memref_squeeze %dma_start3A_71 : memref<1x640xf32, #tpu.memory_space<vmem>> -> memref<640xf32, #tpu.memory_space<vmem>>
      %dma_start3A_73 = tpu.memref_slice %arg8[%run_scoped3A_60, %mul3A_32] : memref<16x10240xf32, #tpu.memory_space<vmem_shared>> -> memref<1x640xf32, #tpu.memory_space<vmem_shared>>
      %dma_start3A_74 = tpu.memref_squeeze %dma_start3A_73 : memref<1x640xf32, #tpu.memory_space<vmem_shared>> -> memref<640xf32, #tpu.memory_space<vmem_shared>>
      %dma_start3A_75 = arith.constant 0 : i32
      %dma_start3A_76 = tpu.memref_slice %arg6[%run_scoped3A_61, %dma_start3A_75] : memref<16x640xf32, #tpu.memory_space<vmem>> -> memref<1x640xf32, #tpu.memory_space<vmem>>
      %dma_start3A_77 = tpu.memref_squeeze %dma_start3A_76 : memref<1x640xf32, #tpu.memory_space<vmem>> -> memref<640xf32, #tpu.memory_space<vmem>>
      %dma_start3A_78 = tpu.memref_slice %arg8[%run_scoped3A_60, %mul3A_32] : memref<16x10240xf32, #tpu.memory_space<vmem_shared>> -> memref<1x640xf32, #tpu.memory_space<vmem_shared>>
      %dma_start3A_79 = tpu.memref_squeeze %dma_start3A_78 : memref<1x640xf32, #tpu.memory_space<vmem_shared>> -> memref<640xf32, #tpu.memory_space<vmem_shared>>
      tpu.enqueue_dma source(%dma_start3A_79 : memref<640xf32, #tpu.memory_space<vmem_shared>>) target(%dma_start3A_77 : memref<640xf32, #tpu.memory_space<vmem>>) target_semaphore(%run_scoped3A_70 : memref<!tpu.dma_semaphore, #tpu.memory_space<semaphore_mem>>)
      %dma_wait3A = arith.constant 0 : i32
      %dma_wait3A_80 = tpu.memref_slice %arg6[%run_scoped3A_61, %dma_wait3A] : memref<16x640xf32, #tpu.memory_space<vmem>> -> memref<1x640xf32, #tpu.memory_space<vmem>>
      %dma_wait3A_81 = tpu.memref_squeeze %dma_wait3A_80 : memref<1x640xf32, #tpu.memory_space<vmem>> -> memref<640xf32, #tpu.memory_space<vmem>>
      %dma_wait3A_82 = tpu.memref_slice %arg8[%run_scoped3A_60, %mul3A_32] : memref<16x10240xf32, #tpu.memory_space<vmem_shared>> -> memref<1x640xf32, #tpu.memory_space<vmem_shared>>
      %dma_wait3A_83 = tpu.memref_squeeze %dma_wait3A_82 : memref<1x640xf32, #tpu.memory_space<vmem_shared>> -> memref<640xf32, #tpu.memory_space<vmem_shared>>
      %dma_wait3A_84 = arith.constant 0 : i32
      %dma_wait3A_85 = tpu.memref_slice %arg6[%run_scoped3A_61, %dma_wait3A_84] : memref<16x640xf32, #tpu.memory_space<vmem>> -> memref<1x640xf32, #tpu.memory_space<vmem>>
      %dma_wait3A_86 = tpu.memref_squeeze %dma_wait3A_85 : memref<1x640xf32, #tpu.memory_space<vmem>> -> memref<640xf32, #tpu.memory_space<vmem>>
      %dma_wait3A_87 = tpu.memref_slice %arg8[%run_scoped3A_60, %mul3A_32] : memref<16x10240xf32, #tpu.memory_space<vmem_shared>> -> memref<1x640xf32, #tpu.memory_space<vmem_shared>>
      %dma_wait3A_88 = tpu.memref_squeeze %dma_wait3A_87 : memref<1x640xf32, #tpu.memory_space<vmem_shared>> -> memref<640xf32, #tpu.memory_space<vmem_shared>>
      tpu.wait_dma2 semaphore(%run_scoped3A_70 : memref<!tpu.dma_semaphore, #tpu.memory_space<semaphore_mem>>) src(%dma_wait3A_88 : memref<640xf32, #tpu.memory_space<vmem_shared>>) dst(%dma_wait3A_86 : memref<640xf32, #tpu.memory_space<vmem>>)
      tpu.yield
    }) : () -> ()
    %run_scoped3A_62 = arith.constant 15 : i32
    %run_scoped3A_63 = arith.constant 15 : i32
    "tpu.region"() ({
      %run_scoped3A_70 = tpu.sem_alloc : memref<!tpu.dma_semaphore, #tpu.memory_space<semaphore_mem>>
      %dma_start3A = arith.constant 0 : i32
      %dma_start3A_71 = tpu.memref_slice %arg6[%run_scoped3A_63, %dma_start3A] : memref<16x640xf32, #tpu.memory_space<vmem>> -> memref<1x640xf32, #tpu.memory_space<vmem>>
      %dma_start3A_72 = tpu.memref_squeeze %dma_start3A_71 : memref<1x640xf32, #tpu.memory_space<vmem>> -> memref<640xf32, #tpu.memory_space<vmem>>
      %dma_start3A_73 = tpu.memref_slice %arg8[%run_scoped3A_62, %mul3A_32] : memref<16x10240xf32, #tpu.memory_space<vmem_shared>> -> memref<1x640xf32, #tpu.memory_space<vmem_shared>>
      %dma_start3A_74 = tpu.memref_squeeze %dma_start3A_73 : memref<1x640xf32, #tpu.memory_space<vmem_shared>> -> memref<640xf32, #tpu.memory_space<vmem_shared>>
      %dma_start3A_75 = arith.constant 0 : i32
      %dma_start3A_76 = tpu.memref_slice %arg6[%run_scoped3A_63, %dma_start3A_75] : memref<16x640xf32, #tpu.memory_space<vmem>> -> memref<1x640xf32, #tpu.memory_space<vmem>>
      %dma_start3A_77 = tpu.memref_squeeze %dma_start3A_76 : memref<1x640xf32, #tpu.memory_space<vmem>> -> memref<640xf32, #tpu.memory_space<vmem>>
      %dma_start3A_78 = tpu.memref_slice %arg8[%run_scoped3A_62, %mul3A_32] : memref<16x10240xf32, #tpu.memory_space<vmem_shared>> -> memref<1x640xf32, #tpu.memory_space<vmem_shared>>
      %dma_start3A_79 = tpu.memref_squeeze %dma_start3A_78 : memref<1x640xf32, #tpu.memory_space<vmem_shared>> -> memref<640xf32, #tpu.memory_space<vmem_shared>>
      tpu.enqueue_dma source(%dma_start3A_79 : memref<640xf32, #tpu.memory_space<vmem_shared>>) target(%dma_start3A_77 : memref<640xf32, #tpu.memory_space<vmem>>) target_semaphore(%run_scoped3A_70 : memref<!tpu.dma_semaphore, #tpu.memory_space<semaphore_mem>>)
      %dma_wait3A = arith.constant 0 : i32
      %dma_wait3A_80 = tpu.memref_slice %arg6[%run_scoped3A_63, %dma_wait3A] : memref<16x640xf32, #tpu.memory_space<vmem>> -> memref<1x640xf32, #tpu.memory_space<vmem>>
      %dma_wait3A_81 = tpu.memref_squeeze %dma_wait3A_80 : memref<1x640xf32, #tpu.memory_space<vmem>> -> memref<640xf32, #tpu.memory_space<vmem>>
      %dma_wait3A_82 = tpu.memref_slice %arg8[%run_scoped3A_62, %mul3A_32] : memref<16x10240xf32, #tpu.memory_space<vmem_shared>> -> memref<1x640xf32, #tpu.memory_space<vmem_shared>>
      %dma_wait3A_83 = tpu.memref_squeeze %dma_wait3A_82 : memref<1x640xf32, #tpu.memory_space<vmem_shared>> -> memref<640xf32, #tpu.memory_space<vmem_shared>>
      %dma_wait3A_84 = arith.constant 0 : i32
      %dma_wait3A_85 = tpu.memref_slice %arg6[%run_scoped3A_63, %dma_wait3A_84] : memref<16x640xf32, #tpu.memory_space<vmem>> -> memref<1x640xf32, #tpu.memory_space<vmem>>
      %dma_wait3A_86 = tpu.memref_squeeze %dma_wait3A_85 : memref<1x640xf32, #tpu.memory_space<vmem>> -> memref<640xf32, #tpu.memory_space<vmem>>
      %dma_wait3A_87 = tpu.memref_slice %arg8[%run_scoped3A_62, %mul3A_32] : memref<16x10240xf32, #tpu.memory_space<vmem_shared>> -> memref<1x640xf32, #tpu.memory_space<vmem_shared>>
      %dma_wait3A_88 = tpu.memref_squeeze %dma_wait3A_87 : memref<1x640xf32, #tpu.memory_space<vmem_shared>> -> memref<640xf32, #tpu.memory_space<vmem_shared>>
      tpu.wait_dma2 semaphore(%run_scoped3A_70 : memref<!tpu.dma_semaphore, #tpu.memory_space<semaphore_mem>>) src(%dma_wait3A_88 : memref<640xf32, #tpu.memory_space<vmem_shared>>) dst(%dma_wait3A_86 : memref<640xf32, #tpu.memory_space<vmem>>)
      tpu.yield
    }) : () -> ()
    %scan3A_64 = arith.constant 0 : i32
    %scan3A_65 = arith.constant 0 : i32
    %scan3A_66 = arith.constant 40 : i32
    %scan3A_67 = arith.addi %scan3A_65, %scan3A_66 : i32
    %scan3A_68 = arith.constant 1 : i32
    scf.for %scan3A_70 = %scan3A_65 to %scan3A_67 step %scan3A_68  : i32 {
      %mul3A_71 = arith.constant 16 : i32
      %mul3A_72 = arith.muli %scan3A_70, %mul3A_71 : i32
      %get3A = arith.constant 0 : i32
      %get3A_73 = arith.index_cast %get3A : i32 to index
      %get3A_74 = arith.index_cast %mul3A_72 : i32 to index
      %get3A_75 = tpu.vector_load %arg6[%get3A_73, %get3A_74] {strides = array<i32>} : memref<16x640xf32, #tpu.memory_space<vmem>>, vector<16xf32>,
      %get3A_76 = arith.constant 1 : i32
      %get3A_77 = arith.index_cast %get3A_76 : i32 to index
      %get3A_78 = arith.index_cast %mul3A_72 : i32 to index
      %get3A_79 = tpu.vector_load %arg6[%get3A_77, %get3A_78] {strides = array<i32>} : memref<16x640xf32, #tpu.memory_space<vmem>>, vector<16xf32>,
      %add3A_80 = arith.addf %get3A_75, %get3A_79 : vector<16xf32>
      %get3A_81 = arith.constant 2 : i32
      %get3A_82 = arith.index_cast %get3A_81 : i32 to index
      %get3A_83 = arith.index_cast %mul3A_72 : i32 to index
      %get3A_84 = tpu.vector_load %arg6[%get3A_82, %get3A_83] {strides = array<i32>} : memref<16x640xf32, #tpu.memory_space<vmem>>, vector<16xf32>,
      %add3A_85 = arith.addf %add3A_80, %get3A_84 : vector<16xf32>
      %get3A_86 = arith.constant 3 : i32
      %get3A_87 = arith.index_cast %get3A_86 : i32 to index
      %get3A_88 = arith.index_cast %mul3A_72 : i32 to index
      %get3A_89 = tpu.vector_load %arg6[%get3A_87, %get3A_88] {strides = array<i32>} : memref<16x640xf32, #tpu.memory_space<vmem>>, vector<16xf32>,
      %add3A_90 = arith.addf %add3A_85, %get3A_89 : vector<16xf32>
      %get3A_91 = arith.constant 4 : i32
      %get3A_92 = arith.index_cast %get3A_91 : i32 to index
      %get3A_93 = arith.index_cast %mul3A_72 : i32 to index
      %get3A_94 = tpu.vector_load %arg6[%get3A_92, %get3A_93] {strides = array<i32>} : memref<16x640xf32, #tpu.memory_space<vmem>>, vector<16xf32>,
      %add3A_95 = arith.addf %add3A_90, %get3A_94 : vector<16xf32>
      %get3A_96 = arith.constant 5 : i32
      %get3A_97 = arith.index_cast %get3A_96 : i32 to index
      %get3A_98 = arith.index_cast %mul3A_72 : i32 to index
      %get3A_99 = tpu.vector_load %arg6[%get3A_97, %get3A_98] {strides = array<i32>} : memref<16x640xf32, #tpu.memory_space<vmem>>, vector<16xf32>,
      %add3A_100 = arith.addf %add3A_95, %get3A_99 : vector<16xf32>
      %get3A_101 = arith.constant 6 : i32
      %get3A_102 = arith.index_cast %get3A_101 : i32 to index
      %get3A_103 = arith.index_cast %mul3A_72 : i32 to index
      %get3A_104 = tpu.vector_load %arg6[%get3A_102, %get3A_103] {strides = array<i32>} : memref<16x640xf32, #tpu.memory_space<vmem>>, vector<16xf32>,
      %add3A_105 = arith.addf %add3A_100, %get3A_104 : vector<16xf32>
      %get3A_106 = arith.constant 7 : i32
      %get3A_107 = arith.index_cast %get3A_106 : i32 to index
      %get3A_108 = arith.index_cast %mul3A_72 : i32 to index
      %get3A_109 = tpu.vector_load %arg6[%get3A_107, %get3A_108] {strides = array<i32>} : memref<16x640xf32, #tpu.memory_space<vmem>>, vector<16xf32>,
      %add3A_110 = arith.addf %add3A_105, %get3A_109 : vector<16xf32>
      %get3A_111 = arith.constant 8 : i32
      %get3A_112 = arith.index_cast %get3A_111 : i32 to index
      %get3A_113 = arith.index_cast %mul3A_72 : i32 to index
      %get3A_114 = tpu.vector_load %arg6[%get3A_112, %get3A_113] {strides = array<i32>} : memref<16x640xf32, #tpu.memory_space<vmem>>, vector<16xf32>,
      %add3A_115 = arith.addf %add3A_110, %get3A_114 : vector<16xf32>
      %get3A_116 = arith.constant 9 : i32
      %get3A_117 = arith.index_cast %get3A_116 : i32 to index
      %get3A_118 = arith.index_cast %mul3A_72 : i32 to index
      %get3A_119 = tpu.vector_load %arg6[%get3A_117, %get3A_118] {strides = array<i32>} : memref<16x640xf32, #tpu.memory_space<vmem>>, vector<16xf32>,
      %add3A_120 = arith.addf %add3A_115, %get3A_119 : vector<16xf32>
      %get3A_121 = arith.constant 10 : i32
      %get3A_122 = arith.index_cast %get3A_121 : i32 to index
      %get3A_123 = arith.index_cast %mul3A_72 : i32 to index
      %get3A_124 = tpu.vector_load %arg6[%get3A_122, %get3A_123] {strides = array<i32>} : memref<16x640xf32, #tpu.memory_space<vmem>>, vector<16xf32>,
      %add3A_125 = arith.addf %add3A_120, %get3A_124 : vector<16xf32>
      %get3A_126 = arith.constant 11 : i32
      %get3A_127 = arith.index_cast %get3A_126 : i32 to index
      %get3A_128 = arith.index_cast %mul3A_72 : i32 to index
      %get3A_129 = tpu.vector_load %arg6[%get3A_127, %get3A_128] {strides = array<i32>} : memref<16x640xf32, #tpu.memory_space<vmem>>, vector<16xf32>,
      %add3A_130 = arith.addf %add3A_125, %get3A_129 : vector<16xf32>
      %get3A_131 = arith.constant 12 : i32
      %get3A_132 = arith.index_cast %get3A_131 : i32 to index
      %get3A_133 = arith.index_cast %mul3A_72 : i32 to index
      %get3A_134 = tpu.vector_load %arg6[%get3A_132, %get3A_133] {strides = array<i32>} : memref<16x640xf32, #tpu.memory_space<vmem>>, vector<16xf32>,
      %add3A_135 = arith.addf %add3A_130, %get3A_134 : vector<16xf32>
      %get3A_136 = arith.constant 13 : i32
      %get3A_137 = arith.index_cast %get3A_136 : i32 to index
      %get3A_138 = arith.index_cast %mul3A_72 : i32 to index
      %get3A_139 = tpu.vector_load %arg6[%get3A_137, %get3A_138] {strides = array<i32>} : memref<16x640xf32, #tpu.memory_space<vmem>>, vector<16xf32>,
      %add3A_140 = arith.addf %add3A_135, %get3A_139 : vector<16xf32>
      %get3A_141 = arith.constant 14 : i32
      %get3A_142 = arith.index_cast %get3A_141 : i32 to index
      %get3A_143 = arith.index_cast %mul3A_72 : i32 to index
      %get3A_144 = tpu.vector_load %arg6[%get3A_142, %get3A_143] {strides = array<i32>} : memref<16x640xf32, #tpu.memory_space<vmem>>, vector<16xf32>,
      %add3A_145 = arith.addf %add3A_140, %get3A_144 : vector<16xf32>
      %get3A_146 = arith.constant 15 : i32
      %get3A_147 = arith.index_cast %get3A_146 : i32 to index
      %get3A_148 = arith.index_cast %mul3A_72 : i32 to index
      %get3A_149 = tpu.vector_load %arg6[%get3A_147, %get3A_148] {strides = array<i32>} : memref<16x640xf32, #tpu.memory_space<vmem>>, vector<16xf32>,
      %add3A_150 = arith.addf %add3A_145, %get3A_149 : vector<16xf32>
      %swap3A = arith.index_cast %mul3A_72 : i32 to index
      %swap3A_151 = tpu.vector_load %arg7[%swap3A] {strides = array<i32>} : memref<640xf32, #tpu.memory_space<vmem>>, vector<16xf32>,
      tpu.vector_store %arg7[%swap3A], %add3A_150 {strides = array<i32>} : memref<640xf32, #tpu.memory_space<vmem>>, vector<16xf32>,
    }
    %scan3A_69 = arith.constant 40 : i32
    "tpu.region"() ({
      %run_scoped3A_70 = tpu.sem_alloc : memref<!tpu.dma_semaphore, #tpu.memory_space<semaphore_mem>>
      %dma_start3A = tpu.memref_slice %arg3[%arg0, %mul3A_32] : memref<2x10240xf32, #tpu.memory_space<hbm>> -> memref<1x640xf32, #tpu.memory_space<hbm>>
      %dma_start3A_71 = tpu.memref_squeeze %dma_start3A : memref<1x640xf32, #tpu.memory_space<hbm>> -> memref<640xf32, #tpu.memory_space<hbm>>
      %dma_start3A_72 = tpu.memref_slice %arg3[%arg0, %mul3A_32] : memref<2x10240xf32, #tpu.memory_space<hbm>> -> memref<1x640xf32, #tpu.memory_space<hbm>>
      %dma_start3A_73 = tpu.memref_squeeze %dma_start3A_72 : memref<1x640xf32, #tpu.memory_space<hbm>> -> memref<640xf32, #tpu.memory_space<hbm>>
      tpu.enqueue_dma source(%arg7 : memref<640xf32, #tpu.memory_space<vmem>>) target(%dma_start3A_73 : memref<640xf32, #tpu.memory_space<hbm>>) target_semaphore(%run_scoped3A_70 : memref<!tpu.dma_semaphore, #tpu.memory_space<semaphore_mem>>)
      %dma_wait3A = tpu.memref_slice %arg3[%arg0, %mul3A_32] : memref<2x10240xf32, #tpu.memory_space<hbm>> -> memref<1x640xf32, #tpu.memory_space<hbm>>
      %dma_wait3A_74 = tpu.memref_squeeze %dma_wait3A : memref<1x640xf32, #tpu.memory_space<hbm>> -> memref<640xf32, #tpu.memory_space<hbm>>
      %dma_wait3A_75 = tpu.memref_slice %arg3[%arg0, %mul3A_32] : memref<2x10240xf32, #tpu.memory_space<hbm>> -> memref<1x640xf32, #tpu.memory_space<hbm>>
      %dma_wait3A_76 = tpu.memref_squeeze %dma_wait3A_75 : memref<1x640xf32, #tpu.memory_space<hbm>> -> memref<640xf32, #tpu.memory_space<hbm>>
      tpu.wait_dma2 semaphore(%run_scoped3A_70 : memref<!tpu.dma_semaphore, #tpu.memory_space<semaphore_mem>>) src(%arg7 : memref<640xf32, #tpu.memory_space<vmem>>) dst(%dma_wait3A_76 : memref<640xf32, #tpu.memory_space<hbm>>)
      tpu.yield
    }) : () -> ()
    return
  }
}

#map = affine_map<(d0, d1) -> (0, 0)>
#map1 = affine_map<(d0, d1) -> (0, 0, 0)>
module attributes {stable_mosaic.version = 14 : i64} {
  func.func @_spmm_body(%arg0: i32, %arg1: i32, %arg2: memref<10240x128xf32, #tpu.memory_space<hbm>>, %arg3: memref<2x320000xi32, #tpu.memory_space<hbm>>, %arg4: memref<640x128xf32, #tpu.memory_space<hbm>>, %arg5: memref<2x10240x128xf32, #tpu.memory_space<hbm>>, %arg6: memref<2560xi32, #tpu.memory_space<vmem>>, %arg7: memref<2560xi32, #tpu.memory_space<vmem>>, %arg8: memref<4x64x128xf32, #tpu.memory_space<vmem>>, %arg9: memref<10240x128xf32, #tpu.memory_space<vmem_shared>>, %arg10: memref<!tpu.dma_semaphore, #tpu.memory_space<semaphore_mem>>, %arg11: memref<!tpu.dma_semaphore, #tpu.memory_space<semaphore_mem>>) attributes {dimension_semantics = [#tpu.dimension_semantics<core_parallel>, #tpu.dimension_semantics<subcore_parallel>], iteration_bounds = array<i64: 2, 16>, scalar_prefetch = 0 : i64, scratch_operands = 6 : i64, tpu.core_type = #tpu.core_type<sc_vector_subcore>, window_params = [{transform_indices = #map}, {transform_indices = #map}, {transform_indices = #map}, {transform_indices = #map1}]} {
    %mul3A = arith.constant 16 : i32
    %mul3A_0 = arith.muli %arg0, %mul3A : i32
    %add3A = arith.addi %mul3A_0, %arg1 : i32
    %mul3A_1 = arith.constant 640 : i32
    %mul3A_2 = arith.muli %arg1, %mul3A_1 : i32
    "tpu.region"() ({
      %run_scoped3A = tpu.sem_alloc : memref<!tpu.dma_semaphore, #tpu.memory_space<semaphore_mem>>
      %dma_start3A = arith.constant 0 : i32
      %dma_start3A_28 = tpu.memref_slice %arg9[%mul3A_2, %dma_start3A] : memref<10240x128xf32, #tpu.memory_space<vmem_shared>> -> memref<640x128xf32, #tpu.memory_space<vmem_shared>>
      tpu.enqueue_dma source(%arg4 : memref<640x128xf32, #tpu.memory_space<hbm>>) target(%dma_start3A_28 : memref<640x128xf32, #tpu.memory_space<vmem_shared>>) target_semaphore(%run_scoped3A : memref<!tpu.dma_semaphore, #tpu.memory_space<semaphore_mem>>)
      %dma_wait3A = arith.constant 0 : i32
      %dma_wait3A_29 = tpu.memref_slice %arg9[%mul3A_2, %dma_wait3A] : memref<10240x128xf32, #tpu.memory_space<vmem_shared>> -> memref<640x128xf32, #tpu.memory_space<vmem_shared>>
      tpu.wait_dma2 semaphore(%run_scoped3A : memref<!tpu.dma_semaphore, #tpu.memory_space<semaphore_mem>>) src(%arg4 : memref<640x128xf32, #tpu.memory_space<hbm>>) dst(%dma_wait3A_29 : memref<640x128xf32, #tpu.memory_space<vmem_shared>>)
      tpu.yield
    }) : () -> ()
    %barrier3A = arith.constant 0 : index
    tpu.barrier barrier_id(%barrier3A)
    %lt3A = arith.constant 31 : i32
    %lt3A_3 = arith.cmpi slt, %add3A, %lt3A : i32
    %or3A = arith.constant true
    %or3A_4 = arith.ori %lt3A_3, %or3A : i1
    %convert_element_type3A = arith.extui %or3A_4 : i1 to i32
    %cond3A = arith.constant 0 : i32
    %cond3A_5 = arith.cmpi ne, %convert_element_type3A, %cond3A : i32
    scf.if %cond3A_5 {
      %mul3A_28 = arith.constant 10240 : i32
      %mul3A_29 = arith.muli %add3A, %mul3A_28 : i32
      %add3A_30 = arith.constant 0 : i32
      %add3A_31 = arith.addi %mul3A_29, %add3A_30 : i32
      %run_scoped3A = arith.constant 0 : i32
      "tpu.region"() ({
        %run_scoped3A_81 = tpu.sem_alloc : memref<!tpu.dma_semaphore, #tpu.memory_space<semaphore_mem>>
        %dma_start3A_82 = tpu.memref_slice %arg3[%run_scoped3A, %add3A_31] : memref<2x320000xi32, #tpu.memory_space<hbm>> -> memref<1x2560xi32, #tpu.memory_space<hbm>>
        %dma_start3A_83 = tpu.memref_squeeze %dma_start3A_82 : memref<1x2560xi32, #tpu.memory_space<hbm>> -> memref<2560xi32, #tpu.memory_space<hbm>>
        %dma_start3A_84 = tpu.memref_slice %arg3[%run_scoped3A, %add3A_31] : memref<2x320000xi32, #tpu.memory_space<hbm>> -> memref<1x2560xi32, #tpu.memory_space<hbm>>
        %dma_start3A_85 = tpu.memref_squeeze %dma_start3A_84 : memref<1x2560xi32, #tpu.memory_space<hbm>> -> memref<2560xi32, #tpu.memory_space<hbm>>
        tpu.enqueue_dma source(%dma_start3A_85 : memref<2560xi32, #tpu.memory_space<hbm>>) target(%arg6 : memref<2560xi32, #tpu.memory_space<vmem>>) target_semaphore(%run_scoped3A_81 : memref<!tpu.dma_semaphore, #tpu.memory_space<semaphore_mem>>)
        %dma_wait3A_86 = tpu.memref_slice %arg3[%run_scoped3A, %add3A_31] : memref<2x320000xi32, #tpu.memory_space<hbm>> -> memref<1x2560xi32, #tpu.memory_space<hbm>>
        %dma_wait3A_87 = tpu.memref_squeeze %dma_wait3A_86 : memref<1x2560xi32, #tpu.memory_space<hbm>> -> memref<2560xi32, #tpu.memory_space<hbm>>
        %dma_wait3A_88 = tpu.memref_slice %arg3[%run_scoped3A, %add3A_31] : memref<2x320000xi32, #tpu.memory_space<hbm>> -> memref<1x2560xi32, #tpu.memory_space<hbm>>
        %dma_wait3A_89 = tpu.memref_squeeze %dma_wait3A_88 : memref<1x2560xi32, #tpu.memory_space<hbm>> -> memref<2560xi32, #tpu.memory_space<hbm>>
        tpu.wait_dma2 semaphore(%run_scoped3A_81 : memref<!tpu.dma_semaphore, #tpu.memory_space<semaphore_mem>>) src(%dma_wait3A_89 : memref<2560xi32, #tpu.memory_space<hbm>>) dst(%arg6 : memref<2560xi32, #tpu.memory_space<vmem>>)
        tpu.yield
      }) : () -> ()
      %run_scoped3A_32 = arith.constant 1 : i32
      "tpu.region"() ({
        %run_scoped3A_81 = tpu.sem_alloc : memref<!tpu.dma_semaphore, #tpu.memory_space<semaphore_mem>>
        %dma_start3A_82 = tpu.memref_slice %arg3[%run_scoped3A_32, %add3A_31] : memref<2x320000xi32, #tpu.memory_space<hbm>> -> memref<1x2560xi32, #tpu.memory_space<hbm>>
        %dma_start3A_83 = tpu.memref_squeeze %dma_start3A_82 : memref<1x2560xi32, #tpu.memory_space<hbm>> -> memref<2560xi32, #tpu.memory_space<hbm>>
        %dma_start3A_84 = tpu.memref_slice %arg3[%run_scoped3A_32, %add3A_31] : memref<2x320000xi32, #tpu.memory_space<hbm>> -> memref<1x2560xi32, #tpu.memory_space<hbm>>
        %dma_start3A_85 = tpu.memref_squeeze %dma_start3A_84 : memref<1x2560xi32, #tpu.memory_space<hbm>> -> memref<2560xi32, #tpu.memory_space<hbm>>
        tpu.enqueue_dma source(%dma_start3A_85 : memref<2560xi32, #tpu.memory_space<hbm>>) target(%arg7 : memref<2560xi32, #tpu.memory_space<vmem>>) target_semaphore(%run_scoped3A_81 : memref<!tpu.dma_semaphore, #tpu.memory_space<semaphore_mem>>)
        %dma_wait3A_86 = tpu.memref_slice %arg3[%run_scoped3A_32, %add3A_31] : memref<2x320000xi32, #tpu.memory_space<hbm>> -> memref<1x2560xi32, #tpu.memory_space<hbm>>
        %dma_wait3A_87 = tpu.memref_squeeze %dma_wait3A_86 : memref<1x2560xi32, #tpu.memory_space<hbm>> -> memref<2560xi32, #tpu.memory_space<hbm>>
        %dma_wait3A_88 = tpu.memref_slice %arg3[%run_scoped3A_32, %add3A_31] : memref<2x320000xi32, #tpu.memory_space<hbm>> -> memref<1x2560xi32, #tpu.memory_space<hbm>>
        %dma_wait3A_89 = tpu.memref_squeeze %dma_wait3A_88 : memref<1x2560xi32, #tpu.memory_space<hbm>> -> memref<2560xi32, #tpu.memory_space<hbm>>
        tpu.wait_dma2 semaphore(%run_scoped3A_81 : memref<!tpu.dma_semaphore, #tpu.memory_space<semaphore_mem>>) src(%dma_wait3A_89 : memref<2560xi32, #tpu.memory_space<hbm>>) dst(%arg7 : memref<2560xi32, #tpu.memory_space<vmem>>)
        tpu.yield
      }) : () -> ()
      %dma_start3A = arith.constant 0 : i32
      %dma_start3A_33 = arith.constant 0 : i32
      %dma_start3A_34 = arith.constant 0 : i32
      %dma_start3A_35 = tpu.memref_slice %arg8[%dma_start3A, %dma_start3A_33, %dma_start3A_34] : memref<4x64x128xf32, #tpu.memory_space<vmem>> -> memref<1x64x128xf32, #tpu.memory_space<vmem>>
      %dma_start3A_36 = tpu.memref_squeeze %dma_start3A_35 : memref<1x64x128xf32, #tpu.memory_space<vmem>> -> memref<64x128xf32, #tpu.memory_space<vmem>>
      %dma_start3A_37 = arith.constant 0 : i32
      %dma_start3A_38 = tpu.memref_slice %arg6[%dma_start3A_37] : memref<2560xi32, #tpu.memory_space<vmem>> -> memref<64xi32, #tpu.memory_space<vmem>>
      %dma_start3A_39 = arith.constant 0 : i32
      %dma_start3A_40 = arith.constant 0 : i32
      %dma_start3A_41 = tpu.memref_slice %arg2[%dma_start3A_39, %dma_start3A_40] : memref<10240x128xf32, #tpu.memory_space<hbm>> -> memref<10240x128xf32, #tpu.memory_space<hbm>>
      tpu.enqueue_indirect_dma source(%dma_start3A_41 : memref<10240x128xf32, #tpu.memory_space<hbm>>) target(%dma_start3A_36 : memref<64x128xf32, #tpu.memory_space<vmem>>) offsets(%dma_start3A_38 : memref<64xi32, #tpu.memory_space<vmem>>) semaphore(%arg10 : memref<!tpu.dma_semaphore, #tpu.memory_space<semaphore_mem>>)
      %dma_start3A_42 = arith.constant 1 : i32
      %dma_start3A_43 = arith.constant 0 : i32
      %dma_start3A_44 = arith.constant 0 : i32
      %dma_start3A_45 = tpu.memref_slice %arg8[%dma_start3A_42, %dma_start3A_43, %dma_start3A_44] : memref<4x64x128xf32, #tpu.memory_space<vmem>> -> memref<1x64x128xf32, #tpu.memory_space<vmem>>
      %dma_start3A_46 = tpu.memref_squeeze %dma_start3A_45 : memref<1x64x128xf32, #tpu.memory_space<vmem>> -> memref<64x128xf32, #tpu.memory_space<vmem>>
      %dma_start3A_47 = arith.constant 64 : i32
      %dma_start3A_48 = tpu.memref_slice %arg6[%dma_start3A_47] : memref<2560xi32, #tpu.memory_space<vmem>> -> memref<64xi32, #tpu.memory_space<vmem>>
      %dma_start3A_49 = arith.constant 0 : i32
      %dma_start3A_50 = arith.constant 0 : i32
      %dma_start3A_51 = tpu.memref_slice %arg2[%dma_start3A_49, %dma_start3A_50] : memref<10240x128xf32, #tpu.memory_space<hbm>> -> memref<10240x128xf32, #tpu.memory_space<hbm>>
      tpu.enqueue_indirect_dma source(%dma_start3A_51 : memref<10240x128xf32, #tpu.memory_space<hbm>>) target(%dma_start3A_46 : memref<64x128xf32, #tpu.memory_space<vmem>>) offsets(%dma_start3A_48 : memref<64xi32, #tpu.memory_space<vmem>>) semaphore(%arg10 : memref<!tpu.dma_semaphore, #tpu.memory_space<semaphore_mem>>)
      %dma_start3A_52 = arith.constant 2 : i32
      %dma_start3A_53 = arith.constant 0 : i32
      %dma_start3A_54 = arith.constant 0 : i32
      %dma_start3A_55 = tpu.memref_slice %arg8[%dma_start3A_52, %dma_start3A_53, %dma_start3A_54] : memref<4x64x128xf32, #tpu.memory_space<vmem>> -> memref<1x64x128xf32, #tpu.memory_space<vmem>>
      %dma_start3A_56 = tpu.memref_squeeze %dma_start3A_55 : memref<1x64x128xf32, #tpu.memory_space<vmem>> -> memref<64x128xf32, #tpu.memory_space<vmem>>
      %dma_start3A_57 = arith.constant 128 : i32
      %dma_start3A_58 = tpu.memref_slice %arg6[%dma_start3A_57] : memref<2560xi32, #tpu.memory_space<vmem>> -> memref<64xi32, #tpu.memory_space<vmem>>
      %dma_start3A_59 = arith.constant 0 : i32
      %dma_start3A_60 = arith.constant 0 : i32
      %dma_start3A_61 = tpu.memref_slice %arg2[%dma_start3A_59, %dma_start3A_60] : memref<10240x128xf32, #tpu.memory_space<hbm>> -> memref<10240x128xf32, #tpu.memory_space<hbm>>
      tpu.enqueue_indirect_dma source(%dma_start3A_61 : memref<10240x128xf32, #tpu.memory_space<hbm>>) target(%dma_start3A_56 : memref<64x128xf32, #tpu.memory_space<vmem>>) offsets(%dma_start3A_58 : memref<64xi32, #tpu.memory_space<vmem>>) semaphore(%arg10 : memref<!tpu.dma_semaphore, #tpu.memory_space<semaphore_mem>>)
      %scan3A = arith.constant 0 : i32
      %scan3A_62 = arith.constant 0 : i32
      %scan3A_63 = arith.constant 40 : i32
      %scan3A_64 = arith.addi %scan3A_62, %scan3A_63 : i32
      %scan3A_65 = arith.constant 1 : i32
      scf.for %scan3A_81 = %scan3A_62 to %scan3A_64 step %scan3A_65  : i32 {
        %rem3A = arith.constant 4 : i32
        %rem3A_82 = arith.remsi %scan3A_81, %rem3A : i32
        %dma_wait3A_83 = arith.constant 0 : i32
        %dma_wait3A_84 = arith.constant 0 : i32
        %dma_wait3A_85 = tpu.memref_slice %arg8[%rem3A_82, %dma_wait3A_83, %dma_wait3A_84] : memref<4x64x128xf32, #tpu.memory_space<vmem>> -> memref<1x64x128xf32, #tpu.memory_space<vmem>>
        %dma_wait3A_86 = tpu.memref_squeeze %dma_wait3A_85 : memref<1x64x128xf32, #tpu.memory_space<vmem>> -> memref<64x128xf32, #tpu.memory_space<vmem>>
        %dma_wait3A_87 = arith.constant 0 : i32
        %dma_wait3A_88 = arith.constant 0 : i32
        %dma_wait3A_89 = tpu.memref_slice %arg2[%dma_wait3A_87, %dma_wait3A_88] : memref<10240x128xf32, #tpu.memory_space<hbm>> -> memref<64x128xf32, #tpu.memory_space<hbm>>
        %dma_wait3A_90 = arith.constant 0 : i32
        %dma_wait3A_91 = arith.constant 0 : i32
        %dma_wait3A_92 = tpu.memref_slice %arg8[%rem3A_82, %dma_wait3A_90, %dma_wait3A_91] : memref<4x64x128xf32, #tpu.memory_space<vmem>> -> memref<1x64x128xf32, #tpu.memory_space<vmem>>
        %dma_wait3A_93 = tpu.memref_squeeze %dma_wait3A_92 : memref<1x64x128xf32, #tpu.memory_space<vmem>> -> memref<64x128xf32, #tpu.memory_space<vmem>>
        %dma_wait3A_94 = arith.constant 0 : i32
        %dma_wait3A_95 = arith.constant 0 : i32
        %dma_wait3A_96 = tpu.memref_slice %arg2[%dma_wait3A_94, %dma_wait3A_95] : memref<10240x128xf32, #tpu.memory_space<hbm>> -> memref<64x128xf32, #tpu.memory_space<hbm>>
        tpu.wait_dma2 semaphore(%arg10 : memref<!tpu.dma_semaphore, #tpu.memory_space<semaphore_mem>>) src(%dma_wait3A_96 : memref<64x128xf32, #tpu.memory_space<hbm>>) dst(%dma_wait3A_93 : memref<64x128xf32, #tpu.memory_space<vmem>>)
        %mul3A_97 = arith.constant 64 : i32
        %mul3A_98 = arith.muli %scan3A_81, %mul3A_97 : i32
        %dma_start3A_99 = arith.constant 0 : i32
        %dma_start3A_100 = arith.constant 0 : i32
        %dma_start3A_101 = tpu.memref_slice %arg8[%rem3A_82, %dma_start3A_99, %dma_start3A_100] : memref<4x64x128xf32, #tpu.memory_space<vmem>> -> memref<1x64x128xf32, #tpu.memory_space<vmem>>
        %dma_start3A_102 = tpu.memref_squeeze %dma_start3A_101 : memref<1x64x128xf32, #tpu.memory_space<vmem>> -> memref<64x128xf32, #tpu.memory_space<vmem>>
        %dma_start3A_103 = tpu.memref_slice %arg7[%mul3A_98] : memref<2560xi32, #tpu.memory_space<vmem>> -> memref<64xi32, #tpu.memory_space<vmem>>
        %dma_start3A_104 = arith.constant 0 : i32
        %dma_start3A_105 = arith.constant 0 : i32
        %dma_start3A_106 = tpu.memref_slice %arg9[%dma_start3A_104, %dma_start3A_105] : memref<10240x128xf32, #tpu.memory_space<vmem_shared>> -> memref<10240x128xf32, #tpu.memory_space<vmem_shared>>
        tpu.enqueue_indirect_dma source(%dma_start3A_102 : memref<64x128xf32, #tpu.memory_space<vmem>>) target(%dma_start3A_106 : memref<10240x128xf32, #tpu.memory_space<vmem_shared>>) offsets(%dma_start3A_103 : memref<64xi32, #tpu.memory_space<vmem>>) semaphore(%arg11 : memref<!tpu.dma_semaphore, #tpu.memory_space<semaphore_mem>>) {add = true}
        %ge3A = arith.constant 1 : i32
        %ge3A_107 = arith.cmpi sge, %scan3A_81, %ge3A : i32
        %convert_element_type3A_108 = arith.extui %ge3A_107 : i1 to i32
        %cond3A_109 = arith.constant 0 : i32
        %cond3A_110 = arith.cmpi ne, %convert_element_type3A_108, %cond3A_109 : i32
        scf.if %cond3A_110 {
          %dma_wait3A_118 = arith.constant 0 : i32
          %dma_wait3A_119 = arith.constant 0 : i32
          %dma_wait3A_120 = arith.constant 0 : i32
          %dma_wait3A_121 = tpu.memref_slice %arg8[%dma_wait3A_118, %dma_wait3A_119, %dma_wait3A_120] : memref<4x64x128xf32, #tpu.memory_space<vmem>> -> memref<1x64x128xf32, #tpu.memory_space<vmem>>
          %dma_wait3A_122 = tpu.memref_squeeze %dma_wait3A_121 : memref<1x64x128xf32, #tpu.memory_space<vmem>> -> memref<64x128xf32, #tpu.memory_space<vmem>>
          %dma_wait3A_123 = arith.constant 0 : i32
          %dma_wait3A_124 = arith.constant 0 : i32
          %dma_wait3A_125 = tpu.memref_slice %arg9[%dma_wait3A_123, %dma_wait3A_124] : memref<10240x128xf32, #tpu.memory_space<vmem_shared>> -> memref<64x128xf32, #tpu.memory_space<vmem_shared>>
          %dma_wait3A_126 = arith.constant 0 : i32
          %dma_wait3A_127 = arith.constant 0 : i32
          %dma_wait3A_128 = tpu.memref_slice %arg9[%dma_wait3A_126, %dma_wait3A_127] : memref<10240x128xf32, #tpu.memory_space<vmem_shared>> -> memref<64x128xf32, #tpu.memory_space<vmem_shared>>
          %dma_wait3A_129 = arith.constant 0 : i32
          %dma_wait3A_130 = arith.constant 0 : i32
          %dma_wait3A_131 = tpu.memref_slice %arg8[%dma_wait3A_118, %dma_wait3A_129, %dma_wait3A_130] : memref<4x64x128xf32, #tpu.memory_space<vmem>> -> memref<1x64x128xf32, #tpu.memory_space<vmem>>
          %dma_wait3A_132 = tpu.memref_squeeze %dma_wait3A_131 : memref<1x64x128xf32, #tpu.memory_space<vmem>> -> memref<64x128xf32, #tpu.memory_space<vmem>>
          tpu.wait_dma2 semaphore(%arg11 : memref<!tpu.dma_semaphore, #tpu.memory_space<semaphore_mem>>) src(%dma_wait3A_132 : memref<64x128xf32, #tpu.memory_space<vmem>>) dst(%dma_wait3A_128 : memref<64x128xf32, #tpu.memory_space<vmem_shared>>)
        } else {
        }
        %add3A_111 = arith.constant 3 : i32
        %add3A_112 = arith.addi %scan3A_81, %add3A_111 : i32
        %lt3A_113 = arith.constant 40 : i32
        %lt3A_114 = arith.cmpi slt, %add3A_112, %lt3A_113 : i32
        %convert_element_type3A_115 = arith.extui %lt3A_114 : i1 to i32
        %cond3A_116 = arith.constant 0 : i32
        %cond3A_117 = arith.cmpi ne, %convert_element_type3A_115, %cond3A_116 : i32
        scf.if %cond3A_117 {
          %add3A_118 = arith.constant 3 : i32
          %add3A_119 = arith.addi %scan3A_81, %add3A_118 : i32
          %rem3A_120 = arith.constant 4 : i32
          %rem3A_121 = arith.remsi %add3A_119, %rem3A_120 : i32
          %add3A_122 = arith.constant 3 : i32
          %add3A_123 = arith.addi %scan3A_81, %add3A_122 : i32
          %mul3A_124 = arith.constant 64 : i32
          %mul3A_125 = arith.muli %add3A_123, %mul3A_124 : i32
          %dma_start3A_126 = arith.constant 0 : i32
          %dma_start3A_127 = arith.constant 0 : i32
          %dma_start3A_128 = tpu.memref_slice %arg8[%rem3A_121, %dma_start3A_126, %dma_start3A_127] : memref<4x64x128xf32, #tpu.memory_space<vmem>> -> memref<1x64x128xf32, #tpu.memory_space<vmem>>
          %dma_start3A_129 = tpu.memref_squeeze %dma_start3A_128 : memref<1x64x128xf32, #tpu.memory_space<vmem>> -> memref<64x128xf32, #tpu.memory_space<vmem>>
          %dma_start3A_130 = tpu.memref_slice %arg6[%mul3A_125] : memref<2560xi32, #tpu.memory_space<vmem>> -> memref<64xi32, #tpu.memory_space<vmem>>
          %dma_start3A_131 = arith.constant 0 : i32
          %dma_start3A_132 = arith.constant 0 : i32
          %dma_start3A_133 = tpu.memref_slice %arg2[%dma_start3A_131, %dma_start3A_132] : memref<10240x128xf32, #tpu.memory_space<hbm>> -> memref<10240x128xf32, #tpu.memory_space<hbm>>
          tpu.enqueue_indirect_dma source(%dma_start3A_133 : memref<10240x128xf32, #tpu.memory_space<hbm>>) target(%dma_start3A_129 : memref<64x128xf32, #tpu.memory_space<vmem>>) offsets(%dma_start3A_130 : memref<64xi32, #tpu.memory_space<vmem>>) semaphore(%arg10 : memref<!tpu.dma_semaphore, #tpu.memory_space<semaphore_mem>>)
        } else {
        }
      }
      %scan3A_66 = arith.constant 40 : i32
      %dma_wait3A = arith.constant 0 : i32
      %dma_wait3A_67 = arith.constant 0 : i32
      %dma_wait3A_68 = arith.constant 0 : i32
      %dma_wait3A_69 = tpu.memref_slice %arg8[%dma_wait3A, %dma_wait3A_67, %dma_wait3A_68] : memref<4x64x128xf32, #tpu.memory_space<vmem>> -> memref<1x64x128xf32, #tpu.memory_space<vmem>>
      %dma_wait3A_70 = tpu.memref_squeeze %dma_wait3A_69 : memref<1x64x128xf32, #tpu.memory_space<vmem>> -> memref<64x128xf32, #tpu.memory_space<vmem>>
      %dma_wait3A_71 = arith.constant 0 : i32
      %dma_wait3A_72 = arith.constant 0 : i32
      %dma_wait3A_73 = tpu.memref_slice %arg9[%dma_wait3A_71, %dma_wait3A_72] : memref<10240x128xf32, #tpu.memory_space<vmem_shared>> -> memref<64x128xf32, #tpu.memory_space<vmem_shared>>
      %dma_wait3A_74 = arith.constant 0 : i32
      %dma_wait3A_75 = arith.constant 0 : i32
      %dma_wait3A_76 = tpu.memref_slice %arg9[%dma_wait3A_74, %dma_wait3A_75] : memref<10240x128xf32, #tpu.memory_space<vmem_shared>> -> memref<64x128xf32, #tpu.memory_space<vmem_shared>>
      %dma_wait3A_77 = arith.constant 0 : i32
      %dma_wait3A_78 = arith.constant 0 : i32
      %dma_wait3A_79 = tpu.memref_slice %arg8[%dma_wait3A, %dma_wait3A_77, %dma_wait3A_78] : memref<4x64x128xf32, #tpu.memory_space<vmem>> -> memref<1x64x128xf32, #tpu.memory_space<vmem>>
      %dma_wait3A_80 = tpu.memref_squeeze %dma_wait3A_79 : memref<1x64x128xf32, #tpu.memory_space<vmem>> -> memref<64x128xf32, #tpu.memory_space<vmem>>
      tpu.wait_dma2 semaphore(%arg11 : memref<!tpu.dma_semaphore, #tpu.memory_space<semaphore_mem>>) src(%dma_wait3A_80 : memref<64x128xf32, #tpu.memory_space<vmem>>) dst(%dma_wait3A_76 : memref<64x128xf32, #tpu.memory_space<vmem_shared>>)
    } else {
    }
    %lt3A_6 = arith.constant 31 : i32
    %lt3A_7 = arith.cmpi slt, %add3A, %lt3A_6 : i32
    %or3A_8 = arith.constant false
    %or3A_9 = arith.ori %lt3A_7, %or3A_8 : i1
    %convert_element_type3A_10 = arith.extui %or3A_9 : i1 to i32
    %cond3A_11 = arith.constant 0 : i32
    %cond3A_12 = arith.cmpi ne, %convert_element_type3A_10, %cond3A_11 : i32
    scf.if %cond3A_12 {
      %mul3A_28 = arith.constant 10240 : i32
      %mul3A_29 = arith.muli %add3A, %mul3A_28 : i32
      %add3A_30 = arith.constant 2560 : i32
      %add3A_31 = arith.addi %mul3A_29, %add3A_30 : i32
      %run_scoped3A = arith.constant 0 : i32
      "tpu.region"() ({
        %run_scoped3A_81 = tpu.sem_alloc : memref<!tpu.dma_semaphore, #tpu.memory_space<semaphore_mem>>
        %dma_start3A_82 = tpu.memref_slice %arg3[%run_scoped3A, %add3A_31] : memref<2x320000xi32, #tpu.memory_space<hbm>> -> memref<1x2560xi32, #tpu.memory_space<hbm>>
        %dma_start3A_83 = tpu.memref_squeeze %dma_start3A_82 : memref<1x2560xi32, #tpu.memory_space<hbm>> -> memref<2560xi32, #tpu.memory_space<hbm>>
        %dma_start3A_84 = tpu.memref_slice %arg3[%run_scoped3A, %add3A_31] : memref<2x320000xi32, #tpu.memory_space<hbm>> -> memref<1x2560xi32, #tpu.memory_space<hbm>>
        %dma_start3A_85 = tpu.memref_squeeze %dma_start3A_84 : memref<1x2560xi32, #tpu.memory_space<hbm>> -> memref<2560xi32, #tpu.memory_space<hbm>>
        tpu.enqueue_dma source(%dma_start3A_85 : memref<2560xi32, #tpu.memory_space<hbm>>) target(%arg6 : memref<2560xi32, #tpu.memory_space<vmem>>) target_semaphore(%run_scoped3A_81 : memref<!tpu.dma_semaphore, #tpu.memory_space<semaphore_mem>>)
        %dma_wait3A_86 = tpu.memref_slice %arg3[%run_scoped3A, %add3A_31] : memref<2x320000xi32, #tpu.memory_space<hbm>> -> memref<1x2560xi32, #tpu.memory_space<hbm>>
        %dma_wait3A_87 = tpu.memref_squeeze %dma_wait3A_86 : memref<1x2560xi32, #tpu.memory_space<hbm>> -> memref<2560xi32, #tpu.memory_space<hbm>>
        %dma_wait3A_88 = tpu.memref_slice %arg3[%run_scoped3A, %add3A_31] : memref<2x320000xi32, #tpu.memory_space<hbm>> -> memref<1x2560xi32, #tpu.memory_space<hbm>>
        %dma_wait3A_89 = tpu.memref_squeeze %dma_wait3A_88 : memref<1x2560xi32, #tpu.memory_space<hbm>> -> memref<2560xi32, #tpu.memory_space<hbm>>
        tpu.wait_dma2 semaphore(%run_scoped3A_81 : memref<!tpu.dma_semaphore, #tpu.memory_space<semaphore_mem>>) src(%dma_wait3A_89 : memref<2560xi32, #tpu.memory_space<hbm>>) dst(%arg6 : memref<2560xi32, #tpu.memory_space<vmem>>)
        tpu.yield
      }) : () -> ()
      %run_scoped3A_32 = arith.constant 1 : i32
      "tpu.region"() ({
        %run_scoped3A_81 = tpu.sem_alloc : memref<!tpu.dma_semaphore, #tpu.memory_space<semaphore_mem>>
        %dma_start3A_82 = tpu.memref_slice %arg3[%run_scoped3A_32, %add3A_31] : memref<2x320000xi32, #tpu.memory_space<hbm>> -> memref<1x2560xi32, #tpu.memory_space<hbm>>
        %dma_start3A_83 = tpu.memref_squeeze %dma_start3A_82 : memref<1x2560xi32, #tpu.memory_space<hbm>> -> memref<2560xi32, #tpu.memory_space<hbm>>
        %dma_start3A_84 = tpu.memref_slice %arg3[%run_scoped3A_32, %add3A_31] : memref<2x320000xi32, #tpu.memory_space<hbm>> -> memref<1x2560xi32, #tpu.memory_space<hbm>>
        %dma_start3A_85 = tpu.memref_squeeze %dma_start3A_84 : memref<1x2560xi32, #tpu.memory_space<hbm>> -> memref<2560xi32, #tpu.memory_space<hbm>>
        tpu.enqueue_dma source(%dma_start3A_85 : memref<2560xi32, #tpu.memory_space<hbm>>) target(%arg7 : memref<2560xi32, #tpu.memory_space<vmem>>) target_semaphore(%run_scoped3A_81 : memref<!tpu.dma_semaphore, #tpu.memory_space<semaphore_mem>>)
        %dma_wait3A_86 = tpu.memref_slice %arg3[%run_scoped3A_32, %add3A_31] : memref<2x320000xi32, #tpu.memory_space<hbm>> -> memref<1x2560xi32, #tpu.memory_space<hbm>>
        %dma_wait3A_87 = tpu.memref_squeeze %dma_wait3A_86 : memref<1x2560xi32, #tpu.memory_space<hbm>> -> memref<2560xi32, #tpu.memory_space<hbm>>
        %dma_wait3A_88 = tpu.memref_slice %arg3[%run_scoped3A_32, %add3A_31] : memref<2x320000xi32, #tpu.memory_space<hbm>> -> memref<1x2560xi32, #tpu.memory_space<hbm>>
        %dma_wait3A_89 = tpu.memref_squeeze %dma_wait3A_88 : memref<1x2560xi32, #tpu.memory_space<hbm>> -> memref<2560xi32, #tpu.memory_space<hbm>>
        tpu.wait_dma2 semaphore(%run_scoped3A_81 : memref<!tpu.dma_semaphore, #tpu.memory_space<semaphore_mem>>) src(%dma_wait3A_89 : memref<2560xi32, #tpu.memory_space<hbm>>) dst(%arg7 : memref<2560xi32, #tpu.memory_space<vmem>>)
        tpu.yield
      }) : () -> ()
      %dma_start3A = arith.constant 0 : i32
      %dma_start3A_33 = arith.constant 0 : i32
      %dma_start3A_34 = arith.constant 0 : i32
      %dma_start3A_35 = tpu.memref_slice %arg8[%dma_start3A, %dma_start3A_33, %dma_start3A_34] : memref<4x64x128xf32, #tpu.memory_space<vmem>> -> memref<1x64x128xf32, #tpu.memory_space<vmem>>
      %dma_start3A_36 = tpu.memref_squeeze %dma_start3A_35 : memref<1x64x128xf32, #tpu.memory_space<vmem>> -> memref<64x128xf32, #tpu.memory_space<vmem>>
      %dma_start3A_37 = arith.constant 0 : i32
      %dma_start3A_38 = tpu.memref_slice %arg6[%dma_start3A_37] : memref<2560xi32, #tpu.memory_space<vmem>> -> memref<64xi32, #tpu.memory_space<vmem>>
      %dma_start3A_39 = arith.constant 0 : i32
      %dma_start3A_40 = arith.constant 0 : i32
      %dma_start3A_41 = tpu.memref_slice %arg2[%dma_start3A_39, %dma_start3A_40] : memref<10240x128xf32, #tpu.memory_space<hbm>> -> memref<10240x128xf32, #tpu.memory_space<hbm>>
      tpu.enqueue_indirect_dma source(%dma_start3A_41 : memref<10240x128xf32, #tpu.memory_space<hbm>>) target(%dma_start3A_36 : memref<64x128xf32, #tpu.memory_space<vmem>>) offsets(%dma_start3A_38 : memref<64xi32, #tpu.memory_space<vmem>>) semaphore(%arg10 : memref<!tpu.dma_semaphore, #tpu.memory_space<semaphore_mem>>)
      %dma_start3A_42 = arith.constant 1 : i32
      %dma_start3A_43 = arith.constant 0 : i32
      %dma_start3A_44 = arith.constant 0 : i32
      %dma_start3A_45 = tpu.memref_slice %arg8[%dma_start3A_42, %dma_start3A_43, %dma_start3A_44] : memref<4x64x128xf32, #tpu.memory_space<vmem>> -> memref<1x64x128xf32, #tpu.memory_space<vmem>>
      %dma_start3A_46 = tpu.memref_squeeze %dma_start3A_45 : memref<1x64x128xf32, #tpu.memory_space<vmem>> -> memref<64x128xf32, #tpu.memory_space<vmem>>
      %dma_start3A_47 = arith.constant 64 : i32
      %dma_start3A_48 = tpu.memref_slice %arg6[%dma_start3A_47] : memref<2560xi32, #tpu.memory_space<vmem>> -> memref<64xi32, #tpu.memory_space<vmem>>
      %dma_start3A_49 = arith.constant 0 : i32
      %dma_start3A_50 = arith.constant 0 : i32
      %dma_start3A_51 = tpu.memref_slice %arg2[%dma_start3A_49, %dma_start3A_50] : memref<10240x128xf32, #tpu.memory_space<hbm>> -> memref<10240x128xf32, #tpu.memory_space<hbm>>
      tpu.enqueue_indirect_dma source(%dma_start3A_51 : memref<10240x128xf32, #tpu.memory_space<hbm>>) target(%dma_start3A_46 : memref<64x128xf32, #tpu.memory_space<vmem>>) offsets(%dma_start3A_48 : memref<64xi32, #tpu.memory_space<vmem>>) semaphore(%arg10 : memref<!tpu.dma_semaphore, #tpu.memory_space<semaphore_mem>>)
      %dma_start3A_52 = arith.constant 2 : i32
      %dma_start3A_53 = arith.constant 0 : i32
      %dma_start3A_54 = arith.constant 0 : i32
      %dma_start3A_55 = tpu.memref_slice %arg8[%dma_start3A_52, %dma_start3A_53, %dma_start3A_54] : memref<4x64x128xf32, #tpu.memory_space<vmem>> -> memref<1x64x128xf32, #tpu.memory_space<vmem>>
      %dma_start3A_56 = tpu.memref_squeeze %dma_start3A_55 : memref<1x64x128xf32, #tpu.memory_space<vmem>> -> memref<64x128xf32, #tpu.memory_space<vmem>>
      %dma_start3A_57 = arith.constant 128 : i32
      %dma_start3A_58 = tpu.memref_slice %arg6[%dma_start3A_57] : memref<2560xi32, #tpu.memory_space<vmem>> -> memref<64xi32, #tpu.memory_space<vmem>>
      %dma_start3A_59 = arith.constant 0 : i32
      %dma_start3A_60 = arith.constant 0 : i32
      %dma_start3A_61 = tpu.memref_slice %arg2[%dma_start3A_59, %dma_start3A_60] : memref<10240x128xf32, #tpu.memory_space<hbm>> -> memref<10240x128xf32, #tpu.memory_space<hbm>>
      tpu.enqueue_indirect_dma source(%dma_start3A_61 : memref<10240x128xf32, #tpu.memory_space<hbm>>) target(%dma_start3A_56 : memref<64x128xf32, #tpu.memory_space<vmem>>) offsets(%dma_start3A_58 : memref<64xi32, #tpu.memory_space<vmem>>) semaphore(%arg10 : memref<!tpu.dma_semaphore, #tpu.memory_space<semaphore_mem>>)
      %scan3A = arith.constant 0 : i32
      %scan3A_62 = arith.constant 0 : i32
      %scan3A_63 = arith.constant 40 : i32
      %scan3A_64 = arith.addi %scan3A_62, %scan3A_63 : i32
      %scan3A_65 = arith.constant 1 : i32
      scf.for %scan3A_81 = %scan3A_62 to %scan3A_64 step %scan3A_65  : i32 {
        %rem3A = arith.constant 4 : i32
        %rem3A_82 = arith.remsi %scan3A_81, %rem3A : i32
        %dma_wait3A_83 = arith.constant 0 : i32
        %dma_wait3A_84 = arith.constant 0 : i32
        %dma_wait3A_85 = tpu.memref_slice %arg8[%rem3A_82, %dma_wait3A_83, %dma_wait3A_84] : memref<4x64x128xf32, #tpu.memory_space<vmem>> -> memref<1x64x128xf32, #tpu.memory_space<vmem>>
        %dma_wait3A_86 = tpu.memref_squeeze %dma_wait3A_85 : memref<1x64x128xf32, #tpu.memory_space<vmem>> -> memref<64x128xf32, #tpu.memory_space<vmem>>
        %dma_wait3A_87 = arith.constant 0 : i32
        %dma_wait3A_88 = arith.constant 0 : i32
        %dma_wait3A_89 = tpu.memref_slice %arg2[%dma_wait3A_87, %dma_wait3A_88] : memref<10240x128xf32, #tpu.memory_space<hbm>> -> memref<64x128xf32, #tpu.memory_space<hbm>>
        %dma_wait3A_90 = arith.constant 0 : i32
        %dma_wait3A_91 = arith.constant 0 : i32
        %dma_wait3A_92 = tpu.memref_slice %arg8[%rem3A_82, %dma_wait3A_90, %dma_wait3A_91] : memref<4x64x128xf32, #tpu.memory_space<vmem>> -> memref<1x64x128xf32, #tpu.memory_space<vmem>>
        %dma_wait3A_93 = tpu.memref_squeeze %dma_wait3A_92 : memref<1x64x128xf32, #tpu.memory_space<vmem>> -> memref<64x128xf32, #tpu.memory_space<vmem>>
        %dma_wait3A_94 = arith.constant 0 : i32
        %dma_wait3A_95 = arith.constant 0 : i32
        %dma_wait3A_96 = tpu.memref_slice %arg2[%dma_wait3A_94, %dma_wait3A_95] : memref<10240x128xf32, #tpu.memory_space<hbm>> -> memref<64x128xf32, #tpu.memory_space<hbm>>
        tpu.wait_dma2 semaphore(%arg10 : memref<!tpu.dma_semaphore, #tpu.memory_space<semaphore_mem>>) src(%dma_wait3A_96 : memref<64x128xf32, #tpu.memory_space<hbm>>) dst(%dma_wait3A_93 : memref<64x128xf32, #tpu.memory_space<vmem>>)
        %mul3A_97 = arith.constant 64 : i32
        %mul3A_98 = arith.muli %scan3A_81, %mul3A_97 : i32
        %dma_start3A_99 = arith.constant 0 : i32
        %dma_start3A_100 = arith.constant 0 : i32
        %dma_start3A_101 = tpu.memref_slice %arg8[%rem3A_82, %dma_start3A_99, %dma_start3A_100] : memref<4x64x128xf32, #tpu.memory_space<vmem>> -> memref<1x64x128xf32, #tpu.memory_space<vmem>>
        %dma_start3A_102 = tpu.memref_squeeze %dma_start3A_101 : memref<1x64x128xf32, #tpu.memory_space<vmem>> -> memref<64x128xf32, #tpu.memory_space<vmem>>
        %dma_start3A_103 = tpu.memref_slice %arg7[%mul3A_98] : memref<2560xi32, #tpu.memory_space<vmem>> -> memref<64xi32, #tpu.memory_space<vmem>>
        %dma_start3A_104 = arith.constant 0 : i32
        %dma_start3A_105 = arith.constant 0 : i32
        %dma_start3A_106 = tpu.memref_slice %arg9[%dma_start3A_104, %dma_start3A_105] : memref<10240x128xf32, #tpu.memory_space<vmem_shared>> -> memref<10240x128xf32, #tpu.memory_space<vmem_shared>>
        tpu.enqueue_indirect_dma source(%dma_start3A_102 : memref<64x128xf32, #tpu.memory_space<vmem>>) target(%dma_start3A_106 : memref<10240x128xf32, #tpu.memory_space<vmem_shared>>) offsets(%dma_start3A_103 : memref<64xi32, #tpu.memory_space<vmem>>) semaphore(%arg11 : memref<!tpu.dma_semaphore, #tpu.memory_space<semaphore_mem>>) {add = true}
        %ge3A = arith.constant 1 : i32
        %ge3A_107 = arith.cmpi sge, %scan3A_81, %ge3A : i32
        %convert_element_type3A_108 = arith.extui %ge3A_107 : i1 to i32
        %cond3A_109 = arith.constant 0 : i32
        %cond3A_110 = arith.cmpi ne, %convert_element_type3A_108, %cond3A_109 : i32
        scf.if %cond3A_110 {
          %dma_wait3A_118 = arith.constant 0 : i32
          %dma_wait3A_119 = arith.constant 0 : i32
          %dma_wait3A_120 = arith.constant 0 : i32
          %dma_wait3A_121 = tpu.memref_slice %arg8[%dma_wait3A_118, %dma_wait3A_119, %dma_wait3A_120] : memref<4x64x128xf32, #tpu.memory_space<vmem>> -> memref<1x64x128xf32, #tpu.memory_space<vmem>>
          %dma_wait3A_122 = tpu.memref_squeeze %dma_wait3A_121 : memref<1x64x128xf32, #tpu.memory_space<vmem>> -> memref<64x128xf32, #tpu.memory_space<vmem>>
          %dma_wait3A_123 = arith.constant 0 : i32
          %dma_wait3A_124 = arith.constant 0 : i32
          %dma_wait3A_125 = tpu.memref_slice %arg9[%dma_wait3A_123, %dma_wait3A_124] : memref<10240x128xf32, #tpu.memory_space<vmem_shared>> -> memref<64x128xf32, #tpu.memory_space<vmem_shared>>
          %dma_wait3A_126 = arith.constant 0 : i32
          %dma_wait3A_127 = arith.constant 0 : i32
          %dma_wait3A_128 = tpu.memref_slice %arg9[%dma_wait3A_126, %dma_wait3A_127] : memref<10240x128xf32, #tpu.memory_space<vmem_shared>> -> memref<64x128xf32, #tpu.memory_space<vmem_shared>>
          %dma_wait3A_129 = arith.constant 0 : i32
          %dma_wait3A_130 = arith.constant 0 : i32
          %dma_wait3A_131 = tpu.memref_slice %arg8[%dma_wait3A_118, %dma_wait3A_129, %dma_wait3A_130] : memref<4x64x128xf32, #tpu.memory_space<vmem>> -> memref<1x64x128xf32, #tpu.memory_space<vmem>>
          %dma_wait3A_132 = tpu.memref_squeeze %dma_wait3A_131 : memref<1x64x128xf32, #tpu.memory_space<vmem>> -> memref<64x128xf32, #tpu.memory_space<vmem>>
          tpu.wait_dma2 semaphore(%arg11 : memref<!tpu.dma_semaphore, #tpu.memory_space<semaphore_mem>>) src(%dma_wait3A_132 : memref<64x128xf32, #tpu.memory_space<vmem>>) dst(%dma_wait3A_128 : memref<64x128xf32, #tpu.memory_space<vmem_shared>>)
        } else {
        }
        %add3A_111 = arith.constant 3 : i32
        %add3A_112 = arith.addi %scan3A_81, %add3A_111 : i32
        %lt3A_113 = arith.constant 40 : i32
        %lt3A_114 = arith.cmpi slt, %add3A_112, %lt3A_113 : i32
        %convert_element_type3A_115 = arith.extui %lt3A_114 : i1 to i32
        %cond3A_116 = arith.constant 0 : i32
        %cond3A_117 = arith.cmpi ne, %convert_element_type3A_115, %cond3A_116 : i32
        scf.if %cond3A_117 {
          %add3A_118 = arith.constant 3 : i32
          %add3A_119 = arith.addi %scan3A_81, %add3A_118 : i32
          %rem3A_120 = arith.constant 4 : i32
          %rem3A_121 = arith.remsi %add3A_119, %rem3A_120 : i32
          %add3A_122 = arith.constant 3 : i32
          %add3A_123 = arith.addi %scan3A_81, %add3A_122 : i32
          %mul3A_124 = arith.constant 64 : i32
          %mul3A_125 = arith.muli %add3A_123, %mul3A_124 : i32
          %dma_start3A_126 = arith.constant 0 : i32
          %dma_start3A_127 = arith.constant 0 : i32
          %dma_start3A_128 = tpu.memref_slice %arg8[%rem3A_121, %dma_start3A_126, %dma_start3A_127] : memref<4x64x128xf32, #tpu.memory_space<vmem>> -> memref<1x64x128xf32, #tpu.memory_space<vmem>>
          %dma_start3A_129 = tpu.memref_squeeze %dma_start3A_128 : memref<1x64x128xf32, #tpu.memory_space<vmem>> -> memref<64x128xf32, #tpu.memory_space<vmem>>
          %dma_start3A_130 = tpu.memref_slice %arg6[%mul3A_125] : memref<2560xi32, #tpu.memory_space<vmem>> -> memref<64xi32, #tpu.memory_space<vmem>>
          %dma_start3A_131 = arith.constant 0 : i32
          %dma_start3A_132 = arith.constant 0 : i32
          %dma_start3A_133 = tpu.memref_slice %arg2[%dma_start3A_131, %dma_start3A_132] : memref<10240x128xf32, #tpu.memory_space<hbm>> -> memref<10240x128xf32, #tpu.memory_space<hbm>>
          tpu.enqueue_indirect_dma source(%dma_start3A_133 : memref<10240x128xf32, #tpu.memory_space<hbm>>) target(%dma_start3A_129 : memref<64x128xf32, #tpu.memory_space<vmem>>) offsets(%dma_start3A_130 : memref<64xi32, #tpu.memory_space<vmem>>) semaphore(%arg10 : memref<!tpu.dma_semaphore, #tpu.memory_space<semaphore_mem>>)
        } else {
        }
      }
      %scan3A_66 = arith.constant 40 : i32
      %dma_wait3A = arith.constant 0 : i32
      %dma_wait3A_67 = arith.constant 0 : i32
      %dma_wait3A_68 = arith.constant 0 : i32
      %dma_wait3A_69 = tpu.memref_slice %arg8[%dma_wait3A, %dma_wait3A_67, %dma_wait3A_68] : memref<4x64x128xf32, #tpu.memory_space<vmem>> -> memref<1x64x128xf32, #tpu.memory_space<vmem>>
      %dma_wait3A_70 = tpu.memref_squeeze %dma_wait3A_69 : memref<1x64x128xf32, #tpu.memory_space<vmem>> -> memref<64x128xf32, #tpu.memory_space<vmem>>
      %dma_wait3A_71 = arith.constant 0 : i32
      %dma_wait3A_72 = arith.constant 0 : i32
      %dma_wait3A_73 = tpu.memref_slice %arg9[%dma_wait3A_71, %dma_wait3A_72] : memref<10240x128xf32, #tpu.memory_space<vmem_shared>> -> memref<64x128xf32, #tpu.memory_space<vmem_shared>>
      %dma_wait3A_74 = arith.constant 0 : i32
      %dma_wait3A_75 = arith.constant 0 : i32
      %dma_wait3A_76 = tpu.memref_slice %arg9[%dma_wait3A_74, %dma_wait3A_75] : memref<10240x128xf32, #tpu.memory_space<vmem_shared>> -> memref<64x128xf32, #tpu.memory_space<vmem_shared>>
      %dma_wait3A_77 = arith.constant 0 : i32
      %dma_wait3A_78 = arith.constant 0 : i32
      %dma_wait3A_79 = tpu.memref_slice %arg8[%dma_wait3A, %dma_wait3A_77, %dma_wait3A_78] : memref<4x64x128xf32, #tpu.memory_space<vmem>> -> memref<1x64x128xf32, #tpu.memory_space<vmem>>
      %dma_wait3A_80 = tpu.memref_squeeze %dma_wait3A_79 : memref<1x64x128xf32, #tpu.memory_space<vmem>> -> memref<64x128xf32, #tpu.memory_space<vmem>>
      tpu.wait_dma2 semaphore(%arg11 : memref<!tpu.dma_semaphore, #tpu.memory_space<semaphore_mem>>) src(%dma_wait3A_80 : memref<64x128xf32, #tpu.memory_space<vmem>>) dst(%dma_wait3A_76 : memref<64x128xf32, #tpu.memory_space<vmem_shared>>)
    } else {
    }
    %lt3A_13 = arith.constant 31 : i32
    %lt3A_14 = arith.cmpi slt, %add3A, %lt3A_13 : i32
    %or3A_15 = arith.constant false
    %or3A_16 = arith.ori %lt3A_14, %or3A_15 : i1
    %convert_element_type3A_17 = arith.extui %or3A_16 : i1 to i32
    %cond3A_18 = arith.constant 0 : i32
    %cond3A_19 = arith.cmpi ne, %convert_element_type3A_17, %cond3A_18 : i32
    scf.if %cond3A_19 {
      %mul3A_28 = arith.constant 10240 : i32
      %mul3A_29 = arith.muli %add3A, %mul3A_28 : i32
      %add3A_30 = arith.constant 5120 : i32
      %add3A_31 = arith.addi %mul3A_29, %add3A_30 : i32
      %run_scoped3A = arith.constant 0 : i32
      "tpu.region"() ({
        %run_scoped3A_81 = tpu.sem_alloc : memref<!tpu.dma_semaphore, #tpu.memory_space<semaphore_mem>>
        %dma_start3A_82 = tpu.memref_slice %arg3[%run_scoped3A, %add3A_31] : memref<2x320000xi32, #tpu.memory_space<hbm>> -> memref<1x2560xi32, #tpu.memory_space<hbm>>
        %dma_start3A_83 = tpu.memref_squeeze %dma_start3A_82 : memref<1x2560xi32, #tpu.memory_space<hbm>> -> memref<2560xi32, #tpu.memory_space<hbm>>
        %dma_start3A_84 = tpu.memref_slice %arg3[%run_scoped3A, %add3A_31] : memref<2x320000xi32, #tpu.memory_space<hbm>> -> memref<1x2560xi32, #tpu.memory_space<hbm>>
        %dma_start3A_85 = tpu.memref_squeeze %dma_start3A_84 : memref<1x2560xi32, #tpu.memory_space<hbm>> -> memref<2560xi32, #tpu.memory_space<hbm>>
        tpu.enqueue_dma source(%dma_start3A_85 : memref<2560xi32, #tpu.memory_space<hbm>>) target(%arg6 : memref<2560xi32, #tpu.memory_space<vmem>>) target_semaphore(%run_scoped3A_81 : memref<!tpu.dma_semaphore, #tpu.memory_space<semaphore_mem>>)
        %dma_wait3A_86 = tpu.memref_slice %arg3[%run_scoped3A, %add3A_31] : memref<2x320000xi32, #tpu.memory_space<hbm>> -> memref<1x2560xi32, #tpu.memory_space<hbm>>
        %dma_wait3A_87 = tpu.memref_squeeze %dma_wait3A_86 : memref<1x2560xi32, #tpu.memory_space<hbm>> -> memref<2560xi32, #tpu.memory_space<hbm>>
        %dma_wait3A_88 = tpu.memref_slice %arg3[%run_scoped3A, %add3A_31] : memref<2x320000xi32, #tpu.memory_space<hbm>> -> memref<1x2560xi32, #tpu.memory_space<hbm>>
        %dma_wait3A_89 = tpu.memref_squeeze %dma_wait3A_88 : memref<1x2560xi32, #tpu.memory_space<hbm>> -> memref<2560xi32, #tpu.memory_space<hbm>>
        tpu.wait_dma2 semaphore(%run_scoped3A_81 : memref<!tpu.dma_semaphore, #tpu.memory_space<semaphore_mem>>) src(%dma_wait3A_89 : memref<2560xi32, #tpu.memory_space<hbm>>) dst(%arg6 : memref<2560xi32, #tpu.memory_space<vmem>>)
        tpu.yield
      }) : () -> ()
      %run_scoped3A_32 = arith.constant 1 : i32
      "tpu.region"() ({
        %run_scoped3A_81 = tpu.sem_alloc : memref<!tpu.dma_semaphore, #tpu.memory_space<semaphore_mem>>
        %dma_start3A_82 = tpu.memref_slice %arg3[%run_scoped3A_32, %add3A_31] : memref<2x320000xi32, #tpu.memory_space<hbm>> -> memref<1x2560xi32, #tpu.memory_space<hbm>>
        %dma_start3A_83 = tpu.memref_squeeze %dma_start3A_82 : memref<1x2560xi32, #tpu.memory_space<hbm>> -> memref<2560xi32, #tpu.memory_space<hbm>>
        %dma_start3A_84 = tpu.memref_slice %arg3[%run_scoped3A_32, %add3A_31] : memref<2x320000xi32, #tpu.memory_space<hbm>> -> memref<1x2560xi32, #tpu.memory_space<hbm>>
        %dma_start3A_85 = tpu.memref_squeeze %dma_start3A_84 : memref<1x2560xi32, #tpu.memory_space<hbm>> -> memref<2560xi32, #tpu.memory_space<hbm>>
        tpu.enqueue_dma source(%dma_start3A_85 : memref<2560xi32, #tpu.memory_space<hbm>>) target(%arg7 : memref<2560xi32, #tpu.memory_space<vmem>>) target_semaphore(%run_scoped3A_81 : memref<!tpu.dma_semaphore, #tpu.memory_space<semaphore_mem>>)
        %dma_wait3A_86 = tpu.memref_slice %arg3[%run_scoped3A_32, %add3A_31] : memref<2x320000xi32, #tpu.memory_space<hbm>> -> memref<1x2560xi32, #tpu.memory_space<hbm>>
        %dma_wait3A_87 = tpu.memref_squeeze %dma_wait3A_86 : memref<1x2560xi32, #tpu.memory_space<hbm>> -> memref<2560xi32, #tpu.memory_space<hbm>>
        %dma_wait3A_88 = tpu.memref_slice %arg3[%run_scoped3A_32, %add3A_31] : memref<2x320000xi32, #tpu.memory_space<hbm>> -> memref<1x2560xi32, #tpu.memory_space<hbm>>
        %dma_wait3A_89 = tpu.memref_squeeze %dma_wait3A_88 : memref<1x2560xi32, #tpu.memory_space<hbm>> -> memref<2560xi32, #tpu.memory_space<hbm>>
        tpu.wait_dma2 semaphore(%run_scoped3A_81 : memref<!tpu.dma_semaphore, #tpu.memory_space<semaphore_mem>>) src(%dma_wait3A_89 : memref<2560xi32, #tpu.memory_space<hbm>>) dst(%arg7 : memref<2560xi32, #tpu.memory_space<vmem>>)
        tpu.yield
      }) : () -> ()
      %dma_start3A = arith.constant 0 : i32
      %dma_start3A_33 = arith.constant 0 : i32
      %dma_start3A_34 = arith.constant 0 : i32
      %dma_start3A_35 = tpu.memref_slice %arg8[%dma_start3A, %dma_start3A_33, %dma_start3A_34] : memref<4x64x128xf32, #tpu.memory_space<vmem>> -> memref<1x64x128xf32, #tpu.memory_space<vmem>>
      %dma_start3A_36 = tpu.memref_squeeze %dma_start3A_35 : memref<1x64x128xf32, #tpu.memory_space<vmem>> -> memref<64x128xf32, #tpu.memory_space<vmem>>
      %dma_start3A_37 = arith.constant 0 : i32
      %dma_start3A_38 = tpu.memref_slice %arg6[%dma_start3A_37] : memref<2560xi32, #tpu.memory_space<vmem>> -> memref<64xi32, #tpu.memory_space<vmem>>
      %dma_start3A_39 = arith.constant 0 : i32
      %dma_start3A_40 = arith.constant 0 : i32
      %dma_start3A_41 = tpu.memref_slice %arg2[%dma_start3A_39, %dma_start3A_40] : memref<10240x128xf32, #tpu.memory_space<hbm>> -> memref<10240x128xf32, #tpu.memory_space<hbm>>
      tpu.enqueue_indirect_dma source(%dma_start3A_41 : memref<10240x128xf32, #tpu.memory_space<hbm>>) target(%dma_start3A_36 : memref<64x128xf32, #tpu.memory_space<vmem>>) offsets(%dma_start3A_38 : memref<64xi32, #tpu.memory_space<vmem>>) semaphore(%arg10 : memref<!tpu.dma_semaphore, #tpu.memory_space<semaphore_mem>>)
      %dma_start3A_42 = arith.constant 1 : i32
      %dma_start3A_43 = arith.constant 0 : i32
      %dma_start3A_44 = arith.constant 0 : i32
      %dma_start3A_45 = tpu.memref_slice %arg8[%dma_start3A_42, %dma_start3A_43, %dma_start3A_44] : memref<4x64x128xf32, #tpu.memory_space<vmem>> -> memref<1x64x128xf32, #tpu.memory_space<vmem>>
      %dma_start3A_46 = tpu.memref_squeeze %dma_start3A_45 : memref<1x64x128xf32, #tpu.memory_space<vmem>> -> memref<64x128xf32, #tpu.memory_space<vmem>>
      %dma_start3A_47 = arith.constant 64 : i32
      %dma_start3A_48 = tpu.memref_slice %arg6[%dma_start3A_47] : memref<2560xi32, #tpu.memory_space<vmem>> -> memref<64xi32, #tpu.memory_space<vmem>>
      %dma_start3A_49 = arith.constant 0 : i32
      %dma_start3A_50 = arith.constant 0 : i32
      %dma_start3A_51 = tpu.memref_slice %arg2[%dma_start3A_49, %dma_start3A_50] : memref<10240x128xf32, #tpu.memory_space<hbm>> -> memref<10240x128xf32, #tpu.memory_space<hbm>>
      tpu.enqueue_indirect_dma source(%dma_start3A_51 : memref<10240x128xf32, #tpu.memory_space<hbm>>) target(%dma_start3A_46 : memref<64x128xf32, #tpu.memory_space<vmem>>) offsets(%dma_start3A_48 : memref<64xi32, #tpu.memory_space<vmem>>) semaphore(%arg10 : memref<!tpu.dma_semaphore, #tpu.memory_space<semaphore_mem>>)
      %dma_start3A_52 = arith.constant 2 : i32
      %dma_start3A_53 = arith.constant 0 : i32
      %dma_start3A_54 = arith.constant 0 : i32
      %dma_start3A_55 = tpu.memref_slice %arg8[%dma_start3A_52, %dma_start3A_53, %dma_start3A_54] : memref<4x64x128xf32, #tpu.memory_space<vmem>> -> memref<1x64x128xf32, #tpu.memory_space<vmem>>
      %dma_start3A_56 = tpu.memref_squeeze %dma_start3A_55 : memref<1x64x128xf32, #tpu.memory_space<vmem>> -> memref<64x128xf32, #tpu.memory_space<vmem>>
      %dma_start3A_57 = arith.constant 128 : i32
      %dma_start3A_58 = tpu.memref_slice %arg6[%dma_start3A_57] : memref<2560xi32, #tpu.memory_space<vmem>> -> memref<64xi32, #tpu.memory_space<vmem>>
      %dma_start3A_59 = arith.constant 0 : i32
      %dma_start3A_60 = arith.constant 0 : i32
      %dma_start3A_61 = tpu.memref_slice %arg2[%dma_start3A_59, %dma_start3A_60] : memref<10240x128xf32, #tpu.memory_space<hbm>> -> memref<10240x128xf32, #tpu.memory_space<hbm>>
      tpu.enqueue_indirect_dma source(%dma_start3A_61 : memref<10240x128xf32, #tpu.memory_space<hbm>>) target(%dma_start3A_56 : memref<64x128xf32, #tpu.memory_space<vmem>>) offsets(%dma_start3A_58 : memref<64xi32, #tpu.memory_space<vmem>>) semaphore(%arg10 : memref<!tpu.dma_semaphore, #tpu.memory_space<semaphore_mem>>)
      %scan3A = arith.constant 0 : i32
      %scan3A_62 = arith.constant 0 : i32
      %scan3A_63 = arith.constant 40 : i32
      %scan3A_64 = arith.addi %scan3A_62, %scan3A_63 : i32
      %scan3A_65 = arith.constant 1 : i32
      scf.for %scan3A_81 = %scan3A_62 to %scan3A_64 step %scan3A_65  : i32 {
        %rem3A = arith.constant 4 : i32
        %rem3A_82 = arith.remsi %scan3A_81, %rem3A : i32
        %dma_wait3A_83 = arith.constant 0 : i32
        %dma_wait3A_84 = arith.constant 0 : i32
        %dma_wait3A_85 = tpu.memref_slice %arg8[%rem3A_82, %dma_wait3A_83, %dma_wait3A_84] : memref<4x64x128xf32, #tpu.memory_space<vmem>> -> memref<1x64x128xf32, #tpu.memory_space<vmem>>
        %dma_wait3A_86 = tpu.memref_squeeze %dma_wait3A_85 : memref<1x64x128xf32, #tpu.memory_space<vmem>> -> memref<64x128xf32, #tpu.memory_space<vmem>>
        %dma_wait3A_87 = arith.constant 0 : i32
        %dma_wait3A_88 = arith.constant 0 : i32
        %dma_wait3A_89 = tpu.memref_slice %arg2[%dma_wait3A_87, %dma_wait3A_88] : memref<10240x128xf32, #tpu.memory_space<hbm>> -> memref<64x128xf32, #tpu.memory_space<hbm>>
        %dma_wait3A_90 = arith.constant 0 : i32
        %dma_wait3A_91 = arith.constant 0 : i32
        %dma_wait3A_92 = tpu.memref_slice %arg8[%rem3A_82, %dma_wait3A_90, %dma_wait3A_91] : memref<4x64x128xf32, #tpu.memory_space<vmem>> -> memref<1x64x128xf32, #tpu.memory_space<vmem>>
        %dma_wait3A_93 = tpu.memref_squeeze %dma_wait3A_92 : memref<1x64x128xf32, #tpu.memory_space<vmem>> -> memref<64x128xf32, #tpu.memory_space<vmem>>
        %dma_wait3A_94 = arith.constant 0 : i32
        %dma_wait3A_95 = arith.constant 0 : i32
        %dma_wait3A_96 = tpu.memref_slice %arg2[%dma_wait3A_94, %dma_wait3A_95] : memref<10240x128xf32, #tpu.memory_space<hbm>> -> memref<64x128xf32, #tpu.memory_space<hbm>>
        tpu.wait_dma2 semaphore(%arg10 : memref<!tpu.dma_semaphore, #tpu.memory_space<semaphore_mem>>) src(%dma_wait3A_96 : memref<64x128xf32, #tpu.memory_space<hbm>>) dst(%dma_wait3A_93 : memref<64x128xf32, #tpu.memory_space<vmem>>)
        %mul3A_97 = arith.constant 64 : i32
        %mul3A_98 = arith.muli %scan3A_81, %mul3A_97 : i32
        %dma_start3A_99 = arith.constant 0 : i32
        %dma_start3A_100 = arith.constant 0 : i32
        %dma_start3A_101 = tpu.memref_slice %arg8[%rem3A_82, %dma_start3A_99, %dma_start3A_100] : memref<4x64x128xf32, #tpu.memory_space<vmem>> -> memref<1x64x128xf32, #tpu.memory_space<vmem>>
        %dma_start3A_102 = tpu.memref_squeeze %dma_start3A_101 : memref<1x64x128xf32, #tpu.memory_space<vmem>> -> memref<64x128xf32, #tpu.memory_space<vmem>>
        %dma_start3A_103 = tpu.memref_slice %arg7[%mul3A_98] : memref<2560xi32, #tpu.memory_space<vmem>> -> memref<64xi32, #tpu.memory_space<vmem>>
        %dma_start3A_104 = arith.constant 0 : i32
        %dma_start3A_105 = arith.constant 0 : i32
        %dma_start3A_106 = tpu.memref_slice %arg9[%dma_start3A_104, %dma_start3A_105] : memref<10240x128xf32, #tpu.memory_space<vmem_shared>> -> memref<10240x128xf32, #tpu.memory_space<vmem_shared>>
        tpu.enqueue_indirect_dma source(%dma_start3A_102 : memref<64x128xf32, #tpu.memory_space<vmem>>) target(%dma_start3A_106 : memref<10240x128xf32, #tpu.memory_space<vmem_shared>>) offsets(%dma_start3A_103 : memref<64xi32, #tpu.memory_space<vmem>>) semaphore(%arg11 : memref<!tpu.dma_semaphore, #tpu.memory_space<semaphore_mem>>) {add = true}
        %ge3A = arith.constant 1 : i32
        %ge3A_107 = arith.cmpi sge, %scan3A_81, %ge3A : i32
        %convert_element_type3A_108 = arith.extui %ge3A_107 : i1 to i32
        %cond3A_109 = arith.constant 0 : i32
        %cond3A_110 = arith.cmpi ne, %convert_element_type3A_108, %cond3A_109 : i32
        scf.if %cond3A_110 {
          %dma_wait3A_118 = arith.constant 0 : i32
          %dma_wait3A_119 = arith.constant 0 : i32
          %dma_wait3A_120 = arith.constant 0 : i32
          %dma_wait3A_121 = tpu.memref_slice %arg8[%dma_wait3A_118, %dma_wait3A_119, %dma_wait3A_120] : memref<4x64x128xf32, #tpu.memory_space<vmem>> -> memref<1x64x128xf32, #tpu.memory_space<vmem>>
          %dma_wait3A_122 = tpu.memref_squeeze %dma_wait3A_121 : memref<1x64x128xf32, #tpu.memory_space<vmem>> -> memref<64x128xf32, #tpu.memory_space<vmem>>
          %dma_wait3A_123 = arith.constant 0 : i32
          %dma_wait3A_124 = arith.constant 0 : i32
          %dma_wait3A_125 = tpu.memref_slice %arg9[%dma_wait3A_123, %dma_wait3A_124] : memref<10240x128xf32, #tpu.memory_space<vmem_shared>> -> memref<64x128xf32, #tpu.memory_space<vmem_shared>>
          %dma_wait3A_126 = arith.constant 0 : i32
          %dma_wait3A_127 = arith.constant 0 : i32
          %dma_wait3A_128 = tpu.memref_slice %arg9[%dma_wait3A_126, %dma_wait3A_127] : memref<10240x128xf32, #tpu.memory_space<vmem_shared>> -> memref<64x128xf32, #tpu.memory_space<vmem_shared>>
          %dma_wait3A_129 = arith.constant 0 : i32
          %dma_wait3A_130 = arith.constant 0 : i32
          %dma_wait3A_131 = tpu.memref_slice %arg8[%dma_wait3A_118, %dma_wait3A_129, %dma_wait3A_130] : memref<4x64x128xf32, #tpu.memory_space<vmem>> -> memref<1x64x128xf32, #tpu.memory_space<vmem>>
          %dma_wait3A_132 = tpu.memref_squeeze %dma_wait3A_131 : memref<1x64x128xf32, #tpu.memory_space<vmem>> -> memref<64x128xf32, #tpu.memory_space<vmem>>
          tpu.wait_dma2 semaphore(%arg11 : memref<!tpu.dma_semaphore, #tpu.memory_space<semaphore_mem>>) src(%dma_wait3A_132 : memref<64x128xf32, #tpu.memory_space<vmem>>) dst(%dma_wait3A_128 : memref<64x128xf32, #tpu.memory_space<vmem_shared>>)
        } else {
        }
        %add3A_111 = arith.constant 3 : i32
        %add3A_112 = arith.addi %scan3A_81, %add3A_111 : i32
        %lt3A_113 = arith.constant 40 : i32
        %lt3A_114 = arith.cmpi slt, %add3A_112, %lt3A_113 : i32
        %convert_element_type3A_115 = arith.extui %lt3A_114 : i1 to i32
        %cond3A_116 = arith.constant 0 : i32
        %cond3A_117 = arith.cmpi ne, %convert_element_type3A_115, %cond3A_116 : i32
        scf.if %cond3A_117 {
          %add3A_118 = arith.constant 3 : i32
          %add3A_119 = arith.addi %scan3A_81, %add3A_118 : i32
          %rem3A_120 = arith.constant 4 : i32
          %rem3A_121 = arith.remsi %add3A_119, %rem3A_120 : i32
          %add3A_122 = arith.constant 3 : i32
          %add3A_123 = arith.addi %scan3A_81, %add3A_122 : i32
          %mul3A_124 = arith.constant 64 : i32
          %mul3A_125 = arith.muli %add3A_123, %mul3A_124 : i32
          %dma_start3A_126 = arith.constant 0 : i32
          %dma_start3A_127 = arith.constant 0 : i32
          %dma_start3A_128 = tpu.memref_slice %arg8[%rem3A_121, %dma_start3A_126, %dma_start3A_127] : memref<4x64x128xf32, #tpu.memory_space<vmem>> -> memref<1x64x128xf32, #tpu.memory_space<vmem>>
          %dma_start3A_129 = tpu.memref_squeeze %dma_start3A_128 : memref<1x64x128xf32, #tpu.memory_space<vmem>> -> memref<64x128xf32, #tpu.memory_space<vmem>>
          %dma_start3A_130 = tpu.memref_slice %arg6[%mul3A_125] : memref<2560xi32, #tpu.memory_space<vmem>> -> memref<64xi32, #tpu.memory_space<vmem>>
          %dma_start3A_131 = arith.constant 0 : i32
          %dma_start3A_132 = arith.constant 0 : i32
          %dma_start3A_133 = tpu.memref_slice %arg2[%dma_start3A_131, %dma_start3A_132] : memref<10240x128xf32, #tpu.memory_space<hbm>> -> memref<10240x128xf32, #tpu.memory_space<hbm>>
          tpu.enqueue_indirect_dma source(%dma_start3A_133 : memref<10240x128xf32, #tpu.memory_space<hbm>>) target(%dma_start3A_129 : memref<64x128xf32, #tpu.memory_space<vmem>>) offsets(%dma_start3A_130 : memref<64xi32, #tpu.memory_space<vmem>>) semaphore(%arg10 : memref<!tpu.dma_semaphore, #tpu.memory_space<semaphore_mem>>)
        } else {
        }
      }
      %scan3A_66 = arith.constant 40 : i32
      %dma_wait3A = arith.constant 0 : i32
      %dma_wait3A_67 = arith.constant 0 : i32
      %dma_wait3A_68 = arith.constant 0 : i32
      %dma_wait3A_69 = tpu.memref_slice %arg8[%dma_wait3A, %dma_wait3A_67, %dma_wait3A_68] : memref<4x64x128xf32, #tpu.memory_space<vmem>> -> memref<1x64x128xf32, #tpu.memory_space<vmem>>
      %dma_wait3A_70 = tpu.memref_squeeze %dma_wait3A_69 : memref<1x64x128xf32, #tpu.memory_space<vmem>> -> memref<64x128xf32, #tpu.memory_space<vmem>>
      %dma_wait3A_71 = arith.constant 0 : i32
      %dma_wait3A_72 = arith.constant 0 : i32
      %dma_wait3A_73 = tpu.memref_slice %arg9[%dma_wait3A_71, %dma_wait3A_72] : memref<10240x128xf32, #tpu.memory_space<vmem_shared>> -> memref<64x128xf32, #tpu.memory_space<vmem_shared>>
      %dma_wait3A_74 = arith.constant 0 : i32
      %dma_wait3A_75 = arith.constant 0 : i32
      %dma_wait3A_76 = tpu.memref_slice %arg9[%dma_wait3A_74, %dma_wait3A_75] : memref<10240x128xf32, #tpu.memory_space<vmem_shared>> -> memref<64x128xf32, #tpu.memory_space<vmem_shared>>
      %dma_wait3A_77 = arith.constant 0 : i32
      %dma_wait3A_78 = arith.constant 0 : i32
      %dma_wait3A_79 = tpu.memref_slice %arg8[%dma_wait3A, %dma_wait3A_77, %dma_wait3A_78] : memref<4x64x128xf32, #tpu.memory_space<vmem>> -> memref<1x64x128xf32, #tpu.memory_space<vmem>>
      %dma_wait3A_80 = tpu.memref_squeeze %dma_wait3A_79 : memref<1x64x128xf32, #tpu.memory_space<vmem>> -> memref<64x128xf32, #tpu.memory_space<vmem>>
      tpu.wait_dma2 semaphore(%arg11 : memref<!tpu.dma_semaphore, #tpu.memory_space<semaphore_mem>>) src(%dma_wait3A_80 : memref<64x128xf32, #tpu.memory_space<vmem>>) dst(%dma_wait3A_76 : memref<64x128xf32, #tpu.memory_space<vmem_shared>>)
    } else {
    }
    %lt3A_20 = arith.constant 31 : i32
    %lt3A_21 = arith.cmpi slt, %add3A, %lt3A_20 : i32
    %or3A_22 = arith.constant false
    %or3A_23 = arith.ori %lt3A_21, %or3A_22 : i1
    %convert_element_type3A_24 = arith.extui %or3A_23 : i1 to i32
    %cond3A_25 = arith.constant 0 : i32
    %cond3A_26 = arith.cmpi ne, %convert_element_type3A_24, %cond3A_25 : i32
    scf.if %cond3A_26 {
      %mul3A_28 = arith.constant 10240 : i32
      %mul3A_29 = arith.muli %add3A, %mul3A_28 : i32
      %add3A_30 = arith.constant 7680 : i32
      %add3A_31 = arith.addi %mul3A_29, %add3A_30 : i32
      %run_scoped3A = arith.constant 0 : i32
      "tpu.region"() ({
        %run_scoped3A_81 = tpu.sem_alloc : memref<!tpu.dma_semaphore, #tpu.memory_space<semaphore_mem>>
        %dma_start3A_82 = tpu.memref_slice %arg3[%run_scoped3A, %add3A_31] : memref<2x320000xi32, #tpu.memory_space<hbm>> -> memref<1x2560xi32, #tpu.memory_space<hbm>>
        %dma_start3A_83 = tpu.memref_squeeze %dma_start3A_82 : memref<1x2560xi32, #tpu.memory_space<hbm>> -> memref<2560xi32, #tpu.memory_space<hbm>>
        %dma_start3A_84 = tpu.memref_slice %arg3[%run_scoped3A, %add3A_31] : memref<2x320000xi32, #tpu.memory_space<hbm>> -> memref<1x2560xi32, #tpu.memory_space<hbm>>
        %dma_start3A_85 = tpu.memref_squeeze %dma_start3A_84 : memref<1x2560xi32, #tpu.memory_space<hbm>> -> memref<2560xi32, #tpu.memory_space<hbm>>
        tpu.enqueue_dma source(%dma_start3A_85 : memref<2560xi32, #tpu.memory_space<hbm>>) target(%arg6 : memref<2560xi32, #tpu.memory_space<vmem>>) target_semaphore(%run_scoped3A_81 : memref<!tpu.dma_semaphore, #tpu.memory_space<semaphore_mem>>)
        %dma_wait3A_86 = tpu.memref_slice %arg3[%run_scoped3A, %add3A_31] : memref<2x320000xi32, #tpu.memory_space<hbm>> -> memref<1x2560xi32, #tpu.memory_space<hbm>>
        %dma_wait3A_87 = tpu.memref_squeeze %dma_wait3A_86 : memref<1x2560xi32, #tpu.memory_space<hbm>> -> memref<2560xi32, #tpu.memory_space<hbm>>
        %dma_wait3A_88 = tpu.memref_slice %arg3[%run_scoped3A, %add3A_31] : memref<2x320000xi32, #tpu.memory_space<hbm>> -> memref<1x2560xi32, #tpu.memory_space<hbm>>
        %dma_wait3A_89 = tpu.memref_squeeze %dma_wait3A_88 : memref<1x2560xi32, #tpu.memory_space<hbm>> -> memref<2560xi32, #tpu.memory_space<hbm>>
        tpu.wait_dma2 semaphore(%run_scoped3A_81 : memref<!tpu.dma_semaphore, #tpu.memory_space<semaphore_mem>>) src(%dma_wait3A_89 : memref<2560xi32, #tpu.memory_space<hbm>>) dst(%arg6 : memref<2560xi32, #tpu.memory_space<vmem>>)
        tpu.yield
      }) : () -> ()
      %run_scoped3A_32 = arith.constant 1 : i32
      "tpu.region"() ({
        %run_scoped3A_81 = tpu.sem_alloc : memref<!tpu.dma_semaphore, #tpu.memory_space<semaphore_mem>>
        %dma_start3A_82 = tpu.memref_slice %arg3[%run_scoped3A_32, %add3A_31] : memref<2x320000xi32, #tpu.memory_space<hbm>> -> memref<1x2560xi32, #tpu.memory_space<hbm>>
        %dma_start3A_83 = tpu.memref_squeeze %dma_start3A_82 : memref<1x2560xi32, #tpu.memory_space<hbm>> -> memref<2560xi32, #tpu.memory_space<hbm>>
        %dma_start3A_84 = tpu.memref_slice %arg3[%run_scoped3A_32, %add3A_31] : memref<2x320000xi32, #tpu.memory_space<hbm>> -> memref<1x2560xi32, #tpu.memory_space<hbm>>
        %dma_start3A_85 = tpu.memref_squeeze %dma_start3A_84 : memref<1x2560xi32, #tpu.memory_space<hbm>> -> memref<2560xi32, #tpu.memory_space<hbm>>
        tpu.enqueue_dma source(%dma_start3A_85 : memref<2560xi32, #tpu.memory_space<hbm>>) target(%arg7 : memref<2560xi32, #tpu.memory_space<vmem>>) target_semaphore(%run_scoped3A_81 : memref<!tpu.dma_semaphore, #tpu.memory_space<semaphore_mem>>)
        %dma_wait3A_86 = tpu.memref_slice %arg3[%run_scoped3A_32, %add3A_31] : memref<2x320000xi32, #tpu.memory_space<hbm>> -> memref<1x2560xi32, #tpu.memory_space<hbm>>
        %dma_wait3A_87 = tpu.memref_squeeze %dma_wait3A_86 : memref<1x2560xi32, #tpu.memory_space<hbm>> -> memref<2560xi32, #tpu.memory_space<hbm>>
        %dma_wait3A_88 = tpu.memref_slice %arg3[%run_scoped3A_32, %add3A_31] : memref<2x320000xi32, #tpu.memory_space<hbm>> -> memref<1x2560xi32, #tpu.memory_space<hbm>>
        %dma_wait3A_89 = tpu.memref_squeeze %dma_wait3A_88 : memref<1x2560xi32, #tpu.memory_space<hbm>> -> memref<2560xi32, #tpu.memory_space<hbm>>
        tpu.wait_dma2 semaphore(%run_scoped3A_81 : memref<!tpu.dma_semaphore, #tpu.memory_space<semaphore_mem>>) src(%dma_wait3A_89 : memref<2560xi32, #tpu.memory_space<hbm>>) dst(%arg7 : memref<2560xi32, #tpu.memory_space<vmem>>)
        tpu.yield
      }) : () -> ()
      %dma_start3A = arith.constant 0 : i32
      %dma_start3A_33 = arith.constant 0 : i32
      %dma_start3A_34 = arith.constant 0 : i32
      %dma_start3A_35 = tpu.memref_slice %arg8[%dma_start3A, %dma_start3A_33, %dma_start3A_34] : memref<4x64x128xf32, #tpu.memory_space<vmem>> -> memref<1x64x128xf32, #tpu.memory_space<vmem>>
      %dma_start3A_36 = tpu.memref_squeeze %dma_start3A_35 : memref<1x64x128xf32, #tpu.memory_space<vmem>> -> memref<64x128xf32, #tpu.memory_space<vmem>>
      %dma_start3A_37 = arith.constant 0 : i32
      %dma_start3A_38 = tpu.memref_slice %arg6[%dma_start3A_37] : memref<2560xi32, #tpu.memory_space<vmem>> -> memref<64xi32, #tpu.memory_space<vmem>>
      %dma_start3A_39 = arith.constant 0 : i32
      %dma_start3A_40 = arith.constant 0 : i32
      %dma_start3A_41 = tpu.memref_slice %arg2[%dma_start3A_39, %dma_start3A_40] : memref<10240x128xf32, #tpu.memory_space<hbm>> -> memref<10240x128xf32, #tpu.memory_space<hbm>>
      tpu.enqueue_indirect_dma source(%dma_start3A_41 : memref<10240x128xf32, #tpu.memory_space<hbm>>) target(%dma_start3A_36 : memref<64x128xf32, #tpu.memory_space<vmem>>) offsets(%dma_start3A_38 : memref<64xi32, #tpu.memory_space<vmem>>) semaphore(%arg10 : memref<!tpu.dma_semaphore, #tpu.memory_space<semaphore_mem>>)
      %dma_start3A_42 = arith.constant 1 : i32
      %dma_start3A_43 = arith.constant 0 : i32
      %dma_start3A_44 = arith.constant 0 : i32
      %dma_start3A_45 = tpu.memref_slice %arg8[%dma_start3A_42, %dma_start3A_43, %dma_start3A_44] : memref<4x64x128xf32, #tpu.memory_space<vmem>> -> memref<1x64x128xf32, #tpu.memory_space<vmem>>
      %dma_start3A_46 = tpu.memref_squeeze %dma_start3A_45 : memref<1x64x128xf32, #tpu.memory_space<vmem>> -> memref<64x128xf32, #tpu.memory_space<vmem>>
      %dma_start3A_47 = arith.constant 64 : i32
      %dma_start3A_48 = tpu.memref_slice %arg6[%dma_start3A_47] : memref<2560xi32, #tpu.memory_space<vmem>> -> memref<64xi32, #tpu.memory_space<vmem>>
      %dma_start3A_49 = arith.constant 0 : i32
      %dma_start3A_50 = arith.constant 0 : i32
      %dma_start3A_51 = tpu.memref_slice %arg2[%dma_start3A_49, %dma_start3A_50] : memref<10240x128xf32, #tpu.memory_space<hbm>> -> memref<10240x128xf32, #tpu.memory_space<hbm>>
      tpu.enqueue_indirect_dma source(%dma_start3A_51 : memref<10240x128xf32, #tpu.memory_space<hbm>>) target(%dma_start3A_46 : memref<64x128xf32, #tpu.memory_space<vmem>>) offsets(%dma_start3A_48 : memref<64xi32, #tpu.memory_space<vmem>>) semaphore(%arg10 : memref<!tpu.dma_semaphore, #tpu.memory_space<semaphore_mem>>)
      %dma_start3A_52 = arith.constant 2 : i32
      %dma_start3A_53 = arith.constant 0 : i32
      %dma_start3A_54 = arith.constant 0 : i32
      %dma_start3A_55 = tpu.memref_slice %arg8[%dma_start3A_52, %dma_start3A_53, %dma_start3A_54] : memref<4x64x128xf32, #tpu.memory_space<vmem>> -> memref<1x64x128xf32, #tpu.memory_space<vmem>>
      %dma_start3A_56 = tpu.memref_squeeze %dma_start3A_55 : memref<1x64x128xf32, #tpu.memory_space<vmem>> -> memref<64x128xf32, #tpu.memory_space<vmem>>
      %dma_start3A_57 = arith.constant 128 : i32
      %dma_start3A_58 = tpu.memref_slice %arg6[%dma_start3A_57] : memref<2560xi32, #tpu.memory_space<vmem>> -> memref<64xi32, #tpu.memory_space<vmem>>
      %dma_start3A_59 = arith.constant 0 : i32
      %dma_start3A_60 = arith.constant 0 : i32
      %dma_start3A_61 = tpu.memref_slice %arg2[%dma_start3A_59, %dma_start3A_60] : memref<10240x128xf32, #tpu.memory_space<hbm>> -> memref<10240x128xf32, #tpu.memory_space<hbm>>
      tpu.enqueue_indirect_dma source(%dma_start3A_61 : memref<10240x128xf32, #tpu.memory_space<hbm>>) target(%dma_start3A_56 : memref<64x128xf32, #tpu.memory_space<vmem>>) offsets(%dma_start3A_58 : memref<64xi32, #tpu.memory_space<vmem>>) semaphore(%arg10 : memref<!tpu.dma_semaphore, #tpu.memory_space<semaphore_mem>>)
      %scan3A = arith.constant 0 : i32
      %scan3A_62 = arith.constant 0 : i32
      %scan3A_63 = arith.constant 40 : i32
      %scan3A_64 = arith.addi %scan3A_62, %scan3A_63 : i32
      %scan3A_65 = arith.constant 1 : i32
      scf.for %scan3A_81 = %scan3A_62 to %scan3A_64 step %scan3A_65  : i32 {
        %rem3A = arith.constant 4 : i32
        %rem3A_82 = arith.remsi %scan3A_81, %rem3A : i32
        %dma_wait3A_83 = arith.constant 0 : i32
        %dma_wait3A_84 = arith.constant 0 : i32
        %dma_wait3A_85 = tpu.memref_slice %arg8[%rem3A_82, %dma_wait3A_83, %dma_wait3A_84] : memref<4x64x128xf32, #tpu.memory_space<vmem>> -> memref<1x64x128xf32, #tpu.memory_space<vmem>>
        %dma_wait3A_86 = tpu.memref_squeeze %dma_wait3A_85 : memref<1x64x128xf32, #tpu.memory_space<vmem>> -> memref<64x128xf32, #tpu.memory_space<vmem>>
        %dma_wait3A_87 = arith.constant 0 : i32
        %dma_wait3A_88 = arith.constant 0 : i32
        %dma_wait3A_89 = tpu.memref_slice %arg2[%dma_wait3A_87, %dma_wait3A_88] : memref<10240x128xf32, #tpu.memory_space<hbm>> -> memref<64x128xf32, #tpu.memory_space<hbm>>
        %dma_wait3A_90 = arith.constant 0 : i32
        %dma_wait3A_91 = arith.constant 0 : i32
        %dma_wait3A_92 = tpu.memref_slice %arg8[%rem3A_82, %dma_wait3A_90, %dma_wait3A_91] : memref<4x64x128xf32, #tpu.memory_space<vmem>> -> memref<1x64x128xf32, #tpu.memory_space<vmem>>
        %dma_wait3A_93 = tpu.memref_squeeze %dma_wait3A_92 : memref<1x64x128xf32, #tpu.memory_space<vmem>> -> memref<64x128xf32, #tpu.memory_space<vmem>>
        %dma_wait3A_94 = arith.constant 0 : i32
        %dma_wait3A_95 = arith.constant 0 : i32
        %dma_wait3A_96 = tpu.memref_slice %arg2[%dma_wait3A_94, %dma_wait3A_95] : memref<10240x128xf32, #tpu.memory_space<hbm>> -> memref<64x128xf32, #tpu.memory_space<hbm>>
        tpu.wait_dma2 semaphore(%arg10 : memref<!tpu.dma_semaphore, #tpu.memory_space<semaphore_mem>>) src(%dma_wait3A_96 : memref<64x128xf32, #tpu.memory_space<hbm>>) dst(%dma_wait3A_93 : memref<64x128xf32, #tpu.memory_space<vmem>>)
        %mul3A_97 = arith.constant 64 : i32
        %mul3A_98 = arith.muli %scan3A_81, %mul3A_97 : i32
        %dma_start3A_99 = arith.constant 0 : i32
        %dma_start3A_100 = arith.constant 0 : i32
        %dma_start3A_101 = tpu.memref_slice %arg8[%rem3A_82, %dma_start3A_99, %dma_start3A_100] : memref<4x64x128xf32, #tpu.memory_space<vmem>> -> memref<1x64x128xf32, #tpu.memory_space<vmem>>
        %dma_start3A_102 = tpu.memref_squeeze %dma_start3A_101 : memref<1x64x128xf32, #tpu.memory_space<vmem>> -> memref<64x128xf32, #tpu.memory_space<vmem>>
        %dma_start3A_103 = tpu.memref_slice %arg7[%mul3A_98] : memref<2560xi32, #tpu.memory_space<vmem>> -> memref<64xi32, #tpu.memory_space<vmem>>
        %dma_start3A_104 = arith.constant 0 : i32
        %dma_start3A_105 = arith.constant 0 : i32
        %dma_start3A_106 = tpu.memref_slice %arg9[%dma_start3A_104, %dma_start3A_105] : memref<10240x128xf32, #tpu.memory_space<vmem_shared>> -> memref<10240x128xf32, #tpu.memory_space<vmem_shared>>
        tpu.enqueue_indirect_dma source(%dma_start3A_102 : memref<64x128xf32, #tpu.memory_space<vmem>>) target(%dma_start3A_106 : memref<10240x128xf32, #tpu.memory_space<vmem_shared>>) offsets(%dma_start3A_103 : memref<64xi32, #tpu.memory_space<vmem>>) semaphore(%arg11 : memref<!tpu.dma_semaphore, #tpu.memory_space<semaphore_mem>>) {add = true}
        %ge3A = arith.constant 1 : i32
        %ge3A_107 = arith.cmpi sge, %scan3A_81, %ge3A : i32
        %convert_element_type3A_108 = arith.extui %ge3A_107 : i1 to i32
        %cond3A_109 = arith.constant 0 : i32
        %cond3A_110 = arith.cmpi ne, %convert_element_type3A_108, %cond3A_109 : i32
        scf.if %cond3A_110 {
          %dma_wait3A_118 = arith.constant 0 : i32
          %dma_wait3A_119 = arith.constant 0 : i32
          %dma_wait3A_120 = arith.constant 0 : i32
          %dma_wait3A_121 = tpu.memref_slice %arg8[%dma_wait3A_118, %dma_wait3A_119, %dma_wait3A_120] : memref<4x64x128xf32, #tpu.memory_space<vmem>> -> memref<1x64x128xf32, #tpu.memory_space<vmem>>
          %dma_wait3A_122 = tpu.memref_squeeze %dma_wait3A_121 : memref<1x64x128xf32, #tpu.memory_space<vmem>> -> memref<64x128xf32, #tpu.memory_space<vmem>>
          %dma_wait3A_123 = arith.constant 0 : i32
          %dma_wait3A_124 = arith.constant 0 : i32
          %dma_wait3A_125 = tpu.memref_slice %arg9[%dma_wait3A_123, %dma_wait3A_124] : memref<10240x128xf32, #tpu.memory_space<vmem_shared>> -> memref<64x128xf32, #tpu.memory_space<vmem_shared>>
          %dma_wait3A_126 = arith.constant 0 : i32
          %dma_wait3A_127 = arith.constant 0 : i32
          %dma_wait3A_128 = tpu.memref_slice %arg9[%dma_wait3A_126, %dma_wait3A_127] : memref<10240x128xf32, #tpu.memory_space<vmem_shared>> -> memref<64x128xf32, #tpu.memory_space<vmem_shared>>
          %dma_wait3A_129 = arith.constant 0 : i32
          %dma_wait3A_130 = arith.constant 0 : i32
          %dma_wait3A_131 = tpu.memref_slice %arg8[%dma_wait3A_118, %dma_wait3A_129, %dma_wait3A_130] : memref<4x64x128xf32, #tpu.memory_space<vmem>> -> memref<1x64x128xf32, #tpu.memory_space<vmem>>
          %dma_wait3A_132 = tpu.memref_squeeze %dma_wait3A_131 : memref<1x64x128xf32, #tpu.memory_space<vmem>> -> memref<64x128xf32, #tpu.memory_space<vmem>>
          tpu.wait_dma2 semaphore(%arg11 : memref<!tpu.dma_semaphore, #tpu.memory_space<semaphore_mem>>) src(%dma_wait3A_132 : memref<64x128xf32, #tpu.memory_space<vmem>>) dst(%dma_wait3A_128 : memref<64x128xf32, #tpu.memory_space<vmem_shared>>)
        } else {
        }
        %add3A_111 = arith.constant 3 : i32
        %add3A_112 = arith.addi %scan3A_81, %add3A_111 : i32
        %lt3A_113 = arith.constant 40 : i32
        %lt3A_114 = arith.cmpi slt, %add3A_112, %lt3A_113 : i32
        %convert_element_type3A_115 = arith.extui %lt3A_114 : i1 to i32
        %cond3A_116 = arith.constant 0 : i32
        %cond3A_117 = arith.cmpi ne, %convert_element_type3A_115, %cond3A_116 : i32
        scf.if %cond3A_117 {
          %add3A_118 = arith.constant 3 : i32
          %add3A_119 = arith.addi %scan3A_81, %add3A_118 : i32
          %rem3A_120 = arith.constant 4 : i32
          %rem3A_121 = arith.remsi %add3A_119, %rem3A_120 : i32
          %add3A_122 = arith.constant 3 : i32
          %add3A_123 = arith.addi %scan3A_81, %add3A_122 : i32
          %mul3A_124 = arith.constant 64 : i32
          %mul3A_125 = arith.muli %add3A_123, %mul3A_124 : i32
          %dma_start3A_126 = arith.constant 0 : i32
          %dma_start3A_127 = arith.constant 0 : i32
          %dma_start3A_128 = tpu.memref_slice %arg8[%rem3A_121, %dma_start3A_126, %dma_start3A_127] : memref<4x64x128xf32, #tpu.memory_space<vmem>> -> memref<1x64x128xf32, #tpu.memory_space<vmem>>
          %dma_start3A_129 = tpu.memref_squeeze %dma_start3A_128 : memref<1x64x128xf32, #tpu.memory_space<vmem>> -> memref<64x128xf32, #tpu.memory_space<vmem>>
          %dma_start3A_130 = tpu.memref_slice %arg6[%mul3A_125] : memref<2560xi32, #tpu.memory_space<vmem>> -> memref<64xi32, #tpu.memory_space<vmem>>
          %dma_start3A_131 = arith.constant 0 : i32
          %dma_start3A_132 = arith.constant 0 : i32
          %dma_start3A_133 = tpu.memref_slice %arg2[%dma_start3A_131, %dma_start3A_132] : memref<10240x128xf32, #tpu.memory_space<hbm>> -> memref<10240x128xf32, #tpu.memory_space<hbm>>
          tpu.enqueue_indirect_dma source(%dma_start3A_133 : memref<10240x128xf32, #tpu.memory_space<hbm>>) target(%dma_start3A_129 : memref<64x128xf32, #tpu.memory_space<vmem>>) offsets(%dma_start3A_130 : memref<64xi32, #tpu.memory_space<vmem>>) semaphore(%arg10 : memref<!tpu.dma_semaphore, #tpu.memory_space<semaphore_mem>>)
        } else {
        }
      }
      %scan3A_66 = arith.constant 40 : i32
      %dma_wait3A = arith.constant 0 : i32
      %dma_wait3A_67 = arith.constant 0 : i32
      %dma_wait3A_68 = arith.constant 0 : i32
      %dma_wait3A_69 = tpu.memref_slice %arg8[%dma_wait3A, %dma_wait3A_67, %dma_wait3A_68] : memref<4x64x128xf32, #tpu.memory_space<vmem>> -> memref<1x64x128xf32, #tpu.memory_space<vmem>>
      %dma_wait3A_70 = tpu.memref_squeeze %dma_wait3A_69 : memref<1x64x128xf32, #tpu.memory_space<vmem>> -> memref<64x128xf32, #tpu.memory_space<vmem>>
      %dma_wait3A_71 = arith.constant 0 : i32
      %dma_wait3A_72 = arith.constant 0 : i32
      %dma_wait3A_73 = tpu.memref_slice %arg9[%dma_wait3A_71, %dma_wait3A_72] : memref<10240x128xf32, #tpu.memory_space<vmem_shared>> -> memref<64x128xf32, #tpu.memory_space<vmem_shared>>
      %dma_wait3A_74 = arith.constant 0 : i32
      %dma_wait3A_75 = arith.constant 0 : i32
      %dma_wait3A_76 = tpu.memref_slice %arg9[%dma_wait3A_74, %dma_wait3A_75] : memref<10240x128xf32, #tpu.memory_space<vmem_shared>> -> memref<64x128xf32, #tpu.memory_space<vmem_shared>>
      %dma_wait3A_77 = arith.constant 0 : i32
      %dma_wait3A_78 = arith.constant 0 : i32
      %dma_wait3A_79 = tpu.memref_slice %arg8[%dma_wait3A, %dma_wait3A_77, %dma_wait3A_78] : memref<4x64x128xf32, #tpu.memory_space<vmem>> -> memref<1x64x128xf32, #tpu.memory_space<vmem>>
      %dma_wait3A_80 = tpu.memref_squeeze %dma_wait3A_79 : memref<1x64x128xf32, #tpu.memory_space<vmem>> -> memref<64x128xf32, #tpu.memory_space<vmem>>
      tpu.wait_dma2 semaphore(%arg11 : memref<!tpu.dma_semaphore, #tpu.memory_space<semaphore_mem>>) src(%dma_wait3A_80 : memref<64x128xf32, #tpu.memory_space<vmem>>) dst(%dma_wait3A_76 : memref<64x128xf32, #tpu.memory_space<vmem_shared>>)
    } else {
    }
    %barrier3A_27 = arith.constant 0 : index
    tpu.barrier barrier_id(%barrier3A_27)
    "tpu.region"() ({
      %run_scoped3A = tpu.sem_alloc : memref<!tpu.dma_semaphore, #tpu.memory_space<semaphore_mem>>
      %dma_start3A = arith.constant 0 : i32
      %dma_start3A_28 = tpu.memref_slice %arg5[%arg0, %mul3A_2, %dma_start3A] : memref<2x10240x128xf32, #tpu.memory_space<hbm>> -> memref<1x640x128xf32, #tpu.memory_space<hbm>>
      %dma_start3A_29 = tpu.memref_squeeze %dma_start3A_28 : memref<1x640x128xf32, #tpu.memory_space<hbm>> -> memref<640x128xf32, #tpu.memory_space<hbm>>
      %dma_start3A_30 = arith.constant 0 : i32
      %dma_start3A_31 = tpu.memref_slice %arg9[%mul3A_2, %dma_start3A_30] : memref<10240x128xf32, #tpu.memory_space<vmem_shared>> -> memref<640x128xf32, #tpu.memory_space<vmem_shared>>
      tpu.enqueue_dma source(%dma_start3A_31 : memref<640x128xf32, #tpu.memory_space<vmem_shared>>) target(%dma_start3A_29 : memref<640x128xf32, #tpu.memory_space<hbm>>) target_semaphore(%run_scoped3A : memref<!tpu.dma_semaphore, #tpu.memory_space<semaphore_mem>>)
      %dma_wait3A = arith.constant 0 : i32
      %dma_wait3A_32 = tpu.memref_slice %arg5[%arg0, %mul3A_2, %dma_wait3A] : memref<2x10240x128xf32, #tpu.memory_space<hbm>> -> memref<1x640x128xf32, #tpu.memory_space<hbm>>
      %dma_wait3A_33 = tpu.memref_squeeze %dma_wait3A_32 : memref<1x640x128xf32, #tpu.memory_space<hbm>> -> memref<640x128xf32, #tpu.memory_space<hbm>>
      %dma_wait3A_34 = arith.constant 0 : i32
      %dma_wait3A_35 = tpu.memref_slice %arg9[%mul3A_2, %dma_wait3A_34] : memref<10240x128xf32, #tpu.memory_space<vmem_shared>> -> memref<640x128xf32, #tpu.memory_space<vmem_shared>>
      tpu.wait_dma2 semaphore(%run_scoped3A : memref<!tpu.dma_semaphore, #tpu.memory_space<semaphore_mem>>) src(%dma_wait3A_35 : memref<640x128xf32, #tpu.memory_space<vmem_shared>>) dst(%dma_wait3A_33 : memref<640x128xf32, #tpu.memory_space<hbm>>)
      tpu.yield
    }) : () -> ()
    return
  }
}

#map = affine_map<(d0, d1) -> (0, 0)>
#map1 = affine_map<(d0, d1) -> (0, 0, 0)>
module attributes {stable_mosaic.version = 14 : i64} {
  func.func @_spmm_body(%arg0: i32, %arg1: i32, %arg2: memref<10240x128xf32, #tpu.memory_space<hbm>>, %arg3: memref<2x320000xi32, #tpu.memory_space<hbm>>, %arg4: memref<640x128xf32, #tpu.memory_space<hbm>>, %arg5: memref<2x10240x128xf32, #tpu.memory_space<hbm>>, %arg6: memref<2560xi32, #tpu.memory_space<vmem>>, %arg7: memref<2560xi32, #tpu.memory_space<vmem>>, %arg8: memref<4x64x128xf32, #tpu.memory_space<vmem>>, %arg9: memref<10240x128xf32, #tpu.memory_space<vmem_shared>>, %arg10: memref<!tpu.dma_semaphore, #tpu.memory_space<semaphore_mem>>, %arg11: memref<!tpu.dma_semaphore, #tpu.memory_space<semaphore_mem>>) attributes {dimension_semantics = [#tpu.dimension_semantics<core_parallel>, #tpu.dimension_semantics<subcore_parallel>], iteration_bounds = array<i64: 2, 16>, scalar_prefetch = 0 : i64, scratch_operands = 6 : i64, tpu.core_type = #tpu.core_type<sc_vector_subcore>, window_params = [{transform_indices = #map}, {transform_indices = #map}, {transform_indices = #map}, {transform_indices = #map1}]} {
    %mul3A = arith.constant 16 : i32
    %mul3A_0 = arith.muli %arg0, %mul3A : i32
    %add3A = arith.addi %mul3A_0, %arg1 : i32
    %mul3A_1 = arith.constant 640 : i32
    %mul3A_2 = arith.muli %arg1, %mul3A_1 : i32
    "tpu.region"() ({
      %run_scoped3A = tpu.sem_alloc : memref<!tpu.dma_semaphore, #tpu.memory_space<semaphore_mem>>
      %dma_start3A = arith.constant 0 : i32
      %dma_start3A_28 = tpu.memref_slice %arg9[%mul3A_2, %dma_start3A] : memref<10240x128xf32, #tpu.memory_space<vmem_shared>> -> memref<640x128xf32, #tpu.memory_space<vmem_shared>>
      tpu.enqueue_dma source(%arg4 : memref<640x128xf32, #tpu.memory_space<hbm>>) target(%dma_start3A_28 : memref<640x128xf32, #tpu.memory_space<vmem_shared>>) target_semaphore(%run_scoped3A : memref<!tpu.dma_semaphore, #tpu.memory_space<semaphore_mem>>)
      %dma_wait3A = arith.constant 0 : i32
      %dma_wait3A_29 = tpu.memref_slice %arg9[%mul3A_2, %dma_wait3A] : memref<10240x128xf32, #tpu.memory_space<vmem_shared>> -> memref<640x128xf32, #tpu.memory_space<vmem_shared>>
      tpu.wait_dma2 semaphore(%run_scoped3A : memref<!tpu.dma_semaphore, #tpu.memory_space<semaphore_mem>>) src(%arg4 : memref<640x128xf32, #tpu.memory_space<hbm>>) dst(%dma_wait3A_29 : memref<640x128xf32, #tpu.memory_space<vmem_shared>>)
      tpu.yield
    }) : () -> ()
    %barrier3A = arith.constant 0 : index
    tpu.barrier barrier_id(%barrier3A)
    %lt3A = arith.constant 31 : i32
    %lt3A_3 = arith.cmpi slt, %add3A, %lt3A : i32
    %or3A = arith.constant true
    %or3A_4 = arith.ori %lt3A_3, %or3A : i1
    %convert_element_type3A = arith.extui %or3A_4 : i1 to i32
    %cond3A = arith.constant 0 : i32
    %cond3A_5 = arith.cmpi ne, %convert_element_type3A, %cond3A : i32
    scf.if %cond3A_5 {
      %mul3A_28 = arith.constant 10240 : i32
      %mul3A_29 = arith.muli %add3A, %mul3A_28 : i32
      %add3A_30 = arith.constant 0 : i32
      %add3A_31 = arith.addi %mul3A_29, %add3A_30 : i32
      %run_scoped3A = arith.constant 0 : i32
      "tpu.region"() ({
        %run_scoped3A_81 = tpu.sem_alloc : memref<!tpu.dma_semaphore, #tpu.memory_space<semaphore_mem>>
        %dma_start3A_82 = tpu.memref_slice %arg3[%run_scoped3A, %add3A_31] : memref<2x320000xi32, #tpu.memory_space<hbm>> -> memref<1x2560xi32, #tpu.memory_space<hbm>>
        %dma_start3A_83 = tpu.memref_squeeze %dma_start3A_82 : memref<1x2560xi32, #tpu.memory_space<hbm>> -> memref<2560xi32, #tpu.memory_space<hbm>>
        %dma_start3A_84 = tpu.memref_slice %arg3[%run_scoped3A, %add3A_31] : memref<2x320000xi32, #tpu.memory_space<hbm>> -> memref<1x2560xi32, #tpu.memory_space<hbm>>
        %dma_start3A_85 = tpu.memref_squeeze %dma_start3A_84 : memref<1x2560xi32, #tpu.memory_space<hbm>> -> memref<2560xi32, #tpu.memory_space<hbm>>
        tpu.enqueue_dma source(%dma_start3A_85 : memref<2560xi32, #tpu.memory_space<hbm>>) target(%arg6 : memref<2560xi32, #tpu.memory_space<vmem>>) target_semaphore(%run_scoped3A_81 : memref<!tpu.dma_semaphore, #tpu.memory_space<semaphore_mem>>)
        %dma_wait3A_86 = tpu.memref_slice %arg3[%run_scoped3A, %add3A_31] : memref<2x320000xi32, #tpu.memory_space<hbm>> -> memref<1x2560xi32, #tpu.memory_space<hbm>>
        %dma_wait3A_87 = tpu.memref_squeeze %dma_wait3A_86 : memref<1x2560xi32, #tpu.memory_space<hbm>> -> memref<2560xi32, #tpu.memory_space<hbm>>
        %dma_wait3A_88 = tpu.memref_slice %arg3[%run_scoped3A, %add3A_31] : memref<2x320000xi32, #tpu.memory_space<hbm>> -> memref<1x2560xi32, #tpu.memory_space<hbm>>
        %dma_wait3A_89 = tpu.memref_squeeze %dma_wait3A_88 : memref<1x2560xi32, #tpu.memory_space<hbm>> -> memref<2560xi32, #tpu.memory_space<hbm>>
        tpu.wait_dma2 semaphore(%run_scoped3A_81 : memref<!tpu.dma_semaphore, #tpu.memory_space<semaphore_mem>>) src(%dma_wait3A_89 : memref<2560xi32, #tpu.memory_space<hbm>>) dst(%arg6 : memref<2560xi32, #tpu.memory_space<vmem>>)
        tpu.yield
      }) : () -> ()
      %run_scoped3A_32 = arith.constant 1 : i32
      "tpu.region"() ({
        %run_scoped3A_81 = tpu.sem_alloc : memref<!tpu.dma_semaphore, #tpu.memory_space<semaphore_mem>>
        %dma_start3A_82 = tpu.memref_slice %arg3[%run_scoped3A_32, %add3A_31] : memref<2x320000xi32, #tpu.memory_space<hbm>> -> memref<1x2560xi32, #tpu.memory_space<hbm>>
        %dma_start3A_83 = tpu.memref_squeeze %dma_start3A_82 : memref<1x2560xi32, #tpu.memory_space<hbm>> -> memref<2560xi32, #tpu.memory_space<hbm>>
        %dma_start3A_84 = tpu.memref_slice %arg3[%run_scoped3A_32, %add3A_31] : memref<2x320000xi32, #tpu.memory_space<hbm>> -> memref<1x2560xi32, #tpu.memory_space<hbm>>
        %dma_start3A_85 = tpu.memref_squeeze %dma_start3A_84 : memref<1x2560xi32, #tpu.memory_space<hbm>> -> memref<2560xi32, #tpu.memory_space<hbm>>
        tpu.enqueue_dma source(%dma_start3A_85 : memref<2560xi32, #tpu.memory_space<hbm>>) target(%arg7 : memref<2560xi32, #tpu.memory_space<vmem>>) target_semaphore(%run_scoped3A_81 : memref<!tpu.dma_semaphore, #tpu.memory_space<semaphore_mem>>)
        %dma_wait3A_86 = tpu.memref_slice %arg3[%run_scoped3A_32, %add3A_31] : memref<2x320000xi32, #tpu.memory_space<hbm>> -> memref<1x2560xi32, #tpu.memory_space<hbm>>
        %dma_wait3A_87 = tpu.memref_squeeze %dma_wait3A_86 : memref<1x2560xi32, #tpu.memory_space<hbm>> -> memref<2560xi32, #tpu.memory_space<hbm>>
        %dma_wait3A_88 = tpu.memref_slice %arg3[%run_scoped3A_32, %add3A_31] : memref<2x320000xi32, #tpu.memory_space<hbm>> -> memref<1x2560xi32, #tpu.memory_space<hbm>>
        %dma_wait3A_89 = tpu.memref_squeeze %dma_wait3A_88 : memref<1x2560xi32, #tpu.memory_space<hbm>> -> memref<2560xi32, #tpu.memory_space<hbm>>
        tpu.wait_dma2 semaphore(%run_scoped3A_81 : memref<!tpu.dma_semaphore, #tpu.memory_space<semaphore_mem>>) src(%dma_wait3A_89 : memref<2560xi32, #tpu.memory_space<hbm>>) dst(%arg7 : memref<2560xi32, #tpu.memory_space<vmem>>)
        tpu.yield
      }) : () -> ()
      %dma_start3A = arith.constant 0 : i32
      %dma_start3A_33 = arith.constant 0 : i32
      %dma_start3A_34 = arith.constant 0 : i32
      %dma_start3A_35 = tpu.memref_slice %arg8[%dma_start3A, %dma_start3A_33, %dma_start3A_34] : memref<4x64x128xf32, #tpu.memory_space<vmem>> -> memref<1x64x128xf32, #tpu.memory_space<vmem>>
      %dma_start3A_36 = tpu.memref_squeeze %dma_start3A_35 : memref<1x64x128xf32, #tpu.memory_space<vmem>> -> memref<64x128xf32, #tpu.memory_space<vmem>>
      %dma_start3A_37 = arith.constant 0 : i32
      %dma_start3A_38 = tpu.memref_slice %arg6[%dma_start3A_37] : memref<2560xi32, #tpu.memory_space<vmem>> -> memref<64xi32, #tpu.memory_space<vmem>>
      %dma_start3A_39 = arith.constant 0 : i32
      %dma_start3A_40 = arith.constant 0 : i32
      %dma_start3A_41 = tpu.memref_slice %arg2[%dma_start3A_39, %dma_start3A_40] : memref<10240x128xf32, #tpu.memory_space<hbm>> -> memref<10240x128xf32, #tpu.memory_space<hbm>>
      tpu.enqueue_indirect_dma source(%dma_start3A_41 : memref<10240x128xf32, #tpu.memory_space<hbm>>) target(%dma_start3A_36 : memref<64x128xf32, #tpu.memory_space<vmem>>) offsets(%dma_start3A_38 : memref<64xi32, #tpu.memory_space<vmem>>) semaphore(%arg10 : memref<!tpu.dma_semaphore, #tpu.memory_space<semaphore_mem>>)
      %dma_start3A_42 = arith.constant 1 : i32
      %dma_start3A_43 = arith.constant 0 : i32
      %dma_start3A_44 = arith.constant 0 : i32
      %dma_start3A_45 = tpu.memref_slice %arg8[%dma_start3A_42, %dma_start3A_43, %dma_start3A_44] : memref<4x64x128xf32, #tpu.memory_space<vmem>> -> memref<1x64x128xf32, #tpu.memory_space<vmem>>
      %dma_start3A_46 = tpu.memref_squeeze %dma_start3A_45 : memref<1x64x128xf32, #tpu.memory_space<vmem>> -> memref<64x128xf32, #tpu.memory_space<vmem>>
      %dma_start3A_47 = arith.constant 64 : i32
      %dma_start3A_48 = tpu.memref_slice %arg6[%dma_start3A_47] : memref<2560xi32, #tpu.memory_space<vmem>> -> memref<64xi32, #tpu.memory_space<vmem>>
      %dma_start3A_49 = arith.constant 0 : i32
      %dma_start3A_50 = arith.constant 0 : i32
      %dma_start3A_51 = tpu.memref_slice %arg2[%dma_start3A_49, %dma_start3A_50] : memref<10240x128xf32, #tpu.memory_space<hbm>> -> memref<10240x128xf32, #tpu.memory_space<hbm>>
      tpu.enqueue_indirect_dma source(%dma_start3A_51 : memref<10240x128xf32, #tpu.memory_space<hbm>>) target(%dma_start3A_46 : memref<64x128xf32, #tpu.memory_space<vmem>>) offsets(%dma_start3A_48 : memref<64xi32, #tpu.memory_space<vmem>>) semaphore(%arg10 : memref<!tpu.dma_semaphore, #tpu.memory_space<semaphore_mem>>)
      %dma_start3A_52 = arith.constant 2 : i32
      %dma_start3A_53 = arith.constant 0 : i32
      %dma_start3A_54 = arith.constant 0 : i32
      %dma_start3A_55 = tpu.memref_slice %arg8[%dma_start3A_52, %dma_start3A_53, %dma_start3A_54] : memref<4x64x128xf32, #tpu.memory_space<vmem>> -> memref<1x64x128xf32, #tpu.memory_space<vmem>>
      %dma_start3A_56 = tpu.memref_squeeze %dma_start3A_55 : memref<1x64x128xf32, #tpu.memory_space<vmem>> -> memref<64x128xf32, #tpu.memory_space<vmem>>
      %dma_start3A_57 = arith.constant 128 : i32
      %dma_start3A_58 = tpu.memref_slice %arg6[%dma_start3A_57] : memref<2560xi32, #tpu.memory_space<vmem>> -> memref<64xi32, #tpu.memory_space<vmem>>
      %dma_start3A_59 = arith.constant 0 : i32
      %dma_start3A_60 = arith.constant 0 : i32
      %dma_start3A_61 = tpu.memref_slice %arg2[%dma_start3A_59, %dma_start3A_60] : memref<10240x128xf32, #tpu.memory_space<hbm>> -> memref<10240x128xf32, #tpu.memory_space<hbm>>
      tpu.enqueue_indirect_dma source(%dma_start3A_61 : memref<10240x128xf32, #tpu.memory_space<hbm>>) target(%dma_start3A_56 : memref<64x128xf32, #tpu.memory_space<vmem>>) offsets(%dma_start3A_58 : memref<64xi32, #tpu.memory_space<vmem>>) semaphore(%arg10 : memref<!tpu.dma_semaphore, #tpu.memory_space<semaphore_mem>>)
      %scan3A = arith.constant 0 : i32
      %scan3A_62 = arith.constant 0 : i32
      %scan3A_63 = arith.constant 40 : i32
      %scan3A_64 = arith.addi %scan3A_62, %scan3A_63 : i32
      %scan3A_65 = arith.constant 1 : i32
      scf.for %scan3A_81 = %scan3A_62 to %scan3A_64 step %scan3A_65  : i32 {
        %rem3A = arith.constant 4 : i32
        %rem3A_82 = arith.remsi %scan3A_81, %rem3A : i32
        %dma_wait3A_83 = arith.constant 0 : i32
        %dma_wait3A_84 = arith.constant 0 : i32
        %dma_wait3A_85 = tpu.memref_slice %arg8[%rem3A_82, %dma_wait3A_83, %dma_wait3A_84] : memref<4x64x128xf32, #tpu.memory_space<vmem>> -> memref<1x64x128xf32, #tpu.memory_space<vmem>>
        %dma_wait3A_86 = tpu.memref_squeeze %dma_wait3A_85 : memref<1x64x128xf32, #tpu.memory_space<vmem>> -> memref<64x128xf32, #tpu.memory_space<vmem>>
        %dma_wait3A_87 = arith.constant 0 : i32
        %dma_wait3A_88 = arith.constant 0 : i32
        %dma_wait3A_89 = tpu.memref_slice %arg2[%dma_wait3A_87, %dma_wait3A_88] : memref<10240x128xf32, #tpu.memory_space<hbm>> -> memref<64x128xf32, #tpu.memory_space<hbm>>
        %dma_wait3A_90 = arith.constant 0 : i32
        %dma_wait3A_91 = arith.constant 0 : i32
        %dma_wait3A_92 = tpu.memref_slice %arg8[%rem3A_82, %dma_wait3A_90, %dma_wait3A_91] : memref<4x64x128xf32, #tpu.memory_space<vmem>> -> memref<1x64x128xf32, #tpu.memory_space<vmem>>
        %dma_wait3A_93 = tpu.memref_squeeze %dma_wait3A_92 : memref<1x64x128xf32, #tpu.memory_space<vmem>> -> memref<64x128xf32, #tpu.memory_space<vmem>>
        %dma_wait3A_94 = arith.constant 0 : i32
        %dma_wait3A_95 = arith.constant 0 : i32
        %dma_wait3A_96 = tpu.memref_slice %arg2[%dma_wait3A_94, %dma_wait3A_95] : memref<10240x128xf32, #tpu.memory_space<hbm>> -> memref<64x128xf32, #tpu.memory_space<hbm>>
        tpu.wait_dma2 semaphore(%arg10 : memref<!tpu.dma_semaphore, #tpu.memory_space<semaphore_mem>>) src(%dma_wait3A_96 : memref<64x128xf32, #tpu.memory_space<hbm>>) dst(%dma_wait3A_93 : memref<64x128xf32, #tpu.memory_space<vmem>>)
        %mul3A_97 = arith.constant 64 : i32
        %mul3A_98 = arith.muli %scan3A_81, %mul3A_97 : i32
        %dma_start3A_99 = arith.constant 0 : i32
        %dma_start3A_100 = arith.constant 0 : i32
        %dma_start3A_101 = tpu.memref_slice %arg8[%rem3A_82, %dma_start3A_99, %dma_start3A_100] : memref<4x64x128xf32, #tpu.memory_space<vmem>> -> memref<1x64x128xf32, #tpu.memory_space<vmem>>
        %dma_start3A_102 = tpu.memref_squeeze %dma_start3A_101 : memref<1x64x128xf32, #tpu.memory_space<vmem>> -> memref<64x128xf32, #tpu.memory_space<vmem>>
        %dma_start3A_103 = tpu.memref_slice %arg7[%mul3A_98] : memref<2560xi32, #tpu.memory_space<vmem>> -> memref<64xi32, #tpu.memory_space<vmem>>
        %dma_start3A_104 = arith.constant 0 : i32
        %dma_start3A_105 = arith.constant 0 : i32
        %dma_start3A_106 = tpu.memref_slice %arg9[%dma_start3A_104, %dma_start3A_105] : memref<10240x128xf32, #tpu.memory_space<vmem_shared>> -> memref<10240x128xf32, #tpu.memory_space<vmem_shared>>
        tpu.enqueue_indirect_dma source(%dma_start3A_102 : memref<64x128xf32, #tpu.memory_space<vmem>>) target(%dma_start3A_106 : memref<10240x128xf32, #tpu.memory_space<vmem_shared>>) offsets(%dma_start3A_103 : memref<64xi32, #tpu.memory_space<vmem>>) semaphore(%arg11 : memref<!tpu.dma_semaphore, #tpu.memory_space<semaphore_mem>>) {add = true}
        %ge3A = arith.constant 1 : i32
        %ge3A_107 = arith.cmpi sge, %scan3A_81, %ge3A : i32
        %convert_element_type3A_108 = arith.extui %ge3A_107 : i1 to i32
        %cond3A_109 = arith.constant 0 : i32
        %cond3A_110 = arith.cmpi ne, %convert_element_type3A_108, %cond3A_109 : i32
        scf.if %cond3A_110 {
          %dma_wait3A_118 = arith.constant 0 : i32
          %dma_wait3A_119 = arith.constant 0 : i32
          %dma_wait3A_120 = arith.constant 0 : i32
          %dma_wait3A_121 = tpu.memref_slice %arg8[%dma_wait3A_118, %dma_wait3A_119, %dma_wait3A_120] : memref<4x64x128xf32, #tpu.memory_space<vmem>> -> memref<1x64x128xf32, #tpu.memory_space<vmem>>
          %dma_wait3A_122 = tpu.memref_squeeze %dma_wait3A_121 : memref<1x64x128xf32, #tpu.memory_space<vmem>> -> memref<64x128xf32, #tpu.memory_space<vmem>>
          %dma_wait3A_123 = arith.constant 0 : i32
          %dma_wait3A_124 = arith.constant 0 : i32
          %dma_wait3A_125 = tpu.memref_slice %arg9[%dma_wait3A_123, %dma_wait3A_124] : memref<10240x128xf32, #tpu.memory_space<vmem_shared>> -> memref<64x128xf32, #tpu.memory_space<vmem_shared>>
          %dma_wait3A_126 = arith.constant 0 : i32
          %dma_wait3A_127 = arith.constant 0 : i32
          %dma_wait3A_128 = tpu.memref_slice %arg9[%dma_wait3A_126, %dma_wait3A_127] : memref<10240x128xf32, #tpu.memory_space<vmem_shared>> -> memref<64x128xf32, #tpu.memory_space<vmem_shared>>
          %dma_wait3A_129 = arith.constant 0 : i32
          %dma_wait3A_130 = arith.constant 0 : i32
          %dma_wait3A_131 = tpu.memref_slice %arg8[%dma_wait3A_118, %dma_wait3A_129, %dma_wait3A_130] : memref<4x64x128xf32, #tpu.memory_space<vmem>> -> memref<1x64x128xf32, #tpu.memory_space<vmem>>
          %dma_wait3A_132 = tpu.memref_squeeze %dma_wait3A_131 : memref<1x64x128xf32, #tpu.memory_space<vmem>> -> memref<64x128xf32, #tpu.memory_space<vmem>>
          tpu.wait_dma2 semaphore(%arg11 : memref<!tpu.dma_semaphore, #tpu.memory_space<semaphore_mem>>) src(%dma_wait3A_132 : memref<64x128xf32, #tpu.memory_space<vmem>>) dst(%dma_wait3A_128 : memref<64x128xf32, #tpu.memory_space<vmem_shared>>)
        } else {
        }
        %add3A_111 = arith.constant 3 : i32
        %add3A_112 = arith.addi %scan3A_81, %add3A_111 : i32
        %lt3A_113 = arith.constant 40 : i32
        %lt3A_114 = arith.cmpi slt, %add3A_112, %lt3A_113 : i32
        %convert_element_type3A_115 = arith.extui %lt3A_114 : i1 to i32
        %cond3A_116 = arith.constant 0 : i32
        %cond3A_117 = arith.cmpi ne, %convert_element_type3A_115, %cond3A_116 : i32
        scf.if %cond3A_117 {
          %add3A_118 = arith.constant 3 : i32
          %add3A_119 = arith.addi %scan3A_81, %add3A_118 : i32
          %rem3A_120 = arith.constant 4 : i32
          %rem3A_121 = arith.remsi %add3A_119, %rem3A_120 : i32
          %add3A_122 = arith.constant 3 : i32
          %add3A_123 = arith.addi %scan3A_81, %add3A_122 : i32
          %mul3A_124 = arith.constant 64 : i32
          %mul3A_125 = arith.muli %add3A_123, %mul3A_124 : i32
          %dma_start3A_126 = arith.constant 0 : i32
          %dma_start3A_127 = arith.constant 0 : i32
          %dma_start3A_128 = tpu.memref_slice %arg8[%rem3A_121, %dma_start3A_126, %dma_start3A_127] : memref<4x64x128xf32, #tpu.memory_space<vmem>> -> memref<1x64x128xf32, #tpu.memory_space<vmem>>
          %dma_start3A_129 = tpu.memref_squeeze %dma_start3A_128 : memref<1x64x128xf32, #tpu.memory_space<vmem>> -> memref<64x128xf32, #tpu.memory_space<vmem>>
          %dma_start3A_130 = tpu.memref_slice %arg6[%mul3A_125] : memref<2560xi32, #tpu.memory_space<vmem>> -> memref<64xi32, #tpu.memory_space<vmem>>
          %dma_start3A_131 = arith.constant 0 : i32
          %dma_start3A_132 = arith.constant 0 : i32
          %dma_start3A_133 = tpu.memref_slice %arg2[%dma_start3A_131, %dma_start3A_132] : memref<10240x128xf32, #tpu.memory_space<hbm>> -> memref<10240x128xf32, #tpu.memory_space<hbm>>
          tpu.enqueue_indirect_dma source(%dma_start3A_133 : memref<10240x128xf32, #tpu.memory_space<hbm>>) target(%dma_start3A_129 : memref<64x128xf32, #tpu.memory_space<vmem>>) offsets(%dma_start3A_130 : memref<64xi32, #tpu.memory_space<vmem>>) semaphore(%arg10 : memref<!tpu.dma_semaphore, #tpu.memory_space<semaphore_mem>>)
        } else {
        }
      }
      %scan3A_66 = arith.constant 40 : i32
      %dma_wait3A = arith.constant 0 : i32
      %dma_wait3A_67 = arith.constant 0 : i32
      %dma_wait3A_68 = arith.constant 0 : i32
      %dma_wait3A_69 = tpu.memref_slice %arg8[%dma_wait3A, %dma_wait3A_67, %dma_wait3A_68] : memref<4x64x128xf32, #tpu.memory_space<vmem>> -> memref<1x64x128xf32, #tpu.memory_space<vmem>>
      %dma_wait3A_70 = tpu.memref_squeeze %dma_wait3A_69 : memref<1x64x128xf32, #tpu.memory_space<vmem>> -> memref<64x128xf32, #tpu.memory_space<vmem>>
      %dma_wait3A_71 = arith.constant 0 : i32
      %dma_wait3A_72 = arith.constant 0 : i32
      %dma_wait3A_73 = tpu.memref_slice %arg9[%dma_wait3A_71, %dma_wait3A_72] : memref<10240x128xf32, #tpu.memory_space<vmem_shared>> -> memref<64x128xf32, #tpu.memory_space<vmem_shared>>
      %dma_wait3A_74 = arith.constant 0 : i32
      %dma_wait3A_75 = arith.constant 0 : i32
      %dma_wait3A_76 = tpu.memref_slice %arg9[%dma_wait3A_74, %dma_wait3A_75] : memref<10240x128xf32, #tpu.memory_space<vmem_shared>> -> memref<64x128xf32, #tpu.memory_space<vmem_shared>>
      %dma_wait3A_77 = arith.constant 0 : i32
      %dma_wait3A_78 = arith.constant 0 : i32
      %dma_wait3A_79 = tpu.memref_slice %arg8[%dma_wait3A, %dma_wait3A_77, %dma_wait3A_78] : memref<4x64x128xf32, #tpu.memory_space<vmem>> -> memref<1x64x128xf32, #tpu.memory_space<vmem>>
      %dma_wait3A_80 = tpu.memref_squeeze %dma_wait3A_79 : memref<1x64x128xf32, #tpu.memory_space<vmem>> -> memref<64x128xf32, #tpu.memory_space<vmem>>
      tpu.wait_dma2 semaphore(%arg11 : memref<!tpu.dma_semaphore, #tpu.memory_space<semaphore_mem>>) src(%dma_wait3A_80 : memref<64x128xf32, #tpu.memory_space<vmem>>) dst(%dma_wait3A_76 : memref<64x128xf32, #tpu.memory_space<vmem_shared>>)
    } else {
    }
    %lt3A_6 = arith.constant 31 : i32
    %lt3A_7 = arith.cmpi slt, %add3A, %lt3A_6 : i32
    %or3A_8 = arith.constant false
    %or3A_9 = arith.ori %lt3A_7, %or3A_8 : i1
    %convert_element_type3A_10 = arith.extui %or3A_9 : i1 to i32
    %cond3A_11 = arith.constant 0 : i32
    %cond3A_12 = arith.cmpi ne, %convert_element_type3A_10, %cond3A_11 : i32
    scf.if %cond3A_12 {
      %mul3A_28 = arith.constant 10240 : i32
      %mul3A_29 = arith.muli %add3A, %mul3A_28 : i32
      %add3A_30 = arith.constant 2560 : i32
      %add3A_31 = arith.addi %mul3A_29, %add3A_30 : i32
      %run_scoped3A = arith.constant 0 : i32
      "tpu.region"() ({
        %run_scoped3A_81 = tpu.sem_alloc : memref<!tpu.dma_semaphore, #tpu.memory_space<semaphore_mem>>
        %dma_start3A_82 = tpu.memref_slice %arg3[%run_scoped3A, %add3A_31] : memref<2x320000xi32, #tpu.memory_space<hbm>> -> memref<1x2560xi32, #tpu.memory_space<hbm>>
        %dma_start3A_83 = tpu.memref_squeeze %dma_start3A_82 : memref<1x2560xi32, #tpu.memory_space<hbm>> -> memref<2560xi32, #tpu.memory_space<hbm>>
        %dma_start3A_84 = tpu.memref_slice %arg3[%run_scoped3A, %add3A_31] : memref<2x320000xi32, #tpu.memory_space<hbm>> -> memref<1x2560xi32, #tpu.memory_space<hbm>>
        %dma_start3A_85 = tpu.memref_squeeze %dma_start3A_84 : memref<1x2560xi32, #tpu.memory_space<hbm>> -> memref<2560xi32, #tpu.memory_space<hbm>>
        tpu.enqueue_dma source(%dma_start3A_85 : memref<2560xi32, #tpu.memory_space<hbm>>) target(%arg6 : memref<2560xi32, #tpu.memory_space<vmem>>) target_semaphore(%run_scoped3A_81 : memref<!tpu.dma_semaphore, #tpu.memory_space<semaphore_mem>>)
        %dma_wait3A_86 = tpu.memref_slice %arg3[%run_scoped3A, %add3A_31] : memref<2x320000xi32, #tpu.memory_space<hbm>> -> memref<1x2560xi32, #tpu.memory_space<hbm>>
        %dma_wait3A_87 = tpu.memref_squeeze %dma_wait3A_86 : memref<1x2560xi32, #tpu.memory_space<hbm>> -> memref<2560xi32, #tpu.memory_space<hbm>>
        %dma_wait3A_88 = tpu.memref_slice %arg3[%run_scoped3A, %add3A_31] : memref<2x320000xi32, #tpu.memory_space<hbm>> -> memref<1x2560xi32, #tpu.memory_space<hbm>>
        %dma_wait3A_89 = tpu.memref_squeeze %dma_wait3A_88 : memref<1x2560xi32, #tpu.memory_space<hbm>> -> memref<2560xi32, #tpu.memory_space<hbm>>
        tpu.wait_dma2 semaphore(%run_scoped3A_81 : memref<!tpu.dma_semaphore, #tpu.memory_space<semaphore_mem>>) src(%dma_wait3A_89 : memref<2560xi32, #tpu.memory_space<hbm>>) dst(%arg6 : memref<2560xi32, #tpu.memory_space<vmem>>)
        tpu.yield
      }) : () -> ()
      %run_scoped3A_32 = arith.constant 1 : i32
      "tpu.region"() ({
        %run_scoped3A_81 = tpu.sem_alloc : memref<!tpu.dma_semaphore, #tpu.memory_space<semaphore_mem>>
        %dma_start3A_82 = tpu.memref_slice %arg3[%run_scoped3A_32, %add3A_31] : memref<2x320000xi32, #tpu.memory_space<hbm>> -> memref<1x2560xi32, #tpu.memory_space<hbm>>
        %dma_start3A_83 = tpu.memref_squeeze %dma_start3A_82 : memref<1x2560xi32, #tpu.memory_space<hbm>> -> memref<2560xi32, #tpu.memory_space<hbm>>
        %dma_start3A_84 = tpu.memref_slice %arg3[%run_scoped3A_32, %add3A_31] : memref<2x320000xi32, #tpu.memory_space<hbm>> -> memref<1x2560xi32, #tpu.memory_space<hbm>>
        %dma_start3A_85 = tpu.memref_squeeze %dma_start3A_84 : memref<1x2560xi32, #tpu.memory_space<hbm>> -> memref<2560xi32, #tpu.memory_space<hbm>>
        tpu.enqueue_dma source(%dma_start3A_85 : memref<2560xi32, #tpu.memory_space<hbm>>) target(%arg7 : memref<2560xi32, #tpu.memory_space<vmem>>) target_semaphore(%run_scoped3A_81 : memref<!tpu.dma_semaphore, #tpu.memory_space<semaphore_mem>>)
        %dma_wait3A_86 = tpu.memref_slice %arg3[%run_scoped3A_32, %add3A_31] : memref<2x320000xi32, #tpu.memory_space<hbm>> -> memref<1x2560xi32, #tpu.memory_space<hbm>>
        %dma_wait3A_87 = tpu.memref_squeeze %dma_wait3A_86 : memref<1x2560xi32, #tpu.memory_space<hbm>> -> memref<2560xi32, #tpu.memory_space<hbm>>
        %dma_wait3A_88 = tpu.memref_slice %arg3[%run_scoped3A_32, %add3A_31] : memref<2x320000xi32, #tpu.memory_space<hbm>> -> memref<1x2560xi32, #tpu.memory_space<hbm>>
        %dma_wait3A_89 = tpu.memref_squeeze %dma_wait3A_88 : memref<1x2560xi32, #tpu.memory_space<hbm>> -> memref<2560xi32, #tpu.memory_space<hbm>>
        tpu.wait_dma2 semaphore(%run_scoped3A_81 : memref<!tpu.dma_semaphore, #tpu.memory_space<semaphore_mem>>) src(%dma_wait3A_89 : memref<2560xi32, #tpu.memory_space<hbm>>) dst(%arg7 : memref<2560xi32, #tpu.memory_space<vmem>>)
        tpu.yield
      }) : () -> ()
      %dma_start3A = arith.constant 0 : i32
      %dma_start3A_33 = arith.constant 0 : i32
      %dma_start3A_34 = arith.constant 0 : i32
      %dma_start3A_35 = tpu.memref_slice %arg8[%dma_start3A, %dma_start3A_33, %dma_start3A_34] : memref<4x64x128xf32, #tpu.memory_space<vmem>> -> memref<1x64x128xf32, #tpu.memory_space<vmem>>
      %dma_start3A_36 = tpu.memref_squeeze %dma_start3A_35 : memref<1x64x128xf32, #tpu.memory_space<vmem>> -> memref<64x128xf32, #tpu.memory_space<vmem>>
      %dma_start3A_37 = arith.constant 0 : i32
      %dma_start3A_38 = tpu.memref_slice %arg6[%dma_start3A_37] : memref<2560xi32, #tpu.memory_space<vmem>> -> memref<64xi32, #tpu.memory_space<vmem>>
      %dma_start3A_39 = arith.constant 0 : i32
      %dma_start3A_40 = arith.constant 0 : i32
      %dma_start3A_41 = tpu.memref_slice %arg2[%dma_start3A_39, %dma_start3A_40] : memref<10240x128xf32, #tpu.memory_space<hbm>> -> memref<10240x128xf32, #tpu.memory_space<hbm>>
      tpu.enqueue_indirect_dma source(%dma_start3A_41 : memref<10240x128xf32, #tpu.memory_space<hbm>>) target(%dma_start3A_36 : memref<64x128xf32, #tpu.memory_space<vmem>>) offsets(%dma_start3A_38 : memref<64xi32, #tpu.memory_space<vmem>>) semaphore(%arg10 : memref<!tpu.dma_semaphore, #tpu.memory_space<semaphore_mem>>)
      %dma_start3A_42 = arith.constant 1 : i32
      %dma_start3A_43 = arith.constant 0 : i32
      %dma_start3A_44 = arith.constant 0 : i32
      %dma_start3A_45 = tpu.memref_slice %arg8[%dma_start3A_42, %dma_start3A_43, %dma_start3A_44] : memref<4x64x128xf32, #tpu.memory_space<vmem>> -> memref<1x64x128xf32, #tpu.memory_space<vmem>>
      %dma_start3A_46 = tpu.memref_squeeze %dma_start3A_45 : memref<1x64x128xf32, #tpu.memory_space<vmem>> -> memref<64x128xf32, #tpu.memory_space<vmem>>
      %dma_start3A_47 = arith.constant 64 : i32
      %dma_start3A_48 = tpu.memref_slice %arg6[%dma_start3A_47] : memref<2560xi32, #tpu.memory_space<vmem>> -> memref<64xi32, #tpu.memory_space<vmem>>
      %dma_start3A_49 = arith.constant 0 : i32
      %dma_start3A_50 = arith.constant 0 : i32
      %dma_start3A_51 = tpu.memref_slice %arg2[%dma_start3A_49, %dma_start3A_50] : memref<10240x128xf32, #tpu.memory_space<hbm>> -> memref<10240x128xf32, #tpu.memory_space<hbm>>
      tpu.enqueue_indirect_dma source(%dma_start3A_51 : memref<10240x128xf32, #tpu.memory_space<hbm>>) target(%dma_start3A_46 : memref<64x128xf32, #tpu.memory_space<vmem>>) offsets(%dma_start3A_48 : memref<64xi32, #tpu.memory_space<vmem>>) semaphore(%arg10 : memref<!tpu.dma_semaphore, #tpu.memory_space<semaphore_mem>>)
      %dma_start3A_52 = arith.constant 2 : i32
      %dma_start3A_53 = arith.constant 0 : i32
      %dma_start3A_54 = arith.constant 0 : i32
      %dma_start3A_55 = tpu.memref_slice %arg8[%dma_start3A_52, %dma_start3A_53, %dma_start3A_54] : memref<4x64x128xf32, #tpu.memory_space<vmem>> -> memref<1x64x128xf32, #tpu.memory_space<vmem>>
      %dma_start3A_56 = tpu.memref_squeeze %dma_start3A_55 : memref<1x64x128xf32, #tpu.memory_space<vmem>> -> memref<64x128xf32, #tpu.memory_space<vmem>>
      %dma_start3A_57 = arith.constant 128 : i32
      %dma_start3A_58 = tpu.memref_slice %arg6[%dma_start3A_57] : memref<2560xi32, #tpu.memory_space<vmem>> -> memref<64xi32, #tpu.memory_space<vmem>>
      %dma_start3A_59 = arith.constant 0 : i32
      %dma_start3A_60 = arith.constant 0 : i32
      %dma_start3A_61 = tpu.memref_slice %arg2[%dma_start3A_59, %dma_start3A_60] : memref<10240x128xf32, #tpu.memory_space<hbm>> -> memref<10240x128xf32, #tpu.memory_space<hbm>>
      tpu.enqueue_indirect_dma source(%dma_start3A_61 : memref<10240x128xf32, #tpu.memory_space<hbm>>) target(%dma_start3A_56 : memref<64x128xf32, #tpu.memory_space<vmem>>) offsets(%dma_start3A_58 : memref<64xi32, #tpu.memory_space<vmem>>) semaphore(%arg10 : memref<!tpu.dma_semaphore, #tpu.memory_space<semaphore_mem>>)
      %scan3A = arith.constant 0 : i32
      %scan3A_62 = arith.constant 0 : i32
      %scan3A_63 = arith.constant 40 : i32
      %scan3A_64 = arith.addi %scan3A_62, %scan3A_63 : i32
      %scan3A_65 = arith.constant 1 : i32
      scf.for %scan3A_81 = %scan3A_62 to %scan3A_64 step %scan3A_65  : i32 {
        %rem3A = arith.constant 4 : i32
        %rem3A_82 = arith.remsi %scan3A_81, %rem3A : i32
        %dma_wait3A_83 = arith.constant 0 : i32
        %dma_wait3A_84 = arith.constant 0 : i32
        %dma_wait3A_85 = tpu.memref_slice %arg8[%rem3A_82, %dma_wait3A_83, %dma_wait3A_84] : memref<4x64x128xf32, #tpu.memory_space<vmem>> -> memref<1x64x128xf32, #tpu.memory_space<vmem>>
        %dma_wait3A_86 = tpu.memref_squeeze %dma_wait3A_85 : memref<1x64x128xf32, #tpu.memory_space<vmem>> -> memref<64x128xf32, #tpu.memory_space<vmem>>
        %dma_wait3A_87 = arith.constant 0 : i32
        %dma_wait3A_88 = arith.constant 0 : i32
        %dma_wait3A_89 = tpu.memref_slice %arg2[%dma_wait3A_87, %dma_wait3A_88] : memref<10240x128xf32, #tpu.memory_space<hbm>> -> memref<64x128xf32, #tpu.memory_space<hbm>>
        %dma_wait3A_90 = arith.constant 0 : i32
        %dma_wait3A_91 = arith.constant 0 : i32
        %dma_wait3A_92 = tpu.memref_slice %arg8[%rem3A_82, %dma_wait3A_90, %dma_wait3A_91] : memref<4x64x128xf32, #tpu.memory_space<vmem>> -> memref<1x64x128xf32, #tpu.memory_space<vmem>>
        %dma_wait3A_93 = tpu.memref_squeeze %dma_wait3A_92 : memref<1x64x128xf32, #tpu.memory_space<vmem>> -> memref<64x128xf32, #tpu.memory_space<vmem>>
        %dma_wait3A_94 = arith.constant 0 : i32
        %dma_wait3A_95 = arith.constant 0 : i32
        %dma_wait3A_96 = tpu.memref_slice %arg2[%dma_wait3A_94, %dma_wait3A_95] : memref<10240x128xf32, #tpu.memory_space<hbm>> -> memref<64x128xf32, #tpu.memory_space<hbm>>
        tpu.wait_dma2 semaphore(%arg10 : memref<!tpu.dma_semaphore, #tpu.memory_space<semaphore_mem>>) src(%dma_wait3A_96 : memref<64x128xf32, #tpu.memory_space<hbm>>) dst(%dma_wait3A_93 : memref<64x128xf32, #tpu.memory_space<vmem>>)
        %mul3A_97 = arith.constant 64 : i32
        %mul3A_98 = arith.muli %scan3A_81, %mul3A_97 : i32
        %dma_start3A_99 = arith.constant 0 : i32
        %dma_start3A_100 = arith.constant 0 : i32
        %dma_start3A_101 = tpu.memref_slice %arg8[%rem3A_82, %dma_start3A_99, %dma_start3A_100] : memref<4x64x128xf32, #tpu.memory_space<vmem>> -> memref<1x64x128xf32, #tpu.memory_space<vmem>>
        %dma_start3A_102 = tpu.memref_squeeze %dma_start3A_101 : memref<1x64x128xf32, #tpu.memory_space<vmem>> -> memref<64x128xf32, #tpu.memory_space<vmem>>
        %dma_start3A_103 = tpu.memref_slice %arg7[%mul3A_98] : memref<2560xi32, #tpu.memory_space<vmem>> -> memref<64xi32, #tpu.memory_space<vmem>>
        %dma_start3A_104 = arith.constant 0 : i32
        %dma_start3A_105 = arith.constant 0 : i32
        %dma_start3A_106 = tpu.memref_slice %arg9[%dma_start3A_104, %dma_start3A_105] : memref<10240x128xf32, #tpu.memory_space<vmem_shared>> -> memref<10240x128xf32, #tpu.memory_space<vmem_shared>>
        tpu.enqueue_indirect_dma source(%dma_start3A_102 : memref<64x128xf32, #tpu.memory_space<vmem>>) target(%dma_start3A_106 : memref<10240x128xf32, #tpu.memory_space<vmem_shared>>) offsets(%dma_start3A_103 : memref<64xi32, #tpu.memory_space<vmem>>) semaphore(%arg11 : memref<!tpu.dma_semaphore, #tpu.memory_space<semaphore_mem>>) {add = true}
        %ge3A = arith.constant 1 : i32
        %ge3A_107 = arith.cmpi sge, %scan3A_81, %ge3A : i32
        %convert_element_type3A_108 = arith.extui %ge3A_107 : i1 to i32
        %cond3A_109 = arith.constant 0 : i32
        %cond3A_110 = arith.cmpi ne, %convert_element_type3A_108, %cond3A_109 : i32
        scf.if %cond3A_110 {
          %dma_wait3A_118 = arith.constant 0 : i32
          %dma_wait3A_119 = arith.constant 0 : i32
          %dma_wait3A_120 = arith.constant 0 : i32
          %dma_wait3A_121 = tpu.memref_slice %arg8[%dma_wait3A_118, %dma_wait3A_119, %dma_wait3A_120] : memref<4x64x128xf32, #tpu.memory_space<vmem>> -> memref<1x64x128xf32, #tpu.memory_space<vmem>>
          %dma_wait3A_122 = tpu.memref_squeeze %dma_wait3A_121 : memref<1x64x128xf32, #tpu.memory_space<vmem>> -> memref<64x128xf32, #tpu.memory_space<vmem>>
          %dma_wait3A_123 = arith.constant 0 : i32
          %dma_wait3A_124 = arith.constant 0 : i32
          %dma_wait3A_125 = tpu.memref_slice %arg9[%dma_wait3A_123, %dma_wait3A_124] : memref<10240x128xf32, #tpu.memory_space<vmem_shared>> -> memref<64x128xf32, #tpu.memory_space<vmem_shared>>
          %dma_wait3A_126 = arith.constant 0 : i32
          %dma_wait3A_127 = arith.constant 0 : i32
          %dma_wait3A_128 = tpu.memref_slice %arg9[%dma_wait3A_126, %dma_wait3A_127] : memref<10240x128xf32, #tpu.memory_space<vmem_shared>> -> memref<64x128xf32, #tpu.memory_space<vmem_shared>>
          %dma_wait3A_129 = arith.constant 0 : i32
          %dma_wait3A_130 = arith.constant 0 : i32
          %dma_wait3A_131 = tpu.memref_slice %arg8[%dma_wait3A_118, %dma_wait3A_129, %dma_wait3A_130] : memref<4x64x128xf32, #tpu.memory_space<vmem>> -> memref<1x64x128xf32, #tpu.memory_space<vmem>>
          %dma_wait3A_132 = tpu.memref_squeeze %dma_wait3A_131 : memref<1x64x128xf32, #tpu.memory_space<vmem>> -> memref<64x128xf32, #tpu.memory_space<vmem>>
          tpu.wait_dma2 semaphore(%arg11 : memref<!tpu.dma_semaphore, #tpu.memory_space<semaphore_mem>>) src(%dma_wait3A_132 : memref<64x128xf32, #tpu.memory_space<vmem>>) dst(%dma_wait3A_128 : memref<64x128xf32, #tpu.memory_space<vmem_shared>>)
        } else {
        }
        %add3A_111 = arith.constant 3 : i32
        %add3A_112 = arith.addi %scan3A_81, %add3A_111 : i32
        %lt3A_113 = arith.constant 40 : i32
        %lt3A_114 = arith.cmpi slt, %add3A_112, %lt3A_113 : i32
        %convert_element_type3A_115 = arith.extui %lt3A_114 : i1 to i32
        %cond3A_116 = arith.constant 0 : i32
        %cond3A_117 = arith.cmpi ne, %convert_element_type3A_115, %cond3A_116 : i32
        scf.if %cond3A_117 {
          %add3A_118 = arith.constant 3 : i32
          %add3A_119 = arith.addi %scan3A_81, %add3A_118 : i32
          %rem3A_120 = arith.constant 4 : i32
          %rem3A_121 = arith.remsi %add3A_119, %rem3A_120 : i32
          %add3A_122 = arith.constant 3 : i32
          %add3A_123 = arith.addi %scan3A_81, %add3A_122 : i32
          %mul3A_124 = arith.constant 64 : i32
          %mul3A_125 = arith.muli %add3A_123, %mul3A_124 : i32
          %dma_start3A_126 = arith.constant 0 : i32
          %dma_start3A_127 = arith.constant 0 : i32
          %dma_start3A_128 = tpu.memref_slice %arg8[%rem3A_121, %dma_start3A_126, %dma_start3A_127] : memref<4x64x128xf32, #tpu.memory_space<vmem>> -> memref<1x64x128xf32, #tpu.memory_space<vmem>>
          %dma_start3A_129 = tpu.memref_squeeze %dma_start3A_128 : memref<1x64x128xf32, #tpu.memory_space<vmem>> -> memref<64x128xf32, #tpu.memory_space<vmem>>
          %dma_start3A_130 = tpu.memref_slice %arg6[%mul3A_125] : memref<2560xi32, #tpu.memory_space<vmem>> -> memref<64xi32, #tpu.memory_space<vmem>>
          %dma_start3A_131 = arith.constant 0 : i32
          %dma_start3A_132 = arith.constant 0 : i32
          %dma_start3A_133 = tpu.memref_slice %arg2[%dma_start3A_131, %dma_start3A_132] : memref<10240x128xf32, #tpu.memory_space<hbm>> -> memref<10240x128xf32, #tpu.memory_space<hbm>>
          tpu.enqueue_indirect_dma source(%dma_start3A_133 : memref<10240x128xf32, #tpu.memory_space<hbm>>) target(%dma_start3A_129 : memref<64x128xf32, #tpu.memory_space<vmem>>) offsets(%dma_start3A_130 : memref<64xi32, #tpu.memory_space<vmem>>) semaphore(%arg10 : memref<!tpu.dma_semaphore, #tpu.memory_space<semaphore_mem>>)
        } else {
        }
      }
      %scan3A_66 = arith.constant 40 : i32
      %dma_wait3A = arith.constant 0 : i32
      %dma_wait3A_67 = arith.constant 0 : i32
      %dma_wait3A_68 = arith.constant 0 : i32
      %dma_wait3A_69 = tpu.memref_slice %arg8[%dma_wait3A, %dma_wait3A_67, %dma_wait3A_68] : memref<4x64x128xf32, #tpu.memory_space<vmem>> -> memref<1x64x128xf32, #tpu.memory_space<vmem>>
      %dma_wait3A_70 = tpu.memref_squeeze %dma_wait3A_69 : memref<1x64x128xf32, #tpu.memory_space<vmem>> -> memref<64x128xf32, #tpu.memory_space<vmem>>
      %dma_wait3A_71 = arith.constant 0 : i32
      %dma_wait3A_72 = arith.constant 0 : i32
      %dma_wait3A_73 = tpu.memref_slice %arg9[%dma_wait3A_71, %dma_wait3A_72] : memref<10240x128xf32, #tpu.memory_space<vmem_shared>> -> memref<64x128xf32, #tpu.memory_space<vmem_shared>>
      %dma_wait3A_74 = arith.constant 0 : i32
      %dma_wait3A_75 = arith.constant 0 : i32
      %dma_wait3A_76 = tpu.memref_slice %arg9[%dma_wait3A_74, %dma_wait3A_75] : memref<10240x128xf32, #tpu.memory_space<vmem_shared>> -> memref<64x128xf32, #tpu.memory_space<vmem_shared>>
      %dma_wait3A_77 = arith.constant 0 : i32
      %dma_wait3A_78 = arith.constant 0 : i32
      %dma_wait3A_79 = tpu.memref_slice %arg8[%dma_wait3A, %dma_wait3A_77, %dma_wait3A_78] : memref<4x64x128xf32, #tpu.memory_space<vmem>> -> memref<1x64x128xf32, #tpu.memory_space<vmem>>
      %dma_wait3A_80 = tpu.memref_squeeze %dma_wait3A_79 : memref<1x64x128xf32, #tpu.memory_space<vmem>> -> memref<64x128xf32, #tpu.memory_space<vmem>>
      tpu.wait_dma2 semaphore(%arg11 : memref<!tpu.dma_semaphore, #tpu.memory_space<semaphore_mem>>) src(%dma_wait3A_80 : memref<64x128xf32, #tpu.memory_space<vmem>>) dst(%dma_wait3A_76 : memref<64x128xf32, #tpu.memory_space<vmem_shared>>)
    } else {
    }
    %lt3A_13 = arith.constant 31 : i32
    %lt3A_14 = arith.cmpi slt, %add3A, %lt3A_13 : i32
    %or3A_15 = arith.constant false
    %or3A_16 = arith.ori %lt3A_14, %or3A_15 : i1
    %convert_element_type3A_17 = arith.extui %or3A_16 : i1 to i32
    %cond3A_18 = arith.constant 0 : i32
    %cond3A_19 = arith.cmpi ne, %convert_element_type3A_17, %cond3A_18 : i32
    scf.if %cond3A_19 {
      %mul3A_28 = arith.constant 10240 : i32
      %mul3A_29 = arith.muli %add3A, %mul3A_28 : i32
      %add3A_30 = arith.constant 5120 : i32
      %add3A_31 = arith.addi %mul3A_29, %add3A_30 : i32
      %run_scoped3A = arith.constant 0 : i32
      "tpu.region"() ({
        %run_scoped3A_81 = tpu.sem_alloc : memref<!tpu.dma_semaphore, #tpu.memory_space<semaphore_mem>>
        %dma_start3A_82 = tpu.memref_slice %arg3[%run_scoped3A, %add3A_31] : memref<2x320000xi32, #tpu.memory_space<hbm>> -> memref<1x2560xi32, #tpu.memory_space<hbm>>
        %dma_start3A_83 = tpu.memref_squeeze %dma_start3A_82 : memref<1x2560xi32, #tpu.memory_space<hbm>> -> memref<2560xi32, #tpu.memory_space<hbm>>
        %dma_start3A_84 = tpu.memref_slice %arg3[%run_scoped3A, %add3A_31] : memref<2x320000xi32, #tpu.memory_space<hbm>> -> memref<1x2560xi32, #tpu.memory_space<hbm>>
        %dma_start3A_85 = tpu.memref_squeeze %dma_start3A_84 : memref<1x2560xi32, #tpu.memory_space<hbm>> -> memref<2560xi32, #tpu.memory_space<hbm>>
        tpu.enqueue_dma source(%dma_start3A_85 : memref<2560xi32, #tpu.memory_space<hbm>>) target(%arg6 : memref<2560xi32, #tpu.memory_space<vmem>>) target_semaphore(%run_scoped3A_81 : memref<!tpu.dma_semaphore, #tpu.memory_space<semaphore_mem>>)
        %dma_wait3A_86 = tpu.memref_slice %arg3[%run_scoped3A, %add3A_31] : memref<2x320000xi32, #tpu.memory_space<hbm>> -> memref<1x2560xi32, #tpu.memory_space<hbm>>
        %dma_wait3A_87 = tpu.memref_squeeze %dma_wait3A_86 : memref<1x2560xi32, #tpu.memory_space<hbm>> -> memref<2560xi32, #tpu.memory_space<hbm>>
        %dma_wait3A_88 = tpu.memref_slice %arg3[%run_scoped3A, %add3A_31] : memref<2x320000xi32, #tpu.memory_space<hbm>> -> memref<1x2560xi32, #tpu.memory_space<hbm>>
        %dma_wait3A_89 = tpu.memref_squeeze %dma_wait3A_88 : memref<1x2560xi32, #tpu.memory_space<hbm>> -> memref<2560xi32, #tpu.memory_space<hbm>>
        tpu.wait_dma2 semaphore(%run_scoped3A_81 : memref<!tpu.dma_semaphore, #tpu.memory_space<semaphore_mem>>) src(%dma_wait3A_89 : memref<2560xi32, #tpu.memory_space<hbm>>) dst(%arg6 : memref<2560xi32, #tpu.memory_space<vmem>>)
        tpu.yield
      }) : () -> ()
      %run_scoped3A_32 = arith.constant 1 : i32
      "tpu.region"() ({
        %run_scoped3A_81 = tpu.sem_alloc : memref<!tpu.dma_semaphore, #tpu.memory_space<semaphore_mem>>
        %dma_start3A_82 = tpu.memref_slice %arg3[%run_scoped3A_32, %add3A_31] : memref<2x320000xi32, #tpu.memory_space<hbm>> -> memref<1x2560xi32, #tpu.memory_space<hbm>>
        %dma_start3A_83 = tpu.memref_squeeze %dma_start3A_82 : memref<1x2560xi32, #tpu.memory_space<hbm>> -> memref<2560xi32, #tpu.memory_space<hbm>>
        %dma_start3A_84 = tpu.memref_slice %arg3[%run_scoped3A_32, %add3A_31] : memref<2x320000xi32, #tpu.memory_space<hbm>> -> memref<1x2560xi32, #tpu.memory_space<hbm>>
        %dma_start3A_85 = tpu.memref_squeeze %dma_start3A_84 : memref<1x2560xi32, #tpu.memory_space<hbm>> -> memref<2560xi32, #tpu.memory_space<hbm>>
        tpu.enqueue_dma source(%dma_start3A_85 : memref<2560xi32, #tpu.memory_space<hbm>>) target(%arg7 : memref<2560xi32, #tpu.memory_space<vmem>>) target_semaphore(%run_scoped3A_81 : memref<!tpu.dma_semaphore, #tpu.memory_space<semaphore_mem>>)
        %dma_wait3A_86 = tpu.memref_slice %arg3[%run_scoped3A_32, %add3A_31] : memref<2x320000xi32, #tpu.memory_space<hbm>> -> memref<1x2560xi32, #tpu.memory_space<hbm>>
        %dma_wait3A_87 = tpu.memref_squeeze %dma_wait3A_86 : memref<1x2560xi32, #tpu.memory_space<hbm>> -> memref<2560xi32, #tpu.memory_space<hbm>>
        %dma_wait3A_88 = tpu.memref_slice %arg3[%run_scoped3A_32, %add3A_31] : memref<2x320000xi32, #tpu.memory_space<hbm>> -> memref<1x2560xi32, #tpu.memory_space<hbm>>
        %dma_wait3A_89 = tpu.memref_squeeze %dma_wait3A_88 : memref<1x2560xi32, #tpu.memory_space<hbm>> -> memref<2560xi32, #tpu.memory_space<hbm>>
        tpu.wait_dma2 semaphore(%run_scoped3A_81 : memref<!tpu.dma_semaphore, #tpu.memory_space<semaphore_mem>>) src(%dma_wait3A_89 : memref<2560xi32, #tpu.memory_space<hbm>>) dst(%arg7 : memref<2560xi32, #tpu.memory_space<vmem>>)
        tpu.yield
      }) : () -> ()
      %dma_start3A = arith.constant 0 : i32
      %dma_start3A_33 = arith.constant 0 : i32
      %dma_start3A_34 = arith.constant 0 : i32
      %dma_start3A_35 = tpu.memref_slice %arg8[%dma_start3A, %dma_start3A_33, %dma_start3A_34] : memref<4x64x128xf32, #tpu.memory_space<vmem>> -> memref<1x64x128xf32, #tpu.memory_space<vmem>>
      %dma_start3A_36 = tpu.memref_squeeze %dma_start3A_35 : memref<1x64x128xf32, #tpu.memory_space<vmem>> -> memref<64x128xf32, #tpu.memory_space<vmem>>
      %dma_start3A_37 = arith.constant 0 : i32
      %dma_start3A_38 = tpu.memref_slice %arg6[%dma_start3A_37] : memref<2560xi32, #tpu.memory_space<vmem>> -> memref<64xi32, #tpu.memory_space<vmem>>
      %dma_start3A_39 = arith.constant 0 : i32
      %dma_start3A_40 = arith.constant 0 : i32
      %dma_start3A_41 = tpu.memref_slice %arg2[%dma_start3A_39, %dma_start3A_40] : memref<10240x128xf32, #tpu.memory_space<hbm>> -> memref<10240x128xf32, #tpu.memory_space<hbm>>
      tpu.enqueue_indirect_dma source(%dma_start3A_41 : memref<10240x128xf32, #tpu.memory_space<hbm>>) target(%dma_start3A_36 : memref<64x128xf32, #tpu.memory_space<vmem>>) offsets(%dma_start3A_38 : memref<64xi32, #tpu.memory_space<vmem>>) semaphore(%arg10 : memref<!tpu.dma_semaphore, #tpu.memory_space<semaphore_mem>>)
      %dma_start3A_42 = arith.constant 1 : i32
      %dma_start3A_43 = arith.constant 0 : i32
      %dma_start3A_44 = arith.constant 0 : i32
      %dma_start3A_45 = tpu.memref_slice %arg8[%dma_start3A_42, %dma_start3A_43, %dma_start3A_44] : memref<4x64x128xf32, #tpu.memory_space<vmem>> -> memref<1x64x128xf32, #tpu.memory_space<vmem>>
      %dma_start3A_46 = tpu.memref_squeeze %dma_start3A_45 : memref<1x64x128xf32, #tpu.memory_space<vmem>> -> memref<64x128xf32, #tpu.memory_space<vmem>>
      %dma_start3A_47 = arith.constant 64 : i32
      %dma_start3A_48 = tpu.memref_slice %arg6[%dma_start3A_47] : memref<2560xi32, #tpu.memory_space<vmem>> -> memref<64xi32, #tpu.memory_space<vmem>>
      %dma_start3A_49 = arith.constant 0 : i32
      %dma_start3A_50 = arith.constant 0 : i32
      %dma_start3A_51 = tpu.memref_slice %arg2[%dma_start3A_49, %dma_start3A_50] : memref<10240x128xf32, #tpu.memory_space<hbm>> -> memref<10240x128xf32, #tpu.memory_space<hbm>>
      tpu.enqueue_indirect_dma source(%dma_start3A_51 : memref<10240x128xf32, #tpu.memory_space<hbm>>) target(%dma_start3A_46 : memref<64x128xf32, #tpu.memory_space<vmem>>) offsets(%dma_start3A_48 : memref<64xi32, #tpu.memory_space<vmem>>) semaphore(%arg10 : memref<!tpu.dma_semaphore, #tpu.memory_space<semaphore_mem>>)
      %dma_start3A_52 = arith.constant 2 : i32
      %dma_start3A_53 = arith.constant 0 : i32
      %dma_start3A_54 = arith.constant 0 : i32
      %dma_start3A_55 = tpu.memref_slice %arg8[%dma_start3A_52, %dma_start3A_53, %dma_start3A_54] : memref<4x64x128xf32, #tpu.memory_space<vmem>> -> memref<1x64x128xf32, #tpu.memory_space<vmem>>
      %dma_start3A_56 = tpu.memref_squeeze %dma_start3A_55 : memref<1x64x128xf32, #tpu.memory_space<vmem>> -> memref<64x128xf32, #tpu.memory_space<vmem>>
      %dma_start3A_57 = arith.constant 128 : i32
      %dma_start3A_58 = tpu.memref_slice %arg6[%dma_start3A_57] : memref<2560xi32, #tpu.memory_space<vmem>> -> memref<64xi32, #tpu.memory_space<vmem>>
      %dma_start3A_59 = arith.constant 0 : i32
      %dma_start3A_60 = arith.constant 0 : i32
      %dma_start3A_61 = tpu.memref_slice %arg2[%dma_start3A_59, %dma_start3A_60] : memref<10240x128xf32, #tpu.memory_space<hbm>> -> memref<10240x128xf32, #tpu.memory_space<hbm>>
      tpu.enqueue_indirect_dma source(%dma_start3A_61 : memref<10240x128xf32, #tpu.memory_space<hbm>>) target(%dma_start3A_56 : memref<64x128xf32, #tpu.memory_space<vmem>>) offsets(%dma_start3A_58 : memref<64xi32, #tpu.memory_space<vmem>>) semaphore(%arg10 : memref<!tpu.dma_semaphore, #tpu.memory_space<semaphore_mem>>)
      %scan3A = arith.constant 0 : i32
      %scan3A_62 = arith.constant 0 : i32
      %scan3A_63 = arith.constant 40 : i32
      %scan3A_64 = arith.addi %scan3A_62, %scan3A_63 : i32
      %scan3A_65 = arith.constant 1 : i32
      scf.for %scan3A_81 = %scan3A_62 to %scan3A_64 step %scan3A_65  : i32 {
        %rem3A = arith.constant 4 : i32
        %rem3A_82 = arith.remsi %scan3A_81, %rem3A : i32
        %dma_wait3A_83 = arith.constant 0 : i32
        %dma_wait3A_84 = arith.constant 0 : i32
        %dma_wait3A_85 = tpu.memref_slice %arg8[%rem3A_82, %dma_wait3A_83, %dma_wait3A_84] : memref<4x64x128xf32, #tpu.memory_space<vmem>> -> memref<1x64x128xf32, #tpu.memory_space<vmem>>
        %dma_wait3A_86 = tpu.memref_squeeze %dma_wait3A_85 : memref<1x64x128xf32, #tpu.memory_space<vmem>> -> memref<64x128xf32, #tpu.memory_space<vmem>>
        %dma_wait3A_87 = arith.constant 0 : i32
        %dma_wait3A_88 = arith.constant 0 : i32
        %dma_wait3A_89 = tpu.memref_slice %arg2[%dma_wait3A_87, %dma_wait3A_88] : memref<10240x128xf32, #tpu.memory_space<hbm>> -> memref<64x128xf32, #tpu.memory_space<hbm>>
        %dma_wait3A_90 = arith.constant 0 : i32
        %dma_wait3A_91 = arith.constant 0 : i32
        %dma_wait3A_92 = tpu.memref_slice %arg8[%rem3A_82, %dma_wait3A_90, %dma_wait3A_91] : memref<4x64x128xf32, #tpu.memory_space<vmem>> -> memref<1x64x128xf32, #tpu.memory_space<vmem>>
        %dma_wait3A_93 = tpu.memref_squeeze %dma_wait3A_92 : memref<1x64x128xf32, #tpu.memory_space<vmem>> -> memref<64x128xf32, #tpu.memory_space<vmem>>
        %dma_wait3A_94 = arith.constant 0 : i32
        %dma_wait3A_95 = arith.constant 0 : i32
        %dma_wait3A_96 = tpu.memref_slice %arg2[%dma_wait3A_94, %dma_wait3A_95] : memref<10240x128xf32, #tpu.memory_space<hbm>> -> memref<64x128xf32, #tpu.memory_space<hbm>>
        tpu.wait_dma2 semaphore(%arg10 : memref<!tpu.dma_semaphore, #tpu.memory_space<semaphore_mem>>) src(%dma_wait3A_96 : memref<64x128xf32, #tpu.memory_space<hbm>>) dst(%dma_wait3A_93 : memref<64x128xf32, #tpu.memory_space<vmem>>)
        %mul3A_97 = arith.constant 64 : i32
        %mul3A_98 = arith.muli %scan3A_81, %mul3A_97 : i32
        %dma_start3A_99 = arith.constant 0 : i32
        %dma_start3A_100 = arith.constant 0 : i32
        %dma_start3A_101 = tpu.memref_slice %arg8[%rem3A_82, %dma_start3A_99, %dma_start3A_100] : memref<4x64x128xf32, #tpu.memory_space<vmem>> -> memref<1x64x128xf32, #tpu.memory_space<vmem>>
        %dma_start3A_102 = tpu.memref_squeeze %dma_start3A_101 : memref<1x64x128xf32, #tpu.memory_space<vmem>> -> memref<64x128xf32, #tpu.memory_space<vmem>>
        %dma_start3A_103 = tpu.memref_slice %arg7[%mul3A_98] : memref<2560xi32, #tpu.memory_space<vmem>> -> memref<64xi32, #tpu.memory_space<vmem>>
        %dma_start3A_104 = arith.constant 0 : i32
        %dma_start3A_105 = arith.constant 0 : i32
        %dma_start3A_106 = tpu.memref_slice %arg9[%dma_start3A_104, %dma_start3A_105] : memref<10240x128xf32, #tpu.memory_space<vmem_shared>> -> memref<10240x128xf32, #tpu.memory_space<vmem_shared>>
        tpu.enqueue_indirect_dma source(%dma_start3A_102 : memref<64x128xf32, #tpu.memory_space<vmem>>) target(%dma_start3A_106 : memref<10240x128xf32, #tpu.memory_space<vmem_shared>>) offsets(%dma_start3A_103 : memref<64xi32, #tpu.memory_space<vmem>>) semaphore(%arg11 : memref<!tpu.dma_semaphore, #tpu.memory_space<semaphore_mem>>) {add = true}
        %ge3A = arith.constant 1 : i32
        %ge3A_107 = arith.cmpi sge, %scan3A_81, %ge3A : i32
        %convert_element_type3A_108 = arith.extui %ge3A_107 : i1 to i32
        %cond3A_109 = arith.constant 0 : i32
        %cond3A_110 = arith.cmpi ne, %convert_element_type3A_108, %cond3A_109 : i32
        scf.if %cond3A_110 {
          %dma_wait3A_118 = arith.constant 0 : i32
          %dma_wait3A_119 = arith.constant 0 : i32
          %dma_wait3A_120 = arith.constant 0 : i32
          %dma_wait3A_121 = tpu.memref_slice %arg8[%dma_wait3A_118, %dma_wait3A_119, %dma_wait3A_120] : memref<4x64x128xf32, #tpu.memory_space<vmem>> -> memref<1x64x128xf32, #tpu.memory_space<vmem>>
          %dma_wait3A_122 = tpu.memref_squeeze %dma_wait3A_121 : memref<1x64x128xf32, #tpu.memory_space<vmem>> -> memref<64x128xf32, #tpu.memory_space<vmem>>
          %dma_wait3A_123 = arith.constant 0 : i32
          %dma_wait3A_124 = arith.constant 0 : i32
          %dma_wait3A_125 = tpu.memref_slice %arg9[%dma_wait3A_123, %dma_wait3A_124] : memref<10240x128xf32, #tpu.memory_space<vmem_shared>> -> memref<64x128xf32, #tpu.memory_space<vmem_shared>>
          %dma_wait3A_126 = arith.constant 0 : i32
          %dma_wait3A_127 = arith.constant 0 : i32
          %dma_wait3A_128 = tpu.memref_slice %arg9[%dma_wait3A_126, %dma_wait3A_127] : memref<10240x128xf32, #tpu.memory_space<vmem_shared>> -> memref<64x128xf32, #tpu.memory_space<vmem_shared>>
          %dma_wait3A_129 = arith.constant 0 : i32
          %dma_wait3A_130 = arith.constant 0 : i32
          %dma_wait3A_131 = tpu.memref_slice %arg8[%dma_wait3A_118, %dma_wait3A_129, %dma_wait3A_130] : memref<4x64x128xf32, #tpu.memory_space<vmem>> -> memref<1x64x128xf32, #tpu.memory_space<vmem>>
          %dma_wait3A_132 = tpu.memref_squeeze %dma_wait3A_131 : memref<1x64x128xf32, #tpu.memory_space<vmem>> -> memref<64x128xf32, #tpu.memory_space<vmem>>
          tpu.wait_dma2 semaphore(%arg11 : memref<!tpu.dma_semaphore, #tpu.memory_space<semaphore_mem>>) src(%dma_wait3A_132 : memref<64x128xf32, #tpu.memory_space<vmem>>) dst(%dma_wait3A_128 : memref<64x128xf32, #tpu.memory_space<vmem_shared>>)
        } else {
        }
        %add3A_111 = arith.constant 3 : i32
        %add3A_112 = arith.addi %scan3A_81, %add3A_111 : i32
        %lt3A_113 = arith.constant 40 : i32
        %lt3A_114 = arith.cmpi slt, %add3A_112, %lt3A_113 : i32
        %convert_element_type3A_115 = arith.extui %lt3A_114 : i1 to i32
        %cond3A_116 = arith.constant 0 : i32
        %cond3A_117 = arith.cmpi ne, %convert_element_type3A_115, %cond3A_116 : i32
        scf.if %cond3A_117 {
          %add3A_118 = arith.constant 3 : i32
          %add3A_119 = arith.addi %scan3A_81, %add3A_118 : i32
          %rem3A_120 = arith.constant 4 : i32
          %rem3A_121 = arith.remsi %add3A_119, %rem3A_120 : i32
          %add3A_122 = arith.constant 3 : i32
          %add3A_123 = arith.addi %scan3A_81, %add3A_122 : i32
          %mul3A_124 = arith.constant 64 : i32
          %mul3A_125 = arith.muli %add3A_123, %mul3A_124 : i32
          %dma_start3A_126 = arith.constant 0 : i32
          %dma_start3A_127 = arith.constant 0 : i32
          %dma_start3A_128 = tpu.memref_slice %arg8[%rem3A_121, %dma_start3A_126, %dma_start3A_127] : memref<4x64x128xf32, #tpu.memory_space<vmem>> -> memref<1x64x128xf32, #tpu.memory_space<vmem>>
          %dma_start3A_129 = tpu.memref_squeeze %dma_start3A_128 : memref<1x64x128xf32, #tpu.memory_space<vmem>> -> memref<64x128xf32, #tpu.memory_space<vmem>>
          %dma_start3A_130 = tpu.memref_slice %arg6[%mul3A_125] : memref<2560xi32, #tpu.memory_space<vmem>> -> memref<64xi32, #tpu.memory_space<vmem>>
          %dma_start3A_131 = arith.constant 0 : i32
          %dma_start3A_132 = arith.constant 0 : i32
          %dma_start3A_133 = tpu.memref_slice %arg2[%dma_start3A_131, %dma_start3A_132] : memref<10240x128xf32, #tpu.memory_space<hbm>> -> memref<10240x128xf32, #tpu.memory_space<hbm>>
          tpu.enqueue_indirect_dma source(%dma_start3A_133 : memref<10240x128xf32, #tpu.memory_space<hbm>>) target(%dma_start3A_129 : memref<64x128xf32, #tpu.memory_space<vmem>>) offsets(%dma_start3A_130 : memref<64xi32, #tpu.memory_space<vmem>>) semaphore(%arg10 : memref<!tpu.dma_semaphore, #tpu.memory_space<semaphore_mem>>)
        } else {
        }
      }
      %scan3A_66 = arith.constant 40 : i32
      %dma_wait3A = arith.constant 0 : i32
      %dma_wait3A_67 = arith.constant 0 : i32
      %dma_wait3A_68 = arith.constant 0 : i32
      %dma_wait3A_69 = tpu.memref_slice %arg8[%dma_wait3A, %dma_wait3A_67, %dma_wait3A_68] : memref<4x64x128xf32, #tpu.memory_space<vmem>> -> memref<1x64x128xf32, #tpu.memory_space<vmem>>
      %dma_wait3A_70 = tpu.memref_squeeze %dma_wait3A_69 : memref<1x64x128xf32, #tpu.memory_space<vmem>> -> memref<64x128xf32, #tpu.memory_space<vmem>>
      %dma_wait3A_71 = arith.constant 0 : i32
      %dma_wait3A_72 = arith.constant 0 : i32
      %dma_wait3A_73 = tpu.memref_slice %arg9[%dma_wait3A_71, %dma_wait3A_72] : memref<10240x128xf32, #tpu.memory_space<vmem_shared>> -> memref<64x128xf32, #tpu.memory_space<vmem_shared>>
      %dma_wait3A_74 = arith.constant 0 : i32
      %dma_wait3A_75 = arith.constant 0 : i32
      %dma_wait3A_76 = tpu.memref_slice %arg9[%dma_wait3A_74, %dma_wait3A_75] : memref<10240x128xf32, #tpu.memory_space<vmem_shared>> -> memref<64x128xf32, #tpu.memory_space<vmem_shared>>
      %dma_wait3A_77 = arith.constant 0 : i32
      %dma_wait3A_78 = arith.constant 0 : i32
      %dma_wait3A_79 = tpu.memref_slice %arg8[%dma_wait3A, %dma_wait3A_77, %dma_wait3A_78] : memref<4x64x128xf32, #tpu.memory_space<vmem>> -> memref<1x64x128xf32, #tpu.memory_space<vmem>>
      %dma_wait3A_80 = tpu.memref_squeeze %dma_wait3A_79 : memref<1x64x128xf32, #tpu.memory_space<vmem>> -> memref<64x128xf32, #tpu.memory_space<vmem>>
      tpu.wait_dma2 semaphore(%arg11 : memref<!tpu.dma_semaphore, #tpu.memory_space<semaphore_mem>>) src(%dma_wait3A_80 : memref<64x128xf32, #tpu.memory_space<vmem>>) dst(%dma_wait3A_76 : memref<64x128xf32, #tpu.memory_space<vmem_shared>>)
    } else {
    }
    %lt3A_20 = arith.constant 31 : i32
    %lt3A_21 = arith.cmpi slt, %add3A, %lt3A_20 : i32
    %or3A_22 = arith.constant false
    %or3A_23 = arith.ori %lt3A_21, %or3A_22 : i1
    %convert_element_type3A_24 = arith.extui %or3A_23 : i1 to i32
    %cond3A_25 = arith.constant 0 : i32
    %cond3A_26 = arith.cmpi ne, %convert_element_type3A_24, %cond3A_25 : i32
    scf.if %cond3A_26 {
      %mul3A_28 = arith.constant 10240 : i32
      %mul3A_29 = arith.muli %add3A, %mul3A_28 : i32
      %add3A_30 = arith.constant 7680 : i32
      %add3A_31 = arith.addi %mul3A_29, %add3A_30 : i32
      %run_scoped3A = arith.constant 0 : i32
      "tpu.region"() ({
        %run_scoped3A_81 = tpu.sem_alloc : memref<!tpu.dma_semaphore, #tpu.memory_space<semaphore_mem>>
        %dma_start3A_82 = tpu.memref_slice %arg3[%run_scoped3A, %add3A_31] : memref<2x320000xi32, #tpu.memory_space<hbm>> -> memref<1x2560xi32, #tpu.memory_space<hbm>>
        %dma_start3A_83 = tpu.memref_squeeze %dma_start3A_82 : memref<1x2560xi32, #tpu.memory_space<hbm>> -> memref<2560xi32, #tpu.memory_space<hbm>>
        %dma_start3A_84 = tpu.memref_slice %arg3[%run_scoped3A, %add3A_31] : memref<2x320000xi32, #tpu.memory_space<hbm>> -> memref<1x2560xi32, #tpu.memory_space<hbm>>
        %dma_start3A_85 = tpu.memref_squeeze %dma_start3A_84 : memref<1x2560xi32, #tpu.memory_space<hbm>> -> memref<2560xi32, #tpu.memory_space<hbm>>
        tpu.enqueue_dma source(%dma_start3A_85 : memref<2560xi32, #tpu.memory_space<hbm>>) target(%arg6 : memref<2560xi32, #tpu.memory_space<vmem>>) target_semaphore(%run_scoped3A_81 : memref<!tpu.dma_semaphore, #tpu.memory_space<semaphore_mem>>)
        %dma_wait3A_86 = tpu.memref_slice %arg3[%run_scoped3A, %add3A_31] : memref<2x320000xi32, #tpu.memory_space<hbm>> -> memref<1x2560xi32, #tpu.memory_space<hbm>>
        %dma_wait3A_87 = tpu.memref_squeeze %dma_wait3A_86 : memref<1x2560xi32, #tpu.memory_space<hbm>> -> memref<2560xi32, #tpu.memory_space<hbm>>
        %dma_wait3A_88 = tpu.memref_slice %arg3[%run_scoped3A, %add3A_31] : memref<2x320000xi32, #tpu.memory_space<hbm>> -> memref<1x2560xi32, #tpu.memory_space<hbm>>
        %dma_wait3A_89 = tpu.memref_squeeze %dma_wait3A_88 : memref<1x2560xi32, #tpu.memory_space<hbm>> -> memref<2560xi32, #tpu.memory_space<hbm>>
        tpu.wait_dma2 semaphore(%run_scoped3A_81 : memref<!tpu.dma_semaphore, #tpu.memory_space<semaphore_mem>>) src(%dma_wait3A_89 : memref<2560xi32, #tpu.memory_space<hbm>>) dst(%arg6 : memref<2560xi32, #tpu.memory_space<vmem>>)
        tpu.yield
      }) : () -> ()
      %run_scoped3A_32 = arith.constant 1 : i32
      "tpu.region"() ({
        %run_scoped3A_81 = tpu.sem_alloc : memref<!tpu.dma_semaphore, #tpu.memory_space<semaphore_mem>>
        %dma_start3A_82 = tpu.memref_slice %arg3[%run_scoped3A_32, %add3A_31] : memref<2x320000xi32, #tpu.memory_space<hbm>> -> memref<1x2560xi32, #tpu.memory_space<hbm>>
        %dma_start3A_83 = tpu.memref_squeeze %dma_start3A_82 : memref<1x2560xi32, #tpu.memory_space<hbm>> -> memref<2560xi32, #tpu.memory_space<hbm>>
        %dma_start3A_84 = tpu.memref_slice %arg3[%run_scoped3A_32, %add3A_31] : memref<2x320000xi32, #tpu.memory_space<hbm>> -> memref<1x2560xi32, #tpu.memory_space<hbm>>
        %dma_start3A_85 = tpu.memref_squeeze %dma_start3A_84 : memref<1x2560xi32, #tpu.memory_space<hbm>> -> memref<2560xi32, #tpu.memory_space<hbm>>
        tpu.enqueue_dma source(%dma_start3A_85 : memref<2560xi32, #tpu.memory_space<hbm>>) target(%arg7 : memref<2560xi32, #tpu.memory_space<vmem>>) target_semaphore(%run_scoped3A_81 : memref<!tpu.dma_semaphore, #tpu.memory_space<semaphore_mem>>)
        %dma_wait3A_86 = tpu.memref_slice %arg3[%run_scoped3A_32, %add3A_31] : memref<2x320000xi32, #tpu.memory_space<hbm>> -> memref<1x2560xi32, #tpu.memory_space<hbm>>
        %dma_wait3A_87 = tpu.memref_squeeze %dma_wait3A_86 : memref<1x2560xi32, #tpu.memory_space<hbm>> -> memref<2560xi32, #tpu.memory_space<hbm>>
        %dma_wait3A_88 = tpu.memref_slice %arg3[%run_scoped3A_32, %add3A_31] : memref<2x320000xi32, #tpu.memory_space<hbm>> -> memref<1x2560xi32, #tpu.memory_space<hbm>>
        %dma_wait3A_89 = tpu.memref_squeeze %dma_wait3A_88 : memref<1x2560xi32, #tpu.memory_space<hbm>> -> memref<2560xi32, #tpu.memory_space<hbm>>
        tpu.wait_dma2 semaphore(%run_scoped3A_81 : memref<!tpu.dma_semaphore, #tpu.memory_space<semaphore_mem>>) src(%dma_wait3A_89 : memref<2560xi32, #tpu.memory_space<hbm>>) dst(%arg7 : memref<2560xi32, #tpu.memory_space<vmem>>)
        tpu.yield
      }) : () -> ()
      %dma_start3A = arith.constant 0 : i32
      %dma_start3A_33 = arith.constant 0 : i32
      %dma_start3A_34 = arith.constant 0 : i32
      %dma_start3A_35 = tpu.memref_slice %arg8[%dma_start3A, %dma_start3A_33, %dma_start3A_34] : memref<4x64x128xf32, #tpu.memory_space<vmem>> -> memref<1x64x128xf32, #tpu.memory_space<vmem>>
      %dma_start3A_36 = tpu.memref_squeeze %dma_start3A_35 : memref<1x64x128xf32, #tpu.memory_space<vmem>> -> memref<64x128xf32, #tpu.memory_space<vmem>>
      %dma_start3A_37 = arith.constant 0 : i32
      %dma_start3A_38 = tpu.memref_slice %arg6[%dma_start3A_37] : memref<2560xi32, #tpu.memory_space<vmem>> -> memref<64xi32, #tpu.memory_space<vmem>>
      %dma_start3A_39 = arith.constant 0 : i32
      %dma_start3A_40 = arith.constant 0 : i32
      %dma_start3A_41 = tpu.memref_slice %arg2[%dma_start3A_39, %dma_start3A_40] : memref<10240x128xf32, #tpu.memory_space<hbm>> -> memref<10240x128xf32, #tpu.memory_space<hbm>>
      tpu.enqueue_indirect_dma source(%dma_start3A_41 : memref<10240x128xf32, #tpu.memory_space<hbm>>) target(%dma_start3A_36 : memref<64x128xf32, #tpu.memory_space<vmem>>) offsets(%dma_start3A_38 : memref<64xi32, #tpu.memory_space<vmem>>) semaphore(%arg10 : memref<!tpu.dma_semaphore, #tpu.memory_space<semaphore_mem>>)
      %dma_start3A_42 = arith.constant 1 : i32
      %dma_start3A_43 = arith.constant 0 : i32
      %dma_start3A_44 = arith.constant 0 : i32
      %dma_start3A_45 = tpu.memref_slice %arg8[%dma_start3A_42, %dma_start3A_43, %dma_start3A_44] : memref<4x64x128xf32, #tpu.memory_space<vmem>> -> memref<1x64x128xf32, #tpu.memory_space<vmem>>
      %dma_start3A_46 = tpu.memref_squeeze %dma_start3A_45 : memref<1x64x128xf32, #tpu.memory_space<vmem>> -> memref<64x128xf32, #tpu.memory_space<vmem>>
      %dma_start3A_47 = arith.constant 64 : i32
      %dma_start3A_48 = tpu.memref_slice %arg6[%dma_start3A_47] : memref<2560xi32, #tpu.memory_space<vmem>> -> memref<64xi32, #tpu.memory_space<vmem>>
      %dma_start3A_49 = arith.constant 0 : i32
      %dma_start3A_50 = arith.constant 0 : i32
      %dma_start3A_51 = tpu.memref_slice %arg2[%dma_start3A_49, %dma_start3A_50] : memref<10240x128xf32, #tpu.memory_space<hbm>> -> memref<10240x128xf32, #tpu.memory_space<hbm>>
      tpu.enqueue_indirect_dma source(%dma_start3A_51 : memref<10240x128xf32, #tpu.memory_space<hbm>>) target(%dma_start3A_46 : memref<64x128xf32, #tpu.memory_space<vmem>>) offsets(%dma_start3A_48 : memref<64xi32, #tpu.memory_space<vmem>>) semaphore(%arg10 : memref<!tpu.dma_semaphore, #tpu.memory_space<semaphore_mem>>)
      %dma_start3A_52 = arith.constant 2 : i32
      %dma_start3A_53 = arith.constant 0 : i32
      %dma_start3A_54 = arith.constant 0 : i32
      %dma_start3A_55 = tpu.memref_slice %arg8[%dma_start3A_52, %dma_start3A_53, %dma_start3A_54] : memref<4x64x128xf32, #tpu.memory_space<vmem>> -> memref<1x64x128xf32, #tpu.memory_space<vmem>>
      %dma_start3A_56 = tpu.memref_squeeze %dma_start3A_55 : memref<1x64x128xf32, #tpu.memory_space<vmem>> -> memref<64x128xf32, #tpu.memory_space<vmem>>
      %dma_start3A_57 = arith.constant 128 : i32
      %dma_start3A_58 = tpu.memref_slice %arg6[%dma_start3A_57] : memref<2560xi32, #tpu.memory_space<vmem>> -> memref<64xi32, #tpu.memory_space<vmem>>
      %dma_start3A_59 = arith.constant 0 : i32
      %dma_start3A_60 = arith.constant 0 : i32
      %dma_start3A_61 = tpu.memref_slice %arg2[%dma_start3A_59, %dma_start3A_60] : memref<10240x128xf32, #tpu.memory_space<hbm>> -> memref<10240x128xf32, #tpu.memory_space<hbm>>
      tpu.enqueue_indirect_dma source(%dma_start3A_61 : memref<10240x128xf32, #tpu.memory_space<hbm>>) target(%dma_start3A_56 : memref<64x128xf32, #tpu.memory_space<vmem>>) offsets(%dma_start3A_58 : memref<64xi32, #tpu.memory_space<vmem>>) semaphore(%arg10 : memref<!tpu.dma_semaphore, #tpu.memory_space<semaphore_mem>>)
      %scan3A = arith.constant 0 : i32
      %scan3A_62 = arith.constant 0 : i32
      %scan3A_63 = arith.constant 40 : i32
      %scan3A_64 = arith.addi %scan3A_62, %scan3A_63 : i32
      %scan3A_65 = arith.constant 1 : i32
      scf.for %scan3A_81 = %scan3A_62 to %scan3A_64 step %scan3A_65  : i32 {
        %rem3A = arith.constant 4 : i32
        %rem3A_82 = arith.remsi %scan3A_81, %rem3A : i32
        %dma_wait3A_83 = arith.constant 0 : i32
        %dma_wait3A_84 = arith.constant 0 : i32
        %dma_wait3A_85 = tpu.memref_slice %arg8[%rem3A_82, %dma_wait3A_83, %dma_wait3A_84] : memref<4x64x128xf32, #tpu.memory_space<vmem>> -> memref<1x64x128xf32, #tpu.memory_space<vmem>>
        %dma_wait3A_86 = tpu.memref_squeeze %dma_wait3A_85 : memref<1x64x128xf32, #tpu.memory_space<vmem>> -> memref<64x128xf32, #tpu.memory_space<vmem>>
        %dma_wait3A_87 = arith.constant 0 : i32
        %dma_wait3A_88 = arith.constant 0 : i32
        %dma_wait3A_89 = tpu.memref_slice %arg2[%dma_wait3A_87, %dma_wait3A_88] : memref<10240x128xf32, #tpu.memory_space<hbm>> -> memref<64x128xf32, #tpu.memory_space<hbm>>
        %dma_wait3A_90 = arith.constant 0 : i32
        %dma_wait3A_91 = arith.constant 0 : i32
        %dma_wait3A_92 = tpu.memref_slice %arg8[%rem3A_82, %dma_wait3A_90, %dma_wait3A_91] : memref<4x64x128xf32, #tpu.memory_space<vmem>> -> memref<1x64x128xf32, #tpu.memory_space<vmem>>
        %dma_wait3A_93 = tpu.memref_squeeze %dma_wait3A_92 : memref<1x64x128xf32, #tpu.memory_space<vmem>> -> memref<64x128xf32, #tpu.memory_space<vmem>>
        %dma_wait3A_94 = arith.constant 0 : i32
        %dma_wait3A_95 = arith.constant 0 : i32
        %dma_wait3A_96 = tpu.memref_slice %arg2[%dma_wait3A_94, %dma_wait3A_95] : memref<10240x128xf32, #tpu.memory_space<hbm>> -> memref<64x128xf32, #tpu.memory_space<hbm>>
        tpu.wait_dma2 semaphore(%arg10 : memref<!tpu.dma_semaphore, #tpu.memory_space<semaphore_mem>>) src(%dma_wait3A_96 : memref<64x128xf32, #tpu.memory_space<hbm>>) dst(%dma_wait3A_93 : memref<64x128xf32, #tpu.memory_space<vmem>>)
        %mul3A_97 = arith.constant 64 : i32
        %mul3A_98 = arith.muli %scan3A_81, %mul3A_97 : i32
        %dma_start3A_99 = arith.constant 0 : i32
        %dma_start3A_100 = arith.constant 0 : i32
        %dma_start3A_101 = tpu.memref_slice %arg8[%rem3A_82, %dma_start3A_99, %dma_start3A_100] : memref<4x64x128xf32, #tpu.memory_space<vmem>> -> memref<1x64x128xf32, #tpu.memory_space<vmem>>
        %dma_start3A_102 = tpu.memref_squeeze %dma_start3A_101 : memref<1x64x128xf32, #tpu.memory_space<vmem>> -> memref<64x128xf32, #tpu.memory_space<vmem>>
        %dma_start3A_103 = tpu.memref_slice %arg7[%mul3A_98] : memref<2560xi32, #tpu.memory_space<vmem>> -> memref<64xi32, #tpu.memory_space<vmem>>
        %dma_start3A_104 = arith.constant 0 : i32
        %dma_start3A_105 = arith.constant 0 : i32
        %dma_start3A_106 = tpu.memref_slice %arg9[%dma_start3A_104, %dma_start3A_105] : memref<10240x128xf32, #tpu.memory_space<vmem_shared>> -> memref<10240x128xf32, #tpu.memory_space<vmem_shared>>
        tpu.enqueue_indirect_dma source(%dma_start3A_102 : memref<64x128xf32, #tpu.memory_space<vmem>>) target(%dma_start3A_106 : memref<10240x128xf32, #tpu.memory_space<vmem_shared>>) offsets(%dma_start3A_103 : memref<64xi32, #tpu.memory_space<vmem>>) semaphore(%arg11 : memref<!tpu.dma_semaphore, #tpu.memory_space<semaphore_mem>>) {add = true}
        %ge3A = arith.constant 1 : i32
        %ge3A_107 = arith.cmpi sge, %scan3A_81, %ge3A : i32
        %convert_element_type3A_108 = arith.extui %ge3A_107 : i1 to i32
        %cond3A_109 = arith.constant 0 : i32
        %cond3A_110 = arith.cmpi ne, %convert_element_type3A_108, %cond3A_109 : i32
        scf.if %cond3A_110 {
          %dma_wait3A_118 = arith.constant 0 : i32
          %dma_wait3A_119 = arith.constant 0 : i32
          %dma_wait3A_120 = arith.constant 0 : i32
          %dma_wait3A_121 = tpu.memref_slice %arg8[%dma_wait3A_118, %dma_wait3A_119, %dma_wait3A_120] : memref<4x64x128xf32, #tpu.memory_space<vmem>> -> memref<1x64x128xf32, #tpu.memory_space<vmem>>
          %dma_wait3A_122 = tpu.memref_squeeze %dma_wait3A_121 : memref<1x64x128xf32, #tpu.memory_space<vmem>> -> memref<64x128xf32, #tpu.memory_space<vmem>>
          %dma_wait3A_123 = arith.constant 0 : i32
          %dma_wait3A_124 = arith.constant 0 : i32
          %dma_wait3A_125 = tpu.memref_slice %arg9[%dma_wait3A_123, %dma_wait3A_124] : memref<10240x128xf32, #tpu.memory_space<vmem_shared>> -> memref<64x128xf32, #tpu.memory_space<vmem_shared>>
          %dma_wait3A_126 = arith.constant 0 : i32
          %dma_wait3A_127 = arith.constant 0 : i32
          %dma_wait3A_128 = tpu.memref_slice %arg9[%dma_wait3A_126, %dma_wait3A_127] : memref<10240x128xf32, #tpu.memory_space<vmem_shared>> -> memref<64x128xf32, #tpu.memory_space<vmem_shared>>
          %dma_wait3A_129 = arith.constant 0 : i32
          %dma_wait3A_130 = arith.constant 0 : i32
          %dma_wait3A_131 = tpu.memref_slice %arg8[%dma_wait3A_118, %dma_wait3A_129, %dma_wait3A_130] : memref<4x64x128xf32, #tpu.memory_space<vmem>> -> memref<1x64x128xf32, #tpu.memory_space<vmem>>
          %dma_wait3A_132 = tpu.memref_squeeze %dma_wait3A_131 : memref<1x64x128xf32, #tpu.memory_space<vmem>> -> memref<64x128xf32, #tpu.memory_space<vmem>>
          tpu.wait_dma2 semaphore(%arg11 : memref<!tpu.dma_semaphore, #tpu.memory_space<semaphore_mem>>) src(%dma_wait3A_132 : memref<64x128xf32, #tpu.memory_space<vmem>>) dst(%dma_wait3A_128 : memref<64x128xf32, #tpu.memory_space<vmem_shared>>)
        } else {
        }
        %add3A_111 = arith.constant 3 : i32
        %add3A_112 = arith.addi %scan3A_81, %add3A_111 : i32
        %lt3A_113 = arith.constant 40 : i32
        %lt3A_114 = arith.cmpi slt, %add3A_112, %lt3A_113 : i32
        %convert_element_type3A_115 = arith.extui %lt3A_114 : i1 to i32
        %cond3A_116 = arith.constant 0 : i32
        %cond3A_117 = arith.cmpi ne, %convert_element_type3A_115, %cond3A_116 : i32
        scf.if %cond3A_117 {
          %add3A_118 = arith.constant 3 : i32
          %add3A_119 = arith.addi %scan3A_81, %add3A_118 : i32
          %rem3A_120 = arith.constant 4 : i32
          %rem3A_121 = arith.remsi %add3A_119, %rem3A_120 : i32
          %add3A_122 = arith.constant 3 : i32
          %add3A_123 = arith.addi %scan3A_81, %add3A_122 : i32
          %mul3A_124 = arith.constant 64 : i32
          %mul3A_125 = arith.muli %add3A_123, %mul3A_124 : i32
          %dma_start3A_126 = arith.constant 0 : i32
          %dma_start3A_127 = arith.constant 0 : i32
          %dma_start3A_128 = tpu.memref_slice %arg8[%rem3A_121, %dma_start3A_126, %dma_start3A_127] : memref<4x64x128xf32, #tpu.memory_space<vmem>> -> memref<1x64x128xf32, #tpu.memory_space<vmem>>
          %dma_start3A_129 = tpu.memref_squeeze %dma_start3A_128 : memref<1x64x128xf32, #tpu.memory_space<vmem>> -> memref<64x128xf32, #tpu.memory_space<vmem>>
          %dma_start3A_130 = tpu.memref_slice %arg6[%mul3A_125] : memref<2560xi32, #tpu.memory_space<vmem>> -> memref<64xi32, #tpu.memory_space<vmem>>
          %dma_start3A_131 = arith.constant 0 : i32
          %dma_start3A_132 = arith.constant 0 : i32
          %dma_start3A_133 = tpu.memref_slice %arg2[%dma_start3A_131, %dma_start3A_132] : memref<10240x128xf32, #tpu.memory_space<hbm>> -> memref<10240x128xf32, #tpu.memory_space<hbm>>
          tpu.enqueue_indirect_dma source(%dma_start3A_133 : memref<10240x128xf32, #tpu.memory_space<hbm>>) target(%dma_start3A_129 : memref<64x128xf32, #tpu.memory_space<vmem>>) offsets(%dma_start3A_130 : memref<64xi32, #tpu.memory_space<vmem>>) semaphore(%arg10 : memref<!tpu.dma_semaphore, #tpu.memory_space<semaphore_mem>>)
        } else {
        }
      }
      %scan3A_66 = arith.constant 40 : i32
      %dma_wait3A = arith.constant 0 : i32
      %dma_wait3A_67 = arith.constant 0 : i32
      %dma_wait3A_68 = arith.constant 0 : i32
      %dma_wait3A_69 = tpu.memref_slice %arg8[%dma_wait3A, %dma_wait3A_67, %dma_wait3A_68] : memref<4x64x128xf32, #tpu.memory_space<vmem>> -> memref<1x64x128xf32, #tpu.memory_space<vmem>>
      %dma_wait3A_70 = tpu.memref_squeeze %dma_wait3A_69 : memref<1x64x128xf32, #tpu.memory_space<vmem>> -> memref<64x128xf32, #tpu.memory_space<vmem>>
      %dma_wait3A_71 = arith.constant 0 : i32
      %dma_wait3A_72 = arith.constant 0 : i32
      %dma_wait3A_73 = tpu.memref_slice %arg9[%dma_wait3A_71, %dma_wait3A_72] : memref<10240x128xf32, #tpu.memory_space<vmem_shared>> -> memref<64x128xf32, #tpu.memory_space<vmem_shared>>
      %dma_wait3A_74 = arith.constant 0 : i32
      %dma_wait3A_75 = arith.constant 0 : i32
      %dma_wait3A_76 = tpu.memref_slice %arg9[%dma_wait3A_74, %dma_wait3A_75] : memref<10240x128xf32, #tpu.memory_space<vmem_shared>> -> memref<64x128xf32, #tpu.memory_space<vmem_shared>>
      %dma_wait3A_77 = arith.constant 0 : i32
      %dma_wait3A_78 = arith.constant 0 : i32
      %dma_wait3A_79 = tpu.memref_slice %arg8[%dma_wait3A, %dma_wait3A_77, %dma_wait3A_78] : memref<4x64x128xf32, #tpu.memory_space<vmem>> -> memref<1x64x128xf32, #tpu.memory_space<vmem>>
      %dma_wait3A_80 = tpu.memref_squeeze %dma_wait3A_79 : memref<1x64x128xf32, #tpu.memory_space<vmem>> -> memref<64x128xf32, #tpu.memory_space<vmem>>
      tpu.wait_dma2 semaphore(%arg11 : memref<!tpu.dma_semaphore, #tpu.memory_space<semaphore_mem>>) src(%dma_wait3A_80 : memref<64x128xf32, #tpu.memory_space<vmem>>) dst(%dma_wait3A_76 : memref<64x128xf32, #tpu.memory_space<vmem_shared>>)
    } else {
    }
    %barrier3A_27 = arith.constant 0 : index
    tpu.barrier barrier_id(%barrier3A_27)
    "tpu.region"() ({
      %run_scoped3A = tpu.sem_alloc : memref<!tpu.dma_semaphore, #tpu.memory_space<semaphore_mem>>
      %dma_start3A = arith.constant 0 : i32
      %dma_start3A_28 = tpu.memref_slice %arg5[%arg0, %mul3A_2, %dma_start3A] : memref<2x10240x128xf32, #tpu.memory_space<hbm>> -> memref<1x640x128xf32, #tpu.memory_space<hbm>>
      %dma_start3A_29 = tpu.memref_squeeze %dma_start3A_28 : memref<1x640x128xf32, #tpu.memory_space<hbm>> -> memref<640x128xf32, #tpu.memory_space<hbm>>
      %dma_start3A_30 = arith.constant 0 : i32
      %dma_start3A_31 = tpu.memref_slice %arg9[%mul3A_2, %dma_start3A_30] : memref<10240x128xf32, #tpu.memory_space<vmem_shared>> -> memref<640x128xf32, #tpu.memory_space<vmem_shared>>
      tpu.enqueue_dma source(%dma_start3A_31 : memref<640x128xf32, #tpu.memory_space<vmem_shared>>) target(%dma_start3A_29 : memref<640x128xf32, #tpu.memory_space<hbm>>) target_semaphore(%run_scoped3A : memref<!tpu.dma_semaphore, #tpu.memory_space<semaphore_mem>>)
      %dma_wait3A = arith.constant 0 : i32
      %dma_wait3A_32 = tpu.memref_slice %arg5[%arg0, %mul3A_2, %dma_wait3A] : memref<2x10240x128xf32, #tpu.memory_space<hbm>> -> memref<1x640x128xf32, #tpu.memory_space<hbm>>
      %dma_wait3A_33 = tpu.memref_squeeze %dma_wait3A_32 : memref<1x640x128xf32, #tpu.memory_space<hbm>> -> memref<640x128xf32, #tpu.memory_space<hbm>>
      %dma_wait3A_34 = arith.constant 0 : i32
      %dma_wait3A_35 = tpu.memref_slice %arg9[%mul3A_2, %dma_wait3A_34] : memref<10240x128xf32, #tpu.memory_space<vmem_shared>> -> memref<640x128xf32, #tpu.memory_space<vmem_shared>>
      tpu.wait_dma2 semaphore(%run_scoped3A : memref<!tpu.dma_semaphore, #tpu.memory_space<semaphore_mem>>) src(%dma_wait3A_35 : memref<640x128xf32, #tpu.memory_space<vmem_shared>>) dst(%dma_wait3A_33 : memref<640x128xf32, #tpu.memory_space<hbm>>)
      tpu.yield
    }) : () -> ()
    return
  }
}

module attributes {stable_mosaic.version = 14 : i64} {
  func.func @_bn_mm_body(%arg0: memref<2x10240x128xf32, #tpu.memory_space<vmem>>, %arg1: memref<10240x128xf32, #tpu.memory_space<vmem>>, %arg2: memref<10240x1xf32, #tpu.memory_space<vmem>>, %arg3: memref<1x128xf32, #tpu.memory_space<vmem>>, %arg4: memref<1x128xf32, #tpu.memory_space<vmem>>, %arg5: memref<1x128xf32, #tpu.memory_space<vmem>>, %arg6: memref<128x128xf32, #tpu.memory_space<vmem>>, %arg7: memref<10240x128xf32, #tpu.memory_space<vmem>>) attributes {dimension_semantics = [], scalar_prefetch = 0 : i64, scratch_operands = 0 : i64, tpu.core_type = #tpu.core_type<tc>} {
    %get3A = arith.constant 0 : index
    %get3A_0 = arith.constant 0 : index
    %get3A_1 = arith.constant 0 : index
    %get3A_2 = vector.load %arg0[%get3A, %get3A_0, %get3A_1] : memref<2x10240x128xf32, #tpu.memory_space<vmem>>, vector<1x10240x128xf32>
    %get3A_3 = vector.shape_cast %get3A_2 : vector<1x10240x128xf32> to vector<10240x128xf32>
    %get3A_4 = arith.constant 1 : index
    %get3A_5 = arith.constant 0 : index
    %get3A_6 = arith.constant 0 : index
    %get3A_7 = vector.load %arg0[%get3A_4, %get3A_5, %get3A_6] : memref<2x10240x128xf32, #tpu.memory_space<vmem>>, vector<1x10240x128xf32>
    %get3A_8 = vector.shape_cast %get3A_7 : vector<1x10240x128xf32> to vector<10240x128xf32>
    %add3A = arith.addf %get3A_3, %get3A_8 : vector<10240x128xf32>
    %get3A_9 = arith.constant 0 : index
    %get3A_10 = arith.constant 0 : index
    %get3A_11 = vector.load %arg1[%get3A_9, %get3A_10] : memref<10240x128xf32, #tpu.memory_space<vmem>>, vector<10240x128xf32>
    %add3A_12 = arith.addf %add3A, %get3A_11 : vector<10240x128xf32>
    %get3A_13 = arith.constant 0 : index
    %get3A_14 = arith.constant 0 : index
    %get3A_15 = vector.load %arg2[%get3A_13, %get3A_14] : memref<10240x1xf32, #tpu.memory_space<vmem>>, vector<10240x1xf32>
    %mul3A = vector.broadcast %get3A_15 : vector<10240x1xf32> to vector<10240x128xf32>
    %mul3A_16 = arith.mulf %add3A_12, %mul3A : vector<10240x128xf32>
    %get3A_17 = arith.constant 0 : index
    %get3A_18 = arith.constant 0 : index
    %get3A_19 = vector.load %arg3[%get3A_17, %get3A_18] : memref<1x128xf32, #tpu.memory_space<vmem>>, vector<1x128xf32>
    %add3A_20 = vector.broadcast %get3A_19 : vector<1x128xf32> to vector<10240x128xf32>
    %add3A_21 = arith.addf %mul3A_16, %add3A_20 : vector<10240x128xf32>
    %iota3A = tpu.iota {dimensions = array<i32: 0>} : vector<10240x1xi32>
    %lt3A = arith.constant 10000 : i32
    %lt3A_22 = vector.broadcast %lt3A : i32 to vector<10240x1xi32>
    %lt3A_23 = arith.cmpi slt, %iota3A, %lt3A_22 : vector<10240x1xi32>
    %jit3A = arith.constant 0.000000e+00 : f32
    %broadcast_in_dim3A = vector.shape_cast %lt3A_23 : vector<10240x1xi1> to vector<10240x1xi1>
    %broadcast_in_dim3A_24 = vector.broadcast %broadcast_in_dim3A : vector<10240x1xi1> to vector<10240x128xi1>
    %broadcast_in_dim3A_25 = vector.broadcast %jit3A : f32 to vector<10240x128xf32>
    %select_n3A = arith.select %broadcast_in_dim3A_24, %add3A_21, %broadcast_in_dim3A_25 : vector<10240x128xi1>, vector<10240x128xf32>
    %reduce_sum3A = arith.constant dense<0.000000e+00> : vector<128xf32>
    %reduce_sum3A_26 = vector.multi_reduction <add>, %select_n3A, %reduce_sum3A [0] : vector<10240x128xf32> to vector<128xf32>
    %broadcast_in_dim3A_27 = vector.shape_cast %reduce_sum3A_26 : vector<128xf32> to vector<1x128xf32>
    %mul3A_28 = arith.constant 9.99999974E-5 : f32
    %mul3A_29 = vector.broadcast %mul3A_28 : f32 to vector<1x128xf32>
    %mul3A_30 = arith.mulf %broadcast_in_dim3A_27, %mul3A_29 : vector<1x128xf32>
    %mul3A_31 = arith.mulf %select_n3A, %select_n3A : vector<10240x128xf32>
    %reduce_sum3A_32 = arith.constant dense<0.000000e+00> : vector<128xf32>
    %reduce_sum3A_33 = vector.multi_reduction <add>, %mul3A_31, %reduce_sum3A_32 [0] : vector<10240x128xf32> to vector<128xf32>
    %broadcast_in_dim3A_34 = vector.shape_cast %reduce_sum3A_33 : vector<128xf32> to vector<1x128xf32>
    %mul3A_35 = arith.constant 9.99999974E-5 : f32
    %mul3A_36 = vector.broadcast %mul3A_35 : f32 to vector<1x128xf32>
    %mul3A_37 = arith.mulf %broadcast_in_dim3A_34, %mul3A_36 : vector<1x128xf32>
    %mul3A_38 = arith.mulf %mul3A_30, %mul3A_30 : vector<1x128xf32>
    %sub3A = arith.subf %mul3A_37, %mul3A_38 : vector<1x128xf32>
    %sub3A_39 = vector.broadcast %mul3A_30 : vector<1x128xf32> to vector<10240x128xf32>
    %sub3A_40 = arith.subf %add3A_21, %sub3A_39 : vector<10240x128xf32>
    %add3A_41 = arith.constant 9.99999974E-6 : f32
    %add3A_42 = vector.broadcast %add3A_41 : f32 to vector<1x128xf32>
    %add3A_43 = arith.addf %sub3A, %add3A_42 : vector<1x128xf32>
    %rsqrt3A = math.rsqrt %add3A_43 : vector<1x128xf32>
    %mul3A_44 = vector.broadcast %rsqrt3A : vector<1x128xf32> to vector<10240x128xf32>
    %mul3A_45 = arith.mulf %sub3A_40, %mul3A_44 : vector<10240x128xf32>
    %get3A_46 = arith.constant 0 : index
    %get3A_47 = arith.constant 0 : index
    %get3A_48 = vector.load %arg4[%get3A_46, %get3A_47] : memref<1x128xf32, #tpu.memory_space<vmem>>, vector<1x128xf32>
    %mul3A_49 = vector.broadcast %get3A_48 : vector<1x128xf32> to vector<10240x128xf32>
    %mul3A_50 = arith.mulf %mul3A_45, %mul3A_49 : vector<10240x128xf32>
    %get3A_51 = arith.constant 0 : index
    %get3A_52 = arith.constant 0 : index
    %get3A_53 = vector.load %arg5[%get3A_51, %get3A_52] : memref<1x128xf32, #tpu.memory_space<vmem>>, vector<1x128xf32>
    %add3A_54 = vector.broadcast %get3A_53 : vector<1x128xf32> to vector<10240x128xf32>
    %add3A_55 = arith.addf %mul3A_50, %add3A_54 : vector<10240x128xf32>
    %max3A = arith.constant 0.000000e+00 : f32
    %max3A_56 = vector.broadcast %max3A : f32 to vector<10240x128xf32>
    %max3A_57 = arith.maximumf %add3A_55, %max3A_56 : vector<10240x128xf32>
    %get3A_58 = arith.constant 0 : index
    %get3A_59 = arith.constant 0 : index
    %get3A_60 = vector.load %arg6[%get3A_58, %get3A_59] : memref<128x128xf32, #tpu.memory_space<vmem>>, vector<128x128xf32>
    %dot_general3A = arith.constant dense<0.000000e+00> : vector<10240x128xf32>
    %dot_general3A_61 = tpu.matmul %max3A_57, %get3A_60, %dot_general3A {dimension_numbers = #tpu.dot_dimension_numbers<[1], [0], [0], [1], [0, 0, 1, 1], [], []>, transpose_lhs_hint = false} : vector<10240x128xf32>, vector<128x128xf32>, vector<10240x128xf32> -> vector<10240x128xf32>
    %get3A_62 = arith.constant 0 : index
    %get3A_63 = arith.constant 0 : index
    %get3A_64 = vector.load %arg2[%get3A_62, %get3A_63] : memref<10240x1xf32, #tpu.memory_space<vmem>>, vector<10240x1xf32>
    %mul3A_65 = vector.broadcast %get3A_64 : vector<10240x1xf32> to vector<10240x128xf32>
    %mul3A_66 = arith.mulf %dot_general3A_61, %mul3A_65 : vector<10240x128xf32>
    %swap3A = arith.constant 0 : index
    %swap3A_67 = arith.constant 0 : index
    %swap3A_68 = vector.load %arg7[%swap3A, %swap3A_67] : memref<10240x128xf32, #tpu.memory_space<vmem>>, vector<10240x128xf32>
    tpu.vector_store %arg7[%swap3A, %swap3A_67], %mul3A_66 {strides = array<i32>} : memref<10240x128xf32, #tpu.memory_space<vmem>>, vector<10240x128xf32>,
    return
  }
}

module attributes {stable_mosaic.version = 14 : i64} {
  func.func @_mm0_body(%arg0: memref<10000x128xf32, #tpu.memory_space<vmem>>, %arg1: memref<128x128xf32, #tpu.memory_space<vmem>>, %arg2: memref<10000x128xf32, #tpu.memory_space<vmem>>) attributes {dimension_semantics = [], scalar_prefetch = 0 : i64, scratch_operands = 0 : i64, tpu.core_type = #tpu.core_type<tc>} {
    %get3A = arith.constant 0 : index
    %get3A_0 = arith.constant 0 : index
    %get3A_1 = vector.load %arg0[%get3A, %get3A_0] : memref<10000x128xf32, #tpu.memory_space<vmem>>, vector<10000x128xf32>
    %get3A_2 = arith.constant 0 : index
    %get3A_3 = arith.constant 0 : index
    %get3A_4 = vector.load %arg1[%get3A_2, %get3A_3] : memref<128x128xf32, #tpu.memory_space<vmem>>, vector<128x128xf32>
    %dot_general3A = arith.constant dense<0.000000e+00> : vector<10000x128xf32>
    %dot_general3A_5 = tpu.matmul %get3A_1, %get3A_4, %dot_general3A {dimension_numbers = #tpu.dot_dimension_numbers<[1], [0], [0], [1], [0, 0, 1, 1], [], []>, transpose_lhs_hint = false} : vector<10000x128xf32>, vector<128x128xf32>, vector<10000x128xf32> -> vector<10000x128xf32>
    %swap3A = arith.constant 0 : index
    %swap3A_6 = arith.constant 0 : index
    %swap3A_7 = vector.load %arg2[%swap3A, %swap3A_6] : memref<10000x128xf32, #tpu.memory_space<vmem>>, vector<10000x128xf32>
    tpu.vector_store %arg2[%swap3A, %swap3A_6], %dot_general3A_5 {strides = array<i32>} : memref<10000x128xf32, #tpu.memory_space<vmem>>, vector<10000x128xf32>,
    return
  }
}

module attributes {stable_mosaic.version = 14 : i64} {
  func.func @_scale_body(%arg0: memref<10000x128xf32, #tpu.memory_space<vmem>>, %arg1: memref<2x10240xf32, #tpu.memory_space<vmem>>, %arg2: memref<10240x128xf32, #tpu.memory_space<vmem>>, %arg3: memref<10240x1xf32, #tpu.memory_space<vmem>>) attributes {dimension_semantics = [], scalar_prefetch = 0 : i64, scratch_operands = 0 : i64, tpu.core_type = #tpu.core_type<tc>} {
    %get3A = arith.constant 0 : index
    %get3A_0 = arith.constant 0 : index
    %get3A_1 = vector.load %arg1[%get3A, %get3A_0] : memref<2x10240xf32, #tpu.memory_space<vmem>>, vector<1x10240xf32>
    %get3A_2 = vector.shape_cast %get3A_1 : vector<1x10240xf32> to vector<10240xf32>
    %get3A_3 = arith.constant 1 : index
    %get3A_4 = arith.constant 0 : index
    %get3A_5 = vector.load %arg1[%get3A_3, %get3A_4] : memref<2x10240xf32, #tpu.memory_space<vmem>>, vector<1x10240xf32>
    %get3A_6 = vector.shape_cast %get3A_5 : vector<1x10240xf32> to vector<10240xf32>
    %add3A = arith.addf %get3A_2, %get3A_6 : vector<10240xf32>
    %add3A_7 = arith.constant 1.000000e+00 : f32
    %add3A_8 = vector.broadcast %add3A_7 : f32 to vector<10240xf32>
    %add3A_9 = arith.addf %add3A, %add3A_8 : vector<10240xf32>
    %rsqrt3A = math.rsqrt %add3A_9 : vector<10240xf32>
    %reshape3A = vector.shape_cast %rsqrt3A : vector<10240xf32> to vector<10240x1xf32>
    %get3A_10 = arith.constant 0 : index
    %get3A_11 = arith.constant 0 : index
    %get3A_12 = vector.load %arg0[%get3A_10, %get3A_11] : memref<10000x128xf32, #tpu.memory_space<vmem>>, vector<10000x128xf32>
    %slice3A = vector.extract_strided_slice %reshape3A {offsets = [0, 0], sizes = [10000, 1], strides = [1, 1]} : vector<10240x1xf32> to vector<10000x1xf32>
    %mul3A = vector.broadcast %slice3A : vector<10000x1xf32> to vector<10000x128xf32>
    %mul3A_13 = arith.mulf %get3A_12, %mul3A : vector<10000x128xf32>
    %swap3A = arith.constant 0 : index
    %swap3A_14 = arith.constant 0 : index
    %swap3A_15 = vector.load %arg2[%swap3A, %swap3A_14] : memref<10240x128xf32, #tpu.memory_space<vmem>>, vector<10000x128xf32>
    tpu.vector_store %arg2[%swap3A, %swap3A_14], %mul3A_13 {strides = array<i32>} : memref<10240x128xf32, #tpu.memory_space<vmem>>, vector<10000x128xf32>,
    %broadcast_in_dim3A = arith.constant 0.000000e+00 : f32
    %broadcast_in_dim3A_16 = vector.broadcast %broadcast_in_dim3A : f32 to vector<240x128xf32>
    %swap3A_17 = arith.constant 10000 : index
    %swap3A_18 = arith.constant 0 : index
    %swap3A_19 = vector.load %arg2[%swap3A_17, %swap3A_18] : memref<10240x128xf32, #tpu.memory_space<vmem>>, vector<240x128xf32>
    tpu.vector_store %arg2[%swap3A_17, %swap3A_18], %broadcast_in_dim3A_16 {strides = array<i32>} : memref<10240x128xf32, #tpu.memory_space<vmem>>, vector<240x128xf32>,
    %swap3A_20 = arith.constant 0 : index
    %swap3A_21 = arith.constant 0 : index
    %swap3A_22 = vector.load %arg3[%swap3A_20, %swap3A_21] : memref<10240x1xf32, #tpu.memory_space<vmem>>, vector<10240x1xf32>
    tpu.vector_store %arg3[%swap3A_20, %swap3A_21], %reshape3A {strides = array<i32>} : memref<10240x1xf32, #tpu.memory_space<vmem>>, vector<10240x1xf32>,
    return
  }
}

module attributes {stable_mosaic.version = 14 : i64} {
  func.func @_bn_body(%arg0: memref<2x10240x128xf32, #tpu.memory_space<vmem>>, %arg1: memref<10240x128xf32, #tpu.memory_space<vmem>>, %arg2: memref<10240x1xf32, #tpu.memory_space<vmem>>, %arg3: memref<1x128xf32, #tpu.memory_space<vmem>>, %arg4: memref<1x128xf32, #tpu.memory_space<vmem>>, %arg5: memref<1x128xf32, #tpu.memory_space<vmem>>, %arg6: memref<10240x128xf32, #tpu.memory_space<vmem>>) attributes {dimension_semantics = [], scalar_prefetch = 0 : i64, scratch_operands = 0 : i64, tpu.core_type = #tpu.core_type<tc>} {
    %get3A = arith.constant 0 : index
    %get3A_0 = arith.constant 0 : index
    %get3A_1 = arith.constant 0 : index
    %get3A_2 = vector.load %arg0[%get3A, %get3A_0, %get3A_1] : memref<2x10240x128xf32, #tpu.memory_space<vmem>>, vector<1x10240x128xf32>
    %get3A_3 = vector.shape_cast %get3A_2 : vector<1x10240x128xf32> to vector<10240x128xf32>
    %get3A_4 = arith.constant 1 : index
    %get3A_5 = arith.constant 0 : index
    %get3A_6 = arith.constant 0 : index
    %get3A_7 = vector.load %arg0[%get3A_4, %get3A_5, %get3A_6] : memref<2x10240x128xf32, #tpu.memory_space<vmem>>, vector<1x10240x128xf32>
    %get3A_8 = vector.shape_cast %get3A_7 : vector<1x10240x128xf32> to vector<10240x128xf32>
    %add3A = arith.addf %get3A_3, %get3A_8 : vector<10240x128xf32>
    %get3A_9 = arith.constant 0 : index
    %get3A_10 = arith.constant 0 : index
    %get3A_11 = vector.load %arg1[%get3A_9, %get3A_10] : memref<10240x128xf32, #tpu.memory_space<vmem>>, vector<10240x128xf32>
    %add3A_12 = arith.addf %add3A, %get3A_11 : vector<10240x128xf32>
    %get3A_13 = arith.constant 0 : index
    %get3A_14 = arith.constant 0 : index
    %get3A_15 = vector.load %arg2[%get3A_13, %get3A_14] : memref<10240x1xf32, #tpu.memory_space<vmem>>, vector<10240x1xf32>
    %mul3A = vector.broadcast %get3A_15 : vector<10240x1xf32> to vector<10240x128xf32>
    %mul3A_16 = arith.mulf %add3A_12, %mul3A : vector<10240x128xf32>
    %get3A_17 = arith.constant 0 : index
    %get3A_18 = arith.constant 0 : index
    %get3A_19 = vector.load %arg3[%get3A_17, %get3A_18] : memref<1x128xf32, #tpu.memory_space<vmem>>, vector<1x128xf32>
    %add3A_20 = vector.broadcast %get3A_19 : vector<1x128xf32> to vector<10240x128xf32>
    %add3A_21 = arith.addf %mul3A_16, %add3A_20 : vector<10240x128xf32>
    %iota3A = tpu.iota {dimensions = array<i32: 0>} : vector<10240x1xi32>
    %lt3A = arith.constant 10000 : i32
    %lt3A_22 = vector.broadcast %lt3A : i32 to vector<10240x1xi32>
    %lt3A_23 = arith.cmpi slt, %iota3A, %lt3A_22 : vector<10240x1xi32>
    %jit3A = arith.constant 0.000000e+00 : f32
    %broadcast_in_dim3A = vector.shape_cast %lt3A_23 : vector<10240x1xi1> to vector<10240x1xi1>
    %broadcast_in_dim3A_24 = vector.broadcast %broadcast_in_dim3A : vector<10240x1xi1> to vector<10240x128xi1>
    %broadcast_in_dim3A_25 = vector.broadcast %jit3A : f32 to vector<10240x128xf32>
    %select_n3A = arith.select %broadcast_in_dim3A_24, %add3A_21, %broadcast_in_dim3A_25 : vector<10240x128xi1>, vector<10240x128xf32>
    %reduce_sum3A = arith.constant dense<0.000000e+00> : vector<128xf32>
    %reduce_sum3A_26 = vector.multi_reduction <add>, %select_n3A, %reduce_sum3A [0] : vector<10240x128xf32> to vector<128xf32>
    %broadcast_in_dim3A_27 = vector.shape_cast %reduce_sum3A_26 : vector<128xf32> to vector<1x128xf32>
    %mul3A_28 = arith.constant 9.99999974E-5 : f32
    %mul3A_29 = vector.broadcast %mul3A_28 : f32 to vector<1x128xf32>
    %mul3A_30 = arith.mulf %broadcast_in_dim3A_27, %mul3A_29 : vector<1x128xf32>
    %mul3A_31 = arith.mulf %select_n3A, %select_n3A : vector<10240x128xf32>
    %reduce_sum3A_32 = arith.constant dense<0.000000e+00> : vector<128xf32>
    %reduce_sum3A_33 = vector.multi_reduction <add>, %mul3A_31, %reduce_sum3A_32 [0] : vector<10240x128xf32> to vector<128xf32>
    %broadcast_in_dim3A_34 = vector.shape_cast %reduce_sum3A_33 : vector<128xf32> to vector<1x128xf32>
    %mul3A_35 = arith.constant 9.99999974E-5 : f32
    %mul3A_36 = vector.broadcast %mul3A_35 : f32 to vector<1x128xf32>
    %mul3A_37 = arith.mulf %broadcast_in_dim3A_34, %mul3A_36 : vector<1x128xf32>
    %mul3A_38 = arith.mulf %mul3A_30, %mul3A_30 : vector<1x128xf32>
    %sub3A = arith.subf %mul3A_37, %mul3A_38 : vector<1x128xf32>
    %sub3A_39 = vector.broadcast %mul3A_30 : vector<1x128xf32> to vector<10240x128xf32>
    %sub3A_40 = arith.subf %add3A_21, %sub3A_39 : vector<10240x128xf32>
    %add3A_41 = arith.constant 9.99999974E-6 : f32
    %add3A_42 = vector.broadcast %add3A_41 : f32 to vector<1x128xf32>
    %add3A_43 = arith.addf %sub3A, %add3A_42 : vector<1x128xf32>
    %rsqrt3A = math.rsqrt %add3A_43 : vector<1x128xf32>
    %mul3A_44 = vector.broadcast %rsqrt3A : vector<1x128xf32> to vector<10240x128xf32>
    %mul3A_45 = arith.mulf %sub3A_40, %mul3A_44 : vector<10240x128xf32>
    %get3A_46 = arith.constant 0 : index
    %get3A_47 = arith.constant 0 : index
    %get3A_48 = vector.load %arg4[%get3A_46, %get3A_47] : memref<1x128xf32, #tpu.memory_space<vmem>>, vector<1x128xf32>
    %mul3A_49 = vector.broadcast %get3A_48 : vector<1x128xf32> to vector<10240x128xf32>
    %mul3A_50 = arith.mulf %mul3A_45, %mul3A_49 : vector<10240x128xf32>
    %get3A_51 = arith.constant 0 : index
    %get3A_52 = arith.constant 0 : index
    %get3A_53 = vector.load %arg5[%get3A_51, %get3A_52] : memref<1x128xf32, #tpu.memory_space<vmem>>, vector<1x128xf32>
    %add3A_54 = vector.broadcast %get3A_53 : vector<1x128xf32> to vector<10240x128xf32>
    %add3A_55 = arith.addf %mul3A_50, %add3A_54 : vector<10240x128xf32>
    %max3A = arith.constant 0.000000e+00 : f32
    %max3A_56 = vector.broadcast %max3A : f32 to vector<10240x128xf32>
    %max3A_57 = arith.maximumf %add3A_55, %max3A_56 : vector<10240x128xf32>
    %swap3A = arith.constant 0 : index
    %swap3A_58 = arith.constant 0 : index
    %swap3A_59 = vector.load %arg6[%swap3A, %swap3A_58] : memref<10240x128xf32, #tpu.memory_space<vmem>>, vector<10240x128xf32>
    tpu.vector_store %arg6[%swap3A, %swap3A_58], %max3A_57 {strides = array<i32>} : memref<10240x128xf32, #tpu.memory_space<vmem>>, vector<10240x128xf32>,
    return
  }
}

module attributes {stable_mosaic.version = 14 : i64} {
  func.func @_mlp_body(%arg0: i32, %arg1: memref<2x5120x128xf32, #tpu.memory_space<vmem>>, %arg2: memref<128x128xf32, #tpu.memory_space<vmem>>, %arg3: memref<128x128xf32, #tpu.memory_space<vmem>>, %arg4: memref<1x128xf32, #tpu.memory_space<vmem>>, %arg5: memref<128x64xf32, #tpu.memory_space<vmem>>, %arg6: memref<1x64xf32, #tpu.memory_space<vmem>>, %arg7: memref<64x2xf32, #tpu.memory_space<vmem>>, %arg8: memref<1x2xf32, #tpu.memory_space<vmem>>, %arg9: memref<5120x2xf32, #tpu.memory_space<vmem>>) attributes {dimension_semantics = [#tpu.dimension_semantics<arbitrary>], iteration_bounds = array<i64: 4>, scalar_prefetch = 0 : i64, scratch_operands = 0 : i64, tpu.core_type = #tpu.core_type<tc>, window_params = [{transform_indices = @transform_0, window_bounds = array<i64: 2, 5120, 128>}, {pipeline_mode = #tpu.pipeline_mode<synchronous>, transform_indices = @transform_1, window_bounds = array<i64: 128, 128>}, {pipeline_mode = #tpu.pipeline_mode<synchronous>, transform_indices = @transform_2, window_bounds = array<i64: 128, 128>}, {pipeline_mode = #tpu.pipeline_mode<synchronous>, transform_indices = @transform_3, window_bounds = array<i64: 1, 128>}, {pipeline_mode = #tpu.pipeline_mode<synchronous>, transform_indices = @transform_4, window_bounds = array<i64: 128, 64>}, {pipeline_mode = #tpu.pipeline_mode<synchronous>, transform_indices = @transform_5, window_bounds = array<i64: 1, 64>}, {pipeline_mode = #tpu.pipeline_mode<synchronous>, transform_indices = @transform_6, window_bounds = array<i64: 64, 2>}, {pipeline_mode = #tpu.pipeline_mode<synchronous>, transform_indices = @transform_7, window_bounds = array<i64: 1, 2>}, {transform_indices = @transform_8, window_bounds = array<i64: 5120, 2>}]} {
    %get3A = arith.constant 0 : index
    %get3A_0 = arith.constant 0 : index
    %get3A_1 = arith.constant 0 : index
    %get3A_2 = vector.load %arg1[%get3A, %get3A_0, %get3A_1] : memref<2x5120x128xf32, #tpu.memory_space<vmem>>, vector<1x5120x128xf32>
    %get3A_3 = vector.shape_cast %get3A_2 : vector<1x5120x128xf32> to vector<5120x128xf32>
    %convert_element_type3A = arith.truncf %get3A_3 : vector<5120x128xf32> to vector<5120x128xbf16>
    %get3A_4 = arith.constant 0 : index
    %get3A_5 = arith.constant 0 : index
    %get3A_6 = vector.load %arg2[%get3A_4, %get3A_5] : memref<128x128xf32, #tpu.memory_space<vmem>>, vector<128x128xf32>
    %convert_element_type3A_7 = arith.truncf %get3A_6 : vector<128x128xf32> to vector<128x128xbf16>
    %dot_general3A = arith.constant dense<0.000000e+00> : vector<5120x128xf32>
    %dot_general3A_8 = tpu.matmul %convert_element_type3A, %convert_element_type3A_7, %dot_general3A {dimension_numbers = #tpu.dot_dimension_numbers<[1], [0], [0], [1], [0, 0, 1, 1], [], []>, transpose_lhs_hint = false} : vector<5120x128xbf16>, vector<128x128xbf16>, vector<5120x128xf32> -> vector<5120x128xf32>
    %get3A_9 = arith.constant 1 : index
    %get3A_10 = arith.constant 0 : index
    %get3A_11 = arith.constant 0 : index
    %get3A_12 = vector.load %arg1[%get3A_9, %get3A_10, %get3A_11] : memref<2x5120x128xf32, #tpu.memory_space<vmem>>, vector<1x5120x128xf32>
    %get3A_13 = vector.shape_cast %get3A_12 : vector<1x5120x128xf32> to vector<5120x128xf32>
    %convert_element_type3A_14 = arith.truncf %get3A_13 : vector<5120x128xf32> to vector<5120x128xbf16>
    %get3A_15 = arith.constant 0 : index
    %get3A_16 = arith.constant 0 : index
    %get3A_17 = vector.load %arg3[%get3A_15, %get3A_16] : memref<128x128xf32, #tpu.memory_space<vmem>>, vector<128x128xf32>
    %convert_element_type3A_18 = arith.truncf %get3A_17 : vector<128x128xf32> to vector<128x128xbf16>
    %dot_general3A_19 = arith.constant dense<0.000000e+00> : vector<5120x128xf32>
    %dot_general3A_20 = tpu.matmul %convert_element_type3A_14, %convert_element_type3A_18, %dot_general3A_19 {dimension_numbers = #tpu.dot_dimension_numbers<[1], [0], [0], [1], [0, 0, 1, 1], [], []>, transpose_lhs_hint = false} : vector<5120x128xbf16>, vector<128x128xbf16>, vector<5120x128xf32> -> vector<5120x128xf32>
    %add3A = arith.addf %dot_general3A_8, %dot_general3A_20 : vector<5120x128xf32>
    %get3A_21 = arith.constant 0 : index
    %get3A_22 = arith.constant 0 : index
    %get3A_23 = vector.load %arg4[%get3A_21, %get3A_22] : memref<1x128xf32, #tpu.memory_space<vmem>>, vector<1x128xf32>
    %add3A_24 = vector.broadcast %get3A_23 : vector<1x128xf32> to vector<5120x128xf32>
    %add3A_25 = arith.addf %add3A, %add3A_24 : vector<5120x128xf32>
    %max3A = arith.constant 0.000000e+00 : f32
    %max3A_26 = vector.broadcast %max3A : f32 to vector<5120x128xf32>
    %max3A_27 = arith.maximumf %add3A_25, %max3A_26 : vector<5120x128xf32>
    %convert_element_type3A_28 = arith.truncf %max3A_27 : vector<5120x128xf32> to vector<5120x128xbf16>
    %get3A_29 = arith.constant 0 : index
    %get3A_30 = arith.constant 0 : index
    %get3A_31 = vector.load %arg5[%get3A_29, %get3A_30] : memref<128x64xf32, #tpu.memory_space<vmem>>, vector<128x64xf32>
    %convert_element_type3A_32 = arith.truncf %get3A_31 : vector<128x64xf32> to vector<128x64xbf16>
    %dot_general3A_33 = arith.constant dense<0.000000e+00> : vector<5120x64xf32>
    %dot_general3A_34 = tpu.matmul %convert_element_type3A_28, %convert_element_type3A_32, %dot_general3A_33 {dimension_numbers = #tpu.dot_dimension_numbers<[1], [0], [0], [1], [0, 0, 1, 1], [], []>, transpose_lhs_hint = false} : vector<5120x128xbf16>, vector<128x64xbf16>, vector<5120x64xf32> -> vector<5120x64xf32>
    %get3A_35 = arith.constant 0 : index
    %get3A_36 = arith.constant 0 : index
    %get3A_37 = vector.load %arg6[%get3A_35, %get3A_36] : memref<1x64xf32, #tpu.memory_space<vmem>>, vector<1x64xf32>
    %add3A_38 = vector.broadcast %get3A_37 : vector<1x64xf32> to vector<5120x64xf32>
    %add3A_39 = arith.addf %dot_general3A_34, %add3A_38 : vector<5120x64xf32>
    %max3A_40 = arith.constant 0.000000e+00 : f32
    %max3A_41 = vector.broadcast %max3A_40 : f32 to vector<5120x64xf32>
    %max3A_42 = arith.maximumf %add3A_39, %max3A_41 : vector<5120x64xf32>
    %convert_element_type3A_43 = arith.truncf %max3A_42 : vector<5120x64xf32> to vector<5120x64xbf16>
    %get3A_44 = arith.constant 0 : index
    %get3A_45 = arith.constant 0 : index
    %get3A_46 = vector.load %arg7[%get3A_44, %get3A_45] : memref<64x2xf32, #tpu.memory_space<vmem>>, vector<64x2xf32>
    %convert_element_type3A_47 = arith.truncf %get3A_46 : vector<64x2xf32> to vector<64x2xbf16>
    %dot_general3A_48 = arith.constant dense<0.000000e+00> : vector<5120x2xf32>
    %dot_general3A_49 = tpu.matmul %convert_element_type3A_43, %convert_element_type3A_47, %dot_general3A_48 {dimension_numbers = #tpu.dot_dimension_numbers<[1], [0], [0], [1], [0, 0, 1, 1], [], []>, transpose_lhs_hint = false} : vector<5120x64xbf16>, vector<64x2xbf16>, vector<5120x2xf32> -> vector<5120x2xf32>
    %get3A_50 = arith.constant 0 : index
    %get3A_51 = arith.constant 0 : index
    %get3A_52 = vector.load %arg8[%get3A_50, %get3A_51] : memref<1x2xf32, #tpu.memory_space<vmem>>, vector<1x2xf32>
    %add3A_53 = vector.broadcast %get3A_52 : vector<1x2xf32> to vector<5120x2xf32>
    %add3A_54 = arith.addf %dot_general3A_49, %add3A_53 : vector<5120x2xf32>
    %swap3A = arith.constant 0 : index
    %swap3A_55 = arith.constant 0 : index
    %swap3A_56 = vector.load %arg9[%swap3A, %swap3A_55] : memref<5120x2xf32, #tpu.memory_space<vmem>>, vector<5120x2xf32>
    tpu.vector_store %arg9[%swap3A, %swap3A_55], %add3A_54 {strides = array<i32>} : memref<5120x2xf32, #tpu.memory_space<vmem>>, vector<5120x2xf32>,
    return
  }
  func.func @transform_0(%arg0: i32) -> (i32, i32, i32) {
    %c0_i32 = arith.constant 0 : i32
    %c0_i32_0 = arith.constant 0 : i32
    %c0_i32_1 = arith.constant 0 : i32
    return %c0_i32, %arg0, %c0_i32_0 : i32, i32, i32
  }
  func.func @transform_1(%arg0: i32) -> (i32, i32) {
    %c0_i32 = arith.constant 0 : i32
    %c0_i32_0 = arith.constant 0 : i32
    %c0_i32_1 = arith.constant 0 : i32
    return %c0_i32, %c0_i32_0 : i32, i32
  }
  func.func @transform_2(%arg0: i32) -> (i32, i32) {
    %c0_i32 = arith.constant 0 : i32
    %c0_i32_0 = arith.constant 0 : i32
    %c0_i32_1 = arith.constant 0 : i32
    return %c0_i32, %c0_i32_0 : i32, i32
  }
  func.func @transform_3(%arg0: i32) -> (i32, i32) {
    %c0_i32 = arith.constant 0 : i32
    %c0_i32_0 = arith.constant 0 : i32
    %c0_i32_1 = arith.constant 0 : i32
    return %c0_i32, %c0_i32_0 : i32, i32
  }
  func.func @transform_4(%arg0: i32) -> (i32, i32) {
    %c0_i32 = arith.constant 0 : i32
    %c0_i32_0 = arith.constant 0 : i32
    %c0_i32_1 = arith.constant 0 : i32
    return %c0_i32, %c0_i32_0 : i32, i32
  }
  func.func @transform_5(%arg0: i32) -> (i32, i32) {
    %c0_i32 = arith.constant 0 : i32
    %c0_i32_0 = arith.constant 0 : i32
    %c0_i32_1 = arith.constant 0 : i32
    return %c0_i32, %c0_i32_0 : i32, i32
  }
  func.func @transform_6(%arg0: i32) -> (i32, i32) {
    %c0_i32 = arith.constant 0 : i32
    %c0_i32_0 = arith.constant 0 : i32
    %c0_i32_1 = arith.constant 0 : i32
    return %c0_i32, %c0_i32_0 : i32, i32
  }
  func.func @transform_7(%arg0: i32) -> (i32, i32) {
    %c0_i32 = arith.constant 0 : i32
    %c0_i32_0 = arith.constant 0 : i32
    %c0_i32_1 = arith.constant 0 : i32
    return %c0_i32, %c0_i32_0 : i32, i32
  }
  func.func @transform_8(%arg0: i32) -> (i32, i32) {
    %c0_i32 = arith.constant 0 : i32
    %c0_i32_0 = arith.constant 0 : i32
    return %arg0, %c0_i32 : i32, i32
  }
}

</mosaic_0001>

<sc_bundles>
// kernel: kernel.11.cloned.1.call-start
scs
__scs_entry_jumppad:
0x0: {  	(pc) =	sbr.rel $0x88, $3  }
0x1: {  	(tag) =	ssettag $0x0;
	lr =	simm.s32 $0x1  }
0x2: {  	[smem:$0x3F90] =	sst lr;
	_ =	strace $0xD0000000  }
0x3: {  	_ = 	snop  }
0x4: {  	_ = 	snop  }
0x5: {  	_ = 	snop  }
0x6: {  	_ = 	snop  }
0x7: {  	_ = 	snop  }
__scs_overlays_trampoline_lowered:
0x8: {  	[smem:$0x3F9F] =	sst s0  }
0x9: {  	[smem:$0x3FA0] =	sst s1  }
0xa: {  	[smem:$0x3FA1] =	sst s2  }
0xb: {  	[smem:$0x3FA2] =	sst s3  }
0xc: {  	[smem:$0x3FA3] =	sst s4  }
0xd: {  	[smem:$0x3FA4] =	sst s5  }
0xe: {  	[smem:$0x3FA5] =	sst s6  }
0xf: {  	[smem:$0x3FA6] =	sst s7  }
0x10: {  	[smem:$0x3FA7] =	sst s8  }
0x11: {  	[smem:$0x3FA8] =	sst s9;
	s0 =	simm.s32 @!p0 $0x0  }
0x12: {  	s1 =	sld [smem:$0x3F8E];
	s0 =	simm.s32 @p0 $0x1  }
0x13: {  	[smem:$0x3FA9] =	sst s0;
	s0 =	simm.s32 @!p1 $0x0  }
0x14: {  	s2 =	sld [smem:$0x3F8D];
	s0 =	simm.s32 @p1 $0x1  }
0x15: {  	[smem:$0x3FAA] =	sst s0;
	s0 =	simm.s32 @!p2 $0x0  }
0x16: {  	s3 =	sld [smem:$0x3FDB];
	s0 =	simm.s32 @p2 $0x1  }
0x17: {  	s4 =	simm.s32 $0x1BF5;
	[smem:$0x3FAC] =	sst s0  }
0x18: {  	s0 =	sld [smem:$0x3F8F];
	_ =	swait.ge [sflag:s4], $0x0  }
0x19: {  	s7 =	sld [smem:$0x3F90]  }
0x1a: {  	s8 =	sadd.s32 $0xFFFFE003, lr  }
0x1b: {  	s9 =	sadd.s32 $0xFFFFFEF7, lr;
	s5 =	simm.s32 $0xFFFFFFFF;
	p2 =	slt.u32 s8, $0xFFFFF086  }
0x1c: {  	p1 =	slt.u32 s9, $0xF7A;
	s5 =	simm.s32 @!p2 $0x0  }
0x1d: {  	s5 =	simm.s32 @p1 $0x1;
	p0 =	seq.s32 s7, s2  }
0x1e: {  	s7 =	smul.u32 @!p0 $0xF7A, s2;
	p2 =	seq.s32 @!p0 s5, $0x0  }
0x1f: {  	s9 =	smul.u32 $0xF7A, s1;
	s8 =	simm.s32 @!p0 $0x1BF5;
	p2 =	por !p2, p0  }
0x20: {  	[sflag:s8] =	ssyncset.s32 @!p0 $0xFFFFF086;
	s6 =	sadd.s32 @!p0 s3, s7;
	s7 =	simm.s32 @!p0 $0x108  }
0x21: {  	s3 =	sadd.s32 s3, s9;
	s6 =	sadd.s32 @!p0 $0x88, s6;
	s7 =	simm.s32 @p2 $0x1082  }
0x22: {  	[simem:s7], [sflag:s8] =	dma.local @!p0 [hbm:s6], $0xF7A  }
0x23: {  	s9 =	sor.u32 $0xD0000000, s2;
	s6 =	simm.s32 $0x108;
	_ =	swait.ge @!p0 [sflag:s8], $0x0  }
0x24: {  	s3 =	sadd.s32 $0x88, s3;
	s6 =	simm.s32 @!p1 $0x1082;
	[sflag:s4] =	ssyncset.s32 $0xFFFFF086  }
0x25: {  	[simem:s6], [sflag:s4] =	dma.local [hbm:s3], $0xF7A  }
0x26: {  	[smem:$0x3F90] =	sst s1;
	(tag) =	ssettag s2;
	_ =	strace s9  }
0x27: {  	s1 =	sld [smem:$0x3FA0]  }
0x28: {  	s2 =	sld [smem:$0x3FA1]  }
0x29: {  	s4 =	sld [smem:$0x3FA3]  }
0x2a: {  	p0 =	seq.s32 s5, $0x0;
	s5 =	sld [smem:$0x3FA4]  }
0x2b: {  	s6 =	sld [smem:$0x3FA5]  }
0x2c: {  	s7 =	sld [smem:$0x3FA6]  }
0x2d: {  	s3 =	simm.s32 $0x108;
	s8 =	sld [smem:$0x3FA7]  }
0x2e: {  	s3 =	simm.s32 @!p0 $0x1082;
	s9 =	sld [smem:$0x3FA8]  }
0x2f: {  	lr =	sadd.s32 s0, s3;
	s0 =	sld [smem:$0x3F9F]  }
0x30: {  	s3 =	sld [smem:$0x3FA2]  }
0x31: {  	[smem:$0x3FAB] =	sst s10  }
0x32: {  	s10 =	sld [smem:$0x3FA9];
	_ =	sdelay $0x3  }
0x33: {  	p0 =	seq.s32 s10, $0x1;
	s10 =	sld [smem:$0x3FAB];
	_ =	sdelay $0x3  }
0x34: {  	[smem:$0x3FAB] =	sst s10  }
0x35: {  	s10 =	sld [smem:$0x3FAA];
	_ =	sdelay $0x3  }
0x36: {  	p1 =	seq.s32 s10, $0x1;
	s10 =	sld [smem:$0x3FAB];
	_ =	sdelay $0x3  }
0x37: {  	[smem:$0x3FAB] =	sst s10  }
0x38: {  	s10 =	sld [smem:$0x3FAC]  }
0x39: {  	_ = 	snop;
	(pc) =	sbr.ind lr, $3  }
0x3a: {  	_ = 	snop  }
0x3b: {  	_ = 	snop  }
0x3c: {  	p2 =	seq.s32 s10, $0x1;
	s10 =	sld [smem:$0x3FAB]  }
0x3d: {  	_ =	shalt  }
0x3e: {  	_ =	shalt  }
0x3f: {  	_ =	shalt  }
0x40: {  	_ =	shalt  }
0x41: {  	_ =	shalt  }
0x42: {  	_ =	shalt  }
0x43: {  	_ =	shalt  }
0x44: {  	_ =	shalt  }
0x45: {  	_ =	shalt  }
0x46: {  	_ =	shalt  }
0x47: {  	_ =	shalt  }
0x48: {  	_ =	shalt  }
0x49: {  	_ =	shalt  }
0x4a: {  	_ =	shalt  }
0x4b: {  	_ =	shalt  }
0x4c: {  	_ =	shalt  }
0x4d: {  	_ =	shalt  }
0x4e: {  	_ =	shalt  }
0x4f: {  	_ =	shalt  }
0x50: {  	_ =	shalt  }
0x51: {  	_ =	shalt  }
0x52: {  	_ =	shalt  }
0x53: {  	_ =	shalt  }
0x54: {  	_ =	shalt  }
0x55: {  	_ =	shalt  }
0x56: {  	_ =	shalt  }
0x57: {  	_ =	shalt  }
0x58: {  	_ =	shalt  }
0x59: {  	_ =	shalt  }
0x5a: {  	_ =	shalt  }
0x5b: {  	_ =	shalt  }
0x5c: {  	_ =	shalt  }
0x5d: {  	_ =	shalt  }
0x5e: {  	_ =	shalt  }
0x5f: {  	_ =	shalt  }
0x60: {  	_ =	shalt  }
0x61: {  	_ =	shalt  }
0x62: {  	_ =	shalt  }
0x63: {  	_ =	shalt  }
0x64: {  	_ =	shalt  }
0x65: {  	_ =	shalt  }
0x66: {  	_ =	shalt  }
0x67: {  	_ =	shalt  }
0x68: {  	_ =	shalt  }
0x69: {  	_ =	shalt  }
0x6a: {  	_ =	shalt  }
0x6b: {  	_ =	shalt  }
0x6c: {  	_ =	shalt  }
0x6d: {  	_ =	shalt  }
0x6e: {  	_ =	shalt  }
0x6f: {  	_ =	shalt  }
0x70: {  	_ =	shalt  }
0x71: {  	_ =	shalt  }
0x72: {  	_ =	shalt  }
0x73: {  	_ =	shalt  }
0x74: {  	_ =	shalt  }
0x75: {  	_ =	shalt  }
0x76: {  	_ =	shalt  }
0x77: {  	_ =	shalt  }
0x78: {  	_ =	shalt  }
0x79: {  	_ =	shalt  }
0x7a: {  	_ =	shalt  }
0x7b: {  	_ =	shalt  }
0x7c: {  	_ =	shalt  }
0x7d: {  	_ =	shalt  }
0x7e: {  	_ =	shalt  }
0x7f: {  	_ =	shalt  }
0x80: {  	_ =	shalt  }
0x81: {  	_ =	shalt  }
0x82: {  	_ =	shalt  }
0x83: {  	_ =	shalt  }
0x84: {  	_ =	shalt  }
0x85: {  	_ =	shalt  }
0x86: {  	_ =	shalt  }
0x87: {  	_ =	shalt  }
.Lfunc_end0:
.L_simem_size_0:
called_computation_lowered:
.L_overlay_start_0:
0x88: {  	s2 =	sld [smem:$0x3FD9]  }
0x89: {  	s3 =	sld [smem:$0x3FFE];
	_ =	sdelay $0x1  }
0x8a: {  	s1 =	srdreg.scid  }
0x8b: {  	s0 =	sand.u32 $0x1, s1  }
0x8c: {  	s18 =	sshll.u32 s0, $0xA;
	s2 =	sadd.s32 s3, s2  }
0x8d: {  	s2 =	sadd.s32 s2, s18  }
0x8e: {  	[smem:$0x3FB7] =	sst s2  }
0x8f: {  	_ = 	snop  }
0x90: {  	s2 =	sld [smem:$0x3FC8]  }
0x91: {  	s19 =	sld [smem:$0x3FD0];
	(tm) =	ssettm $0x1  }
0x92: {  	s4 =	sld [smem:$0x3FFB];
	_ =	sdelay $0x3  }
0x93: {  	_ =	strace s4  }
0x94: {  	s4 =	sld [smem:$0x3FFC];
	_ =	sdelay $0x3  }
0x95: {  	_ =	strace s4  }
0x96: {  	s4 =	sld [smem:$0x3FFD];
	_ =	sdelay $0x3  }
0x97: {  	_ =	strace s4  }
0x98: {  	_ =	strace $0x8FFFFFFF  }
0x99: {  	s20 =	sld [smem:$0x3FDB];
	_ =	sdelay $0x1  }
0x9a: {  	s5 =	simm.s32 $_scs_section_size  }
0x9b: {  	s6 =	simm.s32 $_size__tile_overlayer_lowered;
	s7 =	simm.s32 $_tile_overlayer_lowered  }
0x9c: {  	s23 =	simm.s32 $0x1BFF;
	s22 =	sshll.u32 s7, $0x1;
	s4 =	sadd.s32 s5, s20  }
0x9d: {  	s8 =	simm.s32 $0x0;
	s21 =	sshll.u32 s6, $0x1;
	s6 =	sadd.s32 s22, s4  }
0x9e: {  	[timem:s8], [sflag:s23] =	dma.local [hbm:s6], s21  }
0x9f: {  	_ =	swait.ge [sflag:s23], s21  }
0xa0: {  	s5 =	ssub.s32 $0x0, s21;
	[sflag:s23] =	ssyncset.done $0x0  }
0xa1: {  	[sflag:s23] =	ssyncadd.s32 s5;
	_ =	sdelay $0x1  }
0xa2: {  	s24 =	simm.s32 $0x1B8B  }
0xa3: {  	_ =	swait.ge [sflag:s24], $0x1  }
0xa4: {  	[sflag:s24] =	ssyncset.done $0x0  }
0xa5: {  	s25 =	simm.s32 $0x1B8E;
	[sflag:s24] =	ssyncadd.s32 $0xFFFFFFFF  }
0xa6: {  	s26 =	simm.s32 $execute0_lowered;
	[smem:$0x3FD2] =	sst s25  }
0xa7: {  	s5 =	sshll.u32 s26, $0x1;
	_ =	strace $0x80000046;
	[dreg:$0x1] =	wrdreg $0xFFFFFFFF  }
0xa8: {  	s28 =	simm.s32 $_size_execute0_lowered;
	s4 =	sadd.s32 s4, s5;
	[dreg:$0x0] =	wrdreg $0x0  }
0xa9: {  	s5 =	sshll.u32 s28, $0x1;
	[dreg:$0x2] =	wrdreg s4  }
0xaa: {  	[dreg:$0x3] =	wrdreg s5  }
0xab: {  	[dreg:$0x4] =	wrdreg $0xC0  }
0xac: {  	_ =	task [dreg:s8], $0x5FFFF  }
0xad: {  	[dreg:$0x1] =	wrdreg $0xFFFFFFFF  }
0xae: {  	[dreg:$0x0] =	wrdreg $0x60  }
0xaf: {  	[dreg:$0x2] =	wrdreg s2  }
0xb0: {  	[dreg:$0x3] =	wrdreg s19  }
0xb1: {  	[dreg:$0x4] =	wrdreg $0x5C800  }
0xb2: {  	[dreg:$0x5] =	wrdreg $0x9  }
0xb3: {  	_ =	task.clear_ibuf [dreg:s8], $0x6FFFF;
	_ =	strace $0x90000046  }
0xb4: {  	s29 =	simm.s32 $0x9;
	_ =	strace $0x80000048  }
0xb5: {  	_ =	swait.ge [sflag:s29], $0x1  }
0xb6: {  	[sflag:s29] =	ssyncadd.s32 $0xFFFFFFFF  }
0xb7: {  	_ =	strace $0x90000048  }
0xb8: {  	_ =	sfence  }
0xb9: {  	s30 =	sld [smem:$0x0];
	_ =	sdelay $0x2  }
0xba: {  	s31 =	sshll.u32 s1, $0xD;
	s1 =	sshrl.u32 s1, $0x2  }
0xbb: {  	s3 =	sand.u32 $0x4000, s31;
	s1 =	sadd.s32 s1, s30  }
0xbc: {  	s0 =	sor.u32 s3, s0;
	s1 =	sshll.u32 s1, $0x11  }
0xbd: {  	s0 =	sor.u32 s1, s0  }
0xbe: {  	s0 =	sadd.s32 $0x8F2B, s0  }
0xbf: {  	[sflag:s0] =	ssyncadd.remote.s32 $0x1  }
0xc0: {  	_ =	sfence.sel $0xFFFF  }
0xc1: {  	[dreg:$0x0] =	wrdreg $0xFFFFFFFF;
	(pc) =	sbr.abs _section_cstart, $3  }
0xc2: {  	[dreg:$0x1] =	wrdreg $0xFFFFFFFF  }
0xc3: {  	_ =	task.clear_ibuf [dreg:s8], $0x2FFFF;
	_ =	strace $0x9FFFFFFF  }
0xc4: {  	(tm) =	ssettm $0x7FFFFFFF  }
0xc5: {  	_ =	shalt  }
tec
execute0_lowered:
.L_overlay_start_1:
0x0: {  	(tag) =	ssettag $0x1  }
0x1: {  	s0 =	rddreg [dreg:$0x0]  }
0x2: {  	s1 =	rddreg [dreg:$0x1];
	s2 =	srdreg.scid  }
0x3: {  	s3 =	rddreg [dreg:$0x2];
	s4 =	sand.u32 $0x1, s2  }
0x4: {  	s11 =	stileid.u32;
	s2 =	simm.s32 $0x0;
	s5 =	sshll.u32 s4, $0x4  }
0x5: {  	s24 =	smul.u32 $0x5000, s11;
	s6 =	ssub.s32 $0x2, s4;
	s5 =	sor.u32 s11, s5  }
0x6: {  	[smem:$0x7FF] =	sst s2;
	s8 =	sshrl.u32 s6, $0x1;
	s7 =	smul.u32 $0x5000, s5  }
0x7: {  	s9 =	smul.u32 $0xA00, s5;
	s8 =	ssub.s32 s6, s8;
	s6 =	sshrl.u32 s24, $0x2  }
0x8: {  	p0 =	seq.s32 s5, $0x1F;
	s6 =	sadd.s32 s6, s3;
	s5 =	smax.u32 s8, $0x1  }
0x9: {  	_ =	strace $0x80000047;
	s13 =	sadd.s32 $0x80, s6;
	[dreg:$0x19] =	wrdreg s5  }
0xa: {  	s14 =	sadd.s32 $0x100, s6;
	[dreg:$0x9] =	wrdreg s13  }
0xb: {  	s15 =	sadd.s32 $0x180, s6;
	[dreg:$0xa] =	wrdreg s14  }
0xc: {  	s16 =	sadd.s32 $0x200, s6;
	[dreg:$0xb] =	wrdreg s15  }
0xd: {  	s10 =	sshrl.u32 s11, $0x3;
	s17 =	sadd.s32 $0x280, s6;
	[dreg:$0xc] =	wrdreg s16  }
0xe: {  	s23 =	smul.u32 $0x50000, s10;
	s18 =	sadd.s32 $0x300, s6;
	[dreg:$0xd] =	wrdreg s17  }
0xf: {  	s22 =	sshrl.u32 s7, $0x3;
	s20 =	sadd.s32 $0x14000, s6;
	[dreg:$0xe] =	wrdreg s18  }
0x10: {  	s7 =	sshrl.u32 s23, $0x2;
	s23 =	sadd.s32 $0x14100, s6;
	[dreg:$0x10] =	wrdreg s20  }
0x11: {  	s24 =	sadd.s32 $0x14180, s6;
	[dreg:$0x12] =	wrdreg s23  }
0x12: {  	s21 =	sshll.u32 s4, $0x7;
	s4 =	sadd.s32 $0x14380, s6;
	[dreg:$0x13] =	wrdreg s24  }
0x13: {  	s19 =	smul.u32 $0x500, s11;
	s8 =	sadd.s32 $0x800, s6;
	[dreg:$0x18] =	wrdreg s4  }
0x14: {  	s10 =	sshll.u32 s11, $0x7;
	s11 =	sadd.s32 $0x480, s6;
	[dreg:$0x1b] =	wrdreg s8  }
0x15: {  	s9 =	sadd.s32 s9, s0;
	s5 =	sadd.s32 $0x1280, s6;
	[dreg:$0x1e] =	wrdreg s11  }
0x16: {  	s9 =	sadd.s32 $0x10, s9;
	[smem:$0x7E9] =	sst s5  }
0x17: {  	s7 =	sadd.s32 s7, s3;
	s3 =	sadd.s32 $0x380, s6;
	[dreg:$0x4] =	wrdreg s9  }
0x18: {  	s0 =	sadd.s32 s0, s22;
	s22 =	sadd.s32 $0x14080, s6;
	[dreg:$0xf] =	wrdreg s3  }
0x19: {  	s13 =	sadd.s32 $0xC80, s6;
	[dreg:$0x11] =	wrdreg s22  }
0x1a: {  	s14 =	sadd.s32 $0x1080, s6;
	[smem:$0x7D8] =	sst s13  }
0x1b: {  	s15 =	sadd.s32 $0x500, s6;
	[smem:$0x7D9] =	sst s14  }
0x1c: {  	s16 =	sadd.s32 $0x900, s6;
	[smem:$0x7DA] =	sst s15  }
0x1d: {  	s17 =	sadd.s32 $0xD00, s6;
	[smem:$0x7DB] =	sst s16  }
0x1e: {  	s18 =	sadd.s32 $0x1100, s6;
	[smem:$0x7DC] =	sst s17  }
0x1f: {  	s20 =	sadd.s32 $0x980, s6;
	[smem:$0x7DD] =	sst s18  }
0x20: {  	s23 =	sadd.s32 $0x600, s6;
	[smem:$0x7DF] =	sst s20  }
0x21: {  	s24 =	sadd.s32 $0xA00, s6;
	[smem:$0x7E2] =	sst s23  }
0x22: {  	s4 =	sadd.s32 $0xE80, s6;
	[smem:$0x7E3] =	sst s24  }
0x23: {  	s8 =	sadd.s32 $0xB00, s6;
	[smem:$0x7E8] =	sst s4  }
0x24: {  	s11 =	sadd.s32 $0x780, s6;
	[smem:$0x7EB] =	sst s8  }
0x25: {  	s25 =	sadd.s32 $0x290, s0;
	[smem:$0x7EE] =	sst s11  }
0x26: {  	s26 =	sadd.s32 $0x510, s0;
	[dreg:$0x5] =	wrdreg s25  }
0x27: {  	s0 =	sadd.s32 $0x790, s0;
	[dreg:$0x6] =	wrdreg s26  }
0x28: {  	s3 =	sadd.s32 $0x14300, s6;
	[dreg:$0x7] =	wrdreg s0  }
0x29: {  	s9 =	sand.u32 $0x380, s10;
	s10 =	sadd.s32 $0x1000, s6;
	[dreg:$0x17] =	wrdreg s3  }
0x2a: {  	s22 =	sadd.s32 $0x1180, s6;
	[dreg:$0x1d] =	wrdreg s10  }
0x2b: {  	s13 =	sadd.s32 $0xF80, s6;
	[smem:$0x7E1] =	sst s22  }
0x2c: {  	s14 =	sadd.s32 $0x1380, s6;
	[smem:$0x7F0] =	sst s13  }
0x2d: {  	s15 =	sadd.s32 $0x14400, s6;
	[smem:$0x7F1] =	sst s14  }
0x2e: {  	s16 =	sadd.s32 $0x14800, s6;
	[smem:$0x7F2] =	sst s15  }
0x2f: {  	s17 =	sadd.s32 $0x14C00, s6;
	[smem:$0x7F3] =	sst s16  }
0x30: {  	s18 =	sadd.s32 $0x15000, s6;
	[smem:$0x7F4] =	sst s17  }
0x31: {  	s20 =	sadd.s32 $0x14880, s6;
	[smem:$0x7F5] =	sst s18  }
0x32: {  	s23 =	sadd.s32 $0x14500, s6;
	[smem:$0x7F7] =	sst s20  }
0x33: {  	s24 =	sadd.s32 $0x14900, s6;
	[smem:$0x7FA] =	sst s23  }
0x34: {  	s12 =	sadd.s32 s9, s7;
	[smem:$0x7FB] =	sst s24  }
0x35: {  	s28 =	sadd.s32 $0x15300, s6;
	s25 =	sadd.s32 $0x14200, s6;
	[dreg:$0x8] =	wrdreg s12  }
0x36: {  	s29 =	sadd.s32 $0x14780, s6;
	s26 =	sadd.s32 $0x14280, s6;
	[dreg:$0x14] =	wrdreg s25  }
0x37: {  	s30 =	sadd.s32 $0x14B80, s6;
	s7 =	sadd.s32 $0x400, s6;
	[dreg:$0x15] =	wrdreg s26  }
0x38: {  	s31 =	sadd.s32 $0x14F80, s6;
	s9 =	sadd.s32 $0xC00, s6;
	[dreg:$0x1a] =	wrdreg s7  }
0x39: {  	s0 =	sor.u32 s21, s19;
	s19 =	sadd.s32 $0x580, s6;
	[dreg:$0x1c] =	wrdreg s9  }
0x3a: {  	s5 =	simm.s32 $0x1;
	s21 =	sadd.s32 $0xD80, s6;
	[smem:$0x7DE] =	sst s19  }
0x3b: {  	s4 =	simm.s32 $0x100;
	s3 =	sadd.s32 $0xA80, s6;
	[smem:$0x7E0] =	sst s21  }
0x3c: {  	s10 =	sadd.s32 $0x1300, s6;
	s22 =	sadd.s32 $0x15080, s6;
	[smem:$0x7E7] =	sst s3  }
0x3d: {  	s13 =	sadd.s32 $0x14980, s6;
	s14 =	sadd.s32 $0x14D80, s6;
	[smem:$0x7ED] =	sst s10  }
0x3e: {  	s15 =	sadd.s32 $0x15180, s6;
	s12 =	sadd.s32 $0x880, s6;
	[smem:$0x7F9] =	sst s22  }
0x3f: {  	s16 =	sadd.s32 $0x14600, s6;
	s25 =	sadd.s32 $0xE00, s6;
	[dreg:$0x1f] =	wrdreg s12  }
0x40: {  	s17 =	sadd.s32 $0x14A00, s6;
	s26 =	sadd.s32 $0x1200, s6;
	[smem:$0x7E4] =	sst s25  }
0x41: {  	s18 =	sadd.s32 $0x14E00, s6;
	s7 =	sadd.s32 $0x700, s6;
	[smem:$0x7E5] =	sst s26  }
0x42: {  	s20 =	sadd.s32 $0x14680, s6;
	s9 =	sadd.s32 $0xF00, s6;
	[smem:$0x7EA] =	sst s7  }
0x43: {  	s23 =	sadd.s32 $0x15280, s6;
	s19 =	sadd.s32 $0x14480, s6;
	[smem:$0x7EC] =	sst s9  }
0x44: {  	s0 =	sshrl.u32 s0, $0x3;
	s21 =	sadd.s32 $0x14C80, s6;
	[smem:$0x7F6] =	sst s19  }
0x45: {  	s24 =	sadd.s32 $0x14700, s6;
	s0 =	sadd.s32 s1, s0;
	[smem:$0x7F8] =	sst s21  }
0x46: {  	s22 =	sadd.s32 $0x14E80, s6;
	s1 =	sadd.s32 $0x680, s6;
	[dreg:$0x16] =	wrdreg s0  }
0x47: {  	s12 =	sadd.s32 $0xB80, s6;
	s25 =	sadd.s32 $0x14D00, s6;
	[smem:$0x7E6] =	sst s1  }
0x48: {  	s26 =	sadd.s32 $0x15100, s6;
	s19 =	sadd.s32 $0x15200, s6;
	[smem:$0x7EF] =	sst s12  }
0x49: {  	s21 =	sadd.s32 $0x14A80, s6;
	s7 =	simm.s32 $0xA00;
	[smem:$0x7FC] =	sst s25  }
0x4a: {  	[smem:$0x7FD] =	sst s26;
	s12 =	sadd.s32 $0x14580, s6;
	s25 =	sadd.s32 $0x14B00, s6  }
0x4b: {  	v0 =	vimm.f32 $0.0e+00;
	v1 =	vimm.f32 $1.000000000e+00;
	s26 =	sadd.s32 $0x14F00, s6;
	s0 =	sadd.s32 $0x15380, s6;
	s1 =	simm.s32 $0x80  }
.LBB2_1:
0x4c: {  	s3 =	simm.s32 $0x40;
	s8 =	simm.s32 $0x0  }
.LBB2_2:
0x4d: {  	p1 =	sne.s32 s3, $0x9FC0;
	[tilespmem:s8+$0xA00] =	vst v0;
	s8 =	smov.u32 s3;
	s3 =	sadd.s32 $0x40, s3  }
.Ltmp0:
0x4e: {  	(pc) =	sbr.rel @p1 .LBB2_2-.Ltmp0, $2  }
0x4f: {  	_ =	sdelay $0x2  }
0x50: {  	s8 =	sshra.s32 s8, $0x2  }
0x51: {  	[tilespmem:s8+$0xA00] =	vst v0;
	s3 =	simm.s32 $0x0;
	s11 =	rddreg [dreg:$0x4]  }
0x52: {  	[tilespmem:s3], [sflag:$0x1] =	stream.strided.gather [hbm4b:s11+s1], $0xA00, s4, s1, $0x38;
	[tilespmem:$0x8480] =	vst v63  }
0x53: {  	_ =	swait.ge [sflag:s5], $0xA00  }
0x54: {  	[sflag:s5] =	ssyncset.done $0x0  }
0x55: {  	s8 =	simm.s32 $0x0;
	s3 =	simm.s32 $0x40;
	[sflag:s5] =	ssyncadd.s32 $0xFFFFF600  }
.LBB2_4:
0x56: {  	p1 =	sne.s32 s3, $0x27C0;
	v2 =	vld [tilespmem:s8+$0x0];
	_ =	sdelay $0x3  }
.Ltmp1:
0x57: {  	(pc) =	sbr.rel @p1 .LBB2_4-.Ltmp1, $2  }
0x58: {  	_ =	sdelay $0x2  }
0x59: {  	s8 =	sshra.s32 s3, $0x2;
	s3 =	sadd.s32 $0x40, s3;
	[tilespmem:v2+s7+$0x0] =	vst.idx.add.f32.msk $0xffff, v1  }
0x5a: {  	v2 =	vld [tilespmem:s8+$0x0];
	_ =	sdelay $0x3  }
.Ltmp2:
0x5b: {  	_ = 	snop;
	(pc) =	sbr.rel @p0 .LBB2_13-.Ltmp2, $2  }
0x5c: {  	_ =	sdelay $0x2  }
0x5d: {  	[tilespmem:v2+s7+$0x0] =	vst.idx.add.f32.msk $0xffff, v1  }
0x5e: {  	s3 =	simm.s32 $0x0;
	s8 =	rddreg [dreg:$0x5]  }
0x5f: {  	[tilespmem:s3], [sflag:$0x1] =	stream.strided.gather [hbm4b:s8+s1], $0xA00, s4, s1, $0x38;
	[tilespmem:$0x8480] =	vst v63  }
0x60: {  	_ =	swait.ge [sflag:s5], $0xA00  }
0x61: {  	[sflag:s5] =	ssyncset.done $0x0  }
0x62: {  	s8 =	simm.s32 $0x0;
	s3 =	simm.s32 $0x40;
	[sflag:s5] =	ssyncadd.s32 $0xFFFFF600  }
.LBB2_7:
0x63: {  	p1 =	sne.s32 s3, $0x27C0;
	v2 =	vld [tilespmem:s8+$0x0];
	_ =	sdelay $0x3  }
.Ltmp3:
0x64: {  	(pc) =	sbr.rel @p1 .LBB2_7-.Ltmp3, $2  }
0x65: {  	_ =	sdelay $0x2  }
0x66: {  	s8 =	sshra.s32 s3, $0x2;
	s3 =	sadd.s32 $0x40, s3;
	[tilespmem:v2+s7+$0x0] =	vst.idx.add.f32.msk $0xffff, v1  }
0x67: {  	v2 =	vld [tilespmem:s8+$0x0];
	_ =	sdelay $0x7  }
0x68: {  	s3 =	simm.s32 $0x0;
	s11 =	rddreg [dreg:$0x6];
	[tilespmem:v2+s7+$0x0] =	vst.idx.add.f32.msk $0xffff, v1  }
0x69: {  	[tilespmem:s3], [sflag:$0x1] =	stream.strided.gather [hbm4b:s11+s1], $0xA00, s4, s1, $0x38;
	[tilespmem:$0x8480] =	vst v63  }
0x6a: {  	_ =	swait.ge [sflag:s5], $0xA00  }
0x6b: {  	[sflag:s5] =	ssyncset.done $0x0  }
0x6c: {  	s8 =	simm.s32 $0x0;
	s3 =	simm.s32 $0x40;
	[sflag:s5] =	ssyncadd.s32 $0xFFFFF600  }
.LBB2_9:
0x6d: {  	p1 =	sne.s32 s3, $0x27C0;
	v2 =	vld [tilespmem:s8+$0x0];
	_ =	sdelay $0x3  }
.Ltmp4:
0x6e: {  	(pc) =	sbr.rel @p1 .LBB2_9-.Ltmp4, $2  }
0x6f: {  	_ =	sdelay $0x2  }
0x70: {  	s8 =	sshra.s32 s3, $0x2;
	s3 =	sadd.s32 $0x40, s3;
	[tilespmem:v2+s7+$0x0] =	vst.idx.add.f32.msk $0xffff, v1  }
0x71: {  	v2 =	vld [tilespmem:s8+$0x0];
	_ =	sdelay $0x7  }
0x72: {  	s3 =	simm.s32 $0x0;
	s11 =	rddreg [dreg:$0x7];
	[tilespmem:v2+s7+$0x0] =	vst.idx.add.f32.msk $0xffff, v1  }
0x73: {  	[tilespmem:s3], [sflag:$0x1] =	stream.strided.gather [hbm4b:s11+s1], $0xA00, s4, s1, $0x38;
	[tilespmem:$0x8480] =	vst v63  }
0x74: {  	_ =	swait.ge [sflag:s5], $0xA00  }
0x75: {  	[sflag:s5] =	ssyncset.done $0x0  }
0x76: {  	s8 =	simm.s32 $0x0;
	s3 =	simm.s32 $0x40;
	[sflag:s5] =	ssyncadd.s32 $0xFFFFF600  }
.LBB2_11:
0x77: {  	p1 =	sne.s32 s3, $0x27C0;
	v2 =	vld [tilespmem:s8+$0x0];
	_ =	sdelay $0x3  }
.Ltmp5:
0x78: {  	(pc) =	sbr.rel @p1 .LBB2_11-.Ltmp5, $2  }
0x79: {  	_ =	sdelay $0x2  }
0x7a: {  	s8 =	sshra.s32 s3, $0x2;
	s3 =	sadd.s32 $0x40, s3;
	[tilespmem:v2+s7+$0x0] =	vst.idx.add.f32.msk $0xffff, v1  }
0x7b: {  	v2 =	vld [tilespmem:s8+$0x0];
	_ =	sdelay $0x7  }
0x7c: {  	[tilespmem:v2+s7+$0x0] =	vst.idx.add.f32.msk $0xffff, v1  }
.LBB2_13:
0x7d: {  	s3 =	rddreg [dreg:$0x8];
	s8 =	simm.s32 $0x400  }
0x7e: {  	[spmem:s3] =	stream.strided.scatter [tilespmem:s7], [sflag:$0x1], $0x2800, s8, s1, $0x38;
	[tilespmem:$0x8480] =	vst v63  }
0x7f: {  	_ =	swait.ge [sflag:s5], $0x2800  }
0x80: {  	[sflag:s5] =	ssyncset.done $0x0  }
0x81: {  	[sflag:s5] =	ssyncadd.s32 $0xFFFFD800  }
0x82: {  	s9 =	simm.s32 $0x3200;
	[bflag:$0x0] =	sbarrier.arrive $0xFFFF  }
0x83: {  	[tilespmem:s9], [sflag:$0x1] =	stream.linear.gather [spmem:s6], $0x80, $0x38;
	[tilespmem:$0x8480] =	vst v63  }
0x84: {  	s11 =	simm.s32 $0x3600;
	s10 =	rddreg [dreg:$0x1a]  }
0x85: {  	[tilespmem:s11], [sflag:$0x1] =	stream.linear.gather [spmem:s10], $0x80, $0x38;
	[tilespmem:$0x8480] =	vst v63  }
0x86: {  	s8 =	rddreg [dreg:$0x1b];
	s9 =	simm.s32 $0x3A00  }
0x87: {  	[tilespmem:s9], [sflag:$0x1] =	stream.linear.gather [spmem:s8], $0x80, $0x38;
	[tilespmem:$0x8480] =	vst v63  }
0x88: {  	s10 =	rddreg [dreg:$0x1c];
	s11 =	simm.s32 $0x3E00  }
0x89: {  	[tilespmem:s11], [sflag:$0x1] =	stream.linear.gather [spmem:s10], $0x80, $0x38;
	[tilespmem:$0x8480] =	vst v63  }
0x8a: {  	s8 =	rddreg [dreg:$0x1d];
	s9 =	simm.s32 $0x4200  }
0x8b: {  	[tilespmem:s9], [sflag:$0x1] =	stream.linear.gather [spmem:s8], $0x80, $0x38;
	[tilespmem:$0x8480] =	vst v63  }
0x8c: {  	_ =	swait.ge [sflag:s5], $0x280  }
0x8d: {  	[sflag:s5] =	ssyncset.done $0x0;
	s10 =	rddreg [dreg:$0x9]  }
0x8e: {  	s11 =	simm.s32 $0x3280;
	s8 =	rddreg [dreg:$0x1e];
	[sflag:s5] =	ssyncadd.s32 $0xFFFFFD80  }
0x8f: {  	[tilespmem:s11], [sflag:$0x1] =	stream.linear.gather [spmem:s10], $0x80, $0x38;
	[tilespmem:$0x8480] =	vst v63  }
0x90: {  	s9 =	simm.s32 $0x3680;
	s10 =	rddreg [dreg:$0x1f]  }
0x91: {  	[tilespmem:s9], [sflag:$0x1] =	stream.linear.gather [spmem:s8], $0x80, $0x38;
	[tilespmem:$0x8480] =	vst v63  }
0x92: {  	s11 =	simm.s32 $0x3A80;
	s8 =	sld [smem:$0x7D8]  }
0x93: {  	[tilespmem:s11], [sflag:$0x1] =	stream.linear.gather [spmem:s10], $0x80, $0x38;
	[tilespmem:$0x8480] =	vst v63  }
0x94: {  	s9 =	simm.s32 $0x3E80;
	s10 =	sld [smem:$0x7D9]  }
0x95: {  	[tilespmem:s9], [sflag:$0x1] =	stream.linear.gather [spmem:s8], $0x80, $0x38;
	[tilespmem:$0x8480] =	vst v63  }
0x96: {  	s11 =	simm.s32 $0x4280  }
0x97: {  	[tilespmem:s11], [sflag:$0x1] =	stream.linear.gather [spmem:s10], $0x80, $0x38;
	[tilespmem:$0x8480] =	vst v63  }
0x98: {  	_ =	swait.ge [sflag:s5], $0x280  }
0x99: {  	[sflag:s5] =	ssyncset.done $0x0;
	s8 =	rddreg [dreg:$0xa]  }
0x9a: {  	s9 =	simm.s32 $0x3300;
	s10 =	sld [smem:$0x7DA];
	[sflag:s5] =	ssyncadd.s32 $0xFFFFFD80  }
0x9b: {  	[tilespmem:s9], [sflag:$0x1] =	stream.linear.gather [spmem:s8], $0x80, $0x38;
	[tilespmem:$0x8480] =	vst v63  }
0x9c: {  	s11 =	simm.s32 $0x3700;
	s8 =	sld [smem:$0x7DB]  }
0x9d: {  	[tilespmem:s11], [sflag:$0x1] =	stream.linear.gather [spmem:s10], $0x80, $0x38;
	[tilespmem:$0x8480] =	vst v63  }
0x9e: {  	s9 =	simm.s32 $0x3B00;
	s10 =	sld [smem:$0x7DC]  }
0x9f: {  	[tilespmem:s9], [sflag:$0x1] =	stream.linear.gather [spmem:s8], $0x80, $0x38;
	[tilespmem:$0x8480] =	vst v63  }
0xa0: {  	s11 =	simm.s32 $0x3F00;
	s8 =	sld [smem:$0x7DD]  }
0xa1: {  	[tilespmem:s11], [sflag:$0x1] =	stream.linear.gather [spmem:s10], $0x80, $0x38;
	[tilespmem:$0x8480] =	vst v63  }
0xa2: {  	s9 =	simm.s32 $0x4300  }
0xa3: {  	[tilespmem:s9], [sflag:$0x1] =	stream.linear.gather [spmem:s8], $0x80, $0x38;
	[tilespmem:$0x8480] =	vst v63  }
0xa4: {  	_ =	swait.ge [sflag:s5], $0x280  }
0xa5: {  	[sflag:s5] =	ssyncset.done $0x0;
	s10 =	rddreg [dreg:$0xb]  }
0xa6: {  	s11 =	simm.s32 $0x3380;
	s8 =	sld [smem:$0x7DE];
	[sflag:s5] =	ssyncadd.s32 $0xFFFFFD80  }
0xa7: {  	[tilespmem:s11], [sflag:$0x1] =	stream.linear.gather [spmem:s10], $0x80, $0x38;
	[tilespmem:$0x8480] =	vst v63  }
0xa8: {  	s9 =	simm.s32 $0x3780;
	s10 =	sld [smem:$0x7DF]  }
0xa9: {  	[tilespmem:s9], [sflag:$0x1] =	stream.linear.gather [spmem:s8], $0x80, $0x38;
	[tilespmem:$0x8480] =	vst v63  }
0xaa: {  	s11 =	simm.s32 $0x3B80;
	s8 =	sld [smem:$0x7E0]  }
0xab: {  	[tilespmem:s11], [sflag:$0x1] =	stream.linear.gather [spmem:s10], $0x80, $0x38;
	[tilespmem:$0x8480] =	vst v63  }
0xac: {  	s9 =	simm.s32 $0x3F80;
	s10 =	sld [smem:$0x7E1]  }
0xad: {  	[tilespmem:s9], [sflag:$0x1] =	stream.linear.gather [spmem:s8], $0x80, $0x38;
	[tilespmem:$0x8480] =	vst v63  }
0xae: {  	s11 =	simm.s32 $0x4380  }
0xaf: {  	[tilespmem:s11], [sflag:$0x1] =	stream.linear.gather [spmem:s10], $0x80, $0x38;
	[tilespmem:$0x8480] =	vst v63  }
0xb0: {  	_ =	swait.ge [sflag:s5], $0x280  }
0xb1: {  	[sflag:s5] =	ssyncset.done $0x0;
	s8 =	rddreg [dreg:$0xc]  }
0xb2: {  	s9 =	simm.s32 $0x3400;
	s10 =	sld [smem:$0x7E2];
	[sflag:s5] =	ssyncadd.s32 $0xFFFFFD80  }
0xb3: {  	[tilespmem:s9], [sflag:$0x1] =	stream.linear.gather [spmem:s8], $0x80, $0x38;
	[tilespmem:$0x8480] =	vst v63  }
0xb4: {  	s11 =	simm.s32 $0x3800;
	s8 =	sld [smem:$0x7E3]  }
0xb5: {  	[tilespmem:s11], [sflag:$0x1] =	stream.linear.gather [spmem:s10], $0x80, $0x38;
	[tilespmem:$0x8480] =	vst v63  }
0xb6: {  	s9 =	simm.s32 $0x3C00;
	s10 =	sld [smem:$0x7E4]  }
0xb7: {  	[tilespmem:s9], [sflag:$0x1] =	stream.linear.gather [spmem:s8], $0x80, $0x38;
	[tilespmem:$0x8480] =	vst v63  }
0xb8: {  	s11 =	simm.s32 $0x4000;
	s8 =	sld [smem:$0x7E5]  }
0xb9: {  	[tilespmem:s11], [sflag:$0x1] =	stream.linear.gather [spmem:s10], $0x80, $0x38;
	[tilespmem:$0x8480] =	vst v63  }
0xba: {  	s9 =	simm.s32 $0x4400  }
0xbb: {  	[tilespmem:s9], [sflag:$0x1] =	stream.linear.gather [spmem:s8], $0x80, $0x38;
	[tilespmem:$0x8480] =	vst v63  }
0xbc: {  	_ =	swait.ge [sflag:s5], $0x280  }
0xbd: {  	[sflag:s5] =	ssyncset.done $0x0;
	s10 =	rddreg [dreg:$0xd]  }
0xbe: {  	s11 =	simm.s32 $0x3480;
	s8 =	sld [smem:$0x7E6];
	[sflag:s5] =	ssyncadd.s32 $0xFFFFFD80  }
0xbf: {  	[tilespmem:s11], [sflag:$0x1] =	stream.linear.gather [spmem:s10], $0x80, $0x38;
	[tilespmem:$0x8480] =	vst v63  }
0xc0: {  	s9 =	simm.s32 $0x3880;
	s10 =	sld [smem:$0x7E7]  }
0xc1: {  	[tilespmem:s9], [sflag:$0x1] =	stream.linear.gather [spmem:s8], $0x80, $0x38;
	[tilespmem:$0x8480] =	vst v63  }
0xc2: {  	s11 =	simm.s32 $0x3C80;
	s8 =	sld [smem:$0x7E8]  }
0xc3: {  	[tilespmem:s11], [sflag:$0x1] =	stream.linear.gather [spmem:s10], $0x80, $0x38;
	[tilespmem:$0x8480] =	vst v63  }
0xc4: {  	s9 =	simm.s32 $0x4080;
	s10 =	sld [smem:$0x7E9]  }
0xc5: {  	[tilespmem:s9], [sflag:$0x1] =	stream.linear.gather [spmem:s8], $0x80, $0x38;
	[tilespmem:$0x8480] =	vst v63  }
0xc6: {  	s11 =	simm.s32 $0x4480  }
0xc7: {  	[tilespmem:s11], [sflag:$0x1] =	stream.linear.gather [spmem:s10], $0x80, $0x38;
	[tilespmem:$0x8480] =	vst v63  }
0xc8: {  	_ =	swait.ge [sflag:s5], $0x280  }
0xc9: {  	[sflag:s5] =	ssyncset.done $0x0;
	s8 =	rddreg [dreg:$0xe]  }
0xca: {  	s9 =	simm.s32 $0x3500;
	s10 =	sld [smem:$0x7EA];
	[sflag:s5] =	ssyncadd.s32 $0xFFFFFD80  }
0xcb: {  	[tilespmem:s9], [sflag:$0x1] =	stream.linear.gather [spmem:s8], $0x80, $0x38;
	[tilespmem:$0x8480] =	vst v63  }
0xcc: {  	s11 =	simm.s32 $0x3900;
	s8 =	sld [smem:$0x7EB]  }
0xcd: {  	[tilespmem:s11], [sflag:$0x1] =	stream.linear.gather [spmem:s10], $0x80, $0x38;
	[tilespmem:$0x8480] =	vst v63  }
0xce: {  	s9 =	simm.s32 $0x3D00;
	s10 =	sld [smem:$0x7EC]  }
0xcf: {  	[tilespmem:s9], [sflag:$0x1] =	stream.linear.gather [spmem:s8], $0x80, $0x38;
	[tilespmem:$0x8480] =	vst v63  }
0xd0: {  	s11 =	simm.s32 $0x4100;
	s8 =	sld [smem:$0x7ED]  }
0xd1: {  	[tilespmem:s11], [sflag:$0x1] =	stream.linear.gather [spmem:s10], $0x80, $0x38;
	[tilespmem:$0x8480] =	vst v63  }
0xd2: {  	s9 =	simm.s32 $0x4500  }
0xd3: {  	[tilespmem:s9], [sflag:$0x1] =	stream.linear.gather [spmem:s8], $0x80, $0x38;
	[tilespmem:$0x8480] =	vst v63  }
0xd4: {  	_ =	swait.ge [sflag:s5], $0x280  }
0xd5: {  	[sflag:s5] =	ssyncset.done $0x0;
	s10 =	rddreg [dreg:$0xf]  }
0xd6: {  	s11 =	simm.s32 $0x3580;
	s8 =	sld [smem:$0x7EE];
	[sflag:s5] =	ssyncadd.s32 $0xFFFFFD80  }
0xd7: {  	[tilespmem:s11], [sflag:$0x1] =	stream.linear.gather [spmem:s10], $0x80, $0x38;
	[tilespmem:$0x8480] =	vst v63  }
0xd8: {  	s9 =	simm.s32 $0x3980;
	s10 =	sld [smem:$0x7EF]  }
0xd9: {  	[tilespmem:s9], [sflag:$0x1] =	stream.linear.gather [spmem:s8], $0x80, $0x38;
	[tilespmem:$0x8480] =	vst v63  }
0xda: {  	s11 =	simm.s32 $0x3D80;
	s8 =	sld [smem:$0x7F0]  }
0xdb: {  	[tilespmem:s11], [sflag:$0x1] =	stream.linear.gather [spmem:s10], $0x80, $0x38;
	[tilespmem:$0x8480] =	vst v63  }
0xdc: {  	s9 =	simm.s32 $0x4180;
	s10 =	sld [smem:$0x7F1]  }
0xdd: {  	[tilespmem:s9], [sflag:$0x1] =	stream.linear.gather [spmem:s8], $0x80, $0x38;
	[tilespmem:$0x8480] =	vst v63  }
0xde: {  	s11 =	simm.s32 $0x4580  }
0xdf: {  	[tilespmem:s11], [sflag:$0x1] =	stream.linear.gather [spmem:s10], $0x80, $0x38;
	[tilespmem:$0x8480] =	vst v63  }
0xe0: {  	_ =	swait.ge [sflag:s5], $0x280  }
0xe1: {  	[sflag:s5] =	ssyncset.done $0x0;
	s8 =	rddreg [dreg:$0x10]  }
0xe2: {  	s9 =	simm.s32 $0x4600;
	s10 =	sld [smem:$0x7F2];
	[sflag:s5] =	ssyncadd.s32 $0xFFFFFD80  }
0xe3: {  	[tilespmem:s9], [sflag:$0x1] =	stream.linear.gather [spmem:s8], $0x80, $0x38;
	[tilespmem:$0x8480] =	vst v63  }
0xe4: {  	s11 =	simm.s32 $0x4A00;
	s8 =	sld [smem:$0x7F3]  }
0xe5: {  	[tilespmem:s11], [sflag:$0x1] =	stream.linear.gather [spmem:s10], $0x80, $0x38;
	[tilespmem:$0x8480] =	vst v63  }
0xe6: {  	s9 =	simm.s32 $0x4E00;
	s10 =	sld [smem:$0x7F4]  }
0xe7: {  	[tilespmem:s9], [sflag:$0x1] =	stream.linear.gather [spmem:s8], $0x80, $0x38;
	[tilespmem:$0x8480] =	vst v63  }
0xe8: {  	s11 =	simm.s32 $0x5200;
	s8 =	sld [smem:$0x7F5]  }
0xe9: {  	[tilespmem:s11], [sflag:$0x1] =	stream.linear.gather [spmem:s10], $0x80, $0x38;
	[tilespmem:$0x8480] =	vst v63  }
0xea: {  	s9 =	simm.s32 $0x5600  }
0xeb: {  	[tilespmem:s9], [sflag:$0x1] =	stream.linear.gather [spmem:s8], $0x80, $0x38;
	[tilespmem:$0x8480] =	vst v63  }
0xec: {  	_ =	swait.ge [sflag:s5], $0x280  }
0xed: {  	[sflag:s5] =	ssyncset.done $0x0;
	s10 =	rddreg [dreg:$0x11]  }
0xee: {  	s11 =	simm.s32 $0x4680;
	s8 =	sld [smem:$0x7F6];
	[sflag:s5] =	ssyncadd.s32 $0xFFFFFD80  }
0xef: {  	[tilespmem:s11], [sflag:$0x1] =	stream.linear.gather [spmem:s10], $0x80, $0x38;
	[tilespmem:$0x8480] =	vst v63  }
0xf0: {  	s9 =	simm.s32 $0x4A80;
	s10 =	sld [smem:$0x7F7]  }
0xf1: {  	[tilespmem:s9], [sflag:$0x1] =	stream.linear.gather [spmem:s8], $0x80, $0x38;
	[tilespmem:$0x8480] =	vst v63  }
0xf2: {  	s11 =	simm.s32 $0x4E80;
	s8 =	sld [smem:$0x7F8]  }
0xf3: {  	[tilespmem:s11], [sflag:$0x1] =	stream.linear.gather [spmem:s10], $0x80, $0x38;
	[tilespmem:$0x8480] =	vst v63  }
0xf4: {  	s9 =	simm.s32 $0x5280;
	s10 =	sld [smem:$0x7F9]  }
0xf5: {  	[tilespmem:s9], [sflag:$0x1] =	stream.linear.gather [spmem:s8], $0x80, $0x38;
	[tilespmem:$0x8480] =	vst v63  }
0xf6: {  	s11 =	simm.s32 $0x5680  }
0xf7: {  	[tilespmem:s11], [sflag:$0x1] =	stream.linear.gather [spmem:s10], $0x80, $0x38;
	[tilespmem:$0x8480] =	vst v63  }
0xf8: {  	_ =	swait.ge [sflag:s5], $0x280  }
0xf9: {  	[sflag:s5] =	ssyncset.done $0x0;
	s8 =	rddreg [dreg:$0x12]  }
0xfa: {  	s9 =	simm.s32 $0x4700;
	s10 =	sld [smem:$0x7FA];
	[sflag:s5] =	ssyncadd.s32 $0xFFFFFD80  }
0xfb: {  	[tilespmem:s9], [sflag:$0x1] =	stream.linear.gather [spmem:s8], $0x80, $0x38;
	[tilespmem:$0x8480] =	vst v63  }
0xfc: {  	s11 =	simm.s32 $0x4B00;
	s8 =	sld [smem:$0x7FB]  }
0xfd: {  	[tilespmem:s11], [sflag:$0x1] =	stream.linear.gather [spmem:s10], $0x80, $0x38;
	[tilespmem:$0x8480] =	vst v63  }
0xfe: {  	s9 =	simm.s32 $0x4F00;
	s10 =	sld [smem:$0x7FC]  }
0xff: {  	[tilespmem:s9], [sflag:$0x1] =	stream.linear.gather [spmem:s8], $0x80, $0x38;
	[tilespmem:$0x8480] =	vst v63  }
0x100: {  	s11 =	simm.s32 $0x5300;
	s8 =	sld [smem:$0x7FD]  }
0x101: {  	[tilespmem:s11], [sflag:$0x1] =	stream.linear.gather [spmem:s10], $0x80, $0x38;
	[tilespmem:$0x8480] =	vst v63  }
0x102: {  	s9 =	simm.s32 $0x5700  }
0x103: {  	[tilespmem:s9], [sflag:$0x1] =	stream.linear.gather [spmem:s8], $0x80, $0x38;
	[tilespmem:$0x8480] =	vst v63  }
0x104: {  	_ =	swait.ge [sflag:s5], $0x280  }
0x105: {  	[sflag:s5] =	ssyncset.done $0x0  }
0x106: {  	s11 =	simm.s32 $0x4780;
	s10 =	rddreg [dreg:$0x13];
	[sflag:s5] =	ssyncadd.s32 $0xFFFFFD80  }
0x107: {  	[tilespmem:s11], [sflag:$0x1] =	stream.linear.gather [spmem:s10], $0x80, $0x38;
	[tilespmem:$0x8480] =	vst v63  }
0x108: {  	s8 =	simm.s32 $0x4B80  }
0x109: {  	[tilespmem:s8], [sflag:$0x1] =	stream.linear.gather [spmem:s12], $0x80, $0x38;
	[tilespmem:$0x8480] =	vst v63  }
0x10a: {  	s9 =	simm.s32 $0x4F80  }
0x10b: {  	[tilespmem:s9], [sflag:$0x1] =	stream.linear.gather [spmem:s13], $0x80, $0x38;
	[tilespmem:$0x8480] =	vst v63  }
0x10c: {  	s10 =	simm.s32 $0x5380  }
0x10d: {  	[tilespmem:s10], [sflag:$0x1] =	stream.linear.gather [spmem:s14], $0x80, $0x38;
	[tilespmem:$0x8480] =	vst v63  }
0x10e: {  	s11 =	simm.s32 $0x5780  }
0x10f: {  	[tilespmem:s11], [sflag:$0x1] =	stream.linear.gather [spmem:s15], $0x80, $0x38;
	[tilespmem:$0x8480] =	vst v63  }
0x110: {  	_ =	swait.ge [sflag:s5], $0x280  }
0x111: {  	[sflag:s5] =	ssyncset.done $0x0  }
0x112: {  	s9 =	simm.s32 $0x4800;
	s8 =	rddreg [dreg:$0x14];
	[sflag:s5] =	ssyncadd.s32 $0xFFFFFD80  }
0x113: {  	[tilespmem:s9], [sflag:$0x1] =	stream.linear.gather [spmem:s8], $0x80, $0x38;
	[tilespmem:$0x8480] =	vst v63  }
0x114: {  	s10 =	simm.s32 $0x4C00  }
0x115: {  	[tilespmem:s10], [sflag:$0x1] =	stream.linear.gather [spmem:s16], $0x80, $0x38;
	[tilespmem:$0x8480] =	vst v63  }
0x116: {  	s11 =	simm.s32 $0x5000  }
0x117: {  	[tilespmem:s11], [sflag:$0x1] =	stream.linear.gather [spmem:s17], $0x80, $0x38;
	[tilespmem:$0x8480] =	vst v63  }
0x118: {  	s8 =	simm.s32 $0x5400  }
0x119: {  	[tilespmem:s8], [sflag:$0x1] =	stream.linear.gather [spmem:s18], $0x80, $0x38;
	[tilespmem:$0x8480] =	vst v63  }
0x11a: {  	s9 =	simm.s32 $0x5800  }
0x11b: {  	[tilespmem:s9], [sflag:$0x1] =	stream.linear.gather [spmem:s19], $0x80, $0x38;
	[tilespmem:$0x8480] =	vst v63  }
0x11c: {  	_ =	swait.ge [sflag:s5], $0x280  }
0x11d: {  	[sflag:s5] =	ssyncset.done $0x0  }
0x11e: {  	s11 =	simm.s32 $0x4880;
	s10 =	rddreg [dreg:$0x15];
	[sflag:s5] =	ssyncadd.s32 $0xFFFFFD80  }
0x11f: {  	[tilespmem:s11], [sflag:$0x1] =	stream.linear.gather [spmem:s10], $0x80, $0x38;
	[tilespmem:$0x8480] =	vst v63  }
0x120: {  	s8 =	simm.s32 $0x4C80  }
0x121: {  	[tilespmem:s8], [sflag:$0x1] =	stream.linear.gather [spmem:s20], $0x80, $0x38;
	[tilespmem:$0x8480] =	vst v63  }
0x122: {  	s9 =	simm.s32 $0x5080  }
0x123: {  	[tilespmem:s9], [sflag:$0x1] =	stream.linear.gather [spmem:s21], $0x80, $0x38;
	[tilespmem:$0x8480] =	vst v63  }
0x124: {  	s10 =	simm.s32 $0x5480  }
0x125: {  	[tilespmem:s10], [sflag:$0x1] =	stream.linear.gather [spmem:s22], $0x80, $0x38;
	[tilespmem:$0x8480] =	vst v63  }
0x126: {  	s11 =	simm.s32 $0x5880  }
0x127: {  	[tilespmem:s11], [sflag:$0x1] =	stream.linear.gather [spmem:s23], $0x80, $0x38;
	[tilespmem:$0x8480] =	vst v63  }
0x128: {  	_ =	swait.ge [sflag:s5], $0x280  }
0x129: {  	[sflag:s5] =	ssyncset.done $0x0  }
0x12a: {  	s9 =	simm.s32 $0x4900;
	s8 =	rddreg [dreg:$0x17];
	[sflag:s5] =	ssyncadd.s32 $0xFFFFFD80  }
0x12b: {  	[tilespmem:s9], [sflag:$0x1] =	stream.linear.gather [spmem:s8], $0x80, $0x38;
	[tilespmem:$0x8480] =	vst v63  }
0x12c: {  	s10 =	simm.s32 $0x4D00  }
0x12d: {  	[tilespmem:s10], [sflag:$0x1] =	stream.linear.gather [spmem:s24], $0x80, $0x38;
	[tilespmem:$0x8480] =	vst v63  }
0x12e: {  	s11 =	simm.s32 $0x5100  }
0x12f: {  	[tilespmem:s11], [sflag:$0x1] =	stream.linear.gather [spmem:s25], $0x80, $0x38;
	[tilespmem:$0x8480] =	vst v63  }
0x130: {  	s8 =	simm.s32 $0x5500  }
0x131: {  	[tilespmem:s8], [sflag:$0x1] =	stream.linear.gather [spmem:s26], $0x80, $0x38;
	[tilespmem:$0x8480] =	vst v63  }
0x132: {  	s9 =	simm.s32 $0x5900  }
0x133: {  	[tilespmem:s9], [sflag:$0x1] =	stream.linear.gather [spmem:s28], $0x80, $0x38;
	[tilespmem:$0x8480] =	vst v63  }
0x134: {  	_ =	swait.ge [sflag:s5], $0x280  }
0x135: {  	[sflag:s5] =	ssyncset.done $0x0  }
0x136: {  	s11 =	simm.s32 $0x4980;
	s10 =	rddreg [dreg:$0x18];
	[sflag:s5] =	ssyncadd.s32 $0xFFFFFD80  }
0x137: {  	[tilespmem:s11], [sflag:$0x1] =	stream.linear.gather [spmem:s10], $0x80, $0x38;
	[tilespmem:$0x8480] =	vst v63  }
0x138: {  	s9 =	simm.s32 $0x4D80  }
0x139: {  	[tilespmem:s9], [sflag:$0x1] =	stream.linear.gather [spmem:s29], $0x80, $0x38;
	[tilespmem:$0x8480] =	vst v63  }
0x13a: {  	s10 =	simm.s32 $0x5180  }
0x13b: {  	[tilespmem:s10], [sflag:$0x1] =	stream.linear.gather [spmem:s30], $0x80, $0x38;
	[tilespmem:$0x8480] =	vst v63  }
0x13c: {  	s11 =	simm.s32 $0x5580  }
0x13d: {  	[tilespmem:s11], [sflag:$0x1] =	stream.linear.gather [spmem:s31], $0x80, $0x38;
	[tilespmem:$0x8480] =	vst v63  }
0x13e: {  	s8 =	simm.s32 $0x5980  }
0x13f: {  	[tilespmem:s8], [sflag:$0x1] =	stream.linear.gather [spmem:s0], $0x80, $0x38;
	[tilespmem:$0x8480] =	vst v63  }
0x140: {  	s9 =	simm.s32 $0x0;
	_ =	swait.ge [sflag:s5], $0x280  }
0x141: {  	s3 =	sand.u32 $0x1C00, s9;
	s10 =	sand.u32 $0x70, s9;
	[sflag:s5] =	ssyncset.done $0x0  }
0x142: {  	s3 =	sor.u32 s10, s3;
	[sflag:s5] =	ssyncadd.s32 $0xFFFFFD80  }
0x143: {  	v2 =	vld [tilespmem:s3+$0x3280]  }
0x144: {  	v3 =	vld [tilespmem:s3+$0x3200];
	_ =	sdelay $0x1  }
0x145: {  	v4 =	vld [tilespmem:s3+$0x3300];
	_ =	sdelay $0x1  }
0x146: {  	v5 =	vld [tilespmem:s3+$0x3380]  }
0x147: {  	v2 =	vadd.f32 v2, v3  }
0x148: {  	v3 =	vld [tilespmem:s3+$0x3400]  }
0x149: {  	v2 =	vadd.f32 v4, v2  }
0x14a: {  	v56 =	vld [tilespmem:s3+$0x3480]  }
0x14b: {  	v2 =	vadd.f32 v5, v2  }
0x14c: {  	v57 =	vld [tilespmem:s3+$0x3500]  }
0x14d: {  	v2 =	vadd.f32 v3, v2  }
0x14e: {  	v3 =	vld [tilespmem:s3+$0x3580]  }
0x14f: {  	v2 =	vadd.f32 v56, v2  }
0x150: {  	v58 =	vld [tilespmem:s3+$0x4600]  }
0x151: {  	v2 =	vadd.f32 v57, v2  }
0x152: {  	v59 =	vld [tilespmem:s3+$0x4680]  }
0x153: {  	v2 =	vadd.f32 v3, v2  }
0x154: {  	v3 =	vld [tilespmem:s3+$0x4700]  }
0x155: {  	v2 =	vadd.f32 v58, v2  }
0x156: {  	v60 =	vld [tilespmem:s3+$0x4780]  }
0x157: {  	v2 =	vadd.f32 v59, v2  }
0x158: {  	v61 =	vld [tilespmem:s3+$0x4800]  }
0x159: {  	v2 =	vadd.f32 v3, v2  }
0x15a: {  	v3 =	vld [tilespmem:s3+$0x4880]  }
0x15b: {  	v2 =	vadd.f32 v60, v2  }
0x15c: {  	v62 =	vld [tilespmem:s3+$0x4900]  }
0x15d: {  	v2 =	vadd.f32 v61, v2  }
0x15e: {  	v63 =	vld [tilespmem:s3+$0x4980]  }
0x15f: {  	v2 =	vadd.f32 v3, v2;
	_ =	sdelay $0x1  }
0x160: {  	v2 =	vadd.f32 v62, v2;
	_ =	sdelay $0x1  }
0x161: {  	s9 =	simm.s32 $0x80;
	s11 =	simm.s32 $0x10;
	v2 =	vadd.f32 v63, v2  }
0x162: {  	s10 =	sand.u32 $0x1C00, s9;
	s8 =	sand.u32 $0x70, s11;
	s3 =	simm.s32 $0x5A00  }
0x163: {  	s8 =	sor.u32 s8, s10;
	s10 =	simm.s32 $0x20;
	[tilespmem:s3+$0x0] =	vst v2  }
.LBB2_14:
0x164: {  	p1 =	sne.s32 s10, $0x270;
	v2 =	vld [tilespmem:s8+$0x3280]  }
0x165: {  	v3 =	vld [tilespmem:s8+$0x3200];
	_ =	sdelay $0x1  }
0x166: {  	v4 =	vld [tilespmem:s8+$0x3300];
	_ =	sdelay $0x1  }
0x167: {  	v5 =	vld [tilespmem:s8+$0x3380]  }
0x168: {  	v2 =	vadd.f32 v2, v3  }
0x169: {  	v3 =	vld [tilespmem:s8+$0x3400]  }
0x16a: {  	v2 =	vadd.f32 v4, v2  }
0x16b: {  	v4 =	vld [tilespmem:s8+$0x3480]  }
0x16c: {  	v2 =	vadd.f32 v5, v2  }
0x16d: {  	v5 =	vld [tilespmem:s8+$0x3500]  }
0x16e: {  	v2 =	vadd.f32 v3, v2  }
0x16f: {  	v3 =	vld [tilespmem:s8+$0x3580]  }
0x170: {  	v2 =	vadd.f32 v4, v2  }
0x171: {  	v4 =	vld [tilespmem:s8+$0x4600]  }
0x172: {  	v2 =	vadd.f32 v5, v2  }
0x173: {  	v5 =	vld [tilespmem:s8+$0x4680]  }
0x174: {  	v2 =	vadd.f32 v3, v2  }
0x175: {  	v3 =	vld [tilespmem:s8+$0x4700]  }
0x176: {  	v2 =	vadd.f32 v4, v2  }
0x177: {  	v4 =	vld [tilespmem:s8+$0x4780]  }
0x178: {  	v2 =	vadd.f32 v5, v2  }
0x179: {  	v5 =	vld [tilespmem:s8+$0x4800]  }
0x17a: {  	v2 =	vadd.f32 v3, v2  }
0x17b: {  	v3 =	vld [tilespmem:s8+$0x4880]  }
0x17c: {  	v2 =	vadd.f32 v4, v2  }
0x17d: {  	v4 =	vld [tilespmem:s8+$0x4900]  }
0x17e: {  	v2 =	vadd.f32 v5, v2  }
0x17f: {  	v5 =	vld [tilespmem:s8+$0x4980]  }
0x180: {  	v2 =	vadd.f32 v3, v2;
	_ =	sdelay $0x1  }
.Ltmp6:
0x181: {  	v2 =	vadd.f32 v4, v2;
	(pc) =	sbr.rel @p1 .LBB2_14-.Ltmp6, $4  }
0x182: {  	_ = 	snop  }
0x183: {  	s9 =	sadd.s32 $0x80, s9;
	v2 =	vadd.f32 v5, v2  }
0x184: {  	s3 =	sadd.s32 $0x10, s3;
	s11 =	sand.u32 $0x1C00, s9;
	s8 =	sand.u32 $0x70, s10  }
0x185: {  	s10 =	sadd.s32 $0x10, s10;
	s8 =	sor.u32 s8, s11;
	[tilespmem:s3+$0x0] =	vst v2  }
0x186: {  	v2 =	vld [tilespmem:s8+$0x3280]  }
0x187: {  	v3 =	vld [tilespmem:s8+$0x3200];
	_ =	sdelay $0x1  }
0x188: {  	v4 =	vld [tilespmem:s8+$0x3300];
	_ =	sdelay $0x1  }
0x189: {  	v5 =	vld [tilespmem:s8+$0x3380]  }
0x18a: {  	v2 =	vadd.f32 v2, v3  }
0x18b: {  	v3 =	vld [tilespmem:s8+$0x3400]  }
0x18c: {  	v2 =	vadd.f32 v4, v2  }
0x18d: {  	v56 =	vld [tilespmem:s8+$0x3480]  }
0x18e: {  	v2 =	vadd.f32 v5, v2  }
0x18f: {  	v57 =	vld [tilespmem:s8+$0x3500]  }
0x190: {  	v2 =	vadd.f32 v3, v2  }
0x191: {  	v3 =	vld [tilespmem:s8+$0x3580]  }
0x192: {  	v2 =	vadd.f32 v56, v2  }
0x193: {  	v58 =	vld [tilespmem:s8+$0x4600]  }
0x194: {  	v2 =	vadd.f32 v57, v2  }
0x195: {  	v59 =	vld [tilespmem:s8+$0x4680]  }
0x196: {  	v2 =	vadd.f32 v3, v2  }
0x197: {  	v3 =	vld [tilespmem:s8+$0x4700]  }
0x198: {  	v2 =	vadd.f32 v58, v2  }
0x199: {  	v60 =	vld [tilespmem:s8+$0x4780]  }
0x19a: {  	v2 =	vadd.f32 v59, v2  }
0x19b: {  	v61 =	vld [tilespmem:s8+$0x4800]  }
0x19c: {  	v2 =	vadd.f32 v3, v2  }
0x19d: {  	v3 =	vld [tilespmem:s8+$0x4880]  }
0x19e: {  	v2 =	vadd.f32 v60, v2  }
0x19f: {  	v62 =	vld [tilespmem:s8+$0x4900]  }
0x1a0: {  	v2 =	vadd.f32 v61, v2  }
0x1a1: {  	v63 =	vld [tilespmem:s8+$0x4980]  }
0x1a2: {  	v2 =	vadd.f32 v3, v2;
	_ =	sdelay $0x1  }
0x1a3: {  	v2 =	vadd.f32 v62, v2;
	_ =	sdelay $0x1  }
0x1a4: {  	v2 =	vadd.f32 v63, v2  }
0x1a5: {  	s3 =	sadd.s32 $0x10, s3  }
0x1a6: {  	s9 =	rddreg [dreg:$0x16];
	s10 =	simm.s32 $0x5A00;
	[tilespmem:s3+$0x0] =	vst v2  }
0x1a7: {  	[hbm4b:s9+s1] =	stream.strided.scatter [tilespmem:s10], [sflag:$0x1], $0x280, s4, s1, $0x38;
	[tilespmem:$0x8480] =	vst v63  }
0x1a8: {  	_ =	swait.ge [sflag:s5], $0x280  }
0x1a9: {  	s2 =	sadd.s32 $0x1, s2;
	s11 =	rddreg [dreg:$0x19]  }
0x1aa: {  	p1 =	sne.s32 s2, s11  }
.Ltmp7:
0x1ab: {  	_ = 	snop;
	(pc) =	sbr.rel @p1 .LBB2_1-.Ltmp7, $3  }
0x1ac: {  	_ =	sdelay $0x1  }
0x1ad: {  	[sflag:s5] =	ssyncset.done $0x0  }
0x1ae: {  	[sflag:s5] =	ssyncadd.s32 $0xFFFFFD80  }
0x1af: {  	_ =	sfence.sel $0x180000  }
0x1b0: {  	[bflag:$0x0] =	sbarrier.arrive $0xFFFF  }
0x1b1: {  	_ =	strace $0x90000047  }
0x1b2: {  	s0 =	stileid.u32;
	[bflag:$0x2] =	sbarrier.arrive $0xFFFF  }
0x1b3: {  	p0 =	sne.s32 s0, $0x0;
	s0 =	rddreg [dreg:$0x3]  }
0x1b4: {  	s0 =	sadd.s32 @!p0 $0x100000, s0  }
0x1b5: {  	[sflag:s0] =	ssyncadd.tile.s32 @!p0 $0x1;
	_ =	shalt  }
.Lfunc_end2:
_tile_overlayer_lowered:
.L_overlay_start_2:
0x1b6: {  	(tag) =	ssettag $0x2  }
0x1b7: {  	s0 =	rddreg [dreg:$0x0];
	s2 =	stileid.u32  }
0x1b8: {  	s1 =	rddreg [dreg:$0x1];
	p0 =	sne.s32 s2, $0x0  }
0x1b9: {  	s3 =	rddreg [dreg:$0x2];
	[bflag:$0x3] =	sbarrier.arrive $0xFFFF;
	s2 =	simm.s32 @!p0 $0x1C01  }
0x1ba: {  	[timem:s3], [sflag:s2] =	dma.local @!p0 [hbm:s0], s1  }
0x1bb: {  	s0 =	simm.s32 @!p0 $0x1  }
0x1bc: {  	_ =	swait.ge @!p0 [sflag:s0], s1  }
0x1bd: {  	s1 =	ssub.s32 @!p0 $0x0, s1;
	[sflag:s0] =	ssyncset.done @!p0 $0x0  }
0x1be: {  	[sflag:s0] =	ssyncadd.s32 @!p0 s1  }
0x1bf: {  	[bflag:$0x3] =	sbarrier.arrive $0xFFFF  }
0x1c0: {  	_ =	shalt  }

// kernel: kernel.14.cloned.1.call-start
scs
__scs_entry_jumppad:
0x0: {  	(pc) =	sbr.rel $0x88, $3  }
0x1: {  	(tag) =	ssettag $0x0;
	lr =	simm.s32 $0x1  }
0x2: {  	[smem:$0x3F90] =	sst lr;
	_ =	strace $0xD0000000  }
0x3: {  	_ = 	snop  }
0x4: {  	_ = 	snop  }
0x5: {  	_ = 	snop  }
0x6: {  	_ = 	snop  }
0x7: {  	_ = 	snop  }
__scs_overlays_trampoline_lowered:
0x8: {  	[smem:$0x3F9F] =	sst s0  }
0x9: {  	[smem:$0x3FA0] =	sst s1  }
0xa: {  	[smem:$0x3FA1] =	sst s2  }
0xb: {  	[smem:$0x3FA2] =	sst s3  }
0xc: {  	[smem:$0x3FA3] =	sst s4  }
0xd: {  	[smem:$0x3FA4] =	sst s5  }
0xe: {  	[smem:$0x3FA5] =	sst s6  }
0xf: {  	[smem:$0x3FA6] =	sst s7  }
0x10: {  	[smem:$0x3FA7] =	sst s8  }
0x11: {  	[smem:$0x3FA8] =	sst s9;
	s0 =	simm.s32 @!p0 $0x0  }
0x12: {  	s1 =	sld [smem:$0x3F8E];
	s0 =	simm.s32 @p0 $0x1  }
0x13: {  	[smem:$0x3FA9] =	sst s0;
	s0 =	simm.s32 @!p1 $0x0  }
0x14: {  	s2 =	sld [smem:$0x3F8D];
	s0 =	simm.s32 @p1 $0x1  }
0x15: {  	[smem:$0x3FAA] =	sst s0;
	s0 =	simm.s32 @!p2 $0x0  }
0x16: {  	s3 =	sld [smem:$0x3FDB];
	s0 =	simm.s32 @p2 $0x1  }
0x17: {  	s4 =	simm.s32 $0x1BF5;
	[smem:$0x3FAC] =	sst s0  }
0x18: {  	s0 =	sld [smem:$0x3F8F];
	_ =	swait.ge [sflag:s4], $0x0  }
0x19: {  	s7 =	sld [smem:$0x3F90]  }
0x1a: {  	s8 =	sadd.s32 $0xFFFFE003, lr  }
0x1b: {  	s9 =	sadd.s32 $0xFFFFFEF7, lr;
	s5 =	simm.s32 $0xFFFFFFFF;
	p2 =	slt.u32 s8, $0xFFFFF086  }
0x1c: {  	p1 =	slt.u32 s9, $0xF7A;
	s5 =	simm.s32 @!p2 $0x0  }
0x1d: {  	s5 =	simm.s32 @p1 $0x1;
	p0 =	seq.s32 s7, s2  }
0x1e: {  	s7 =	smul.u32 @!p0 $0xF7A, s2;
	p2 =	seq.s32 @!p0 s5, $0x0  }
0x1f: {  	s9 =	smul.u32 $0xF7A, s1;
	s8 =	simm.s32 @!p0 $0x1BF5;
	p2 =	por !p2, p0  }
0x20: {  	[sflag:s8] =	ssyncset.s32 @!p0 $0xFFFFF086;
	s6 =	sadd.s32 @!p0 s3, s7;
	s7 =	simm.s32 @!p0 $0x108  }
0x21: {  	s3 =	sadd.s32 s3, s9;
	s6 =	sadd.s32 @!p0 $0x88, s6;
	s7 =	simm.s32 @p2 $0x1082  }
0x22: {  	[simem:s7], [sflag:s8] =	dma.local @!p0 [hbm:s6], $0xF7A  }
0x23: {  	s9 =	sor.u32 $0xD0000000, s2;
	s6 =	simm.s32 $0x108;
	_ =	swait.ge @!p0 [sflag:s8], $0x0  }
0x24: {  	s3 =	sadd.s32 $0x88, s3;
	s6 =	simm.s32 @!p1 $0x1082;
	[sflag:s4] =	ssyncset.s32 $0xFFFFF086  }
0x25: {  	[simem:s6], [sflag:s4] =	dma.local [hbm:s3], $0xF7A  }
0x26: {  	[smem:$0x3F90] =	sst s1;
	(tag) =	ssettag s2;
	_ =	strace s9  }
0x27: {  	s1 =	sld [smem:$0x3FA0]  }
0x28: {  	s2 =	sld [smem:$0x3FA1]  }
0x29: {  	s4 =	sld [smem:$0x3FA3]  }
0x2a: {  	p0 =	seq.s32 s5, $0x0;
	s5 =	sld [smem:$0x3FA4]  }
0x2b: {  	s6 =	sld [smem:$0x3FA5]  }
0x2c: {  	s7 =	sld [smem:$0x3FA6]  }
0x2d: {  	s3 =	simm.s32 $0x108;
	s8 =	sld [smem:$0x3FA7]  }
0x2e: {  	s3 =	simm.s32 @!p0 $0x1082;
	s9 =	sld [smem:$0x3FA8]  }
0x2f: {  	lr =	sadd.s32 s0, s3;
	s0 =	sld [smem:$0x3F9F]  }
0x30: {  	s3 =	sld [smem:$0x3FA2]  }
0x31: {  	[smem:$0x3FAB] =	sst s10  }
0x32: {  	s10 =	sld [smem:$0x3FA9];
	_ =	sdelay $0x3  }
0x33: {  	p0 =	seq.s32 s10, $0x1;
	s10 =	sld [smem:$0x3FAB];
	_ =	sdelay $0x3  }
0x34: {  	[smem:$0x3FAB] =	sst s10  }
0x35: {  	s10 =	sld [smem:$0x3FAA];
	_ =	sdelay $0x3  }
0x36: {  	p1 =	seq.s32 s10, $0x1;
	s10 =	sld [smem:$0x3FAB];
	_ =	sdelay $0x3  }
0x37: {  	[smem:$0x3FAB] =	sst s10  }
0x38: {  	s10 =	sld [smem:$0x3FAC]  }
0x39: {  	_ = 	snop;
	(pc) =	sbr.ind lr, $3  }
0x3a: {  	_ = 	snop  }
0x3b: {  	_ = 	snop  }
0x3c: {  	p2 =	seq.s32 s10, $0x1;
	s10 =	sld [smem:$0x3FAB]  }
0x3d: {  	_ =	shalt  }
0x3e: {  	_ =	shalt  }
0x3f: {  	_ =	shalt  }
0x40: {  	_ =	shalt  }
0x41: {  	_ =	shalt  }
0x42: {  	_ =	shalt  }
0x43: {  	_ =	shalt  }
0x44: {  	_ =	shalt  }
0x45: {  	_ =	shalt  }
0x46: {  	_ =	shalt  }
0x47: {  	_ =	shalt  }
0x48: {  	_ =	shalt  }
0x49: {  	_ =	shalt  }
0x4a: {  	_ =	shalt  }
0x4b: {  	_ =	shalt  }
0x4c: {  	_ =	shalt  }
0x4d: {  	_ =	shalt  }
0x4e: {  	_ =	shalt  }
0x4f: {  	_ =	shalt  }
0x50: {  	_ =	shalt  }
0x51: {  	_ =	shalt  }
0x52: {  	_ =	shalt  }
0x53: {  	_ =	shalt  }
0x54: {  	_ =	shalt  }
0x55: {  	_ =	shalt  }
0x56: {  	_ =	shalt  }
0x57: {  	_ =	shalt  }
0x58: {  	_ =	shalt  }
0x59: {  	_ =	shalt  }
0x5a: {  	_ =	shalt  }
0x5b: {  	_ =	shalt  }
0x5c: {  	_ =	shalt  }
0x5d: {  	_ =	shalt  }
0x5e: {  	_ =	shalt  }
0x5f: {  	_ =	shalt  }
0x60: {  	_ =	shalt  }
0x61: {  	_ =	shalt  }
0x62: {  	_ =	shalt  }
0x63: {  	_ =	shalt  }
0x64: {  	_ =	shalt  }
0x65: {  	_ =	shalt  }
0x66: {  	_ =	shalt  }
0x67: {  	_ =	shalt  }
0x68: {  	_ =	shalt  }
0x69: {  	_ =	shalt  }
0x6a: {  	_ =	shalt  }
0x6b: {  	_ =	shalt  }
0x6c: {  	_ =	shalt  }
0x6d: {  	_ =	shalt  }
0x6e: {  	_ =	shalt  }
0x6f: {  	_ =	shalt  }
0x70: {  	_ =	shalt  }
0x71: {  	_ =	shalt  }
0x72: {  	_ =	shalt  }
0x73: {  	_ =	shalt  }
0x74: {  	_ =	shalt  }
0x75: {  	_ =	shalt  }
0x76: {  	_ =	shalt  }
0x77: {  	_ =	shalt  }
0x78: {  	_ =	shalt  }
0x79: {  	_ =	shalt  }
0x7a: {  	_ =	shalt  }
0x7b: {  	_ =	shalt  }
0x7c: {  	_ =	shalt  }
0x7d: {  	_ =	shalt  }
0x7e: {  	_ =	shalt  }
0x7f: {  	_ =	shalt  }
0x80: {  	_ =	shalt  }
0x81: {  	_ =	shalt  }
0x82: {  	_ =	shalt  }
0x83: {  	_ =	shalt  }
0x84: {  	_ =	shalt  }
0x85: {  	_ =	shalt  }
0x86: {  	_ =	shalt  }
0x87: {  	_ =	shalt  }
.Lfunc_end0:
.L_simem_size_0:
called_computation.1_lowered:
.L_overlay_start_0:
0x88: {  	s2 =	sld [smem:$0x3FD9]  }
0x89: {  	s3 =	sld [smem:$0x3FFE];
	_ =	sdelay $0x1  }
0x8a: {  	s1 =	srdreg.scid  }
0x8b: {  	s0 =	sand.u32 $0x1, s1  }
0x8c: {  	s17 =	sshll.u32 s0, $0xA;
	s2 =	sadd.s32 s3, s2  }
0x8d: {  	s2 =	sadd.s32 s2, s17  }
0x8e: {  	[smem:$0x3FB7] =	sst s2  }
0x8f: {  	_ = 	snop  }
0x90: {  	s2 =	sld [smem:$0x3FC8];
	(tm) =	ssettm $0x1  }
0x91: {  	s18 =	sld [smem:$0x3FFB];
	_ =	sdelay $0x3  }
0x92: {  	_ =	strace s18  }
0x93: {  	s3 =	sld [smem:$0x3FFC];
	_ =	sdelay $0x3  }
0x94: {  	_ =	strace s3  }
0x95: {  	s3 =	sld [smem:$0x3FFD];
	_ =	sdelay $0x3  }
0x96: {  	_ =	strace s3  }
0x97: {  	_ =	strace $0x8FFFFFFF  }
0x98: {  	s19 =	sld [smem:$0x3FDB];
	_ =	sdelay $0x1  }
0x99: {  	s4 =	simm.s32 $_scs_section_size  }
0x9a: {  	s5 =	simm.s32 $_size__tile_overlayer_lowered;
	s6 =	simm.s32 $_tile_overlayer_lowered  }
0x9b: {  	s22 =	simm.s32 $0x1BFF;
	s21 =	sshll.u32 s6, $0x1;
	s3 =	sadd.s32 s4, s19  }
0x9c: {  	s7 =	simm.s32 $0x0;
	s20 =	sshll.u32 s5, $0x1;
	s5 =	sadd.s32 s21, s3  }
0x9d: {  	[timem:s7], [sflag:s22] =	dma.local [hbm:s5], s20  }
0x9e: {  	_ =	swait.ge [sflag:s22], s20  }
0x9f: {  	s4 =	ssub.s32 $0x0, s20;
	[sflag:s22] =	ssyncset.done $0x0  }
0xa0: {  	[sflag:s22] =	ssyncadd.s32 s4;
	_ =	sdelay $0x1  }
0xa1: {  	s23 =	simm.s32 $0x1B8B  }
0xa2: {  	_ =	swait.ge [sflag:s23], $0x1  }
0xa3: {  	[sflag:s23] =	ssyncset.done $0x0  }
0xa4: {  	s25 =	simm.s32 $0x1B8E;
	s24 =	sld [smem:$0x3FFE];
	[sflag:s23] =	ssyncadd.s32 $0xFFFFFFFF  }
0xa5: {  	s26 =	simm.s32 $execute0_lowered;
	[smem:$0x3FD2] =	sst s25  }
0xa6: {  	s5 =	sshll.u32 s26, $0x1;
	_ =	strace $0x80000049;
	[dreg:$0x1] =	wrdreg $0xFFFFFFFF  }
0xa7: {  	s28 =	simm.s32 $_size_execute0_lowered;
	s3 =	sadd.s32 s3, s5;
	[dreg:$0x0] =	wrdreg $0x0  }
0xa8: {  	s5 =	sshll.u32 s28, $0x1;
	[dreg:$0x2] =	wrdreg s3  }
0xa9: {  	[dreg:$0x3] =	wrdreg s5  }
0xaa: {  	[dreg:$0x4] =	wrdreg $0xC0  }
0xab: {  	_ =	task [dreg:s7], $0x5FFFF  }
0xac: {  	[dreg:$0x1] =	wrdreg $0xFFFFFFFF  }
0xad: {  	[dreg:$0x0] =	wrdreg $0x60  }
0xae: {  	[dreg:$0x2] =	wrdreg s24  }
0xaf: {  	[dreg:$0x3] =	wrdreg s2  }
0xb0: {  	[dreg:$0x4] =	wrdreg $0x94000  }
0xb1: {  	[dreg:$0x5] =	wrdreg $0x9  }
0xb2: {  	_ =	task.clear_ibuf [dreg:s7], $0x6FFFF;
	_ =	strace $0x90000049  }
0xb3: {  	s29 =	simm.s32 $0x9;
	_ =	strace $0x8000004B  }
0xb4: {  	_ =	swait.ge [sflag:s29], $0x1  }
0xb5: {  	[sflag:s29] =	ssyncadd.s32 $0xFFFFFFFF  }
0xb6: {  	_ =	strace $0x9000004B  }
0xb7: {  	_ =	sfence  }
0xb8: {  	s30 =	sld [smem:$0x0];
	_ =	sdelay $0x2  }
0xb9: {  	s31 =	sshll.u32 s1, $0xD;
	s1 =	sshrl.u32 s1, $0x2  }
0xba: {  	s3 =	sand.u32 $0x4000, s31;
	s1 =	sadd.s32 s1, s30  }
0xbb: {  	s0 =	sor.u32 s3, s0;
	s1 =	sshll.u32 s1, $0x11  }
0xbc: {  	s0 =	sor.u32 s1, s0  }
0xbd: {  	s0 =	sadd.s32 $0x8F2B, s0  }
0xbe: {  	[sflag:s0] =	ssyncadd.remote.s32 $0x1  }
0xbf: {  	_ =	sfence.sel $0xFFFF  }
0xc0: {  	[dreg:$0x0] =	wrdreg $0xFFFFFFFF;
	(pc) =	sbr.abs _section_cstart, $3  }
0xc1: {  	[dreg:$0x1] =	wrdreg $0xFFFFFFFF  }
0xc2: {  	_ =	task.clear_ibuf [dreg:s7], $0x2FFFF;
	_ =	strace $0x9FFFFFFF  }
0xc3: {  	(tm) =	ssettm $0x7FFFFFFF  }
tec
execute0_lowered:
.L_overlay_start_1:
0x0: {  	(tag) =	ssettag $0x1  }
0x1: {  	s0 =	rddreg [dreg:$0x0]  }
0x2: {  	s2 =	rddreg [dreg:$0x1]  }
0x3: {  	s1 =	rddreg [dreg:$0x2];
	s3 =	srdreg.scid  }
0x4: {  	s12 =	stileid.u32;
	s28 =	simm.s32 $0x1;
	s29 =	simm.s32 $0x2  }
0x5: {  	s30 =	simm.s32 $0x0;
	s5 =	sand.u32 $0x1, s3;
	s7 =	smul.u32 $0x14000, s12  }
0x6: {  	s3 =	simm.s32 $0x0;
	s4 =	sadd.s32 $0x3C00, s0;
	s17 =	smul.u32 $0x50000, s12  }
0x7: {  	s23 =	sshll.u32 s12, $0x6;
	s6 =	smul.u32 $0x140000, s5;
	[smem:$0x7FF] =	sst s3  }
0x8: {  	s8 =	sshll.u32 s5, $0x4;
	s18 =	ssub.s32 $0x2, s5;
	s5 =	sadd.s32 $0x2BC00, s0  }
0x9: {  	_ =	strace $0x8000004A;
	s9 =	sor.u32 s12, s8;
	s19 =	sshrl.u32 s18, $0x1  }
0xa: {  	s20 =	sshrl.u32 s17, $0x2;
	s6 =	sadd.s32 s7, s6;
	s10 =	smul.u32 $0x5000, s9  }
0xb: {  	s11 =	ssub.s32 s18, s19;
	s22 =	sadd.s32 s20, s1;
	s7 =	sor.u32 $0x1C03, s23  }
0xc: {  	s18 =	simm.s32 $0x3;
	s19 =	simm.s32 $0x80;
	s20 =	simm.s32 $0xA00  }
0xd: {  	s23 =	simm.s32 $0x3400;
	s6 =	sshrl.u32 s6, $0x3;
	s21 =	sshrl.u32 s10, $0x3  }
0xe: {  	p0 =	seq.s32 s9, $0x1F;
	s0 =	sadd.s32 s6, s0;
	s6 =	sadd.s32 s2, s21  }
0xf: {  	s16 =	smax.u32 s11, $0x1;
	s17 =	sshrl.u32 s22, $0x3;
	s2 =	sadd.s32 $0x280, s6  }
0x10: {  	s22 =	simm.s32 $0x1400;
	s24 =	sadd.s32 $0x290, s6;
	[dreg:$0x4] =	wrdreg s2  }
.Ltmp0:
0x11: {  	s25 =	sadd.s32 $0x500, s6;
	[dreg:$0x5] =	wrdreg s24;
	(pc) =	sbr.rel .LBB2_1-.Ltmp0, $4  }
0x12: {  	s15 =	sadd.s32 $0x2E400, s0;
	s26 =	sadd.s32 $0x510, s6;
	[dreg:$0x6] =	wrdreg s25  }
0x13: {  	s21 =	simm.s32 $0x40;
	s31 =	sadd.s32 $0x780, s6;
	[dreg:$0x7] =	wrdreg s26  }
0x14: {  	s8 =	sadd.s32 $0x10, s6;
	s14 =	sadd.s32 $0x790, s6;
	[dreg:$0x8] =	wrdreg s31  }
0x15: {  	s24 =	simm.s32 $0x5400;
	s25 =	simm.s32 $0xC0;
	s26 =	simm.s32 $0x7400  }
.LBB2_10:
0x16: {  	[tilespmem:s11], [sflag:$0x1] =	stream.indirect.gather @!p1 [hbm4b:s4+s12], $0x80, s31, s12, $0xb8;
	[tilespmem:$0x1D400] =	vst v63  }
0x17: {  	_ =	swait.ge [sflag:s29], $0x2000  }
0x18: {  	[sflag:s29] =	ssyncset.done $0x0  }
0x19: {  	[sflag:s29] =	ssyncadd.s32 $0xFFFFE000  }
.LBB2_11:
0x1a: {  	s30 =	sadd.s32 $0x1, s30  }
0x1b: {  	p1 =	sne.s32 s30, s16  }
.Ltmp1:
0x1c: {  	[bflag:$0x0] =	sbarrier.arrive $0xFFFF;
	(pc) =	sbr.rel @!p1 .LBB2_12-.Ltmp1, $4  }
0x1d: {  	[hbm:s15], [sflag:s7] =	dma.local [spmem:s17], $0x2800  }
0x1e: {  	_ =	swait.ge [sflag:s18], $0x2800  }
0x1f: {  	[sflag:s18] =	ssyncset.done $0x0  }
0x20: {  	[sflag:s18] =	ssyncadd.s32 $0xFFFFD800  }
.LBB2_1:
0x21: {  	[spmem:s17], [sflag:s7] =	dma.local [hbm:s5], $0x2800  }
0x22: {  	_ =	swait.ge [sflag:s18], $0x2800  }
0x23: {  	[sflag:s18] =	ssyncset.done $0x0  }
0x24: {  	[sflag:s18] =	ssyncadd.s32 $0xFFFFD800  }
0x25: {  	s31 =	simm.s32 $0x100;
	[bflag:$0x0] =	sbarrier.arrive $0xFFFF  }
0x26: {  	[tilespmem:s3], [sflag:$0x3] =	stream.strided.gather [hbm4b:s6+s19], $0xA00, s31, s19, $0x38;
	[tilespmem:$0x1D400] =	vst v63  }
0x27: {  	_ =	swait.ge [sflag:s18], $0xA00  }
0x28: {  	[sflag:s18] =	ssyncset.done $0x0  }
0x29: {  	[sflag:s18] =	ssyncadd.s32 $0xFFFFF600  }
0x2a: {  	[tilespmem:s20], [sflag:$0x3] =	stream.strided.gather [hbm4b:s8+s19], $0xA00, s31, s19, $0x38;
	[tilespmem:$0x1D400] =	vst v63  }
0x2b: {  	_ =	swait.ge [sflag:s18], $0xA00  }
0x2c: {  	[sflag:s18] =	ssyncset.done $0x0  }
0x2d: {  	[sflag:s18] =	ssyncadd.s32 $0xFFFFF600  }
0x2e: {  	[tilespmem:s22], [sflag:$0x1] =	stream.indirect.gather [hbm4b:s4+s21], $0x80, s3, s21, $0xb8;
	[tilespmem:$0x1D400] =	vst v63  }
0x2f: {  	_ = 	snop  }
0x30: {  	[tilespmem:s23], [sflag:$0x1] =	stream.indirect.gather [hbm4b:s4+s21], $0x80, s21, s21, $0xb8;
	[tilespmem:$0x1D400] =	vst v63  }
0x31: {  	_ = 	snop  }
0x32: {  	[tilespmem:s24], [sflag:$0x1] =	stream.indirect.gather [hbm4b:s4+s21], $0x80, s19, s21, $0xb8;
	[tilespmem:$0x1D400] =	vst v63  }
0x33: {  	_ =	swait.ge [sflag:s28], $0x2000  }
0x34: {  	[sflag:s28] =	ssyncset.done $0x0  }
0x35: {  	[sflag:s28] =	ssyncadd.s32 $0xFFFFE000  }
0x36: {  	[spmem:s1] =	stream.indirect.scatter.add.f32 [tilespmem:s22], [sflag:$0x2], $0x80, s20, s21, $0xb8;
	[tilespmem:$0x1D400] =	vst v63  }
0x37: {  	s9 =	simm.s32 $0x20000;
	s0 =	simm.s32 $0x8000;
	s10 =	simm.s32 $0xA40  }
0x38: {  	[tilespmem:s26], [sflag:$0x1] =	stream.indirect.gather [hbm4b:s4+s21], $0x80, s25, s21, $0xb8;
	[tilespmem:$0x1D400] =	vst v63  }
0x39: {  	p1 =	por $0x0, $0x0;
	s2 =	sand.u32 $0x18000, s0;
	_ =	swait.ge [sflag:s28], $0x2000  }
0x3a: {  	s0 =	simm.s32 $0x2;
	s11 =	sshrl.u32 s2, $0x2;
	[sflag:s28] =	ssyncset.done $0x0  }
0x3b: {  	s12 =	simm.s32 @!p1 $0x40;
	s11 =	sor.u32 $0x1400, s11;
	[sflag:s28] =	ssyncadd.s32 $0xFFFFE000  }
0x3c: {  	[spmem:s1] =	stream.indirect.scatter.add.f32 [tilespmem:s11], [sflag:$0x2], $0x80, s10, s21, $0xb8;
	[tilespmem:$0x1D400] =	vst v63  }
0x3d: {  	s2 =	simm.s32 $0xA80;
	s10 =	sand.u32 @!p1 $0x18000, s9;
	_ =	swait.ge [sflag:s29], $0x2000  }
0x3e: {  	s9 =	simm.s32 $0x140;
	s11 =	sshrl.u32 @!p1 s10, $0x2;
	[sflag:s29] =	ssyncset.done $0x0  }
0x3f: {  	s10 =	simm.s32 $0x28000;
	s11 =	sor.u32 @!p1 $0x1400, s11;
	[sflag:s29] =	ssyncadd.s32 $0xFFFFE000  }
.LBB2_2:
0x40: {  	[tilespmem:s11], [sflag:$0x1] =	stream.indirect.gather @!p1 [hbm4b:s4+s12], $0x80, s31, s12, $0xb8;
	[tilespmem:$0x1D400] =	vst v63  }
0x41: {  	s11 =	smov.u32 s0;
	s12 =	smov.u32 s2;
	s31 =	smov.u32 s9  }
0x42: {  	s13 =	sadd.s32 $0xFFFE8000, s10;
	s0 =	sadd.s32 $0x1, s0;
	_ =	swait.ge [sflag:s28], $0x2000  }
0x43: {  	s13 =	sand.u32 $0x18000, s13;
	p2 =	sne.s32 s0, $0x28;
	[sflag:s28] =	ssyncset.done $0x0  }
0x44: {  	s2 =	sadd.s32 $0x40, s2;
	s13 =	sshrl.u32 s13, $0x2;
	[sflag:s28] =	ssyncadd.s32 $0xFFFFE000  }
.Ltmp2:
0x45: {  	p1 =	sgt.u32 s11, $0x24;
	s13 =	sor.u32 $0x1400, s13;
	(pc) =	sbr.rel @p2 .LBB2_2-.Ltmp2, $4  }
0x46: {  	[spmem:s1] =	stream.indirect.scatter.add.f32 [tilespmem:s13], [sflag:$0x2], $0x80, s12, s21, $0xb8;
	[tilespmem:$0x1D400] =	vst v63  }
0x47: {  	s9 =	sadd.s32 $0x40, s9;
	s11 =	sand.u32 @!p1 $0x18000, s10;
	_ =	swait.ge [sflag:s29], $0x2000  }
0x48: {  	s10 =	sadd.s32 $0x8000, s10;
	s11 =	sshrl.u32 @!p1 s11, $0x2;
	[sflag:s29] =	ssyncset.done $0x0  }
0x49: {  	s11 =	sor.u32 @!p1 $0x1400, s11;
	s12 =	simm.s32 @!p1 $0x40;
	[sflag:s29] =	ssyncadd.s32 $0xFFFFE000  }
.Ltmp3:
0x4a: {  	(pc) =	sbr.rel @p0 .LBB2_11-.Ltmp3, $4  }
0x4b: {  	[tilespmem:s11], [sflag:$0x1] =	stream.indirect.gather @!p1 [hbm4b:s4+s12], $0x80, s31, s12, $0xb8;
	[tilespmem:$0x1D400] =	vst v63  }
0x4c: {  	_ =	swait.ge [sflag:s29], $0x2000  }
0x4d: {  	[sflag:s29] =	ssyncset.done $0x0  }
0x4e: {  	[sflag:s29] =	ssyncadd.s32 $0xFFFFE000  }
0x4f: {  	s31 =	simm.s32 $0x100;
	s0 =	rddreg [dreg:$0x4]  }
0x50: {  	[tilespmem:s3], [sflag:$0x3] =	stream.strided.gather [hbm4b:s0+s19], $0xA00, s31, s19, $0x38;
	[tilespmem:$0x1D400] =	vst v63  }
0x51: {  	_ =	swait.ge [sflag:s18], $0xA00  }
0x52: {  	[sflag:s18] =	ssyncset.done $0x0  }
0x53: {  	s11 =	rddreg [dreg:$0x5];
	[sflag:s18] =	ssyncadd.s32 $0xFFFFF600  }
0x54: {  	[tilespmem:s20], [sflag:$0x3] =	stream.strided.gather [hbm4b:s11+s19], $0xA00, s31, s19, $0x38;
	[tilespmem:$0x1D400] =	vst v63  }
0x55: {  	_ =	swait.ge [sflag:s18], $0xA00  }
0x56: {  	[sflag:s18] =	ssyncset.done $0x0  }
0x57: {  	[sflag:s18] =	ssyncadd.s32 $0xFFFFF600  }
0x58: {  	[tilespmem:s22], [sflag:$0x1] =	stream.indirect.gather [hbm4b:s4+s21], $0x80, s3, s21, $0xb8;
	[tilespmem:$0x1D400] =	vst v63  }
0x59: {  	_ = 	snop  }
0x5a: {  	[tilespmem:s23], [sflag:$0x1] =	stream.indirect.gather [hbm4b:s4+s21], $0x80, s21, s21, $0xb8;
	[tilespmem:$0x1D400] =	vst v63  }
0x5b: {  	s12 =	simm.s32 $0x1  }
0x5c: {  	[tilespmem:s24], [sflag:$0x1] =	stream.indirect.gather [hbm4b:s4+s21], $0x80, s19, s21, $0xb8;
	[tilespmem:$0x1D400] =	vst v63  }
0x5d: {  	_ =	swait.ge [sflag:s12], $0x2000  }
0x5e: {  	[sflag:s12] =	ssyncset.done $0x0  }
0x5f: {  	[sflag:s12] =	ssyncadd.s32 $0xFFFFE000  }
0x60: {  	[spmem:s1] =	stream.indirect.scatter.add.f32 [tilespmem:s22], [sflag:$0x2], $0x80, s20, s21, $0xb8;
	[tilespmem:$0x1D400] =	vst v63  }
0x61: {  	s9 =	simm.s32 $0x20000;
	s13 =	simm.s32 $0x8000;
	s10 =	simm.s32 $0xA40  }
0x62: {  	[tilespmem:s26], [sflag:$0x1] =	stream.indirect.gather [hbm4b:s4+s21], $0x80, s25, s21, $0xb8;
	[tilespmem:$0x1D400] =	vst v63  }
0x63: {  	p1 =	por $0x0, $0x0;
	s2 =	sand.u32 $0x18000, s13;
	_ =	swait.ge [sflag:s28], $0x2000  }
0x64: {  	s0 =	simm.s32 $0x2;
	s11 =	sshrl.u32 s2, $0x2;
	[sflag:s28] =	ssyncset.done $0x0  }
0x65: {  	s2 =	simm.s32 $0xA80;
	s11 =	sor.u32 $0x1400, s11;
	[sflag:s28] =	ssyncadd.s32 $0xFFFFE000  }
0x66: {  	[spmem:s1] =	stream.indirect.scatter.add.f32 [tilespmem:s11], [sflag:$0x2], $0x80, s10, s21, $0xb8;
	[tilespmem:$0x1D400] =	vst v63  }
0x67: {  	s12 =	simm.s32 @!p1 $0x40;
	s10 =	sand.u32 @!p1 $0x18000, s9;
	_ =	swait.ge [sflag:s29], $0x2000  }
0x68: {  	s9 =	simm.s32 $0x140;
	s11 =	sshrl.u32 @!p1 s10, $0x2;
	[sflag:s29] =	ssyncset.done $0x0  }
0x69: {  	s10 =	simm.s32 $0x28000;
	s11 =	sor.u32 @!p1 $0x1400, s11;
	[sflag:s29] =	ssyncadd.s32 $0xFFFFE000  }
.LBB2_5:
0x6a: {  	[tilespmem:s11], [sflag:$0x1] =	stream.indirect.gather @!p1 [hbm4b:s4+s12], $0x80, s31, s12, $0xb8;
	[tilespmem:$0x1D400] =	vst v63  }
0x6b: {  	s11 =	smov.u32 s0;
	s12 =	smov.u32 s2;
	s31 =	smov.u32 s9  }
0x6c: {  	s13 =	sadd.s32 $0xFFFE8000, s10;
	s0 =	sadd.s32 $0x1, s0;
	_ =	swait.ge [sflag:s28], $0x2000  }
0x6d: {  	s13 =	sand.u32 $0x18000, s13;
	p2 =	sne.s32 s0, $0x28;
	[sflag:s28] =	ssyncset.done $0x0  }
0x6e: {  	s2 =	sadd.s32 $0x40, s2;
	s13 =	sshrl.u32 s13, $0x2;
	[sflag:s28] =	ssyncadd.s32 $0xFFFFE000  }
.Ltmp4:
0x6f: {  	p1 =	sgt.u32 s11, $0x24;
	s13 =	sor.u32 $0x1400, s13;
	(pc) =	sbr.rel @p2 .LBB2_5-.Ltmp4, $4  }
0x70: {  	[spmem:s1] =	stream.indirect.scatter.add.f32 [tilespmem:s13], [sflag:$0x2], $0x80, s12, s21, $0xb8;
	[tilespmem:$0x1D400] =	vst v63  }
0x71: {  	s9 =	sadd.s32 $0x40, s9;
	s11 =	sand.u32 @!p1 $0x18000, s10;
	_ =	swait.ge [sflag:s29], $0x2000  }
0x72: {  	s10 =	sadd.s32 $0x8000, s10;
	s11 =	sshrl.u32 @!p1 s11, $0x2;
	[sflag:s29] =	ssyncset.done $0x0  }
0x73: {  	s11 =	sor.u32 @!p1 $0x1400, s11;
	s12 =	simm.s32 @!p1 $0x40;
	[sflag:s29] =	ssyncadd.s32 $0xFFFFE000  }
0x74: {  	[tilespmem:s11], [sflag:$0x1] =	stream.indirect.gather @!p1 [hbm4b:s4+s12], $0x80, s31, s12, $0xb8;
	[tilespmem:$0x1D400] =	vst v63  }
0x75: {  	_ =	swait.ge [sflag:s29], $0x2000  }
0x76: {  	[sflag:s29] =	ssyncset.done $0x0  }
0x77: {  	s31 =	simm.s32 $0x100;
	s0 =	rddreg [dreg:$0x6];
	[sflag:s29] =	ssyncadd.s32 $0xFFFFE000  }
0x78: {  	[tilespmem:s3], [sflag:$0x3] =	stream.strided.gather [hbm4b:s0+s19], $0xA00, s31, s19, $0x38;
	[tilespmem:$0x1D400] =	vst v63  }
0x79: {  	_ =	swait.ge [sflag:s18], $0xA00  }
0x7a: {  	[sflag:s18] =	ssyncset.done $0x0  }
0x7b: {  	s10 =	rddreg [dreg:$0x7];
	[sflag:s18] =	ssyncadd.s32 $0xFFFFF600  }
0x7c: {  	[tilespmem:s20], [sflag:$0x3] =	stream.strided.gather [hbm4b:s10+s19], $0xA00, s31, s19, $0x38;
	[tilespmem:$0x1D400] =	vst v63  }
0x7d: {  	_ =	swait.ge [sflag:s18], $0xA00  }
0x7e: {  	[sflag:s18] =	ssyncset.done $0x0  }
0x7f: {  	[sflag:s18] =	ssyncadd.s32 $0xFFFFF600  }
0x80: {  	[tilespmem:s22], [sflag:$0x1] =	stream.indirect.gather [hbm4b:s4+s21], $0x80, s3, s21, $0xb8;
	[tilespmem:$0x1D400] =	vst v63  }
0x81: {  	_ = 	snop  }
0x82: {  	[tilespmem:s23], [sflag:$0x1] =	stream.indirect.gather [hbm4b:s4+s21], $0x80, s21, s21, $0xb8;
	[tilespmem:$0x1D400] =	vst v63  }
0x83: {  	s11 =	simm.s32 $0x1  }
0x84: {  	[tilespmem:s24], [sflag:$0x1] =	stream.indirect.gather [hbm4b:s4+s21], $0x80, s19, s21, $0xb8;
	[tilespmem:$0x1D400] =	vst v63  }
0x85: {  	_ =	swait.ge [sflag:s11], $0x2000  }
0x86: {  	[sflag:s11] =	ssyncset.done $0x0  }
0x87: {  	[sflag:s11] =	ssyncadd.s32 $0xFFFFE000  }
0x88: {  	[spmem:s1] =	stream.indirect.scatter.add.f32 [tilespmem:s22], [sflag:$0x2], $0x80, s20, s21, $0xb8;
	[tilespmem:$0x1D400] =	vst v63  }
0x89: {  	s9 =	simm.s32 $0x20000;
	s12 =	simm.s32 $0x8000;
	p1 =	por $0x0, $0x0  }
0x8a: {  	[tilespmem:s26], [sflag:$0x1] =	stream.indirect.gather [hbm4b:s4+s21], $0x80, s25, s21, $0xb8;
	[tilespmem:$0x1D400] =	vst v63  }
0x8b: {  	s2 =	sand.u32 $0x18000, s12;
	s12 =	simm.s32 @!p1 $0x40;
	_ =	swait.ge [sflag:s28], $0x2000  }
0x8c: {  	s13 =	sshrl.u32 s2, $0x2;
	s2 =	simm.s32 $0xA80;
	[sflag:s28] =	ssyncset.done $0x0  }
0x8d: {  	s10 =	simm.s32 $0xA40;
	s11 =	sor.u32 $0x1400, s13;
	[sflag:s28] =	ssyncadd.s32 $0xFFFFE000  }
0x8e: {  	[spmem:s1] =	stream.indirect.scatter.add.f32 [tilespmem:s11], [sflag:$0x2], $0x80, s10, s21, $0xb8;
	[tilespmem:$0x1D400] =	vst v63  }
0x8f: {  	s0 =	simm.s32 $0x2;
	s10 =	sand.u32 @!p1 $0x18000, s9;
	_ =	swait.ge [sflag:s29], $0x2000  }
0x90: {  	s9 =	simm.s32 $0x140;
	s11 =	sshrl.u32 @!p1 s10, $0x2;
	[sflag:s29] =	ssyncset.done $0x0  }
0x91: {  	s10 =	simm.s32 $0x28000;
	s11 =	sor.u32 @!p1 $0x1400, s11;
	[sflag:s29] =	ssyncadd.s32 $0xFFFFE000  }
.LBB2_7:
0x92: {  	[tilespmem:s11], [sflag:$0x1] =	stream.indirect.gather @!p1 [hbm4b:s4+s12], $0x80, s31, s12, $0xb8;
	[tilespmem:$0x1D400] =	vst v63  }
0x93: {  	s11 =	smov.u32 s0;
	s12 =	smov.u32 s2;
	s31 =	smov.u32 s9  }
0x94: {  	s13 =	sadd.s32 $0xFFFE8000, s10;
	s0 =	sadd.s32 $0x1, s0;
	_ =	swait.ge [sflag:s28], $0x2000  }
0x95: {  	s13 =	sand.u32 $0x18000, s13;
	p2 =	sne.s32 s0, $0x28;
	[sflag:s28] =	ssyncset.done $0x0  }
0x96: {  	s2 =	sadd.s32 $0x40, s2;
	s13 =	sshrl.u32 s13, $0x2;
	[sflag:s28] =	ssyncadd.s32 $0xFFFFE000  }
.Ltmp5:
0x97: {  	p1 =	sgt.u32 s11, $0x24;
	s13 =	sor.u32 $0x1400, s13;
	(pc) =	sbr.rel @p2 .LBB2_7-.Ltmp5, $4  }
0x98: {  	[spmem:s1] =	stream.indirect.scatter.add.f32 [tilespmem:s13], [sflag:$0x2], $0x80, s12, s21, $0xb8;
	[tilespmem:$0x1D400] =	vst v63  }
0x99: {  	s9 =	sadd.s32 $0x40, s9;
	s11 =	sand.u32 @!p1 $0x18000, s10;
	_ =	swait.ge [sflag:s29], $0x2000  }
0x9a: {  	s10 =	sadd.s32 $0x8000, s10;
	s11 =	sshrl.u32 @!p1 s11, $0x2;
	[sflag:s29] =	ssyncset.done $0x0  }
0x9b: {  	s11 =	sor.u32 @!p1 $0x1400, s11;
	s12 =	simm.s32 @!p1 $0x40;
	[sflag:s29] =	ssyncadd.s32 $0xFFFFE000  }
0x9c: {  	[tilespmem:s11], [sflag:$0x1] =	stream.indirect.gather @!p1 [hbm4b:s4+s12], $0x80, s31, s12, $0xb8;
	[tilespmem:$0x1D400] =	vst v63  }
0x9d: {  	_ =	swait.ge [sflag:s29], $0x2000  }
0x9e: {  	[sflag:s29] =	ssyncset.done $0x0  }
0x9f: {  	s31 =	simm.s32 $0x100;
	s0 =	rddreg [dreg:$0x8];
	[sflag:s29] =	ssyncadd.s32 $0xFFFFE000  }
0xa0: {  	[tilespmem:s3], [sflag:$0x3] =	stream.strided.gather [hbm4b:s0+s19], $0xA00, s31, s19, $0x38;
	[tilespmem:$0x1D400] =	vst v63  }
0xa1: {  	_ =	swait.ge [sflag:s18], $0xA00  }
0xa2: {  	[sflag:s18] =	ssyncset.done $0x0  }
0xa3: {  	[sflag:s18] =	ssyncadd.s32 $0xFFFFF600  }
0xa4: {  	[tilespmem:s20], [sflag:$0x3] =	stream.strided.gather [hbm4b:s14+s19], $0xA00, s31, s19, $0x38;
	[tilespmem:$0x1D400] =	vst v63  }
0xa5: {  	_ =	swait.ge [sflag:s18], $0xA00  }
0xa6: {  	[sflag:s18] =	ssyncset.done $0x0  }
0xa7: {  	[sflag:s18] =	ssyncadd.s32 $0xFFFFF600  }
0xa8: {  	[tilespmem:s22], [sflag:$0x1] =	stream.indirect.gather [hbm4b:s4+s21], $0x80, s3, s21, $0xb8;
	[tilespmem:$0x1D400] =	vst v63  }
0xa9: {  	_ = 	snop  }
0xaa: {  	[tilespmem:s23], [sflag:$0x1] =	stream.indirect.gather [hbm4b:s4+s21], $0x80, s21, s21, $0xb8;
	[tilespmem:$0x1D400] =	vst v63  }
0xab: {  	s11 =	simm.s32 $0x1  }
0xac: {  	[tilespmem:s24], [sflag:$0x1] =	stream.indirect.gather [hbm4b:s4+s21], $0x80, s19, s21, $0xb8;
	[tilespmem:$0x1D400] =	vst v63  }
0xad: {  	_ =	swait.ge [sflag:s11], $0x2000  }
0xae: {  	[sflag:s11] =	ssyncset.done $0x0  }
0xaf: {  	[sflag:s11] =	ssyncadd.s32 $0xFFFFE000  }
0xb0: {  	[spmem:s1] =	stream.indirect.scatter.add.f32 [tilespmem:s22], [sflag:$0x2], $0x80, s20, s21, $0xb8;
	[tilespmem:$0x1D400] =	vst v63  }
0xb1: {  	s9 =	simm.s32 $0x20000;
	s12 =	simm.s32 $0x8000;
	s10 =	simm.s32 $0xA40  }
0xb2: {  	[tilespmem:s26], [sflag:$0x1] =	stream.indirect.gather [hbm4b:s4+s21], $0x80, s25, s21, $0xb8;
	[tilespmem:$0x1D400] =	vst v63  }
0xb3: {  	p1 =	por $0x0, $0x0;
	s2 =	sand.u32 $0x18000, s12;
	_ =	swait.ge [sflag:s28], $0x2000  }
0xb4: {  	s12 =	simm.s32 @!p1 $0x40;
	s13 =	sshrl.u32 s2, $0x2;
	[sflag:s28] =	ssyncset.done $0x0  }
0xb5: {  	s2 =	simm.s32 $0xA80;
	s11 =	sor.u32 $0x1400, s13;
	[sflag:s28] =	ssyncadd.s32 $0xFFFFE000  }
0xb6: {  	[spmem:s1] =	stream.indirect.scatter.add.f32 [tilespmem:s11], [sflag:$0x2], $0x80, s10, s21, $0xb8;
	[tilespmem:$0x1D400] =	vst v63  }
0xb7: {  	s0 =	simm.s32 $0x2;
	s10 =	sand.u32 @!p1 $0x18000, s9;
	_ =	swait.ge [sflag:s29], $0x2000  }
0xb8: {  	s9 =	simm.s32 $0x140;
	s11 =	sshrl.u32 @!p1 s10, $0x2;
	[sflag:s29] =	ssyncset.done $0x0  }
0xb9: {  	s10 =	simm.s32 $0x28000;
	s11 =	sor.u32 @!p1 $0x1400, s11;
	[sflag:s29] =	ssyncadd.s32 $0xFFFFE000  }
.LBB2_9:
0xba: {  	[tilespmem:s11], [sflag:$0x1] =	stream.indirect.gather @!p1 [hbm4b:s4+s12], $0x80, s31, s12, $0xb8;
	[tilespmem:$0x1D400] =	vst v63  }
0xbb: {  	s11 =	smov.u32 s0;
	s12 =	smov.u32 s2;
	s31 =	smov.u32 s9  }
0xbc: {  	s13 =	sadd.s32 $0xFFFE8000, s10;
	s0 =	sadd.s32 $0x1, s0;
	_ =	swait.ge [sflag:s28], $0x2000  }
0xbd: {  	s13 =	sand.u32 $0x18000, s13;
	p2 =	sne.s32 s0, $0x28;
	[sflag:s28] =	ssyncset.done $0x0  }
0xbe: {  	s2 =	sadd.s32 $0x40, s2;
	s13 =	sshrl.u32 s13, $0x2;
	[sflag:s28] =	ssyncadd.s32 $0xFFFFE000  }
.Ltmp6:
0xbf: {  	p1 =	sgt.u32 s11, $0x24;
	s13 =	sor.u32 $0x1400, s13;
	(pc) =	sbr.rel @p2 .LBB2_9-.Ltmp6, $4  }
0xc0: {  	[spmem:s1] =	stream.indirect.scatter.add.f32 [tilespmem:s13], [sflag:$0x2], $0x80, s12, s21, $0xb8;
	[tilespmem:$0x1D400] =	vst v63  }
0xc1: {  	s9 =	sadd.s32 $0x40, s9;
	s11 =	sand.u32 @!p1 $0x18000, s10;
	_ =	swait.ge [sflag:s29], $0x2000  }
0xc2: {  	s10 =	sadd.s32 $0x8000, s10;
	s11 =	sshrl.u32 @!p1 s11, $0x2;
	[sflag:s29] =	ssyncset.done $0x0  }
0xc3: {  	s11 =	sor.u32 @!p1 $0x1400, s11;
	s12 =	simm.s32 @!p1 $0x40;
	[sflag:s29] =	ssyncadd.s32 $0xFFFFE000  }
.Ltmp7:
0xc4: {  	_ = 	snop;
	(pc) =	sbr.rel .LBB2_10-.Ltmp7, $1  }
0xc5: {  	_ =	sdelay $0x3  }
.LBB2_12:
0xc6: {  	_ =	sfence.sel $0x180000  }
0xc7: {  	[bflag:$0x0] =	sbarrier.arrive $0xFFFF  }
0xc8: {  	_ =	strace $0x9000004A  }
0xc9: {  	s0 =	stileid.u32;
	[bflag:$0x2] =	sbarrier.arrive $0xFFFF  }
0xca: {  	p0 =	sne.s32 s0, $0x0;
	s0 =	rddreg [dreg:$0x3]  }
0xcb: {  	s0 =	sadd.s32 @!p0 $0x100000, s0  }
0xcc: {  	[sflag:s0] =	ssyncadd.tile.s32 @!p0 $0x1;
	_ =	shalt  }
.Lfunc_end2:
_tile_overlayer_lowered:
.L_overlay_start_2:
0xcd: {  	(tag) =	ssettag $0x2  }
0xce: {  	s0 =	rddreg [dreg:$0x0];
	s2 =	stileid.u32  }
0xcf: {  	s1 =	rddreg [dreg:$0x1];
	p0 =	sne.s32 s2, $0x0  }
0xd0: {  	s3 =	rddreg [dreg:$0x2];
	[bflag:$0x3] =	sbarrier.arrive $0xFFFF;
	s2 =	simm.s32 @!p0 $0x1C03  }
0xd1: {  	[timem:s3], [sflag:s2] =	dma.local @!p0 [hbm:s0], s1  }
0xd2: {  	s0 =	simm.s32 @!p0 $0x3  }
0xd3: {  	_ =	swait.ge @!p0 [sflag:s0], s1  }
0xd4: {  	s1 =	ssub.s32 @!p0 $0x0, s1;
	[sflag:s0] =	ssyncset.done @!p0 $0x0  }
0xd5: {  	[sflag:s0] =	ssyncadd.s32 @!p0 s1  }
0xd6: {  	[bflag:$0x3] =	sbarrier.arrive $0xFFFF  }
0xd7: {  	_ =	shalt  }

// kernel: kernel.17.cloned.1.call-start
scs
__scs_entry_jumppad:
0x0: {  	(pc) =	sbr.rel $0x88, $3  }
0x1: {  	(tag) =	ssettag $0x0;
	lr =	simm.s32 $0x1  }
0x2: {  	[smem:$0x3F90] =	sst lr;
	_ =	strace $0xD0000000  }
0x3: {  	_ = 	snop  }
0x4: {  	_ = 	snop  }
0x5: {  	_ = 	snop  }
0x6: {  	_ = 	snop  }
0x7: {  	_ = 	snop  }
__scs_overlays_trampoline_lowered:
0x8: {  	[smem:$0x3F9F] =	sst s0  }
0x9: {  	[smem:$0x3FA0] =	sst s1  }
0xa: {  	[smem:$0x3FA1] =	sst s2  }
0xb: {  	[smem:$0x3FA2] =	sst s3  }
0xc: {  	[smem:$0x3FA3] =	sst s4  }
0xd: {  	[smem:$0x3FA4] =	sst s5  }
0xe: {  	[smem:$0x3FA5] =	sst s6  }
0xf: {  	[smem:$0x3FA6] =	sst s7  }
0x10: {  	[smem:$0x3FA7] =	sst s8  }
0x11: {  	[smem:$0x3FA8] =	sst s9;
	s0 =	simm.s32 @!p0 $0x0  }
0x12: {  	s1 =	sld [smem:$0x3F8E];
	s0 =	simm.s32 @p0 $0x1  }
0x13: {  	[smem:$0x3FA9] =	sst s0;
	s0 =	simm.s32 @!p1 $0x0  }
0x14: {  	s2 =	sld [smem:$0x3F8D];
	s0 =	simm.s32 @p1 $0x1  }
0x15: {  	[smem:$0x3FAA] =	sst s0;
	s0 =	simm.s32 @!p2 $0x0  }
0x16: {  	s3 =	sld [smem:$0x3FDB];
	s0 =	simm.s32 @p2 $0x1  }
0x17: {  	s4 =	simm.s32 $0x1BF5;
	[smem:$0x3FAC] =	sst s0  }
0x18: {  	s0 =	sld [smem:$0x3F8F];
	_ =	swait.ge [sflag:s4], $0x0  }
0x19: {  	s7 =	sld [smem:$0x3F90]  }
0x1a: {  	s8 =	sadd.s32 $0xFFFFE003, lr  }
0x1b: {  	s9 =	sadd.s32 $0xFFFFFEF7, lr;
	s5 =	simm.s32 $0xFFFFFFFF;
	p2 =	slt.u32 s8, $0xFFFFF086  }
0x1c: {  	p1 =	slt.u32 s9, $0xF7A;
	s5 =	simm.s32 @!p2 $0x0  }
0x1d: {  	s5 =	simm.s32 @p1 $0x1;
	p0 =	seq.s32 s7, s2  }
0x1e: {  	s7 =	smul.u32 @!p0 $0xF7A, s2;
	p2 =	seq.s32 @!p0 s5, $0x0  }
0x1f: {  	s9 =	smul.u32 $0xF7A, s1;
	s8 =	simm.s32 @!p0 $0x1BF5;
	p2 =	por !p2, p0  }
0x20: {  	[sflag:s8] =	ssyncset.s32 @!p0 $0xFFFFF086;
	s6 =	sadd.s32 @!p0 s3, s7;
	s7 =	simm.s32 @!p0 $0x108  }
0x21: {  	s3 =	sadd.s32 s3, s9;
	s6 =	sadd.s32 @!p0 $0x88, s6;
	s7 =	simm.s32 @p2 $0x1082  }
0x22: {  	[simem:s7], [sflag:s8] =	dma.local @!p0 [hbm:s6], $0xF7A  }
0x23: {  	s9 =	sor.u32 $0xD0000000, s2;
	s6 =	simm.s32 $0x108;
	_ =	swait.ge @!p0 [sflag:s8], $0x0  }
0x24: {  	s3 =	sadd.s32 $0x88, s3;
	s6 =	simm.s32 @!p1 $0x1082;
	[sflag:s4] =	ssyncset.s32 $0xFFFFF086  }
0x25: {  	[simem:s6], [sflag:s4] =	dma.local [hbm:s3], $0xF7A  }
0x26: {  	[smem:$0x3F90] =	sst s1;
	(tag) =	ssettag s2;
	_ =	strace s9  }
0x27: {  	s1 =	sld [smem:$0x3FA0]  }
0x28: {  	s2 =	sld [smem:$0x3FA1]  }
0x29: {  	s4 =	sld [smem:$0x3FA3]  }
0x2a: {  	p0 =	seq.s32 s5, $0x0;
	s5 =	sld [smem:$0x3FA4]  }
0x2b: {  	s6 =	sld [smem:$0x3FA5]  }
0x2c: {  	s7 =	sld [smem:$0x3FA6]  }
0x2d: {  	s3 =	simm.s32 $0x108;
	s8 =	sld [smem:$0x3FA7]  }
0x2e: {  	s3 =	simm.s32 @!p0 $0x1082;
	s9 =	sld [smem:$0x3FA8]  }
0x2f: {  	lr =	sadd.s32 s0, s3;
	s0 =	sld [smem:$0x3F9F]  }
0x30: {  	s3 =	sld [smem:$0x3FA2]  }
0x31: {  	[smem:$0x3FAB] =	sst s10  }
0x32: {  	s10 =	sld [smem:$0x3FA9];
	_ =	sdelay $0x3  }
0x33: {  	p0 =	seq.s32 s10, $0x1;
	s10 =	sld [smem:$0x3FAB];
	_ =	sdelay $0x3  }
0x34: {  	[smem:$0x3FAB] =	sst s10  }
0x35: {  	s10 =	sld [smem:$0x3FAA];
	_ =	sdelay $0x3  }
0x36: {  	p1 =	seq.s32 s10, $0x1;
	s10 =	sld [smem:$0x3FAB];
	_ =	sdelay $0x3  }
0x37: {  	[smem:$0x3FAB] =	sst s10  }
0x38: {  	s10 =	sld [smem:$0x3FAC]  }
0x39: {  	_ = 	snop;
	(pc) =	sbr.ind lr, $3  }
0x3a: {  	_ = 	snop  }
0x3b: {  	_ = 	snop  }
0x3c: {  	p2 =	seq.s32 s10, $0x1;
	s10 =	sld [smem:$0x3FAB]  }
0x3d: {  	_ =	shalt  }
0x3e: {  	_ =	shalt  }
0x3f: {  	_ =	shalt  }
0x40: {  	_ =	shalt  }
0x41: {  	_ =	shalt  }
0x42: {  	_ =	shalt  }
0x43: {  	_ =	shalt  }
0x44: {  	_ =	shalt  }
0x45: {  	_ =	shalt  }
0x46: {  	_ =	shalt  }
0x47: {  	_ =	shalt  }
0x48: {  	_ =	shalt  }
0x49: {  	_ =	shalt  }
0x4a: {  	_ =	shalt  }
0x4b: {  	_ =	shalt  }
0x4c: {  	_ =	shalt  }
0x4d: {  	_ =	shalt  }
0x4e: {  	_ =	shalt  }
0x4f: {  	_ =	shalt  }
0x50: {  	_ =	shalt  }
0x51: {  	_ =	shalt  }
0x52: {  	_ =	shalt  }
0x53: {  	_ =	shalt  }
0x54: {  	_ =	shalt  }
0x55: {  	_ =	shalt  }
0x56: {  	_ =	shalt  }
0x57: {  	_ =	shalt  }
0x58: {  	_ =	shalt  }
0x59: {  	_ =	shalt  }
0x5a: {  	_ =	shalt  }
0x5b: {  	_ =	shalt  }
0x5c: {  	_ =	shalt  }
0x5d: {  	_ =	shalt  }
0x5e: {  	_ =	shalt  }
0x5f: {  	_ =	shalt  }
0x60: {  	_ =	shalt  }
0x61: {  	_ =	shalt  }
0x62: {  	_ =	shalt  }
0x63: {  	_ =	shalt  }
0x64: {  	_ =	shalt  }
0x65: {  	_ =	shalt  }
0x66: {  	_ =	shalt  }
0x67: {  	_ =	shalt  }
0x68: {  	_ =	shalt  }
0x69: {  	_ =	shalt  }
0x6a: {  	_ =	shalt  }
0x6b: {  	_ =	shalt  }
0x6c: {  	_ =	shalt  }
0x6d: {  	_ =	shalt  }
0x6e: {  	_ =	shalt  }
0x6f: {  	_ =	shalt  }
0x70: {  	_ =	shalt  }
0x71: {  	_ =	shalt  }
0x72: {  	_ =	shalt  }
0x73: {  	_ =	shalt  }
0x74: {  	_ =	shalt  }
0x75: {  	_ =	shalt  }
0x76: {  	_ =	shalt  }
0x77: {  	_ =	shalt  }
0x78: {  	_ =	shalt  }
0x79: {  	_ =	shalt  }
0x7a: {  	_ =	shalt  }
0x7b: {  	_ =	shalt  }
0x7c: {  	_ =	shalt  }
0x7d: {  	_ =	shalt  }
0x7e: {  	_ =	shalt  }
0x7f: {  	_ =	shalt  }
0x80: {  	_ =	shalt  }
0x81: {  	_ =	shalt  }
0x82: {  	_ =	shalt  }
0x83: {  	_ =	shalt  }
0x84: {  	_ =	shalt  }
0x85: {  	_ =	shalt  }
0x86: {  	_ =	shalt  }
0x87: {  	_ =	shalt  }
.Lfunc_end0:
.L_simem_size_0:
called_computation.2_lowered:
.L_overlay_start_0:
0x88: {  	s2 =	sld [smem:$0x3FD9]  }
0x89: {  	s3 =	sld [smem:$0x3FFE];
	_ =	sdelay $0x1  }
0x8a: {  	s1 =	srdreg.scid  }
0x8b: {  	s0 =	sand.u32 $0x1, s1  }
0x8c: {  	s17 =	sshll.u32 s0, $0xA;
	s2 =	sadd.s32 s3, s2  }
0x8d: {  	s2 =	sadd.s32 s2, s17  }
0x8e: {  	[smem:$0x3FB7] =	sst s2  }
0x8f: {  	_ = 	snop  }
0x90: {  	s2 =	sld [smem:$0x3FC8];
	(tm) =	ssettm $0x1  }
0x91: {  	s18 =	sld [smem:$0x3FFB];
	_ =	sdelay $0x3  }
0x92: {  	_ =	strace s18  }
0x93: {  	s3 =	sld [smem:$0x3FFC];
	_ =	sdelay $0x3  }
0x94: {  	_ =	strace s3  }
0x95: {  	s3 =	sld [smem:$0x3FFD];
	_ =	sdelay $0x3  }
0x96: {  	_ =	strace s3  }
0x97: {  	_ =	strace $0x8FFFFFFF  }
0x98: {  	s19 =	sld [smem:$0x3FDB];
	_ =	sdelay $0x1  }
0x99: {  	s4 =	simm.s32 $_scs_section_size  }
0x9a: {  	s5 =	simm.s32 $_size__tile_overlayer_lowered;
	s6 =	simm.s32 $_tile_overlayer_lowered  }
0x9b: {  	s22 =	simm.s32 $0x1BFF;
	s21 =	sshll.u32 s6, $0x1;
	s3 =	sadd.s32 s4, s19  }
0x9c: {  	s7 =	simm.s32 $0x0;
	s20 =	sshll.u32 s5, $0x1;
	s5 =	sadd.s32 s21, s3  }
0x9d: {  	[timem:s7], [sflag:s22] =	dma.local [hbm:s5], s20  }
0x9e: {  	_ =	swait.ge [sflag:s22], s20  }
0x9f: {  	s4 =	ssub.s32 $0x0, s20;
	[sflag:s22] =	ssyncset.done $0x0  }
0xa0: {  	[sflag:s22] =	ssyncadd.s32 s4;
	_ =	sdelay $0x1  }
0xa1: {  	s23 =	simm.s32 $0x1B8B  }
0xa2: {  	_ =	swait.ge [sflag:s23], $0x1  }
0xa3: {  	[sflag:s23] =	ssyncset.done $0x0  }
0xa4: {  	s25 =	simm.s32 $0x1B8E;
	s24 =	sld [smem:$0x3FFE];
	[sflag:s23] =	ssyncadd.s32 $0xFFFFFFFF  }
0xa5: {  	s26 =	simm.s32 $execute0_lowered;
	[smem:$0x3FD2] =	sst s25  }
0xa6: {  	s5 =	sshll.u32 s26, $0x1;
	_ =	strace $0x8000004C;
	[dreg:$0x1] =	wrdreg $0xFFFFFFFF  }
0xa7: {  	s28 =	simm.s32 $_size_execute0_lowered;
	s3 =	sadd.s32 s3, s5;
	[dreg:$0x0] =	wrdreg $0x0  }
0xa8: {  	s5 =	sshll.u32 s28, $0x1;
	[dreg:$0x2] =	wrdreg s3  }
0xa9: {  	[dreg:$0x3] =	wrdreg s5  }
0xaa: {  	[dreg:$0x4] =	wrdreg $0xC0  }
0xab: {  	_ =	task [dreg:s7], $0x5FFFF  }
0xac: {  	[dreg:$0x1] =	wrdreg $0xFFFFFFFF  }
0xad: {  	[dreg:$0x0] =	wrdreg $0x60  }
0xae: {  	[dreg:$0x2] =	wrdreg s24  }
0xaf: {  	[dreg:$0x3] =	wrdreg s2  }
0xb0: {  	[dreg:$0x4] =	wrdreg $0x94000  }
0xb1: {  	[dreg:$0x5] =	wrdreg $0x9  }
0xb2: {  	_ =	task.clear_ibuf [dreg:s7], $0x6FFFF;
	_ =	strace $0x9000004C  }
0xb3: {  	s29 =	simm.s32 $0x9;
	_ =	strace $0x8000004E  }
0xb4: {  	_ =	swait.ge [sflag:s29], $0x1  }
0xb5: {  	[sflag:s29] =	ssyncadd.s32 $0xFFFFFFFF  }
0xb6: {  	_ =	strace $0x9000004E  }
0xb7: {  	_ =	sfence  }
0xb8: {  	s30 =	sld [smem:$0x0];
	_ =	sdelay $0x2  }
0xb9: {  	s31 =	sshll.u32 s1, $0xD;
	s1 =	sshrl.u32 s1, $0x2  }
0xba: {  	s3 =	sand.u32 $0x4000, s31;
	s1 =	sadd.s32 s1, s30  }
0xbb: {  	s0 =	sor.u32 s3, s0;
	s1 =	sshll.u32 s1, $0x11  }
0xbc: {  	s0 =	sor.u32 s1, s0  }
0xbd: {  	s0 =	sadd.s32 $0x8F2B, s0  }
0xbe: {  	[sflag:s0] =	ssyncadd.remote.s32 $0x1  }
0xbf: {  	_ =	sfence.sel $0xFFFF  }
0xc0: {  	[dreg:$0x0] =	wrdreg $0xFFFFFFFF;
	(pc) =	sbr.abs _section_cstart, $3  }
0xc1: {  	[dreg:$0x1] =	wrdreg $0xFFFFFFFF  }
0xc2: {  	_ =	task.clear_ibuf [dreg:s7], $0x2FFFF;
	_ =	strace $0x9FFFFFFF  }
0xc3: {  	(tm) =	ssettm $0x7FFFFFFF  }
tec
execute0_lowered:
.L_overlay_start_1:
0x0: {  	(tag) =	ssettag $0x1  }
0x1: {  	s0 =	rddreg [dreg:$0x0]  }
0x2: {  	s2 =	rddreg [dreg:$0x1]  }
0x3: {  	s1 =	rddreg [dreg:$0x2];
	s3 =	srdreg.scid  }
0x4: {  	s12 =	stileid.u32;
	s28 =	simm.s32 $0x1;
	s29 =	simm.s32 $0x2  }
0x5: {  	s30 =	simm.s32 $0x0;
	s5 =	sand.u32 $0x1, s3;
	s7 =	smul.u32 $0x14000, s12  }
0x6: {  	s3 =	simm.s32 $0x0;
	s4 =	sadd.s32 $0x3C00, s0;
	s17 =	smul.u32 $0x50000, s12  }
0x7: {  	s23 =	sshll.u32 s12, $0x6;
	s6 =	smul.u32 $0x140000, s5;
	[smem:$0x7FF] =	sst s3  }
0x8: {  	s8 =	sshll.u32 s5, $0x4;
	s18 =	ssub.s32 $0x2, s5;
	s5 =	sadd.s32 $0x2BC00, s0  }
0x9: {  	_ =	strace $0x8000004D;
	s9 =	sor.u32 s12, s8;
	s19 =	sshrl.u32 s18, $0x1  }
0xa: {  	s20 =	sshrl.u32 s17, $0x2;
	s6 =	sadd.s32 s7, s6;
	s10 =	smul.u32 $0x5000, s9  }
0xb: {  	s11 =	ssub.s32 s18, s19;
	s22 =	sadd.s32 s20, s1;
	s7 =	sor.u32 $0x1C03, s23  }
0xc: {  	s18 =	simm.s32 $0x3;
	s19 =	simm.s32 $0x80;
	s20 =	simm.s32 $0xA00  }
0xd: {  	s23 =	simm.s32 $0x3400;
	s6 =	sshrl.u32 s6, $0x3;
	s21 =	sshrl.u32 s10, $0x3  }
0xe: {  	p0 =	seq.s32 s9, $0x1F;
	s0 =	sadd.s32 s6, s0;
	s6 =	sadd.s32 s2, s21  }
0xf: {  	s16 =	smax.u32 s11, $0x1;
	s17 =	sshrl.u32 s22, $0x3;
	s2 =	sadd.s32 $0x280, s6  }
0x10: {  	s22 =	simm.s32 $0x1400;
	s24 =	sadd.s32 $0x290, s6;
	[dreg:$0x4] =	wrdreg s2  }
.Ltmp0:
0x11: {  	s25 =	sadd.s32 $0x500, s6;
	[dreg:$0x5] =	wrdreg s24;
	(pc) =	sbr.rel .LBB2_1-.Ltmp0, $4  }
0x12: {  	s15 =	sadd.s32 $0x2E400, s0;
	s26 =	sadd.s32 $0x510, s6;
	[dreg:$0x6] =	wrdreg s25  }
0x13: {  	s21 =	simm.s32 $0x40;
	s31 =	sadd.s32 $0x780, s6;
	[dreg:$0x7] =	wrdreg s26  }
0x14: {  	s8 =	sadd.s32 $0x10, s6;
	s14 =	sadd.s32 $0x790, s6;
	[dreg:$0x8] =	wrdreg s31  }
0x15: {  	s24 =	simm.s32 $0x5400;
	s25 =	simm.s32 $0xC0;
	s26 =	simm.s32 $0x7400  }
.LBB2_10:
0x16: {  	[tilespmem:s11], [sflag:$0x1] =	stream.indirect.gather @!p1 [hbm4b:s4+s12], $0x80, s31, s12, $0xb8;
	[tilespmem:$0x1D400] =	vst v63  }
0x17: {  	_ =	swait.ge [sflag:s29], $0x2000  }
0x18: {  	[sflag:s29] =	ssyncset.done $0x0  }
0x19: {  	[sflag:s29] =	ssyncadd.s32 $0xFFFFE000  }
.LBB2_11:
0x1a: {  	s30 =	sadd.s32 $0x1, s30  }
0x1b: {  	p1 =	sne.s32 s30, s16  }
.Ltmp1:
0x1c: {  	[bflag:$0x0] =	sbarrier.arrive $0xFFFF;
	(pc) =	sbr.rel @!p1 .LBB2_12-.Ltmp1, $4  }
0x1d: {  	[hbm:s15], [sflag:s7] =	dma.local [spmem:s17], $0x2800  }
0x1e: {  	_ =	swait.ge [sflag:s18], $0x2800  }
0x1f: {  	[sflag:s18] =	ssyncset.done $0x0  }
0x20: {  	[sflag:s18] =	ssyncadd.s32 $0xFFFFD800  }
.LBB2_1:
0x21: {  	[spmem:s17], [sflag:s7] =	dma.local [hbm:s5], $0x2800  }
0x22: {  	_ =	swait.ge [sflag:s18], $0x2800  }
0x23: {  	[sflag:s18] =	ssyncset.done $0x0  }
0x24: {  	[sflag:s18] =	ssyncadd.s32 $0xFFFFD800  }
0x25: {  	s31 =	simm.s32 $0x100;
	[bflag:$0x0] =	sbarrier.arrive $0xFFFF  }
0x26: {  	[tilespmem:s3], [sflag:$0x3] =	stream.strided.gather [hbm4b:s6+s19], $0xA00, s31, s19, $0x38;
	[tilespmem:$0x1D400] =	vst v63  }
0x27: {  	_ =	swait.ge [sflag:s18], $0xA00  }
0x28: {  	[sflag:s18] =	ssyncset.done $0x0  }
0x29: {  	[sflag:s18] =	ssyncadd.s32 $0xFFFFF600  }
0x2a: {  	[tilespmem:s20], [sflag:$0x3] =	stream.strided.gather [hbm4b:s8+s19], $0xA00, s31, s19, $0x38;
	[tilespmem:$0x1D400] =	vst v63  }
0x2b: {  	_ =	swait.ge [sflag:s18], $0xA00  }
0x2c: {  	[sflag:s18] =	ssyncset.done $0x0  }
0x2d: {  	[sflag:s18] =	ssyncadd.s32 $0xFFFFF600  }
0x2e: {  	[tilespmem:s22], [sflag:$0x1] =	stream.indirect.gather [hbm4b:s4+s21], $0x80, s3, s21, $0xb8;
	[tilespmem:$0x1D400] =	vst v63  }
0x2f: {  	_ = 	snop  }
0x30: {  	[tilespmem:s23], [sflag:$0x1] =	stream.indirect.gather [hbm4b:s4+s21], $0x80, s21, s21, $0xb8;
	[tilespmem:$0x1D400] =	vst v63  }
0x31: {  	_ = 	snop  }
0x32: {  	[tilespmem:s24], [sflag:$0x1] =	stream.indirect.gather [hbm4b:s4+s21], $0x80, s19, s21, $0xb8;
	[tilespmem:$0x1D400] =	vst v63  }
0x33: {  	_ =	swait.ge [sflag:s28], $0x2000  }
0x34: {  	[sflag:s28] =	ssyncset.done $0x0  }
0x35: {  	[sflag:s28] =	ssyncadd.s32 $0xFFFFE000  }
0x36: {  	[spmem:s1] =	stream.indirect.scatter.add.f32 [tilespmem:s22], [sflag:$0x2], $0x80, s20, s21, $0xb8;
	[tilespmem:$0x1D400] =	vst v63  }
0x37: {  	s9 =	simm.s32 $0x20000;
	s0 =	simm.s32 $0x8000;
	s10 =	simm.s32 $0xA40  }
0x38: {  	[tilespmem:s26], [sflag:$0x1] =	stream.indirect.gather [hbm4b:s4+s21], $0x80, s25, s21, $0xb8;
	[tilespmem:$0x1D400] =	vst v63  }
0x39: {  	p1 =	por $0x0, $0x0;
	s2 =	sand.u32 $0x18000, s0;
	_ =	swait.ge [sflag:s28], $0x2000  }
0x3a: {  	s0 =	simm.s32 $0x2;
	s11 =	sshrl.u32 s2, $0x2;
	[sflag:s28] =	ssyncset.done $0x0  }
0x3b: {  	s12 =	simm.s32 @!p1 $0x40;
	s11 =	sor.u32 $0x1400, s11;
	[sflag:s28] =	ssyncadd.s32 $0xFFFFE000  }
0x3c: {  	[spmem:s1] =	stream.indirect.scatter.add.f32 [tilespmem:s11], [sflag:$0x2], $0x80, s10, s21, $0xb8;
	[tilespmem:$0x1D400] =	vst v63  }
0x3d: {  	s2 =	simm.s32 $0xA80;
	s10 =	sand.u32 @!p1 $0x18000, s9;
	_ =	swait.ge [sflag:s29], $0x2000  }
0x3e: {  	s9 =	simm.s32 $0x140;
	s11 =	sshrl.u32 @!p1 s10, $0x2;
	[sflag:s29] =	ssyncset.done $0x0  }
0x3f: {  	s10 =	simm.s32 $0x28000;
	s11 =	sor.u32 @!p1 $0x1400, s11;
	[sflag:s29] =	ssyncadd.s32 $0xFFFFE000  }
.LBB2_2:
0x40: {  	[tilespmem:s11], [sflag:$0x1] =	stream.indirect.gather @!p1 [hbm4b:s4+s12], $0x80, s31, s12, $0xb8;
	[tilespmem:$0x1D400] =	vst v63  }
0x41: {  	s11 =	smov.u32 s0;
	s12 =	smov.u32 s2;
	s31 =	smov.u32 s9  }
0x42: {  	s13 =	sadd.s32 $0xFFFE8000, s10;
	s0 =	sadd.s32 $0x1, s0;
	_ =	swait.ge [sflag:s28], $0x2000  }
0x43: {  	s13 =	sand.u32 $0x18000, s13;
	p2 =	sne.s32 s0, $0x28;
	[sflag:s28] =	ssyncset.done $0x0  }
0x44: {  	s2 =	sadd.s32 $0x40, s2;
	s13 =	sshrl.u32 s13, $0x2;
	[sflag:s28] =	ssyncadd.s32 $0xFFFFE000  }
.Ltmp2:
0x45: {  	p1 =	sgt.u32 s11, $0x24;
	s13 =	sor.u32 $0x1400, s13;
	(pc) =	sbr.rel @p2 .LBB2_2-.Ltmp2, $4  }
0x46: {  	[spmem:s1] =	stream.indirect.scatter.add.f32 [tilespmem:s13], [sflag:$0x2], $0x80, s12, s21, $0xb8;
	[tilespmem:$0x1D400] =	vst v63  }
0x47: {  	s9 =	sadd.s32 $0x40, s9;
	s11 =	sand.u32 @!p1 $0x18000, s10;
	_ =	swait.ge [sflag:s29], $0x2000  }
0x48: {  	s10 =	sadd.s32 $0x8000, s10;
	s11 =	sshrl.u32 @!p1 s11, $0x2;
	[sflag:s29] =	ssyncset.done $0x0  }
0x49: {  	s11 =	sor.u32 @!p1 $0x1400, s11;
	s12 =	simm.s32 @!p1 $0x40;
	[sflag:s29] =	ssyncadd.s32 $0xFFFFE000  }
.Ltmp3:
0x4a: {  	(pc) =	sbr.rel @p0 .LBB2_11-.Ltmp3, $4  }
0x4b: {  	[tilespmem:s11], [sflag:$0x1] =	stream.indirect.gather @!p1 [hbm4b:s4+s12], $0x80, s31, s12, $0xb8;
	[tilespmem:$0x1D400] =	vst v63  }
0x4c: {  	_ =	swait.ge [sflag:s29], $0x2000  }
0x4d: {  	[sflag:s29] =	ssyncset.done $0x0  }
0x4e: {  	[sflag:s29] =	ssyncadd.s32 $0xFFFFE000  }
0x4f: {  	s31 =	simm.s32 $0x100;
	s0 =	rddreg [dreg:$0x4]  }
0x50: {  	[tilespmem:s3], [sflag:$0x3] =	stream.strided.gather [hbm4b:s0+s19], $0xA00, s31, s19, $0x38;
	[tilespmem:$0x1D400] =	vst v63  }
0x51: {  	_ =	swait.ge [sflag:s18], $0xA00  }
0x52: {  	[sflag:s18] =	ssyncset.done $0x0  }
0x53: {  	s11 =	rddreg [dreg:$0x5];
	[sflag:s18] =	ssyncadd.s32 $0xFFFFF600  }
0x54: {  	[tilespmem:s20], [sflag:$0x3] =	stream.strided.gather [hbm4b:s11+s19], $0xA00, s31, s19, $0x38;
	[tilespmem:$0x1D400] =	vst v63  }
0x55: {  	_ =	swait.ge [sflag:s18], $0xA00  }
0x56: {  	[sflag:s18] =	ssyncset.done $0x0  }
0x57: {  	[sflag:s18] =	ssyncadd.s32 $0xFFFFF600  }
0x58: {  	[tilespmem:s22], [sflag:$0x1] =	stream.indirect.gather [hbm4b:s4+s21], $0x80, s3, s21, $0xb8;
	[tilespmem:$0x1D400] =	vst v63  }
0x59: {  	_ = 	snop  }
0x5a: {  	[tilespmem:s23], [sflag:$0x1] =	stream.indirect.gather [hbm4b:s4+s21], $0x80, s21, s21, $0xb8;
	[tilespmem:$0x1D400] =	vst v63  }
0x5b: {  	s12 =	simm.s32 $0x1  }
0x5c: {  	[tilespmem:s24], [sflag:$0x1] =	stream.indirect.gather [hbm4b:s4+s21], $0x80, s19, s21, $0xb8;
	[tilespmem:$0x1D400] =	vst v63  }
0x5d: {  	_ =	swait.ge [sflag:s12], $0x2000  }
0x5e: {  	[sflag:s12] =	ssyncset.done $0x0  }
0x5f: {  	[sflag:s12] =	ssyncadd.s32 $0xFFFFE000  }
0x60: {  	[spmem:s1] =	stream.indirect.scatter.add.f32 [tilespmem:s22], [sflag:$0x2], $0x80, s20, s21, $0xb8;
	[tilespmem:$0x1D400] =	vst v63  }
0x61: {  	s9 =	simm.s32 $0x20000;
	s13 =	simm.s32 $0x8000;
	s10 =	simm.s32 $0xA40  }
0x62: {  	[tilespmem:s26], [sflag:$0x1] =	stream.indirect.gather [hbm4b:s4+s21], $0x80, s25, s21, $0xb8;
	[tilespmem:$0x1D400] =	vst v63  }
0x63: {  	p1 =	por $0x0, $0x0;
	s2 =	sand.u32 $0x18000, s13;
	_ =	swait.ge [sflag:s28], $0x2000  }
0x64: {  	s0 =	simm.s32 $0x2;
	s11 =	sshrl.u32 s2, $0x2;
	[sflag:s28] =	ssyncset.done $0x0  }
0x65: {  	s2 =	simm.s32 $0xA80;
	s11 =	sor.u32 $0x1400, s11;
	[sflag:s28] =	ssyncadd.s32 $0xFFFFE000  }
0x66: {  	[spmem:s1] =	stream.indirect.scatter.add.f32 [tilespmem:s11], [sflag:$0x2], $0x80, s10, s21, $0xb8;
	[tilespmem:$0x1D400] =	vst v63  }
0x67: {  	s12 =	simm.s32 @!p1 $0x40;
	s10 =	sand.u32 @!p1 $0x18000, s9;
	_ =	swait.ge [sflag:s29], $0x2000  }
0x68: {  	s9 =	simm.s32 $0x140;
	s11 =	sshrl.u32 @!p1 s10, $0x2;
	[sflag:s29] =	ssyncset.done $0x0  }
0x69: {  	s10 =	simm.s32 $0x28000;
	s11 =	sor.u32 @!p1 $0x1400, s11;
	[sflag:s29] =	ssyncadd.s32 $0xFFFFE000  }
.LBB2_5:
0x6a: {  	[tilespmem:s11], [sflag:$0x1] =	stream.indirect.gather @!p1 [hbm4b:s4+s12], $0x80, s31, s12, $0xb8;
	[tilespmem:$0x1D400] =	vst v63  }
0x6b: {  	s11 =	smov.u32 s0;
	s12 =	smov.u32 s2;
	s31 =	smov.u32 s9  }
0x6c: {  	s13 =	sadd.s32 $0xFFFE8000, s10;
	s0 =	sadd.s32 $0x1, s0;
	_ =	swait.ge [sflag:s28], $0x2000  }
0x6d: {  	s13 =	sand.u32 $0x18000, s13;
	p2 =	sne.s32 s0, $0x28;
	[sflag:s28] =	ssyncset.done $0x0  }
0x6e: {  	s2 =	sadd.s32 $0x40, s2;
	s13 =	sshrl.u32 s13, $0x2;
	[sflag:s28] =	ssyncadd.s32 $0xFFFFE000  }
.Ltmp4:
0x6f: {  	p1 =	sgt.u32 s11, $0x24;
	s13 =	sor.u32 $0x1400, s13;
	(pc) =	sbr.rel @p2 .LBB2_5-.Ltmp4, $4  }
0x70: {  	[spmem:s1] =	stream.indirect.scatter.add.f32 [tilespmem:s13], [sflag:$0x2], $0x80, s12, s21, $0xb8;
	[tilespmem:$0x1D400] =	vst v63  }
0x71: {  	s9 =	sadd.s32 $0x40, s9;
	s11 =	sand.u32 @!p1 $0x18000, s10;
	_ =	swait.ge [sflag:s29], $0x2000  }
0x72: {  	s10 =	sadd.s32 $0x8000, s10;
	s11 =	sshrl.u32 @!p1 s11, $0x2;
	[sflag:s29] =	ssyncset.done $0x0  }
0x73: {  	s11 =	sor.u32 @!p1 $0x1400, s11;
	s12 =	simm.s32 @!p1 $0x40;
	[sflag:s29] =	ssyncadd.s32 $0xFFFFE000  }
0x74: {  	[tilespmem:s11], [sflag:$0x1] =	stream.indirect.gather @!p1 [hbm4b:s4+s12], $0x80, s31, s12, $0xb8;
	[tilespmem:$0x1D400] =	vst v63  }
0x75: {  	_ =	swait.ge [sflag:s29], $0x2000  }
0x76: {  	[sflag:s29] =	ssyncset.done $0x0  }
0x77: {  	s31 =	simm.s32 $0x100;
	s0 =	rddreg [dreg:$0x6];
	[sflag:s29] =	ssyncadd.s32 $0xFFFFE000  }
0x78: {  	[tilespmem:s3], [sflag:$0x3] =	stream.strided.gather [hbm4b:s0+s19], $0xA00, s31, s19, $0x38;
	[tilespmem:$0x1D400] =	vst v63  }
0x79: {  	_ =	swait.ge [sflag:s18], $0xA00  }
0x7a: {  	[sflag:s18] =	ssyncset.done $0x0  }
0x7b: {  	s10 =	rddreg [dreg:$0x7];
	[sflag:s18] =	ssyncadd.s32 $0xFFFFF600  }
0x7c: {  	[tilespmem:s20], [sflag:$0x3] =	stream.strided.gather [hbm4b:s10+s19], $0xA00, s31, s19, $0x38;
	[tilespmem:$0x1D400] =	vst v63  }
0x7d: {  	_ =	swait.ge [sflag:s18], $0xA00  }
0x7e: {  	[sflag:s18] =	ssyncset.done $0x0  }
0x7f: {  	[sflag:s18] =	ssyncadd.s32 $0xFFFFF600  }
0x80: {  	[tilespmem:s22], [sflag:$0x1] =	stream.indirect.gather [hbm4b:s4+s21], $0x80, s3, s21, $0xb8;
	[tilespmem:$0x1D400] =	vst v63  }
0x81: {  	_ = 	snop  }
0x82: {  	[tilespmem:s23], [sflag:$0x1] =	stream.indirect.gather [hbm4b:s4+s21], $0x80, s21, s21, $0xb8;
	[tilespmem:$0x1D400] =	vst v63  }
0x83: {  	s11 =	simm.s32 $0x1  }
0x84: {  	[tilespmem:s24], [sflag:$0x1] =	stream.indirect.gather [hbm4b:s4+s21], $0x80, s19, s21, $0xb8;
	[tilespmem:$0x1D400] =	vst v63  }
0x85: {  	_ =	swait.ge [sflag:s11], $0x2000  }
0x86: {  	[sflag:s11] =	ssyncset.done $0x0  }
0x87: {  	[sflag:s11] =	ssyncadd.s32 $0xFFFFE000  }
0x88: {  	[spmem:s1] =	stream.indirect.scatter.add.f32 [tilespmem:s22], [sflag:$0x2], $0x80, s20, s21, $0xb8;
	[tilespmem:$0x1D400] =	vst v63  }
0x89: {  	s9 =	simm.s32 $0x20000;
	s12 =	simm.s32 $0x8000;
	p1 =	por $0x0, $0x0  }
0x8a: {  	[tilespmem:s26], [sflag:$0x1] =	stream.indirect.gather [hbm4b:s4+s21], $0x80, s25, s21, $0xb8;
	[tilespmem:$0x1D400] =	vst v63  }
0x8b: {  	s2 =	sand.u32 $0x18000, s12;
	s12 =	simm.s32 @!p1 $0x40;
	_ =	swait.ge [sflag:s28], $0x2000  }
0x8c: {  	s13 =	sshrl.u32 s2, $0x2;
	s2 =	simm.s32 $0xA80;
	[sflag:s28] =	ssyncset.done $0x0  }
0x8d: {  	s10 =	simm.s32 $0xA40;
	s11 =	sor.u32 $0x1400, s13;
	[sflag:s28] =	ssyncadd.s32 $0xFFFFE000  }
0x8e: {  	[spmem:s1] =	stream.indirect.scatter.add.f32 [tilespmem:s11], [sflag:$0x2], $0x80, s10, s21, $0xb8;
	[tilespmem:$0x1D400] =	vst v63  }
0x8f: {  	s0 =	simm.s32 $0x2;
	s10 =	sand.u32 @!p1 $0x18000, s9;
	_ =	swait.ge [sflag:s29], $0x2000  }
0x90: {  	s9 =	simm.s32 $0x140;
	s11 =	sshrl.u32 @!p1 s10, $0x2;
	[sflag:s29] =	ssyncset.done $0x0  }
0x91: {  	s10 =	simm.s32 $0x28000;
	s11 =	sor.u32 @!p1 $0x1400, s11;
	[sflag:s29] =	ssyncadd.s32 $0xFFFFE000  }
.LBB2_7:
0x92: {  	[tilespmem:s11], [sflag:$0x1] =	stream.indirect.gather @!p1 [hbm4b:s4+s12], $0x80, s31, s12, $0xb8;
	[tilespmem:$0x1D400] =	vst v63  }
0x93: {  	s11 =	smov.u32 s0;
	s12 =	smov.u32 s2;
	s31 =	smov.u32 s9  }
0x94: {  	s13 =	sadd.s32 $0xFFFE8000, s10;
	s0 =	sadd.s32 $0x1, s0;
	_ =	swait.ge [sflag:s28], $0x2000  }
0x95: {  	s13 =	sand.u32 $0x18000, s13;
	p2 =	sne.s32 s0, $0x28;
	[sflag:s28] =	ssyncset.done $0x0  }
0x96: {  	s2 =	sadd.s32 $0x40, s2;
	s13 =	sshrl.u32 s13, $0x2;
	[sflag:s28] =	ssyncadd.s32 $0xFFFFE000  }
.Ltmp5:
0x97: {  	p1 =	sgt.u32 s11, $0x24;
	s13 =	sor.u32 $0x1400, s13;
	(pc) =	sbr.rel @p2 .LBB2_7-.Ltmp5, $4  }
0x98: {  	[spmem:s1] =	stream.indirect.scatter.add.f32 [tilespmem:s13], [sflag:$0x2], $0x80, s12, s21, $0xb8;
	[tilespmem:$0x1D400] =	vst v63  }
0x99: {  	s9 =	sadd.s32 $0x40, s9;
	s11 =	sand.u32 @!p1 $0x18000, s10;
	_ =	swait.ge [sflag:s29], $0x2000  }
0x9a: {  	s10 =	sadd.s32 $0x8000, s10;
	s11 =	sshrl.u32 @!p1 s11, $0x2;
	[sflag:s29] =	ssyncset.done $0x0  }
0x9b: {  	s11 =	sor.u32 @!p1 $0x1400, s11;
	s12 =	simm.s32 @!p1 $0x40;
	[sflag:s29] =	ssyncadd.s32 $0xFFFFE000  }
0x9c: {  	[tilespmem:s11], [sflag:$0x1] =	stream.indirect.gather @!p1 [hbm4b:s4+s12], $0x80, s31, s12, $0xb8;
	[tilespmem:$0x1D400] =	vst v63  }
0x9d: {  	_ =	swait.ge [sflag:s29], $0x2000  }
0x9e: {  	[sflag:s29] =	ssyncset.done $0x0  }
0x9f: {  	s31 =	simm.s32 $0x100;
	s0 =	rddreg [dreg:$0x8];
	[sflag:s29] =	ssyncadd.s32 $0xFFFFE000  }
0xa0: {  	[tilespmem:s3], [sflag:$0x3] =	stream.strided.gather [hbm4b:s0+s19], $0xA00, s31, s19, $0x38;
	[tilespmem:$0x1D400] =	vst v63  }
0xa1: {  	_ =	swait.ge [sflag:s18], $0xA00  }
0xa2: {  	[sflag:s18] =	ssyncset.done $0x0  }
0xa3: {  	[sflag:s18] =	ssyncadd.s32 $0xFFFFF600  }
0xa4: {  	[tilespmem:s20], [sflag:$0x3] =	stream.strided.gather [hbm4b:s14+s19], $0xA00, s31, s19, $0x38;
	[tilespmem:$0x1D400] =	vst v63  }
0xa5: {  	_ =	swait.ge [sflag:s18], $0xA00  }
0xa6: {  	[sflag:s18] =	ssyncset.done $0x0  }
0xa7: {  	[sflag:s18] =	ssyncadd.s32 $0xFFFFF600  }
0xa8: {  	[tilespmem:s22], [sflag:$0x1] =	stream.indirect.gather [hbm4b:s4+s21], $0x80, s3, s21, $0xb8;
	[tilespmem:$0x1D400] =	vst v63  }
0xa9: {  	_ = 	snop  }
0xaa: {  	[tilespmem:s23], [sflag:$0x1] =	stream.indirect.gather [hbm4b:s4+s21], $0x80, s21, s21, $0xb8;
	[tilespmem:$0x1D400] =	vst v63  }
0xab: {  	s11 =	simm.s32 $0x1  }
0xac: {  	[tilespmem:s24], [sflag:$0x1] =	stream.indirect.gather [hbm4b:s4+s21], $0x80, s19, s21, $0xb8;
	[tilespmem:$0x1D400] =	vst v63  }
0xad: {  	_ =	swait.ge [sflag:s11], $0x2000  }
0xae: {  	[sflag:s11] =	ssyncset.done $0x0  }
0xaf: {  	[sflag:s11] =	ssyncadd.s32 $0xFFFFE000  }
0xb0: {  	[spmem:s1] =	stream.indirect.scatter.add.f32 [tilespmem:s22], [sflag:$0x2], $0x80, s20, s21, $0xb8;
	[tilespmem:$0x1D400] =	vst v63  }
0xb1: {  	s9 =	simm.s32 $0x20000;
	s12 =	simm.s32 $0x8000;
	s10 =	simm.s32 $0xA40  }
0xb2: {  	[tilespmem:s26], [sflag:$0x1] =	stream.indirect.gather [hbm4b:s4+s21], $0x80, s25, s21, $0xb8;
	[tilespmem:$0x1D400] =	vst v63  }
0xb3: {  	p1 =	por $0x0, $0x0;
	s2 =	sand.u32 $0x18000, s12;
	_ =	swait.ge [sflag:s28], $0x2000  }
0xb4: {  	s12 =	simm.s32 @!p1 $0x40;
	s13 =	sshrl.u32 s2, $0x2;
	[sflag:s28] =	ssyncset.done $0x0  }
0xb5: {  	s2 =	simm.s32 $0xA80;
	s11 =	sor.u32 $0x1400, s13;
	[sflag:s28] =	ssyncadd.s32 $0xFFFFE000  }
0xb6: {  	[spmem:s1] =	stream.indirect.scatter.add.f32 [tilespmem:s11], [sflag:$0x2], $0x80, s10, s21, $0xb8;
	[tilespmem:$0x1D400] =	vst v63  }
0xb7: {  	s0 =	simm.s32 $0x2;
	s10 =	sand.u32 @!p1 $0x18000, s9;
	_ =	swait.ge [sflag:s29], $0x2000  }
0xb8: {  	s9 =	simm.s32 $0x140;
	s11 =	sshrl.u32 @!p1 s10, $0x2;
	[sflag:s29] =	ssyncset.done $0x0  }
0xb9: {  	s10 =	simm.s32 $0x28000;
	s11 =	sor.u32 @!p1 $0x1400, s11;
	[sflag:s29] =	ssyncadd.s32 $0xFFFFE000  }
.LBB2_9:
0xba: {  	[tilespmem:s11], [sflag:$0x1] =	stream.indirect.gather @!p1 [hbm4b:s4+s12], $0x80, s31, s12, $0xb8;
	[tilespmem:$0x1D400] =	vst v63  }
0xbb: {  	s11 =	smov.u32 s0;
	s12 =	smov.u32 s2;
	s31 =	smov.u32 s9  }
0xbc: {  	s13 =	sadd.s32 $0xFFFE8000, s10;
	s0 =	sadd.s32 $0x1, s0;
	_ =	swait.ge [sflag:s28], $0x2000  }
0xbd: {  	s13 =	sand.u32 $0x18000, s13;
	p2 =	sne.s32 s0, $0x28;
	[sflag:s28] =	ssyncset.done $0x0  }
0xbe: {  	s2 =	sadd.s32 $0x40, s2;
	s13 =	sshrl.u32 s13, $0x2;
	[sflag:s28] =	ssyncadd.s32 $0xFFFFE000  }
.Ltmp6:
0xbf: {  	p1 =	sgt.u32 s11, $0x24;
	s13 =	sor.u32 $0x1400, s13;
	(pc) =	sbr.rel @p2 .LBB2_9-.Ltmp6, $4  }
0xc0: {  	[spmem:s1] =	stream.indirect.scatter.add.f32 [tilespmem:s13], [sflag:$0x2], $0x80, s12, s21, $0xb8;
	[tilespmem:$0x1D400] =	vst v63  }
0xc1: {  	s9 =	sadd.s32 $0x40, s9;
	s11 =	sand.u32 @!p1 $0x18000, s10;
	_ =	swait.ge [sflag:s29], $0x2000  }
0xc2: {  	s10 =	sadd.s32 $0x8000, s10;
	s11 =	sshrl.u32 @!p1 s11, $0x2;
	[sflag:s29] =	ssyncset.done $0x0  }
0xc3: {  	s11 =	sor.u32 @!p1 $0x1400, s11;
	s12 =	simm.s32 @!p1 $0x40;
	[sflag:s29] =	ssyncadd.s32 $0xFFFFE000  }
.Ltmp7:
0xc4: {  	_ = 	snop;
	(pc) =	sbr.rel .LBB2_10-.Ltmp7, $1  }
0xc5: {  	_ =	sdelay $0x3  }
.LBB2_12:
0xc6: {  	_ =	sfence.sel $0x180000  }
0xc7: {  	[bflag:$0x0] =	sbarrier.arrive $0xFFFF  }
0xc8: {  	_ =	strace $0x9000004D  }
0xc9: {  	s0 =	stileid.u32;
	[bflag:$0x2] =	sbarrier.arrive $0xFFFF  }
0xca: {  	p0 =	sne.s32 s0, $0x0;
	s0 =	rddreg [dreg:$0x3]  }
0xcb: {  	s0 =	sadd.s32 @!p0 $0x100000, s0  }
0xcc: {  	[sflag:s0] =	ssyncadd.tile.s32 @!p0 $0x1;
	_ =	shalt  }
.Lfunc_end2:
_tile_overlayer_lowered:
.L_overlay_start_2:
0xcd: {  	(tag) =	ssettag $0x2  }
0xce: {  	s0 =	rddreg [dreg:$0x0];
	s2 =	stileid.u32  }
0xcf: {  	s1 =	rddreg [dreg:$0x1];
	p0 =	sne.s32 s2, $0x0  }
0xd0: {  	s3 =	rddreg [dreg:$0x2];
	[bflag:$0x3] =	sbarrier.arrive $0xFFFF;
	s2 =	simm.s32 @!p0 $0x1C03  }
0xd1: {  	[timem:s3], [sflag:s2] =	dma.local @!p0 [hbm:s0], s1  }
0xd2: {  	s0 =	simm.s32 @!p0 $0x3  }
0xd3: {  	_ =	swait.ge @!p0 [sflag:s0], s1  }
0xd4: {  	s1 =	ssub.s32 @!p0 $0x0, s1;
	[sflag:s0] =	ssyncset.done @!p0 $0x0  }
0xd5: {  	[sflag:s0] =	ssyncadd.s32 @!p0 s1  }
0xd6: {  	[bflag:$0x3] =	sbarrier.arrive $0xFFFF  }
0xd7: {  	_ =	shalt  }

// kernel: kernel.20.cloned.1.call-start
scs
__scs_entry_jumppad:
0x0: {  	(pc) =	sbr.rel $0x88, $3  }
0x1: {  	(tag) =	ssettag $0x0;
	lr =	simm.s32 $0x1  }
0x2: {  	[smem:$0x3F90] =	sst lr;
	_ =	strace $0xD0000000  }
0x3: {  	_ = 	snop  }
0x4: {  	_ = 	snop  }
0x5: {  	_ = 	snop  }
0x6: {  	_ = 	snop  }
0x7: {  	_ = 	snop  }
__scs_overlays_trampoline_lowered:
0x8: {  	[smem:$0x3F9F] =	sst s0  }
0x9: {  	[smem:$0x3FA0] =	sst s1  }
0xa: {  	[smem:$0x3FA1] =	sst s2  }
0xb: {  	[smem:$0x3FA2] =	sst s3  }
0xc: {  	[smem:$0x3FA3] =	sst s4  }
0xd: {  	[smem:$0x3FA4] =	sst s5  }
0xe: {  	[smem:$0x3FA5] =	sst s6  }
0xf: {  	[smem:$0x3FA6] =	sst s7  }
0x10: {  	[smem:$0x3FA7] =	sst s8  }
0x11: {  	[smem:$0x3FA8] =	sst s9;
	s0 =	simm.s32 @!p0 $0x0  }
0x12: {  	s1 =	sld [smem:$0x3F8E];
	s0 =	simm.s32 @p0 $0x1  }
0x13: {  	[smem:$0x3FA9] =	sst s0;
	s0 =	simm.s32 @!p1 $0x0  }
0x14: {  	s2 =	sld [smem:$0x3F8D];
	s0 =	simm.s32 @p1 $0x1  }
0x15: {  	[smem:$0x3FAA] =	sst s0;
	s0 =	simm.s32 @!p2 $0x0  }
0x16: {  	s3 =	sld [smem:$0x3FDB];
	s0 =	simm.s32 @p2 $0x1  }
0x17: {  	s4 =	simm.s32 $0x1BF5;
	[smem:$0x3FAC] =	sst s0  }
0x18: {  	s0 =	sld [smem:$0x3F8F];
	_ =	swait.ge [sflag:s4], $0x0  }
0x19: {  	s7 =	sld [smem:$0x3F90]  }
0x1a: {  	s8 =	sadd.s32 $0xFFFFE003, lr  }
0x1b: {  	s9 =	sadd.s32 $0xFFFFFEF7, lr;
	s5 =	simm.s32 $0xFFFFFFFF;
	p2 =	slt.u32 s8, $0xFFFFF086  }
0x1c: {  	p1 =	slt.u32 s9, $0xF7A;
	s5 =	simm.s32 @!p2 $0x0  }
0x1d: {  	s5 =	simm.s32 @p1 $0x1;
	p0 =	seq.s32 s7, s2  }
0x1e: {  	s7 =	smul.u32 @!p0 $0xF7A, s2;
	p2 =	seq.s32 @!p0 s5, $0x0  }
0x1f: {  	s9 =	smul.u32 $0xF7A, s1;
	s8 =	simm.s32 @!p0 $0x1BF5;
	p2 =	por !p2, p0  }
0x20: {  	[sflag:s8] =	ssyncset.s32 @!p0 $0xFFFFF086;
	s6 =	sadd.s32 @!p0 s3, s7;
	s7 =	simm.s32 @!p0 $0x108  }
0x21: {  	s3 =	sadd.s32 s3, s9;
	s6 =	sadd.s32 @!p0 $0x88, s6;
	s7 =	simm.s32 @p2 $0x1082  }
0x22: {  	[simem:s7], [sflag:s8] =	dma.local @!p0 [hbm:s6], $0xF7A  }
0x23: {  	s9 =	sor.u32 $0xD0000000, s2;
	s6 =	simm.s32 $0x108;
	_ =	swait.ge @!p0 [sflag:s8], $0x0  }
0x24: {  	s3 =	sadd.s32 $0x88, s3;
	s6 =	simm.s32 @!p1 $0x1082;
	[sflag:s4] =	ssyncset.s32 $0xFFFFF086  }
0x25: {  	[simem:s6], [sflag:s4] =	dma.local [hbm:s3], $0xF7A  }
0x26: {  	[smem:$0x3F90] =	sst s1;
	(tag) =	ssettag s2;
	_ =	strace s9  }
0x27: {  	s1 =	sld [smem:$0x3FA0]  }
0x28: {  	s2 =	sld [smem:$0x3FA1]  }
0x29: {  	s4 =	sld [smem:$0x3FA3]  }
0x2a: {  	p0 =	seq.s32 s5, $0x0;
	s5 =	sld [smem:$0x3FA4]  }
0x2b: {  	s6 =	sld [smem:$0x3FA5]  }
0x2c: {  	s7 =	sld [smem:$0x3FA6]  }
0x2d: {  	s3 =	simm.s32 $0x108;
	s8 =	sld [smem:$0x3FA7]  }
0x2e: {  	s3 =	simm.s32 @!p0 $0x1082;
	s9 =	sld [smem:$0x3FA8]  }
0x2f: {  	lr =	sadd.s32 s0, s3;
	s0 =	sld [smem:$0x3F9F]  }
0x30: {  	s3 =	sld [smem:$0x3FA2]  }
0x31: {  	[smem:$0x3FAB] =	sst s10  }
0x32: {  	s10 =	sld [smem:$0x3FA9];
	_ =	sdelay $0x3  }
0x33: {  	p0 =	seq.s32 s10, $0x1;
	s10 =	sld [smem:$0x3FAB];
	_ =	sdelay $0x3  }
0x34: {  	[smem:$0x3FAB] =	sst s10  }
0x35: {  	s10 =	sld [smem:$0x3FAA];
	_ =	sdelay $0x3  }
0x36: {  	p1 =	seq.s32 s10, $0x1;
	s10 =	sld [smem:$0x3FAB];
	_ =	sdelay $0x3  }
0x37: {  	[smem:$0x3FAB] =	sst s10  }
0x38: {  	s10 =	sld [smem:$0x3FAC]  }
0x39: {  	_ = 	snop;
	(pc) =	sbr.ind lr, $3  }
0x3a: {  	_ = 	snop  }
0x3b: {  	_ = 	snop  }
0x3c: {  	p2 =	seq.s32 s10, $0x1;
	s10 =	sld [smem:$0x3FAB]  }
0x3d: {  	_ =	shalt  }
0x3e: {  	_ =	shalt  }
0x3f: {  	_ =	shalt  }
0x40: {  	_ =	shalt  }
0x41: {  	_ =	shalt  }
0x42: {  	_ =	shalt  }
0x43: {  	_ =	shalt  }
0x44: {  	_ =	shalt  }
0x45: {  	_ =	shalt  }
0x46: {  	_ =	shalt  }
0x47: {  	_ =	shalt  }
0x48: {  	_ =	shalt  }
0x49: {  	_ =	shalt  }
0x4a: {  	_ =	shalt  }
0x4b: {  	_ =	shalt  }
0x4c: {  	_ =	shalt  }
0x4d: {  	_ =	shalt  }
0x4e: {  	_ =	shalt  }
0x4f: {  	_ =	shalt  }
0x50: {  	_ =	shalt  }
0x51: {  	_ =	shalt  }
0x52: {  	_ =	shalt  }
0x53: {  	_ =	shalt  }
0x54: {  	_ =	shalt  }
0x55: {  	_ =	shalt  }
0x56: {  	_ =	shalt  }
0x57: {  	_ =	shalt  }
0x58: {  	_ =	shalt  }
0x59: {  	_ =	shalt  }
0x5a: {  	_ =	shalt  }
0x5b: {  	_ =	shalt  }
0x5c: {  	_ =	shalt  }
0x5d: {  	_ =	shalt  }
0x5e: {  	_ =	shalt  }
0x5f: {  	_ =	shalt  }
0x60: {  	_ =	shalt  }
0x61: {  	_ =	shalt  }
0x62: {  	_ =	shalt  }
0x63: {  	_ =	shalt  }
0x64: {  	_ =	shalt  }
0x65: {  	_ =	shalt  }
0x66: {  	_ =	shalt  }
0x67: {  	_ =	shalt  }
0x68: {  	_ =	shalt  }
0x69: {  	_ =	shalt  }
0x6a: {  	_ =	shalt  }
0x6b: {  	_ =	shalt  }
0x6c: {  	_ =	shalt  }
0x6d: {  	_ =	shalt  }
0x6e: {  	_ =	shalt  }
0x6f: {  	_ =	shalt  }
0x70: {  	_ =	shalt  }
0x71: {  	_ =	shalt  }
0x72: {  	_ =	shalt  }
0x73: {  	_ =	shalt  }
0x74: {  	_ =	shalt  }
0x75: {  	_ =	shalt  }
0x76: {  	_ =	shalt  }
0x77: {  	_ =	shalt  }
0x78: {  	_ =	shalt  }
0x79: {  	_ =	shalt  }
0x7a: {  	_ =	shalt  }
0x7b: {  	_ =	shalt  }
0x7c: {  	_ =	shalt  }
0x7d: {  	_ =	shalt  }
0x7e: {  	_ =	shalt  }
0x7f: {  	_ =	shalt  }
0x80: {  	_ =	shalt  }
0x81: {  	_ =	shalt  }
0x82: {  	_ =	shalt  }
0x83: {  	_ =	shalt  }
0x84: {  	_ =	shalt  }
0x85: {  	_ =	shalt  }
0x86: {  	_ =	shalt  }
0x87: {  	_ =	shalt  }
.Lfunc_end0:
.L_simem_size_0:
called_computation.3_lowered:
.L_overlay_start_0:
0x88: {  	s2 =	sld [smem:$0x3FD9]  }
0x89: {  	s3 =	sld [smem:$0x3FFE];
	_ =	sdelay $0x1  }
0x8a: {  	s1 =	srdreg.scid  }
0x8b: {  	s0 =	sand.u32 $0x1, s1  }
0x8c: {  	s16 =	sshll.u32 s0, $0xA;
	s2 =	sadd.s32 s3, s2  }
0x8d: {  	s2 =	sadd.s32 s2, s16  }
0x8e: {  	[smem:$0x3FB7] =	sst s2  }
0x8f: {  	_ = 	snop  }
0x90: {  	(tm) =	ssettm $0x1  }
0x91: {  	s17 =	sld [smem:$0x3FFB];
	_ =	sdelay $0x3  }
0x92: {  	_ =	strace s17  }
0x93: {  	s2 =	sld [smem:$0x3FFC];
	_ =	sdelay $0x3  }
0x94: {  	_ =	strace s2  }
0x95: {  	s2 =	sld [smem:$0x3FFD];
	_ =	sdelay $0x3  }
0x96: {  	_ =	strace s2  }
0x97: {  	_ =	strace $0x8FFFFFFF  }
0x98: {  	s18 =	sld [smem:$0x3FDB];
	_ =	sdelay $0x1  }
0x99: {  	s19 =	simm.s32 $_scs_section_size  }
0x9a: {  	s4 =	simm.s32 $_size__tile_overlayer_lowered;
	s5 =	simm.s32 $_tile_overlayer_lowered  }
0x9b: {  	s22 =	simm.s32 $0x1BFF;
	s21 =	sshll.u32 s5, $0x1;
	s2 =	sadd.s32 s19, s18  }
0x9c: {  	s6 =	simm.s32 $0x0;
	s20 =	sshll.u32 s4, $0x1;
	s4 =	sadd.s32 s21, s2  }
0x9d: {  	[timem:s6], [sflag:s22] =	dma.local [hbm:s4], s20  }
0x9e: {  	_ =	swait.ge [sflag:s22], s20  }
0x9f: {  	s3 =	ssub.s32 $0x0, s20;
	[sflag:s22] =	ssyncset.done $0x0  }
0xa0: {  	[sflag:s22] =	ssyncadd.s32 s3;
	_ =	sdelay $0x1  }
0xa1: {  	s23 =	simm.s32 $0x1B8B  }
0xa2: {  	_ =	swait.ge [sflag:s23], $0x1  }
0xa3: {  	[sflag:s23] =	ssyncset.done $0x0  }
0xa4: {  	s25 =	simm.s32 $0x1B8E;
	s24 =	sld [smem:$0x3FFE];
	[sflag:s23] =	ssyncadd.s32 $0xFFFFFFFF  }
0xa5: {  	s26 =	simm.s32 $execute0_lowered;
	[smem:$0x3FD2] =	sst s25  }
0xa6: {  	s4 =	sshll.u32 s26, $0x1;
	_ =	strace $0x8000004F;
	[dreg:$0x1] =	wrdreg $0xFFFFFFFF  }
0xa7: {  	s28 =	simm.s32 $_size_execute0_lowered;
	s2 =	sadd.s32 s2, s4;
	[dreg:$0x0] =	wrdreg $0x0  }
0xa8: {  	s4 =	sshll.u32 s28, $0x1;
	[dreg:$0x2] =	wrdreg s2  }
0xa9: {  	[dreg:$0x3] =	wrdreg s4  }
0xaa: {  	[dreg:$0x4] =	wrdreg $0xC0  }
0xab: {  	_ =	task [dreg:s6], $0x5FFFF  }
0xac: {  	[dreg:$0x1] =	wrdreg $0xFFFFFFFF  }
0xad: {  	[dreg:$0x0] =	wrdreg $0x60  }
0xae: {  	[dreg:$0x2] =	wrdreg s24  }
0xaf: {  	[dreg:$0x3] =	wrdreg $0x9  }
0xb0: {  	_ =	task.clear_ibuf [dreg:s6], $0x4FFFF;
	_ =	strace $0x9000004F  }
0xb1: {  	s29 =	simm.s32 $0x9;
	_ =	strace $0x80000051  }
0xb2: {  	_ =	swait.ge [sflag:s29], $0x1  }
0xb3: {  	[sflag:s29] =	ssyncadd.s32 $0xFFFFFFFF  }
0xb4: {  	_ =	strace $0x90000051  }
0xb5: {  	_ =	sfence  }
0xb6: {  	s30 =	sld [smem:$0x0];
	_ =	sdelay $0x2  }
0xb7: {  	s31 =	sshll.u32 s1, $0xD;
	s1 =	sshrl.u32 s1, $0x2  }
0xb8: {  	s3 =	sand.u32 $0x4000, s31;
	s1 =	sadd.s32 s1, s30  }
0xb9: {  	s0 =	sor.u32 s3, s0;
	s1 =	sshll.u32 s1, $0x11  }
0xba: {  	s0 =	sor.u32 s1, s0  }
0xbb: {  	s0 =	sadd.s32 $0x8F2B, s0  }
0xbc: {  	[sflag:s0] =	ssyncadd.remote.s32 $0x1  }
0xbd: {  	_ =	sfence.sel $0xFFFF  }
0xbe: {  	[dreg:$0x0] =	wrdreg $0xFFFFFFFF;
	(pc) =	sbr.abs _section_cstart, $3  }
0xbf: {  	[dreg:$0x1] =	wrdreg $0xFFFFFFFF  }
0xc0: {  	_ =	task.clear_ibuf [dreg:s6], $0x2FFFF;
	_ =	strace $0x9FFFFFFF  }
0xc1: {  	(tm) =	ssettm $0x7FFFFFFF  }
tec
execute0_lowered:
.L_overlay_start_1:
0x0: {  	(tag) =	ssettag $0x1  }
0x1: {  	s4 =	rddreg [dreg:$0x0]  }
0x2: {  	s1 =	srdreg.scid;
	s0 =	rddreg [dreg:$0x1]  }
0x3: {  	s2 =	simm.s32 $0x0;
	s9 =	simm.s32 $0x800;
	s10 =	simm.s32 $0x1  }
0x4: {  	s11 =	simm.s32 $0x2;
	s12 =	simm.s32 $0x80;
	s13 =	simm.s32 $0x0  }
0x5: {  	s3 =	sand.u32 $0x1, s1;
	[smem:$0x7FF] =	sst s2;
	s1 =	stileid.u32  }
.Ltmp0:
0x6: {  	s5 =	sshll.u32 s3, $0x4;
	s31 =	ssub.s32 $0x2, s3;
	(pc) =	sbr.rel .LBB2_1-.Ltmp0, $4  }
0x7: {  	_ =	strace $0x80000050;
	s6 =	sor.u32 s1, s5;
	s8 =	sshrl.u32 s31, $0x1  }
0x8: {  	s3 =	sadd.s32 $0x3C00, s4;
	s7 =	sshll.u32 s6, $0x8;
	s8 =	ssub.s32 s31, s8  }
0x9: {  	s6 =	smul.u32 $0x14000, s6;
	s7 =	sadd.s32 s7, s4;
	s4 =	sadd.s32 $0x80400, s4  }
0xa: {  	s5 =	sadd.s32 $0x7E400, s7;
	s7 =	smax.u32 s8, $0x1;
	s8 =	simm.s32 $0x3  }
.LBB2_4:
0xb: {  	s13 =	sadd.s32 $0x1, s13  }
0xc: {  	_ =	swait.ge [sflag:s11], $0x4000;
	p0 =	sne.s32 s13, s7  }
.Ltmp1:
0xd: {  	[sflag:s11] =	ssyncset.done $0x0;
	(pc) =	sbr.rel @!p0 .LBB2_5-.Ltmp1, $4  }
0xe: {  	[sflag:s11] =	ssyncadd.s32 $0xFFFFC000  }
0xf: {  	_ =	swait.ge [sflag:s11], $0x4000  }
0x10: {  	[sflag:s11] =	ssyncset.done $0x0  }
0x11: {  	[sflag:s11] =	ssyncadd.s32 $0xFFFFC000  }
.LBB2_1:
0x12: {  	[tilespmem:s2], [sflag:$0x3] =	stream.linear.gather [hbm4b:s5+s2], $0x500, $0x38;
	[tilespmem:$0xC800] =	vst v63  }
0x13: {  	_ =	swait.ge [sflag:s8], $0x500  }
0x14: {  	s14 =	simm.s32 $0x80;
	[sflag:s8] =	ssyncset.done $0x0  }
0x15: {  	s15 =	simm.s32 $0x0;
	s16 =	simm.s32 $0x1;
	[sflag:s8] =	ssyncadd.s32 $0xFFFFFB00  }
0x16: {  	[tilespmem:s9], [sflag:$0x1] =	stream.indirect.gather [hbm4b:s3+s12], $0x80, s2, s12, $0xb8;
	[tilespmem:$0xC800] =	vst v63  }
.LBB2_2:
0x17: {  	s17 =	sadd.s32 $0xFFFFFFFF, s16  }
0x18: {  	s18 =	smul.u32 $0xAB, s17  }
0x19: {  	s19 =	simm.s32 $0x280000  }
0x1a: {  	s20 =	sadd.s32 $0xFFFEC000, s15;
	_ =	swait.ge [sflag:s10], $0x4000;
	s18 =	sshrl.u32 s18, $0x9  }
0x1b: {  	p0 =	sgt.u32 s17, $0x4;
	[sflag:s10] =	ssyncset.done $0x0;
	s18 =	sand.u32 $0x7F, s18  }
0x1c: {  	s19 =	simm.s32 @!p0 $0x4;
	p0 =	slt.u32 s17, $0x5;
	s18 =	smul.u32 $0x3, s18  }
0x1d: {  	[sflag:s10] =	ssyncadd.s32 $0xFFFFC000;
	s20 =	smov.u32 @p0 s15;
	s19 =	sadd.s32 s6, s19  }
0x1e: {  	p0 =	slt.u32 s17, $0x2;
	s19 =	sadd.s32 s20, s19;
	s18 =	ssub.s32 s17, s18  }
0x1f: {  	p1 =	seq.s32 @!p0 s16, $0xA;
	s19 =	sshrl.u32 s19, $0x3;
	s18 =	sand.u32 $0xFF, s18  }
0x20: {  	p1 =	por p0, !p1;
	s19 =	sadd.s32 s4, s19;
	s18 =	sshll.u32 s18, $0xE  }
.Ltmp2:
0x21: {  	s17 =	simm.s32 @!p0 $0x2;
	s18 =	sor.u32 $0x800, s18;
	(pc) =	sbr.rel @!p1 .LBB2_4-.Ltmp2, $4  }
0x22: {  	[hbm4b:s19+s2] =	stream.linear.scatter [tilespmem:s18], [sflag:$0x2], $0x4000, $0x38;
	[tilespmem:$0xC800] =	vst v63  }
0x23: {  	_ =	swait.ge @!p0 [sflag:s17], $0x4000  }
0x24: {  	[sflag:s17] =	ssyncset.done @!p0 $0x0  }
0x25: {  	[sflag:s17] =	ssyncadd.s32 @!p0 $0xFFFFC000  }
0x26: {  	s17 =	smul.u32 $0xAB, s16;
	_ =	sdelay $0x1  }
0x27: {  	s17 =	sshrl.u32 s17, $0x9  }
0x28: {  	s17 =	sand.u32 $0x7F, s17  }
0x29: {  	s17 =	smul.u32 $0x3, s17;
	_ =	sdelay $0x1  }
0x2a: {  	s17 =	ssub.s32 s16, s17  }
.Ltmp3:
0x2b: {  	s17 =	sand.u32 $0xFF, s17;
	(pc) =	sbr.rel .LBB2_2-.Ltmp3, $4  }
0x2c: {  	s17 =	sshll.u32 s17, $0xE  }
0x2d: {  	s17 =	sor.u32 $0x800, s17  }
0x2e: {  	[tilespmem:s17], [sflag:$0x1] =	stream.indirect.gather [hbm4b:s3+s12], $0x80, s14, s12, $0xb8;
	[tilespmem:$0xC800] =	vst v63  }
0x2f: {  	s15 =	sadd.s32 $0x4000, s15;
	s16 =	sadd.s32 $0x1, s16;
	s14 =	sadd.s32 $0x80, s14  }
.LBB2_5:
0x30: {  	_ =	sfence.sel $0x180000  }
0x31: {  	[bflag:$0x0] =	sbarrier.arrive $0xFFFF  }
0x32: {  	p0 =	sne.s32 s1, $0x0;
	_ =	strace $0x90000050  }
0x33: {  	s0 =	sadd.s32 @!p0 $0x100000, s0;
	[bflag:$0x2] =	sbarrier.arrive $0xFFFF  }
0x34: {  	[sflag:s0] =	ssyncadd.tile.s32 @!p0 $0x1;
	_ =	shalt  }
.Lfunc_end2:
_tile_overlayer_lowered:
.L_overlay_start_2:
0x35: {  	(tag) =	ssettag $0x2  }
0x36: {  	s0 =	rddreg [dreg:$0x0];
	s2 =	stileid.u32  }
0x37: {  	s1 =	rddreg [dreg:$0x1];
	p0 =	sne.s32 s2, $0x0  }
0x38: {  	s3 =	rddreg [dreg:$0x2];
	[bflag:$0x3] =	sbarrier.arrive $0xFFFF;
	s2 =	simm.s32 @!p0 $0x1C03  }
0x39: {  	[timem:s3], [sflag:s2] =	dma.local @!p0 [hbm:s0], s1  }
0x3a: {  	s0 =	simm.s32 @!p0 $0x3  }
0x3b: {  	_ =	swait.ge @!p0 [sflag:s0], s1  }
0x3c: {  	s1 =	ssub.s32 @!p0 $0x0, s1;
	[sflag:s0] =	ssyncset.done @!p0 $0x0  }
0x3d: {  	[sflag:s0] =	ssyncadd.s32 @!p0 s1  }
0x3e: {  	[bflag:$0x3] =	sbarrier.arrive $0xFFFF  }
0x3f: {  	_ =	shalt  }

</sc_bundles>
